<compile_context>
chip_gen: v7x
topology: tpu7x:2x2x1
jax: 0.10.2.dev20260603
libtpu: 0.0.44.dev20260713+nightly
codegen_flags: <defaults>
</compile_context>

<pallas_src>
import jax
import jax.numpy as jnp
from jax import lax
from jax.experimental import pallas as pl
from jax.experimental.pallas import tpu as pltpu
from jax.experimental.pallas import tpu_sc as plsc

N = 4096
C = 128
H = 8
NS = 16
MID = C // H
WSH = C // 8
KVP = 3 * C

BQ1 = 256
NB1 = N // BQ1
BQ2 = 256
NB2 = N // BQ2

NW = 32
QW = N // NW
NCHUNK = N // 16

_HP = lax.Precision.HIGHEST


def _proj_body(pp_ref, ppT_ref, x_ref, Wq_ref, bq_ref, Wk_ref, bk_ref,
               Wv_ref, bv_ref, xq_ref, kvp_ref, d2_ref):
    xx = x_ref[...]
    xq_ref[...] = jnp.dot(xx, Wq_ref[...]) + bq_ref[...]
    xk = jnp.dot(xx, Wk_ref[...]) + bk_ref[...]
    xv = jnp.dot(xx, Wv_ref[...]) + bv_ref[...]

    pb = pp_ref[...]
    pT = ppT_ref[...]
    kvp_ref[...] = jnp.concatenate(
        [xk, xv, pb, jnp.zeros((BQ1, C - 8), jnp.float32)], axis=1)

    pn_b = jnp.sum(pb * pb, axis=1, keepdims=True)
    pn_all = jnp.sum(pT * pT, axis=0, keepdims=True)
    d2_ref[...] = pn_b + pn_all - 2.0 * jnp.dot(pb, pT)


def _sc_body(d2c_h, kvp_h, kvpg_h, rowb, idxall, gidx, bkvp, sem0, sem1):
    wid = lax.axis_index("s") * 2 + lax.axis_index("c")
    base_q = wid * QW

    lanes = lax.iota(jnp.int32, 16)
    inf16 = jnp.full((16,), jnp.inf, jnp.float32)
    zero16 = jnp.zeros((16,), jnp.int32)
    SEG = N // 128

    def row_body(r, carry):
        pltpu.async_copy(d2c_h.at[pl.ds((base_q + r) * SEG, SEG)],
                         rowb, sem1).wait()

        def merge(j, best):
            bk_, bi_ = best
            jv = jnp.zeros((16,), jnp.int32) + j
            v = plsc.load_gather(
                rowb, [lax.shift_right_logical(jv, 3),
                       ((jv & 7) << 4) + lanes])
            ck, ci = plsc.sort_key_val(v, jv * 16 + lanes)
            rk = lax.rev(ck, (0,))
            ri = lax.rev(ci, (0,))
            mm = bk_ <= rk
            sk, si = plsc.sort_key_val(jnp.where(mm, bk_, rk),
                                       jnp.where(mm, bi_, ri))
            return (sk, si)

        _, ii = lax.fori_loop(0, NCHUNK, merge, (inf16, zero16))
        idxall[pl.ds(r * 16, 16)] = ii
        return carry

    lax.fori_loop(0, QW, row_body, jnp.int32(0))

    for cix in range(16):
        for k8 in range(8):
            gidx[pl.ds(k8 * 16, 16)] = idxall[pl.ds(cix * 128 + k8 * 16, 16)]
        pltpu.async_copy(kvp_h.at[gidx], bkvp, sem0).wait()
        ob = base_q * NS + cix * 128
        pltpu.sync_copy(bkvp, kvpg_h.at[pl.ds(ob, 128)])


def _attn_body(xq_ref, p16_ref, kvpg_ref,
               Wp1_ref, bp1_ref, glnp_ref, blnp_ref, Wp2_ref, bp2_ref,
               G_ref, g1_ref, be1_ref, BW1_ref, bw1_ref,
               g2_ref, be2_ref, BW2_ref, bw2_ref, out_ref):
    R = BQ2 * NS
    xq = xq_ref[...]
    pq = p16_ref[...]
    g = kvpg_ref[...]
    xkg = g[:, :C]
    xvg = g[:, C:2 * C]
    pg = g[:, 2 * C:2 * C + 16]

    pq_rep = jnp.broadcast_to(pq[:, None, :], (BQ2, NS, 16)).reshape(R, 16)
    p_r = pg - pq_rep

    t = jnp.dot(p_r, Wp1_ref[...]) + bp1_ref[...]
    m = jnp.sum(t, axis=1, keepdims=True) * (1.0 / 3.0)
    mask3 = (lax.broadcasted_iota(jnp.int32, (1, 16), 1) < 3).astype(t.dtype)
    d = (t - m) * mask3
    v = jnp.sum(d * d, axis=1, keepdims=True) * (1.0 / 3.0)
    tn = d * lax.rsqrt(v + 1e-5) * glnp_ref[...] + blnp_ref[...]
    tn = jnp.maximum(tn, 0.0)
    prf = jnp.dot(tn, Wp2_ref[...]) + bp2_ref[...]

    xq_rep = jnp.broadcast_to(xq[:, None, :], (BQ2, NS, C)).reshape(R, C)
    r_qk = xkg + prf - xq_rep

    G = G_ref[...]
    s1 = jnp.dot(r_qk, G, precision=_HP) * (1.0 / MID)
    d1 = r_qk - s1
    v1 = jnp.dot(d1 * d1, G, precision=_HP) * (1.0 / MID)
    y = d1 * lax.rsqrt(v1 + 1e-5) * g1_ref[...] + be1_ref[...]
    y = jnp.maximum(y, 0.0)
    y = jnp.dot(y, BW1_ref[...]) + bw1_ref[...]

    s2 = jnp.dot(y, G, precision=_HP) * (1.0 / WSH)
    d2_ = y - s2
    v2 = jnp.dot(d2_ * d2_, G, precision=_HP) * (1.0 / WSH)
    y2 = d2_ * lax.rsqrt(v2 + 1e-5) * g2_ref[...] + be2_ref[...]
    y2 = jnp.maximum(y2, 0.0)
    wf = jnp.dot(y2, BW2_ref[...]) + bw2_ref[...]

    wm = jnp.dot(wf, G, precision=_HP) * (1.0 / WSH)
    wm3 = wm.reshape(BQ2, NS, C)
    mx = jnp.max(wm3, axis=1, keepdims=True)
    e = jnp.exp(wm3 - mx)
    ssum = jnp.sum(e, axis=1, keepdims=True)
    w3 = e / ssum

    contrib = (xvg + prf).reshape(BQ2, NS, C) * w3
    out_ref[...] = jnp.sum(contrib, axis=1)


def kernel(p, x, o, Wq, bq, Wk, bk, Wv, bv, Wp1, bp1, gln_p, bln_p, Wp2, bp2,
           g1, be1, Ww1, bw1, g2, be2, Ww2, bw2):
    del o
    f32 = jnp.float32
    pp = jnp.zeros((N, 8), f32).at[:, :3].set(p)
    ppT = pp.T
    p16 = jnp.zeros((N, 16), f32).at[:, :3].set(p)

    full = lambda shp: pl.BlockSpec(shp, lambda i: (0,) * len(shp))

    xq, kvp, d2 = pl.pallas_call(
        _proj_body,
        grid=(NB1,),
        in_specs=[
            pl.BlockSpec((BQ1, 8), lambda i: (i, 0)),
            full((8, N)),
            pl.BlockSpec((BQ1, C), lambda i: (i, 0)),
            full((C, C)), full((1, C)),
            full((C, C)), full((1, C)),
            full((C, C)), full((1, C)),
        ],
        out_specs=[
            pl.BlockSpec((BQ1, C), lambda i: (i, 0)),
            pl.BlockSpec((BQ1, KVP), lambda i: (i, 0)),
            pl.BlockSpec((BQ1, N), lambda i: (i, 0)),
        ],
        out_shape=[
            jax.ShapeDtypeStruct((N, C), f32),
            jax.ShapeDtypeStruct((N, KVP), f32),
            jax.ShapeDtypeStruct((N, N), f32),
        ],
    )(pp, ppT, x, Wq, bq.reshape(1, C), Wk, bk.reshape(1, C),
      Wv, bv.reshape(1, C))

    mesh = plsc.VectorSubcoreMesh(core_axis_name="c", subcore_axis_name="s")
    sc_fn = pl.kernel(
        _sc_body,
        out_type=jax.ShapeDtypeStruct((N * NS, KVP), f32),
        mesh=mesh,
        compiler_params=pltpu.CompilerParams(needs_layout_passes=False),
        scratch_types=[
            pltpu.VMEM((N // 128, 128), f32),
            pltpu.VMEM((QW * NS,), jnp.int32),
            pltpu.VMEM((128,), jnp.int32),
            pltpu.VMEM((128, KVP), f32),
            pltpu.SemaphoreType.DMA,
            pltpu.SemaphoreType.DMA,
        ],
    )
    kvpg = sc_fn(d2.reshape(N * (N // 128), 128), kvp)

    Wp1p = jnp.zeros((16, 16), f32).at[:3, :3].set(Wp1)
    bp1p = jnp.zeros((1, 16), f32).at[0, :3].set(bp1)
    glnp = jnp.zeros((1, 16), f32).at[0, :3].set(gln_p)
    blnp = jnp.zeros((1, 16), f32).at[0, :3].set(bln_p)
    Wp2p = jnp.zeros((16, C), f32).at[:3, :].set(Wp2)
    gidx = jnp.arange(C) // MID
    G = (gidx[:, None] == gidx[None, :]).astype(f32)
    BW1 = jnp.kron(jnp.eye(H, dtype=f32), Ww1)
    BW2 = jnp.kron(jnp.eye(H, dtype=f32), Ww2)

    out = pl.pallas_call(
        _attn_body,
        grid=(NB2,),
        in_specs=[
            pl.BlockSpec((BQ2, C), lambda i: (i, 0)),
            pl.BlockSpec((BQ2, 16), lambda i: (i, 0)),
            pl.BlockSpec((BQ2 * NS, KVP), lambda i: (i, 0)),
            full((16, 16)), full((1, 16)), full((1, 16)), full((1, 16)),
            full((16, C)), full((1, C)),
            full((C, C)), full((1, C)), full((1, C)),
            full((C, C)), full((1, C)),
            full((1, C)), full((1, C)),
            full((C, C)), full((1, C)),
        ],
        out_specs=pl.BlockSpec((BQ2, C), lambda i: (i, 0)),
        out_shape=jax.ShapeDtypeStruct((N, C), f32),
    )(xq, p16, kvpg,
      Wp1p, bp1p, glnp, blnp, Wp2p, bp2.reshape(1, C),
      G, jnp.tile(g1, H).reshape(1, C), jnp.tile(be1, H).reshape(1, C),
      BW1, jnp.tile(bw1, H).reshape(1, C),
      jnp.tile(g2, H).reshape(1, C), jnp.tile(be2, H).reshape(1, C),
      BW2, jnp.tile(bw2, H).reshape(1, C))
    return out

# --- scband reference (transcript-rebuilt; emitter-appended) ---
"""Pipeline reference for scband-point-transformer-vfe-mh-85959475462566 (READ-ONLY COPY).

The authoritative reference and input builder live on the scoring server;
editing this copy changes nothing except your own understanding.
"""

import jax, jax.numpy as jnp
import numpy as np

N = 4096
C = 128
H = 8
NS = 16
MID = C // H          # 16
WSH = C // 8          # out_planes // share_planes = 16


def layer_norm(t, g, b, eps=1e-5):
    m = jnp.mean(t, axis=-1, keepdims=True)
    v = jnp.var(t, axis=-1, keepdims=True)
    return (t - m) / jnp.sqrt(v + eps) * g + b


def setup_inputs(seed: int = 0) -> dict:
    key = jax.random.key(seed)
    ks = jax.random.split(key, 16)
    p = jax.random.uniform(ks[0], (N, 3), dtype=jnp.float32) * 50.0
    x = jax.random.normal(ks[1], (N, C), dtype=jnp.float32)
    o = jnp.array([N], dtype=jnp.int32)

    def w(k, shape, scale=0.05):
        return jax.random.normal(k, shape, dtype=jnp.float32) * scale

    return {
        'p': p, 'x': x, 'o': o,
        'Wq': w(ks[2], (C, C)), 'bq': jnp.zeros((C,), jnp.float32),
        'Wk': w(ks[3], (C, C)), 'bk': jnp.zeros((C,), jnp.float32),
        'Wv': w(ks[4], (C, C)), 'bv': jnp.zeros((C,), jnp.float32),
        'Wp1': w(ks[5], (3, 3)), 'bp1': jnp.zeros((3,), jnp.float32),
        'gln_p': jnp.ones((3,), jnp.float32), 'bln_p': jnp.zeros((3,), jnp.float32),
        'Wp2': w(ks[6], (3, C)), 'bp2': jnp.zeros((C,), jnp.float32),
        'g1': jnp.ones((MID,), jnp.float32), 'be1': jnp.zeros((MID,), jnp.float32),
        'Ww1': w(ks[7], (MID, WSH)), 'bw1': jnp.zeros((WSH,), jnp.float32),
        'g2': jnp.ones((WSH,), jnp.float32), 'be2': jnp.zeros((WSH,), jnp.float32),
        'Ww2': w(ks[8], (WSH, WSH)), 'bw2': jnp.zeros((WSH,), jnp.float32),
    }


def reference(p, x, o, Wq, bq, Wk, bk, Wv, bv, Wp1, bp1, gln_p, bln_p, Wp2, bp2,
              g1, be1, Ww1, bw1, g2, be2, Ww2, bw2):
    # PointTransformerLayer_MH: single-batch (o = [N]) kNN vector attention
    x_q = (x @ Wq + bq).reshape(N, H, MID)
    x_k = x @ Wk + bk
    x_v = x @ Wv + bv

    # brute-force kNN (pointops.knn_query_and_group): nearest NS points incl. self
    pn = jnp.sum(p * p, axis=-1)
    d2 = pn[:, None] + pn[None, :] - 2.0 * (p @ p.T)
    _, idx = jax.lax.top_k(-d2, NS)                      # [N, NS]

    p_r = jnp.take(p, idx, axis=0) - p[:, None, :]       # relative coords [N, NS, 3]
    x_k_g = jnp.take(x_k, idx, axis=0).reshape(N, NS, H, MID)
    x_v_g = jnp.take(x_v, idx, axis=0).reshape(N, NS, H, MID)

    # linear_p: Linear(3,3) -> LayerNorm1d(3) -> ReLU -> Linear(3, out_planes)
    prf = layer_norm(p_r @ Wp1 + bp1, gln_p, bln_p)
    prf = jax.nn.relu(prf)
    prf = (prf @ Wp2 + bp2).reshape(N, NS, H, MID)

    r_qk = x_k_g + prf - x_q[:, None, :, :]              # [N, NS, H, MID]

    # linear_w: LN -> ReLU -> Linear(MID, WSH) -> LN -> ReLU -> Linear(WSH, WSH)
    wf = jax.nn.relu(layer_norm(r_qk, g1, be1))
    wf = wf @ Ww1 + bw1
    wf = jax.nn.relu(layer_norm(wf, g2, be2))
    wf = wf @ Ww2 + bw2                                  # [N, NS, H, WSH]

    wm = jnp.mean(wf, axis=-1)                           # [N, NS, H]
    wsm = jax.nn.softmax(wm, axis=1)[..., None]          # softmax over nsample

    out = jnp.sum((x_v_g + prf) * wsm, axis=1)           # [N, H, MID]
    return out.reshape(N, H * MID)

if __name__ == "__main__":
    import jax
    _d = setup_inputs()
    print(jax.jit(kernel)(*tuple(_d.values())))

</pallas_src>

<mosaic_0001>
#map = affine_map<(d0, d1) -> (0, 0)>
module attributes {stable_mosaic.version = 14 : i64} {
  func.func @_sc_body(%arg0: i32, %arg1: i32, %arg2: memref<131072x128xf32, #tpu.memory_space<hbm>>, %arg3: memref<4096x384xf32, #tpu.memory_space<hbm>>, %arg4: memref<65536x384xf32, #tpu.memory_space<hbm>>, %arg5: memref<32x128xf32, #tpu.memory_space<vmem>>, %arg6: memref<2048xi32, #tpu.memory_space<vmem>>, %arg7: memref<128xi32, #tpu.memory_space<vmem>>, %arg8: memref<128x384xf32, #tpu.memory_space<vmem>>, %arg9: memref<!tpu.dma_semaphore, #tpu.memory_space<semaphore_mem>>, %arg10: memref<!tpu.dma_semaphore, #tpu.memory_space<semaphore_mem>>) attributes {dimension_semantics = [#tpu.dimension_semantics<core_parallel>, #tpu.dimension_semantics<subcore_parallel>], iteration_bounds = array<i64: 2, 16>, scalar_prefetch = 0 : i64, scratch_operands = 6 : i64, tpu.core_type = #tpu.core_type<sc_vector_subcore>, window_params = [{transform_indices = #map}, {transform_indices = #map}, {transform_indices = #map}]} {
    %mul3A = arith.constant 2 : i32
    %mul3A_0 = arith.muli %arg1, %mul3A : i32
    %add3A = arith.addi %mul3A_0, %arg0 : i32
    %mul3A_1 = arith.constant 128 : i32
    %mul3A_2 = arith.muli %add3A, %mul3A_1 : i32
    %iota3A = tpu.iota {dimensions = array<i32: 0>} : vector<16xi32>
    %broadcast_in_dim3A = arith.constant 0x7F800000 : f32
    %broadcast_in_dim3A_3 = vector.broadcast %broadcast_in_dim3A : f32 to vector<16xf32>
    %broadcast_in_dim3A_4 = arith.constant 0 : i32
    %broadcast_in_dim3A_5 = vector.broadcast %broadcast_in_dim3A_4 : i32 to vector<16xi32>
    %scan3A = arith.constant 0 : i32
    %scan3A_6 = arith.constant 0 : i32
    %scan3A_7 = arith.constant 128 : i32
    %scan3A_8 = arith.addi %scan3A_6, %scan3A_7 : i32
    %scan3A_9 = arith.constant 1 : i32
    scf.for %scan3A_679 = %scan3A_6 to %scan3A_8 step %scan3A_9  : i32 {
      %add3A_680 = arith.addi %mul3A_2, %scan3A_679 : i32
      %mul3A_681 = arith.constant 32 : i32
      %mul3A_682 = arith.muli %add3A_680, %mul3A_681 : i32
      %dma_start3A_683 = arith.constant 0 : i32
      %dma_start3A_684 = tpu.memref_slice %arg2[%mul3A_682, %dma_start3A_683] : memref<131072x128xf32, #tpu.memory_space<hbm>> -> memref<32x128xf32, #tpu.memory_space<hbm>>
      %dma_start3A_685 = arith.constant 0 : i32
      %dma_start3A_686 = tpu.memref_slice %arg2[%mul3A_682, %dma_start3A_685] : memref<131072x128xf32, #tpu.memory_space<hbm>> -> memref<32x128xf32, #tpu.memory_space<hbm>>
      tpu.enqueue_dma source(%dma_start3A_686 : memref<32x128xf32, #tpu.memory_space<hbm>>) target(%arg5 : memref<32x128xf32, #tpu.memory_space<vmem>>) target_semaphore(%arg10 : memref<!tpu.dma_semaphore, #tpu.memory_space<semaphore_mem>>)
      %dma_wait3A_687 = arith.constant 0 : i32
      %dma_wait3A_688 = tpu.memref_slice %arg2[%mul3A_682, %dma_wait3A_687] : memref<131072x128xf32, #tpu.memory_space<hbm>> -> memref<32x128xf32, #tpu.memory_space<hbm>>
      %dma_wait3A_689 = arith.constant 0 : i32
      %dma_wait3A_690 = tpu.memref_slice %arg2[%mul3A_682, %dma_wait3A_689] : memref<131072x128xf32, #tpu.memory_space<hbm>> -> memref<32x128xf32, #tpu.memory_space<hbm>>
      tpu.wait_dma2 semaphore(%arg10 : memref<!tpu.dma_semaphore, #tpu.memory_space<semaphore_mem>>) src(%dma_wait3A_690 : memref<32x128xf32, #tpu.memory_space<hbm>>) dst(%arg5 : memref<32x128xf32, #tpu.memory_space<vmem>>)
      %scan3A_691 = arith.constant 0 : i32
      %scan3A_692 = arith.constant 256 : i32
      %scan3A_693 = arith.addi %scan3A_691, %scan3A_692 : i32
      %scan3A_694 = arith.constant 1 : i32
      %scan3A_695:2 = scf.for %scan3A_701 = %scan3A_691 to %scan3A_693 step %scan3A_694 iter_args(%scan3A_702 = %broadcast_in_dim3A_3, %scan3A_703 = %broadcast_in_dim3A_5) -> (vector<16xf32>, vector<16xi32>)  : i32 {
        %broadcast_in_dim3A_704 = arith.constant 0 : i32
        %broadcast_in_dim3A_705 = vector.broadcast %broadcast_in_dim3A_704 : i32 to vector<16xi32>
        %add3A_706 = vector.broadcast %scan3A_701 : i32 to vector<16xi32>
        %add3A_707 = arith.addi %broadcast_in_dim3A_705, %add3A_706 : vector<16xi32>
        %shift_right_logical3A = arith.constant 3 : i32
        %shift_right_logical3A_708 = vector.broadcast %shift_right_logical3A : i32 to vector<16xi32>
        %shift_right_logical3A_709 = arith.shrui %add3A_707, %shift_right_logical3A_708 : vector<16xi32>
        %and3A = arith.constant 7 : i32
        %and3A_710 = vector.broadcast %and3A : i32 to vector<16xi32>
        %and3A_711 = arith.andi %add3A_707, %and3A_710 : vector<16xi32>
        %shift_left3A = arith.constant 4 : i32
        %shift_left3A_712 = vector.broadcast %shift_left3A : i32 to vector<16xi32>
        %shift_left3A_713 = arith.shli %and3A_711, %shift_left3A_712 : vector<16xi32>
        %add3A_714 = arith.addi %shift_left3A_713, %iota3A : vector<16xi32>
        %gather3A = tpu.vector_load_idx %arg5[%shift_right_logical3A_709, %add3A_714] : memref<32x128xf32, #tpu.memory_space<vmem>>[vector<16xi32>, vector<16xi32>], vector<16xf32>,
        %mul3A_715 = arith.constant 16 : i32
        %mul3A_716 = vector.broadcast %mul3A_715 : i32 to vector<16xi32>
        %mul3A_717 = arith.muli %add3A_707, %mul3A_716 : vector<16xi32>
        %add3A_718 = arith.addi %mul3A_717, %iota3A : vector<16xi32>
        %masked_sort3A = arith.constant dense<true> : vector<16xi1>
        %masked_sort3A_719, %masked_sort3A_720, %masked_sort3A_721 = tpu.sort %gather3A, %add3A_718 masked %masked_sort3A : (vector<16xf32>, vector<16xi32>, vector<16xi1>) -> (vector<16xi1>, vector<16xf32>, vector<16xi32>)
        %rev3A = arith.constant 15 : i32
        %rev3A_722 = vector.broadcast %rev3A : i32 to vector<16xi32>
        %rev3A_723 = tpu.iota {dimensions = array<i32: 0>} : vector<16xi32>
        %rev3A_724 = arith.subi %rev3A_722, %rev3A_723 : vector<16xi32>
        %rev3A_725 = tpu.dynamic_gather %masked_sort3A_720[%rev3A_724] in [0] : vector<16xf32>, vector<16xi32> -> vector<16xf32>
        %rev3A_726 = arith.constant 15 : i32
        %rev3A_727 = vector.broadcast %rev3A_726 : i32 to vector<16xi32>
        %rev3A_728 = tpu.iota {dimensions = array<i32: 0>} : vector<16xi32>
        %rev3A_729 = arith.subi %rev3A_727, %rev3A_728 : vector<16xi32>
        %rev3A_730 = tpu.dynamic_gather %masked_sort3A_721[%rev3A_729] in [0] : vector<16xi32>, vector<16xi32> -> vector<16xi32>
        %le3A = arith.cmpf ole, %scan3A_702, %rev3A_725 : vector<16xf32>
        %select_n3A = arith.select %le3A, %scan3A_702, %rev3A_725 : vector<16xi1>, vector<16xf32>
        %select_n3A_731 = arith.select %le3A, %scan3A_703, %rev3A_730 : vector<16xi1>, vector<16xi32>
        %masked_sort3A_732 = arith.constant dense<true> : vector<16xi1>
        %masked_sort3A_733, %masked_sort3A_734, %masked_sort3A_735 = tpu.sort %select_n3A, %select_n3A_731 masked %masked_sort3A_732 : (vector<16xf32>, vector<16xi32>, vector<16xi1>) -> (vector<16xi1>, vector<16xf32>, vector<16xi32>)
        scf.yield %masked_sort3A_734, %masked_sort3A_735 : vector<16xf32>, vector<16xi32>
      }
      %scan3A_696 = arith.constant 256 : i32
      %mul3A_697 = arith.constant 16 : i32
      %mul3A_698 = arith.muli %scan3A_679, %mul3A_697 : i32
      %swap3A_699 = arith.index_cast %mul3A_698 : i32 to index
      %swap3A_700 = tpu.vector_load %arg6[%swap3A_699] {strides = array<i32>} : memref<2048xi32, #tpu.memory_space<vmem>>, vector<16xi32>,
      tpu.vector_store %arg6[%swap3A_699], %scan3A_695#1 {strides = array<i32>} : memref<2048xi32, #tpu.memory_space<vmem>>, vector<16xi32>,
    }
    %scan3A_10 = arith.constant 128 : i32
    %get3A = arith.constant 0 : index
    %get3A_11 = tpu.vector_load %arg6[%get3A] {strides = array<i32>} : memref<2048xi32, #tpu.memory_space<vmem>>, vector<16xi32>,
    %swap3A = arith.constant 0 : index
    %swap3A_12 = tpu.vector_load %arg7[%swap3A] {strides = array<i32>} : memref<128xi32, #tpu.memory_space<vmem>>, vector<16xi32>,
    tpu.vector_store %arg7[%swap3A], %get3A_11 {strides = array<i32>} : memref<128xi32, #tpu.memory_space<vmem>>, vector<16xi32>,
    %get3A_13 = arith.constant 16 : index
    %get3A_14 = tpu.vector_load %arg6[%get3A_13] {strides = array<i32>} : memref<2048xi32, #tpu.memory_space<vmem>>, vector<16xi32>,
    %swap3A_15 = arith.constant 16 : index
    %swap3A_16 = tpu.vector_load %arg7[%swap3A_15] {strides = array<i32>} : memref<128xi32, #tpu.memory_space<vmem>>, vector<16xi32>,
    tpu.vector_store %arg7[%swap3A_15], %get3A_14 {strides = array<i32>} : memref<128xi32, #tpu.memory_space<vmem>>, vector<16xi32>,
    %get3A_17 = arith.constant 32 : index
    %get3A_18 = tpu.vector_load %arg6[%get3A_17] {strides = array<i32>} : memref<2048xi32, #tpu.memory_space<vmem>>, vector<16xi32>,
    %swap3A_19 = arith.constant 32 : index
    %swap3A_20 = tpu.vector_load %arg7[%swap3A_19] {strides = array<i32>} : memref<128xi32, #tpu.memory_space<vmem>>, vector<16xi32>,
    tpu.vector_store %arg7[%swap3A_19], %get3A_18 {strides = array<i32>} : memref<128xi32, #tpu.memory_space<vmem>>, vector<16xi32>,
    %get3A_21 = arith.constant 48 : index
    %get3A_22 = tpu.vector_load %arg6[%get3A_21] {strides = array<i32>} : memref<2048xi32, #tpu.memory_space<vmem>>, vector<16xi32>,
    %swap3A_23 = arith.constant 48 : index
    %swap3A_24 = tpu.vector_load %arg7[%swap3A_23] {strides = array<i32>} : memref<128xi32, #tpu.memory_space<vmem>>, vector<16xi32>,
    tpu.vector_store %arg7[%swap3A_23], %get3A_22 {strides = array<i32>} : memref<128xi32, #tpu.memory_space<vmem>>, vector<16xi32>,
    %get3A_25 = arith.constant 64 : index
    %get3A_26 = tpu.vector_load %arg6[%get3A_25] {strides = array<i32>} : memref<2048xi32, #tpu.memory_space<vmem>>, vector<16xi32>,
    %swap3A_27 = arith.constant 64 : index
    %swap3A_28 = tpu.vector_load %arg7[%swap3A_27] {strides = array<i32>} : memref<128xi32, #tpu.memory_space<vmem>>, vector<16xi32>,
    tpu.vector_store %arg7[%swap3A_27], %get3A_26 {strides = array<i32>} : memref<128xi32, #tpu.memory_space<vmem>>, vector<16xi32>,
    %get3A_29 = arith.constant 80 : index
    %get3A_30 = tpu.vector_load %arg6[%get3A_29] {strides = array<i32>} : memref<2048xi32, #tpu.memory_space<vmem>>, vector<16xi32>,
    %swap3A_31 = arith.constant 80 : index
    %swap3A_32 = tpu.vector_load %arg7[%swap3A_31] {strides = array<i32>} : memref<128xi32, #tpu.memory_space<vmem>>, vector<16xi32>,
    tpu.vector_store %arg7[%swap3A_31], %get3A_30 {strides = array<i32>} : memref<128xi32, #tpu.memory_space<vmem>>, vector<16xi32>,
    %get3A_33 = arith.constant 96 : index
    %get3A_34 = tpu.vector_load %arg6[%get3A_33] {strides = array<i32>} : memref<2048xi32, #tpu.memory_space<vmem>>, vector<16xi32>,
    %swap3A_35 = arith.constant 96 : index
    %swap3A_36 = tpu.vector_load %arg7[%swap3A_35] {strides = array<i32>} : memref<128xi32, #tpu.memory_space<vmem>>, vector<16xi32>,
    tpu.vector_store %arg7[%swap3A_35], %get3A_34 {strides = array<i32>} : memref<128xi32, #tpu.memory_space<vmem>>, vector<16xi32>,
    %get3A_37 = arith.constant 112 : index
    %get3A_38 = tpu.vector_load %arg6[%get3A_37] {strides = array<i32>} : memref<2048xi32, #tpu.memory_space<vmem>>, vector<16xi32>,
    %swap3A_39 = arith.constant 112 : index
    %swap3A_40 = tpu.vector_load %arg7[%swap3A_39] {strides = array<i32>} : memref<128xi32, #tpu.memory_space<vmem>>, vector<16xi32>,
    tpu.vector_store %arg7[%swap3A_39], %get3A_38 {strides = array<i32>} : memref<128xi32, #tpu.memory_space<vmem>>, vector<16xi32>,
    %dma_start3A = arith.constant 0 : i32
    %dma_start3A_41 = arith.constant 0 : i32
    %dma_start3A_42 = tpu.memref_slice %arg3[%dma_start3A, %dma_start3A_41] : memref<4096x384xf32, #tpu.memory_space<hbm>> -> memref<4096x384xf32, #tpu.memory_space<hbm>>
    tpu.enqueue_indirect_dma source(%dma_start3A_42 : memref<4096x384xf32, #tpu.memory_space<hbm>>) target(%arg8 : memref<128x384xf32, #tpu.memory_space<vmem>>) offsets(%arg7 : memref<128xi32, #tpu.memory_space<vmem>>) semaphore(%arg9 : memref<!tpu.dma_semaphore, #tpu.memory_space<semaphore_mem>>)
    %dma_wait3A = arith.constant 0 : i32
    %dma_wait3A_43 = arith.constant 0 : i32
    %dma_wait3A_44 = tpu.memref_slice %arg3[%dma_wait3A, %dma_wait3A_43] : memref<4096x384xf32, #tpu.memory_space<hbm>> -> memref<4096x384xf32, #tpu.memory_space<hbm>>
    tpu.wait_indirect_dma semaphore(%arg9 : memref<!tpu.dma_semaphore, #tpu.memory_space<semaphore_mem>>) src(%dma_wait3A_44 : memref<4096x384xf32, #tpu.memory_space<hbm>>) dst(%arg8 : memref<128x384xf32, #tpu.memory_space<vmem>>)
    %mul3A_45 = arith.constant 16 : i32
    %mul3A_46 = arith.muli %mul3A_2, %mul3A_45 : i32
    %add3A_47 = arith.constant 0 : i32
    %add3A_48 = arith.addi %mul3A_46, %add3A_47 : i32
    "tpu.region"() ({
      %run_scoped3A = tpu.sem_alloc : memref<!tpu.dma_semaphore, #tpu.memory_space<semaphore_mem>>
      %dma_start3A_679 = arith.constant 0 : i32
      %dma_start3A_680 = tpu.memref_slice %arg4[%add3A_48, %dma_start3A_679] : memref<65536x384xf32, #tpu.memory_space<hbm>> -> memref<128x384xf32, #tpu.memory_space<hbm>>
      %dma_start3A_681 = arith.constant 0 : i32
      %dma_start3A_682 = tpu.memref_slice %arg4[%add3A_48, %dma_start3A_681] : memref<65536x384xf32, #tpu.memory_space<hbm>> -> memref<128x384xf32, #tpu.memory_space<hbm>>
      tpu.enqueue_dma source(%arg8 : memref<128x384xf32, #tpu.memory_space<vmem>>) target(%dma_start3A_682 : memref<128x384xf32, #tpu.memory_space<hbm>>) target_semaphore(%run_scoped3A : memref<!tpu.dma_semaphore, #tpu.memory_space<semaphore_mem>>)
      %dma_wait3A_683 = arith.constant 0 : i32
      %dma_wait3A_684 = tpu.memref_slice %arg4[%add3A_48, %dma_wait3A_683] : memref<65536x384xf32, #tpu.memory_space<hbm>> -> memref<128x384xf32, #tpu.memory_space<hbm>>
      %dma_wait3A_685 = arith.constant 0 : i32
      %dma_wait3A_686 = tpu.memref_slice %arg4[%add3A_48, %dma_wait3A_685] : memref<65536x384xf32, #tpu.memory_space<hbm>> -> memref<128x384xf32, #tpu.memory_space<hbm>>
      tpu.wait_dma2 semaphore(%run_scoped3A : memref<!tpu.dma_semaphore, #tpu.memory_space<semaphore_mem>>) src(%arg8 : memref<128x384xf32, #tpu.memory_space<vmem>>) dst(%dma_wait3A_686 : memref<128x384xf32, #tpu.memory_space<hbm>>)
      tpu.yield
    }) : () -> ()
    %get3A_49 = arith.constant 128 : index
    %get3A_50 = tpu.vector_load %arg6[%get3A_49] {strides = array<i32>} : memref<2048xi32, #tpu.memory_space<vmem>>, vector<16xi32>,
    %swap3A_51 = arith.constant 0 : index
    %swap3A_52 = tpu.vector_load %arg7[%swap3A_51] {strides = array<i32>} : memref<128xi32, #tpu.memory_space<vmem>>, vector<16xi32>,
    tpu.vector_store %arg7[%swap3A_51], %get3A_50 {strides = array<i32>} : memref<128xi32, #tpu.memory_space<vmem>>, vector<16xi32>,
    %get3A_53 = arith.constant 144 : index
    %get3A_54 = tpu.vector_load %arg6[%get3A_53] {strides = array<i32>} : memref<2048xi32, #tpu.memory_space<vmem>>, vector<16xi32>,
    %swap3A_55 = arith.constant 16 : index
    %swap3A_56 = tpu.vector_load %arg7[%swap3A_55] {strides = array<i32>} : memref<128xi32, #tpu.memory_space<vmem>>, vector<16xi32>,
    tpu.vector_store %arg7[%swap3A_55], %get3A_54 {strides = array<i32>} : memref<128xi32, #tpu.memory_space<vmem>>, vector<16xi32>,
    %get3A_57 = arith.constant 160 : index
    %get3A_58 = tpu.vector_load %arg6[%get3A_57] {strides = array<i32>} : memref<2048xi32, #tpu.memory_space<vmem>>, vector<16xi32>,
    %swap3A_59 = arith.constant 32 : index
    %swap3A_60 = tpu.vector_load %arg7[%swap3A_59] {strides = array<i32>} : memref<128xi32, #tpu.memory_space<vmem>>, vector<16xi32>,
    tpu.vector_store %arg7[%swap3A_59], %get3A_58 {strides = array<i32>} : memref<128xi32, #tpu.memory_space<vmem>>, vector<16xi32>,
    %get3A_61 = arith.constant 176 : index
    %get3A_62 = tpu.vector_load %arg6[%get3A_61] {strides = array<i32>} : memref<2048xi32, #tpu.memory_space<vmem>>, vector<16xi32>,
    %swap3A_63 = arith.constant 48 : index
    %swap3A_64 = tpu.vector_load %arg7[%swap3A_63] {strides = array<i32>} : memref<128xi32, #tpu.memory_space<vmem>>, vector<16xi32>,
    tpu.vector_store %arg7[%swap3A_63], %get3A_62 {strides = array<i32>} : memref<128xi32, #tpu.memory_space<vmem>>, vector<16xi32>,
    %get3A_65 = arith.constant 192 : index
    %get3A_66 = tpu.vector_load %arg6[%get3A_65] {strides = array<i32>} : memref<2048xi32, #tpu.memory_space<vmem>>, vector<16xi32>,
    %swap3A_67 = arith.constant 64 : index
    %swap3A_68 = tpu.vector_load %arg7[%swap3A_67] {strides = array<i32>} : memref<128xi32, #tpu.memory_space<vmem>>, vector<16xi32>,
    tpu.vector_store %arg7[%swap3A_67], %get3A_66 {strides = array<i32>} : memref<128xi32, #tpu.memory_space<vmem>>, vector<16xi32>,
    %get3A_69 = arith.constant 208 : index
    %get3A_70 = tpu.vector_load %arg6[%get3A_69] {strides = array<i32>} : memref<2048xi32, #tpu.memory_space<vmem>>, vector<16xi32>,
    %swap3A_71 = arith.constant 80 : index
    %swap3A_72 = tpu.vector_load %arg7[%swap3A_71] {strides = array<i32>} : memref<128xi32, #tpu.memory_space<vmem>>, vector<16xi32>,
    tpu.vector_store %arg7[%swap3A_71], %get3A_70 {strides = array<i32>} : memref<128xi32, #tpu.memory_space<vmem>>, vector<16xi32>,
    %get3A_73 = arith.constant 224 : index
    %get3A_74 = tpu.vector_load %arg6[%get3A_73] {strides = array<i32>} : memref<2048xi32, #tpu.memory_space<vmem>>, vector<16xi32>,
    %swap3A_75 = arith.constant 96 : index
    %swap3A_76 = tpu.vector_load %arg7[%swap3A_75] {strides = array<i32>} : memref<128xi32, #tpu.memory_space<vmem>>, vector<16xi32>,
    tpu.vector_store %arg7[%swap3A_75], %get3A_74 {strides = array<i32>} : memref<128xi32, #tpu.memory_space<vmem>>, vector<16xi32>,
    %get3A_77 = arith.constant 240 : index
    %get3A_78 = tpu.vector_load %arg6[%get3A_77] {strides = array<i32>} : memref<2048xi32, #tpu.memory_space<vmem>>, vector<16xi32>,
    %swap3A_79 = arith.constant 112 : index
    %swap3A_80 = tpu.vector_load %arg7[%swap3A_79] {strides = array<i32>} : memref<128xi32, #tpu.memory_space<vmem>>, vector<16xi32>,
    tpu.vector_store %arg7[%swap3A_79], %get3A_78 {strides = array<i32>} : memref<128xi32, #tpu.memory_space<vmem>>, vector<16xi32>,
    %dma_start3A_81 = arith.constant 0 : i32
    %dma_start3A_82 = arith.constant 0 : i32
    %dma_start3A_83 = tpu.memref_slice %arg3[%dma_start3A_81, %dma_start3A_82] : memref<4096x384xf32, #tpu.memory_space<hbm>> -> memref<4096x384xf32, #tpu.memory_space<hbm>>
    tpu.enqueue_indirect_dma source(%dma_start3A_83 : memref<4096x384xf32, #tpu.memory_space<hbm>>) target(%arg8 : memref<128x384xf32, #tpu.memory_space<vmem>>) offsets(%arg7 : memref<128xi32, #tpu.memory_space<vmem>>) semaphore(%arg9 : memref<!tpu.dma_semaphore, #tpu.memory_space<semaphore_mem>>)
    %dma_wait3A_84 = arith.constant 0 : i32
    %dma_wait3A_85 = arith.constant 0 : i32
    %dma_wait3A_86 = tpu.memref_slice %arg3[%dma_wait3A_84, %dma_wait3A_85] : memref<4096x384xf32, #tpu.memory_space<hbm>> -> memref<4096x384xf32, #tpu.memory_space<hbm>>
    tpu.wait_indirect_dma semaphore(%arg9 : memref<!tpu.dma_semaphore, #tpu.memory_space<semaphore_mem>>) src(%dma_wait3A_86 : memref<4096x384xf32, #tpu.memory_space<hbm>>) dst(%arg8 : memref<128x384xf32, #tpu.memory_space<vmem>>)
    %mul3A_87 = arith.constant 16 : i32
    %mul3A_88 = arith.muli %mul3A_2, %mul3A_87 : i32
    %add3A_89 = arith.constant 128 : i32
    %add3A_90 = arith.addi %mul3A_88, %add3A_89 : i32
    "tpu.region"() ({
      %run_scoped3A = tpu.sem_alloc : memref<!tpu.dma_semaphore, #tpu.memory_space<semaphore_mem>>
      %dma_start3A_679 = arith.constant 0 : i32
      %dma_start3A_680 = tpu.memref_slice %arg4[%add3A_90, %dma_start3A_679] : memref<65536x384xf32, #tpu.memory_space<hbm>> -> memref<128x384xf32, #tpu.memory_space<hbm>>
      %dma_start3A_681 = arith.constant 0 : i32
      %dma_start3A_682 = tpu.memref_slice %arg4[%add3A_90, %dma_start3A_681] : memref<65536x384xf32, #tpu.memory_space<hbm>> -> memref<128x384xf32, #tpu.memory_space<hbm>>
      tpu.enqueue_dma source(%arg8 : memref<128x384xf32, #tpu.memory_space<vmem>>) target(%dma_start3A_682 : memref<128x384xf32, #tpu.memory_space<hbm>>) target_semaphore(%run_scoped3A : memref<!tpu.dma_semaphore, #tpu.memory_space<semaphore_mem>>)
      %dma_wait3A_683 = arith.constant 0 : i32
      %dma_wait3A_684 = tpu.memref_slice %arg4[%add3A_90, %dma_wait3A_683] : memref<65536x384xf32, #tpu.memory_space<hbm>> -> memref<128x384xf32, #tpu.memory_space<hbm>>
      %dma_wait3A_685 = arith.constant 0 : i32
      %dma_wait3A_686 = tpu.memref_slice %arg4[%add3A_90, %dma_wait3A_685] : memref<65536x384xf32, #tpu.memory_space<hbm>> -> memref<128x384xf32, #tpu.memory_space<hbm>>
      tpu.wait_dma2 semaphore(%run_scoped3A : memref<!tpu.dma_semaphore, #tpu.memory_space<semaphore_mem>>) src(%arg8 : memref<128x384xf32, #tpu.memory_space<vmem>>) dst(%dma_wait3A_686 : memref<128x384xf32, #tpu.memory_space<hbm>>)
      tpu.yield
    }) : () -> ()
    %get3A_91 = arith.constant 256 : index
    %get3A_92 = tpu.vector_load %arg6[%get3A_91] {strides = array<i32>} : memref<2048xi32, #tpu.memory_space<vmem>>, vector<16xi32>,
    %swap3A_93 = arith.constant 0 : index
    %swap3A_94 = tpu.vector_load %arg7[%swap3A_93] {strides = array<i32>} : memref<128xi32, #tpu.memory_space<vmem>>, vector<16xi32>,
    tpu.vector_store %arg7[%swap3A_93], %get3A_92 {strides = array<i32>} : memref<128xi32, #tpu.memory_space<vmem>>, vector<16xi32>,
    %get3A_95 = arith.constant 272 : index
    %get3A_96 = tpu.vector_load %arg6[%get3A_95] {strides = array<i32>} : memref<2048xi32, #tpu.memory_space<vmem>>, vector<16xi32>,
    %swap3A_97 = arith.constant 16 : index
    %swap3A_98 = tpu.vector_load %arg7[%swap3A_97] {strides = array<i32>} : memref<128xi32, #tpu.memory_space<vmem>>, vector<16xi32>,
    tpu.vector_store %arg7[%swap3A_97], %get3A_96 {strides = array<i32>} : memref<128xi32, #tpu.memory_space<vmem>>, vector<16xi32>,
    %get3A_99 = arith.constant 288 : index
    %get3A_100 = tpu.vector_load %arg6[%get3A_99] {strides = array<i32>} : memref<2048xi32, #tpu.memory_space<vmem>>, vector<16xi32>,
    %swap3A_101 = arith.constant 32 : index
    %swap3A_102 = tpu.vector_load %arg7[%swap3A_101] {strides = array<i32>} : memref<128xi32, #tpu.memory_space<vmem>>, vector<16xi32>,
    tpu.vector_store %arg7[%swap3A_101], %get3A_100 {strides = array<i32>} : memref<128xi32, #tpu.memory_space<vmem>>, vector<16xi32>,
    %get3A_103 = arith.constant 304 : index
    %get3A_104 = tpu.vector_load %arg6[%get3A_103] {strides = array<i32>} : memref<2048xi32, #tpu.memory_space<vmem>>, vector<16xi32>,
    %swap3A_105 = arith.constant 48 : index
    %swap3A_106 = tpu.vector_load %arg7[%swap3A_105] {strides = array<i32>} : memref<128xi32, #tpu.memory_space<vmem>>, vector<16xi32>,
    tpu.vector_store %arg7[%swap3A_105], %get3A_104 {strides = array<i32>} : memref<128xi32, #tpu.memory_space<vmem>>, vector<16xi32>,
    %get3A_107 = arith.constant 320 : index
    %get3A_108 = tpu.vector_load %arg6[%get3A_107] {strides = array<i32>} : memref<2048xi32, #tpu.memory_space<vmem>>, vector<16xi32>,
    %swap3A_109 = arith.constant 64 : index
    %swap3A_110 = tpu.vector_load %arg7[%swap3A_109] {strides = array<i32>} : memref<128xi32, #tpu.memory_space<vmem>>, vector<16xi32>,
    tpu.vector_store %arg7[%swap3A_109], %get3A_108 {strides = array<i32>} : memref<128xi32, #tpu.memory_space<vmem>>, vector<16xi32>,
    %get3A_111 = arith.constant 336 : index
    %get3A_112 = tpu.vector_load %arg6[%get3A_111] {strides = array<i32>} : memref<2048xi32, #tpu.memory_space<vmem>>, vector<16xi32>,
    %swap3A_113 = arith.constant 80 : index
    %swap3A_114 = tpu.vector_load %arg7[%swap3A_113] {strides = array<i32>} : memref<128xi32, #tpu.memory_space<vmem>>, vector<16xi32>,
    tpu.vector_store %arg7[%swap3A_113], %get3A_112 {strides = array<i32>} : memref<128xi32, #tpu.memory_space<vmem>>, vector<16xi32>,
    %get3A_115 = arith.constant 352 : index
    %get3A_116 = tpu.vector_load %arg6[%get3A_115] {strides = array<i32>} : memref<2048xi32, #tpu.memory_space<vmem>>, vector<16xi32>,
    %swap3A_117 = arith.constant 96 : index
    %swap3A_118 = tpu.vector_load %arg7[%swap3A_117] {strides = array<i32>} : memref<128xi32, #tpu.memory_space<vmem>>, vector<16xi32>,
    tpu.vector_store %arg7[%swap3A_117], %get3A_116 {strides = array<i32>} : memref<128xi32, #tpu.memory_space<vmem>>, vector<16xi32>,
    %get3A_119 = arith.constant 368 : index
    %get3A_120 = tpu.vector_load %arg6[%get3A_119] {strides = array<i32>} : memref<2048xi32, #tpu.memory_space<vmem>>, vector<16xi32>,
    %swap3A_121 = arith.constant 112 : index
    %swap3A_122 = tpu.vector_load %arg7[%swap3A_121] {strides = array<i32>} : memref<128xi32, #tpu.memory_space<vmem>>, vector<16xi32>,
    tpu.vector_store %arg7[%swap3A_121], %get3A_120 {strides = array<i32>} : memref<128xi32, #tpu.memory_space<vmem>>, vector<16xi32>,
    %dma_start3A_123 = arith.constant 0 : i32
    %dma_start3A_124 = arith.constant 0 : i32
    %dma_start3A_125 = tpu.memref_slice %arg3[%dma_start3A_123, %dma_start3A_124] : memref<4096x384xf32, #tpu.memory_space<hbm>> -> memref<4096x384xf32, #tpu.memory_space<hbm>>
    tpu.enqueue_indirect_dma source(%dma_start3A_125 : memref<4096x384xf32, #tpu.memory_space<hbm>>) target(%arg8 : memref<128x384xf32, #tpu.memory_space<vmem>>) offsets(%arg7 : memref<128xi32, #tpu.memory_space<vmem>>) semaphore(%arg9 : memref<!tpu.dma_semaphore, #tpu.memory_space<semaphore_mem>>)
    %dma_wait3A_126 = arith.constant 0 : i32
    %dma_wait3A_127 = arith.constant 0 : i32
    %dma_wait3A_128 = tpu.memref_slice %arg3[%dma_wait3A_126, %dma_wait3A_127] : memref<4096x384xf32, #tpu.memory_space<hbm>> -> memref<4096x384xf32, #tpu.memory_space<hbm>>
    tpu.wait_indirect_dma semaphore(%arg9 : memref<!tpu.dma_semaphore, #tpu.memory_space<semaphore_mem>>) src(%dma_wait3A_128 : memref<4096x384xf32, #tpu.memory_space<hbm>>) dst(%arg8 : memref<128x384xf32, #tpu.memory_space<vmem>>)
    %mul3A_129 = arith.constant 16 : i32
    %mul3A_130 = arith.muli %mul3A_2, %mul3A_129 : i32
    %add3A_131 = arith.constant 256 : i32
    %add3A_132 = arith.addi %mul3A_130, %add3A_131 : i32
    "tpu.region"() ({
      %run_scoped3A = tpu.sem_alloc : memref<!tpu.dma_semaphore, #tpu.memory_space<semaphore_mem>>
      %dma_start3A_679 = arith.constant 0 : i32
      %dma_start3A_680 = tpu.memref_slice %arg4[%add3A_132, %dma_start3A_679] : memref<65536x384xf32, #tpu.memory_space<hbm>> -> memref<128x384xf32, #tpu.memory_space<hbm>>
      %dma_start3A_681 = arith.constant 0 : i32
      %dma_start3A_682 = tpu.memref_slice %arg4[%add3A_132, %dma_start3A_681] : memref<65536x384xf32, #tpu.memory_space<hbm>> -> memref<128x384xf32, #tpu.memory_space<hbm>>
      tpu.enqueue_dma source(%arg8 : memref<128x384xf32, #tpu.memory_space<vmem>>) target(%dma_start3A_682 : memref<128x384xf32, #tpu.memory_space<hbm>>) target_semaphore(%run_scoped3A : memref<!tpu.dma_semaphore, #tpu.memory_space<semaphore_mem>>)
      %dma_wait3A_683 = arith.constant 0 : i32
      %dma_wait3A_684 = tpu.memref_slice %arg4[%add3A_132, %dma_wait3A_683] : memref<65536x384xf32, #tpu.memory_space<hbm>> -> memref<128x384xf32, #tpu.memory_space<hbm>>
      %dma_wait3A_685 = arith.constant 0 : i32
      %dma_wait3A_686 = tpu.memref_slice %arg4[%add3A_132, %dma_wait3A_685] : memref<65536x384xf32, #tpu.memory_space<hbm>> -> memref<128x384xf32, #tpu.memory_space<hbm>>
      tpu.wait_dma2 semaphore(%run_scoped3A : memref<!tpu.dma_semaphore, #tpu.memory_space<semaphore_mem>>) src(%arg8 : memref<128x384xf32, #tpu.memory_space<vmem>>) dst(%dma_wait3A_686 : memref<128x384xf32, #tpu.memory_space<hbm>>)
      tpu.yield
    }) : () -> ()
    %get3A_133 = arith.constant 384 : index
    %get3A_134 = tpu.vector_load %arg6[%get3A_133] {strides = array<i32>} : memref<2048xi32, #tpu.memory_space<vmem>>, vector<16xi32>,
    %swap3A_135 = arith.constant 0 : index
    %swap3A_136 = tpu.vector_load %arg7[%swap3A_135] {strides = array<i32>} : memref<128xi32, #tpu.memory_space<vmem>>, vector<16xi32>,
    tpu.vector_store %arg7[%swap3A_135], %get3A_134 {strides = array<i32>} : memref<128xi32, #tpu.memory_space<vmem>>, vector<16xi32>,
    %get3A_137 = arith.constant 400 : index
    %get3A_138 = tpu.vector_load %arg6[%get3A_137] {strides = array<i32>} : memref<2048xi32, #tpu.memory_space<vmem>>, vector<16xi32>,
    %swap3A_139 = arith.constant 16 : index
    %swap3A_140 = tpu.vector_load %arg7[%swap3A_139] {strides = array<i32>} : memref<128xi32, #tpu.memory_space<vmem>>, vector<16xi32>,
    tpu.vector_store %arg7[%swap3A_139], %get3A_138 {strides = array<i32>} : memref<128xi32, #tpu.memory_space<vmem>>, vector<16xi32>,
    %get3A_141 = arith.constant 416 : index
    %get3A_142 = tpu.vector_load %arg6[%get3A_141] {strides = array<i32>} : memref<2048xi32, #tpu.memory_space<vmem>>, vector<16xi32>,
    %swap3A_143 = arith.constant 32 : index
    %swap3A_144 = tpu.vector_load %arg7[%swap3A_143] {strides = array<i32>} : memref<128xi32, #tpu.memory_space<vmem>>, vector<16xi32>,
    tpu.vector_store %arg7[%swap3A_143], %get3A_142 {strides = array<i32>} : memref<128xi32, #tpu.memory_space<vmem>>, vector<16xi32>,
    %get3A_145 = arith.constant 432 : index
    %get3A_146 = tpu.vector_load %arg6[%get3A_145] {strides = array<i32>} : memref<2048xi32, #tpu.memory_space<vmem>>, vector<16xi32>,
    %swap3A_147 = arith.constant 48 : index
    %swap3A_148 = tpu.vector_load %arg7[%swap3A_147] {strides = array<i32>} : memref<128xi32, #tpu.memory_space<vmem>>, vector<16xi32>,
    tpu.vector_store %arg7[%swap3A_147], %get3A_146 {strides = array<i32>} : memref<128xi32, #tpu.memory_space<vmem>>, vector<16xi32>,
    %get3A_149 = arith.constant 448 : index
    %get3A_150 = tpu.vector_load %arg6[%get3A_149] {strides = array<i32>} : memref<2048xi32, #tpu.memory_space<vmem>>, vector<16xi32>,
    %swap3A_151 = arith.constant 64 : index
    %swap3A_152 = tpu.vector_load %arg7[%swap3A_151] {strides = array<i32>} : memref<128xi32, #tpu.memory_space<vmem>>, vector<16xi32>,
    tpu.vector_store %arg7[%swap3A_151], %get3A_150 {strides = array<i32>} : memref<128xi32, #tpu.memory_space<vmem>>, vector<16xi32>,
    %get3A_153 = arith.constant 464 : index
    %get3A_154 = tpu.vector_load %arg6[%get3A_153] {strides = array<i32>} : memref<2048xi32, #tpu.memory_space<vmem>>, vector<16xi32>,
    %swap3A_155 = arith.constant 80 : index
    %swap3A_156 = tpu.vector_load %arg7[%swap3A_155] {strides = array<i32>} : memref<128xi32, #tpu.memory_space<vmem>>, vector<16xi32>,
    tpu.vector_store %arg7[%swap3A_155], %get3A_154 {strides = array<i32>} : memref<128xi32, #tpu.memory_space<vmem>>, vector<16xi32>,
    %get3A_157 = arith.constant 480 : index
    %get3A_158 = tpu.vector_load %arg6[%get3A_157] {strides = array<i32>} : memref<2048xi32, #tpu.memory_space<vmem>>, vector<16xi32>,
    %swap3A_159 = arith.constant 96 : index
    %swap3A_160 = tpu.vector_load %arg7[%swap3A_159] {strides = array<i32>} : memref<128xi32, #tpu.memory_space<vmem>>, vector<16xi32>,
    tpu.vector_store %arg7[%swap3A_159], %get3A_158 {strides = array<i32>} : memref<128xi32, #tpu.memory_space<vmem>>, vector<16xi32>,
    %get3A_161 = arith.constant 496 : index
    %get3A_162 = tpu.vector_load %arg6[%get3A_161] {strides = array<i32>} : memref<2048xi32, #tpu.memory_space<vmem>>, vector<16xi32>,
    %swap3A_163 = arith.constant 112 : index
    %swap3A_164 = tpu.vector_load %arg7[%swap3A_163] {strides = array<i32>} : memref<128xi32, #tpu.memory_space<vmem>>, vector<16xi32>,
    tpu.vector_store %arg7[%swap3A_163], %get3A_162 {strides = array<i32>} : memref<128xi32, #tpu.memory_space<vmem>>, vector<16xi32>,
    %dma_start3A_165 = arith.constant 0 : i32
    %dma_start3A_166 = arith.constant 0 : i32
    %dma_start3A_167 = tpu.memref_slice %arg3[%dma_start3A_165, %dma_start3A_166] : memref<4096x384xf32, #tpu.memory_space<hbm>> -> memref<4096x384xf32, #tpu.memory_space<hbm>>
    tpu.enqueue_indirect_dma source(%dma_start3A_167 : memref<4096x384xf32, #tpu.memory_space<hbm>>) target(%arg8 : memref<128x384xf32, #tpu.memory_space<vmem>>) offsets(%arg7 : memref<128xi32, #tpu.memory_space<vmem>>) semaphore(%arg9 : memref<!tpu.dma_semaphore, #tpu.memory_space<semaphore_mem>>)
    %dma_wait3A_168 = arith.constant 0 : i32
    %dma_wait3A_169 = arith.constant 0 : i32
    %dma_wait3A_170 = tpu.memref_slice %arg3[%dma_wait3A_168, %dma_wait3A_169] : memref<4096x384xf32, #tpu.memory_space<hbm>> -> memref<4096x384xf32, #tpu.memory_space<hbm>>
    tpu.wait_indirect_dma semaphore(%arg9 : memref<!tpu.dma_semaphore, #tpu.memory_space<semaphore_mem>>) src(%dma_wait3A_170 : memref<4096x384xf32, #tpu.memory_space<hbm>>) dst(%arg8 : memref<128x384xf32, #tpu.memory_space<vmem>>)
    %mul3A_171 = arith.constant 16 : i32
    %mul3A_172 = arith.muli %mul3A_2, %mul3A_171 : i32
    %add3A_173 = arith.constant 384 : i32
    %add3A_174 = arith.addi %mul3A_172, %add3A_173 : i32
    "tpu.region"() ({
      %run_scoped3A = tpu.sem_alloc : memref<!tpu.dma_semaphore, #tpu.memory_space<semaphore_mem>>
      %dma_start3A_679 = arith.constant 0 : i32
      %dma_start3A_680 = tpu.memref_slice %arg4[%add3A_174, %dma_start3A_679] : memref<65536x384xf32, #tpu.memory_space<hbm>> -> memref<128x384xf32, #tpu.memory_space<hbm>>
      %dma_start3A_681 = arith.constant 0 : i32
      %dma_start3A_682 = tpu.memref_slice %arg4[%add3A_174, %dma_start3A_681] : memref<65536x384xf32, #tpu.memory_space<hbm>> -> memref<128x384xf32, #tpu.memory_space<hbm>>
      tpu.enqueue_dma source(%arg8 : memref<128x384xf32, #tpu.memory_space<vmem>>) target(%dma_start3A_682 : memref<128x384xf32, #tpu.memory_space<hbm>>) target_semaphore(%run_scoped3A : memref<!tpu.dma_semaphore, #tpu.memory_space<semaphore_mem>>)
      %dma_wait3A_683 = arith.constant 0 : i32
      %dma_wait3A_684 = tpu.memref_slice %arg4[%add3A_174, %dma_wait3A_683] : memref<65536x384xf32, #tpu.memory_space<hbm>> -> memref<128x384xf32, #tpu.memory_space<hbm>>
      %dma_wait3A_685 = arith.constant 0 : i32
      %dma_wait3A_686 = tpu.memref_slice %arg4[%add3A_174, %dma_wait3A_685] : memref<65536x384xf32, #tpu.memory_space<hbm>> -> memref<128x384xf32, #tpu.memory_space<hbm>>
      tpu.wait_dma2 semaphore(%run_scoped3A : memref<!tpu.dma_semaphore, #tpu.memory_space<semaphore_mem>>) src(%arg8 : memref<128x384xf32, #tpu.memory_space<vmem>>) dst(%dma_wait3A_686 : memref<128x384xf32, #tpu.memory_space<hbm>>)
      tpu.yield
    }) : () -> ()
    %get3A_175 = arith.constant 512 : index
    %get3A_176 = tpu.vector_load %arg6[%get3A_175] {strides = array<i32>} : memref<2048xi32, #tpu.memory_space<vmem>>, vector<16xi32>,
    %swap3A_177 = arith.constant 0 : index
    %swap3A_178 = tpu.vector_load %arg7[%swap3A_177] {strides = array<i32>} : memref<128xi32, #tpu.memory_space<vmem>>, vector<16xi32>,
    tpu.vector_store %arg7[%swap3A_177], %get3A_176 {strides = array<i32>} : memref<128xi32, #tpu.memory_space<vmem>>, vector<16xi32>,
    %get3A_179 = arith.constant 528 : index
    %get3A_180 = tpu.vector_load %arg6[%get3A_179] {strides = array<i32>} : memref<2048xi32, #tpu.memory_space<vmem>>, vector<16xi32>,
    %swap3A_181 = arith.constant 16 : index
    %swap3A_182 = tpu.vector_load %arg7[%swap3A_181] {strides = array<i32>} : memref<128xi32, #tpu.memory_space<vmem>>, vector<16xi32>,
    tpu.vector_store %arg7[%swap3A_181], %get3A_180 {strides = array<i32>} : memref<128xi32, #tpu.memory_space<vmem>>, vector<16xi32>,
    %get3A_183 = arith.constant 544 : index
    %get3A_184 = tpu.vector_load %arg6[%get3A_183] {strides = array<i32>} : memref<2048xi32, #tpu.memory_space<vmem>>, vector<16xi32>,
    %swap3A_185 = arith.constant 32 : index
    %swap3A_186 = tpu.vector_load %arg7[%swap3A_185] {strides = array<i32>} : memref<128xi32, #tpu.memory_space<vmem>>, vector<16xi32>,
    tpu.vector_store %arg7[%swap3A_185], %get3A_184 {strides = array<i32>} : memref<128xi32, #tpu.memory_space<vmem>>, vector<16xi32>,
    %get3A_187 = arith.constant 560 : index
    %get3A_188 = tpu.vector_load %arg6[%get3A_187] {strides = array<i32>} : memref<2048xi32, #tpu.memory_space<vmem>>, vector<16xi32>,
    %swap3A_189 = arith.constant 48 : index
    %swap3A_190 = tpu.vector_load %arg7[%swap3A_189] {strides = array<i32>} : memref<128xi32, #tpu.memory_space<vmem>>, vector<16xi32>,
    tpu.vector_store %arg7[%swap3A_189], %get3A_188 {strides = array<i32>} : memref<128xi32, #tpu.memory_space<vmem>>, vector<16xi32>,
    %get3A_191 = arith.constant 576 : index
    %get3A_192 = tpu.vector_load %arg6[%get3A_191] {strides = array<i32>} : memref<2048xi32, #tpu.memory_space<vmem>>, vector<16xi32>,
    %swap3A_193 = arith.constant 64 : index
    %swap3A_194 = tpu.vector_load %arg7[%swap3A_193] {strides = array<i32>} : memref<128xi32, #tpu.memory_space<vmem>>, vector<16xi32>,
    tpu.vector_store %arg7[%swap3A_193], %get3A_192 {strides = array<i32>} : memref<128xi32, #tpu.memory_space<vmem>>, vector<16xi32>,
    %get3A_195 = arith.constant 592 : index
    %get3A_196 = tpu.vector_load %arg6[%get3A_195] {strides = array<i32>} : memref<2048xi32, #tpu.memory_space<vmem>>, vector<16xi32>,
    %swap3A_197 = arith.constant 80 : index
    %swap3A_198 = tpu.vector_load %arg7[%swap3A_197] {strides = array<i32>} : memref<128xi32, #tpu.memory_space<vmem>>, vector<16xi32>,
    tpu.vector_store %arg7[%swap3A_197], %get3A_196 {strides = array<i32>} : memref<128xi32, #tpu.memory_space<vmem>>, vector<16xi32>,
    %get3A_199 = arith.constant 608 : index
    %get3A_200 = tpu.vector_load %arg6[%get3A_199] {strides = array<i32>} : memref<2048xi32, #tpu.memory_space<vmem>>, vector<16xi32>,
    %swap3A_201 = arith.constant 96 : index
    %swap3A_202 = tpu.vector_load %arg7[%swap3A_201] {strides = array<i32>} : memref<128xi32, #tpu.memory_space<vmem>>, vector<16xi32>,
    tpu.vector_store %arg7[%swap3A_201], %get3A_200 {strides = array<i32>} : memref<128xi32, #tpu.memory_space<vmem>>, vector<16xi32>,
    %get3A_203 = arith.constant 624 : index
    %get3A_204 = tpu.vector_load %arg6[%get3A_203] {strides = array<i32>} : memref<2048xi32, #tpu.memory_space<vmem>>, vector<16xi32>,
    %swap3A_205 = arith.constant 112 : index
    %swap3A_206 = tpu.vector_load %arg7[%swap3A_205] {strides = array<i32>} : memref<128xi32, #tpu.memory_space<vmem>>, vector<16xi32>,
    tpu.vector_store %arg7[%swap3A_205], %get3A_204 {strides = array<i32>} : memref<128xi32, #tpu.memory_space<vmem>>, vector<16xi32>,
    %dma_start3A_207 = arith.constant 0 : i32
    %dma_start3A_208 = arith.constant 0 : i32
    %dma_start3A_209 = tpu.memref_slice %arg3[%dma_start3A_207, %dma_start3A_208] : memref<4096x384xf32, #tpu.memory_space<hbm>> -> memref<4096x384xf32, #tpu.memory_space<hbm>>
    tpu.enqueue_indirect_dma source(%dma_start3A_209 : memref<4096x384xf32, #tpu.memory_space<hbm>>) target(%arg8 : memref<128x384xf32, #tpu.memory_space<vmem>>) offsets(%arg7 : memref<128xi32, #tpu.memory_space<vmem>>) semaphore(%arg9 : memref<!tpu.dma_semaphore, #tpu.memory_space<semaphore_mem>>)
    %dma_wait3A_210 = arith.constant 0 : i32
    %dma_wait3A_211 = arith.constant 0 : i32
    %dma_wait3A_212 = tpu.memref_slice %arg3[%dma_wait3A_210, %dma_wait3A_211] : memref<4096x384xf32, #tpu.memory_space<hbm>> -> memref<4096x384xf32, #tpu.memory_space<hbm>>
    tpu.wait_indirect_dma semaphore(%arg9 : memref<!tpu.dma_semaphore, #tpu.memory_space<semaphore_mem>>) src(%dma_wait3A_212 : memref<4096x384xf32, #tpu.memory_space<hbm>>) dst(%arg8 : memref<128x384xf32, #tpu.memory_space<vmem>>)
    %mul3A_213 = arith.constant 16 : i32
    %mul3A_214 = arith.muli %mul3A_2, %mul3A_213 : i32
    %add3A_215 = arith.constant 512 : i32
    %add3A_216 = arith.addi %mul3A_214, %add3A_215 : i32
    "tpu.region"() ({
      %run_scoped3A = tpu.sem_alloc : memref<!tpu.dma_semaphore, #tpu.memory_space<semaphore_mem>>
      %dma_start3A_679 = arith.constant 0 : i32
      %dma_start3A_680 = tpu.memref_slice %arg4[%add3A_216, %dma_start3A_679] : memref<65536x384xf32, #tpu.memory_space<hbm>> -> memref<128x384xf32, #tpu.memory_space<hbm>>
      %dma_start3A_681 = arith.constant 0 : i32
      %dma_start3A_682 = tpu.memref_slice %arg4[%add3A_216, %dma_start3A_681] : memref<65536x384xf32, #tpu.memory_space<hbm>> -> memref<128x384xf32, #tpu.memory_space<hbm>>
      tpu.enqueue_dma source(%arg8 : memref<128x384xf32, #tpu.memory_space<vmem>>) target(%dma_start3A_682 : memref<128x384xf32, #tpu.memory_space<hbm>>) target_semaphore(%run_scoped3A : memref<!tpu.dma_semaphore, #tpu.memory_space<semaphore_mem>>)
      %dma_wait3A_683 = arith.constant 0 : i32
      %dma_wait3A_684 = tpu.memref_slice %arg4[%add3A_216, %dma_wait3A_683] : memref<65536x384xf32, #tpu.memory_space<hbm>> -> memref<128x384xf32, #tpu.memory_space<hbm>>
      %dma_wait3A_685 = arith.constant 0 : i32
      %dma_wait3A_686 = tpu.memref_slice %arg4[%add3A_216, %dma_wait3A_685] : memref<65536x384xf32, #tpu.memory_space<hbm>> -> memref<128x384xf32, #tpu.memory_space<hbm>>
      tpu.wait_dma2 semaphore(%run_scoped3A : memref<!tpu.dma_semaphore, #tpu.memory_space<semaphore_mem>>) src(%arg8 : memref<128x384xf32, #tpu.memory_space<vmem>>) dst(%dma_wait3A_686 : memref<128x384xf32, #tpu.memory_space<hbm>>)
      tpu.yield
    }) : () -> ()
    %get3A_217 = arith.constant 640 : index
    %get3A_218 = tpu.vector_load %arg6[%get3A_217] {strides = array<i32>} : memref<2048xi32, #tpu.memory_space<vmem>>, vector<16xi32>,
    %swap3A_219 = arith.constant 0 : index
    %swap3A_220 = tpu.vector_load %arg7[%swap3A_219] {strides = array<i32>} : memref<128xi32, #tpu.memory_space<vmem>>, vector<16xi32>,
    tpu.vector_store %arg7[%swap3A_219], %get3A_218 {strides = array<i32>} : memref<128xi32, #tpu.memory_space<vmem>>, vector<16xi32>,
    %get3A_221 = arith.constant 656 : index
    %get3A_222 = tpu.vector_load %arg6[%get3A_221] {strides = array<i32>} : memref<2048xi32, #tpu.memory_space<vmem>>, vector<16xi32>,
    %swap3A_223 = arith.constant 16 : index
    %swap3A_224 = tpu.vector_load %arg7[%swap3A_223] {strides = array<i32>} : memref<128xi32, #tpu.memory_space<vmem>>, vector<16xi32>,
    tpu.vector_store %arg7[%swap3A_223], %get3A_222 {strides = array<i32>} : memref<128xi32, #tpu.memory_space<vmem>>, vector<16xi32>,
    %get3A_225 = arith.constant 672 : index
    %get3A_226 = tpu.vector_load %arg6[%get3A_225] {strides = array<i32>} : memref<2048xi32, #tpu.memory_space<vmem>>, vector<16xi32>,
    %swap3A_227 = arith.constant 32 : index
    %swap3A_228 = tpu.vector_load %arg7[%swap3A_227] {strides = array<i32>} : memref<128xi32, #tpu.memory_space<vmem>>, vector<16xi32>,
    tpu.vector_store %arg7[%swap3A_227], %get3A_226 {strides = array<i32>} : memref<128xi32, #tpu.memory_space<vmem>>, vector<16xi32>,
    %get3A_229 = arith.constant 688 : index
    %get3A_230 = tpu.vector_load %arg6[%get3A_229] {strides = array<i32>} : memref<2048xi32, #tpu.memory_space<vmem>>, vector<16xi32>,
    %swap3A_231 = arith.constant 48 : index
    %swap3A_232 = tpu.vector_load %arg7[%swap3A_231] {strides = array<i32>} : memref<128xi32, #tpu.memory_space<vmem>>, vector<16xi32>,
    tpu.vector_store %arg7[%swap3A_231], %get3A_230 {strides = array<i32>} : memref<128xi32, #tpu.memory_space<vmem>>, vector<16xi32>,
    %get3A_233 = arith.constant 704 : index
    %get3A_234 = tpu.vector_load %arg6[%get3A_233] {strides = array<i32>} : memref<2048xi32, #tpu.memory_space<vmem>>, vector<16xi32>,
    %swap3A_235 = arith.constant 64 : index
    %swap3A_236 = tpu.vector_load %arg7[%swap3A_235] {strides = array<i32>} : memref<128xi32, #tpu.memory_space<vmem>>, vector<16xi32>,
    tpu.vector_store %arg7[%swap3A_235], %get3A_234 {strides = array<i32>} : memref<128xi32, #tpu.memory_space<vmem>>, vector<16xi32>,
    %get3A_237 = arith.constant 720 : index
    %get3A_238 = tpu.vector_load %arg6[%get3A_237] {strides = array<i32>} : memref<2048xi32, #tpu.memory_space<vmem>>, vector<16xi32>,
    %swap3A_239 = arith.constant 80 : index
    %swap3A_240 = tpu.vector_load %arg7[%swap3A_239] {strides = array<i32>} : memref<128xi32, #tpu.memory_space<vmem>>, vector<16xi32>,
    tpu.vector_store %arg7[%swap3A_239], %get3A_238 {strides = array<i32>} : memref<128xi32, #tpu.memory_space<vmem>>, vector<16xi32>,
    %get3A_241 = arith.constant 736 : index
    %get3A_242 = tpu.vector_load %arg6[%get3A_241] {strides = array<i32>} : memref<2048xi32, #tpu.memory_space<vmem>>, vector<16xi32>,
    %swap3A_243 = arith.constant 96 : index
    %swap3A_244 = tpu.vector_load %arg7[%swap3A_243] {strides = array<i32>} : memref<128xi32, #tpu.memory_space<vmem>>, vector<16xi32>,
    tpu.vector_store %arg7[%swap3A_243], %get3A_242 {strides = array<i32>} : memref<128xi32, #tpu.memory_space<vmem>>, vector<16xi32>,
    %get3A_245 = arith.constant 752 : index
    %get3A_246 = tpu.vector_load %arg6[%get3A_245] {strides = array<i32>} : memref<2048xi32, #tpu.memory_space<vmem>>, vector<16xi32>,
    %swap3A_247 = arith.constant 112 : index
    %swap3A_248 = tpu.vector_load %arg7[%swap3A_247] {strides = array<i32>} : memref<128xi32, #tpu.memory_space<vmem>>, vector<16xi32>,
    tpu.vector_store %arg7[%swap3A_247], %get3A_246 {strides = array<i32>} : memref<128xi32, #tpu.memory_space<vmem>>, vector<16xi32>,
    %dma_start3A_249 = arith.constant 0 : i32
    %dma_start3A_250 = arith.constant 0 : i32
    %dma_start3A_251 = tpu.memref_slice %arg3[%dma_start3A_249, %dma_start3A_250] : memref<4096x384xf32, #tpu.memory_space<hbm>> -> memref<4096x384xf32, #tpu.memory_space<hbm>>
    tpu.enqueue_indirect_dma source(%dma_start3A_251 : memref<4096x384xf32, #tpu.memory_space<hbm>>) target(%arg8 : memref<128x384xf32, #tpu.memory_space<vmem>>) offsets(%arg7 : memref<128xi32, #tpu.memory_space<vmem>>) semaphore(%arg9 : memref<!tpu.dma_semaphore, #tpu.memory_space<semaphore_mem>>)
    %dma_wait3A_252 = arith.constant 0 : i32
    %dma_wait3A_253 = arith.constant 0 : i32
    %dma_wait3A_254 = tpu.memref_slice %arg3[%dma_wait3A_252, %dma_wait3A_253] : memref<4096x384xf32, #tpu.memory_space<hbm>> -> memref<4096x384xf32, #tpu.memory_space<hbm>>
    tpu.wait_indirect_dma semaphore(%arg9 : memref<!tpu.dma_semaphore, #tpu.memory_space<semaphore_mem>>) src(%dma_wait3A_254 : memref<4096x384xf32, #tpu.memory_space<hbm>>) dst(%arg8 : memref<128x384xf32, #tpu.memory_space<vmem>>)
    %mul3A_255 = arith.constant 16 : i32
    %mul3A_256 = arith.muli %mul3A_2, %mul3A_255 : i32
    %add3A_257 = arith.constant 640 : i32
    %add3A_258 = arith.addi %mul3A_256, %add3A_257 : i32
    "tpu.region"() ({
      %run_scoped3A = tpu.sem_alloc : memref<!tpu.dma_semaphore, #tpu.memory_space<semaphore_mem>>
      %dma_start3A_679 = arith.constant 0 : i32
      %dma_start3A_680 = tpu.memref_slice %arg4[%add3A_258, %dma_start3A_679] : memref<65536x384xf32, #tpu.memory_space<hbm>> -> memref<128x384xf32, #tpu.memory_space<hbm>>
      %dma_start3A_681 = arith.constant 0 : i32
      %dma_start3A_682 = tpu.memref_slice %arg4[%add3A_258, %dma_start3A_681] : memref<65536x384xf32, #tpu.memory_space<hbm>> -> memref<128x384xf32, #tpu.memory_space<hbm>>
      tpu.enqueue_dma source(%arg8 : memref<128x384xf32, #tpu.memory_space<vmem>>) target(%dma_start3A_682 : memref<128x384xf32, #tpu.memory_space<hbm>>) target_semaphore(%run_scoped3A : memref<!tpu.dma_semaphore, #tpu.memory_space<semaphore_mem>>)
      %dma_wait3A_683 = arith.constant 0 : i32
      %dma_wait3A_684 = tpu.memref_slice %arg4[%add3A_258, %dma_wait3A_683] : memref<65536x384xf32, #tpu.memory_space<hbm>> -> memref<128x384xf32, #tpu.memory_space<hbm>>
      %dma_wait3A_685 = arith.constant 0 : i32
      %dma_wait3A_686 = tpu.memref_slice %arg4[%add3A_258, %dma_wait3A_685] : memref<65536x384xf32, #tpu.memory_space<hbm>> -> memref<128x384xf32, #tpu.memory_space<hbm>>
      tpu.wait_dma2 semaphore(%run_scoped3A : memref<!tpu.dma_semaphore, #tpu.memory_space<semaphore_mem>>) src(%arg8 : memref<128x384xf32, #tpu.memory_space<vmem>>) dst(%dma_wait3A_686 : memref<128x384xf32, #tpu.memory_space<hbm>>)
      tpu.yield
    }) : () -> ()
    %get3A_259 = arith.constant 768 : index
    %get3A_260 = tpu.vector_load %arg6[%get3A_259] {strides = array<i32>} : memref<2048xi32, #tpu.memory_space<vmem>>, vector<16xi32>,
    %swap3A_261 = arith.constant 0 : index
    %swap3A_262 = tpu.vector_load %arg7[%swap3A_261] {strides = array<i32>} : memref<128xi32, #tpu.memory_space<vmem>>, vector<16xi32>,
    tpu.vector_store %arg7[%swap3A_261], %get3A_260 {strides = array<i32>} : memref<128xi32, #tpu.memory_space<vmem>>, vector<16xi32>,
    %get3A_263 = arith.constant 784 : index
    %get3A_264 = tpu.vector_load %arg6[%get3A_263] {strides = array<i32>} : memref<2048xi32, #tpu.memory_space<vmem>>, vector<16xi32>,
    %swap3A_265 = arith.constant 16 : index
    %swap3A_266 = tpu.vector_load %arg7[%swap3A_265] {strides = array<i32>} : memref<128xi32, #tpu.memory_space<vmem>>, vector<16xi32>,
    tpu.vector_store %arg7[%swap3A_265], %get3A_264 {strides = array<i32>} : memref<128xi32, #tpu.memory_space<vmem>>, vector<16xi32>,
    %get3A_267 = arith.constant 800 : index
    %get3A_268 = tpu.vector_load %arg6[%get3A_267] {strides = array<i32>} : memref<2048xi32, #tpu.memory_space<vmem>>, vector<16xi32>,
    %swap3A_269 = arith.constant 32 : index
    %swap3A_270 = tpu.vector_load %arg7[%swap3A_269] {strides = array<i32>} : memref<128xi32, #tpu.memory_space<vmem>>, vector<16xi32>,
    tpu.vector_store %arg7[%swap3A_269], %get3A_268 {strides = array<i32>} : memref<128xi32, #tpu.memory_space<vmem>>, vector<16xi32>,
    %get3A_271 = arith.constant 816 : index
    %get3A_272 = tpu.vector_load %arg6[%get3A_271] {strides = array<i32>} : memref<2048xi32, #tpu.memory_space<vmem>>, vector<16xi32>,
    %swap3A_273 = arith.constant 48 : index
    %swap3A_274 = tpu.vector_load %arg7[%swap3A_273] {strides = array<i32>} : memref<128xi32, #tpu.memory_space<vmem>>, vector<16xi32>,
    tpu.vector_store %arg7[%swap3A_273], %get3A_272 {strides = array<i32>} : memref<128xi32, #tpu.memory_space<vmem>>, vector<16xi32>,
    %get3A_275 = arith.constant 832 : index
    %get3A_276 = tpu.vector_load %arg6[%get3A_275] {strides = array<i32>} : memref<2048xi32, #tpu.memory_space<vmem>>, vector<16xi32>,
    %swap3A_277 = arith.constant 64 : index
    %swap3A_278 = tpu.vector_load %arg7[%swap3A_277] {strides = array<i32>} : memref<128xi32, #tpu.memory_space<vmem>>, vector<16xi32>,
    tpu.vector_store %arg7[%swap3A_277], %get3A_276 {strides = array<i32>} : memref<128xi32, #tpu.memory_space<vmem>>, vector<16xi32>,
    %get3A_279 = arith.constant 848 : index
    %get3A_280 = tpu.vector_load %arg6[%get3A_279] {strides = array<i32>} : memref<2048xi32, #tpu.memory_space<vmem>>, vector<16xi32>,
    %swap3A_281 = arith.constant 80 : index
    %swap3A_282 = tpu.vector_load %arg7[%swap3A_281] {strides = array<i32>} : memref<128xi32, #tpu.memory_space<vmem>>, vector<16xi32>,
    tpu.vector_store %arg7[%swap3A_281], %get3A_280 {strides = array<i32>} : memref<128xi32, #tpu.memory_space<vmem>>, vector<16xi32>,
    %get3A_283 = arith.constant 864 : index
    %get3A_284 = tpu.vector_load %arg6[%get3A_283] {strides = array<i32>} : memref<2048xi32, #tpu.memory_space<vmem>>, vector<16xi32>,
    %swap3A_285 = arith.constant 96 : index
    %swap3A_286 = tpu.vector_load %arg7[%swap3A_285] {strides = array<i32>} : memref<128xi32, #tpu.memory_space<vmem>>, vector<16xi32>,
    tpu.vector_store %arg7[%swap3A_285], %get3A_284 {strides = array<i32>} : memref<128xi32, #tpu.memory_space<vmem>>, vector<16xi32>,
    %get3A_287 = arith.constant 880 : index
    %get3A_288 = tpu.vector_load %arg6[%get3A_287] {strides = array<i32>} : memref<2048xi32, #tpu.memory_space<vmem>>, vector<16xi32>,
    %swap3A_289 = arith.constant 112 : index
    %swap3A_290 = tpu.vector_load %arg7[%swap3A_289] {strides = array<i32>} : memref<128xi32, #tpu.memory_space<vmem>>, vector<16xi32>,
    tpu.vector_store %arg7[%swap3A_289], %get3A_288 {strides = array<i32>} : memref<128xi32, #tpu.memory_space<vmem>>, vector<16xi32>,
    %dma_start3A_291 = arith.constant 0 : i32
    %dma_start3A_292 = arith.constant 0 : i32
    %dma_start3A_293 = tpu.memref_slice %arg3[%dma_start3A_291, %dma_start3A_292] : memref<4096x384xf32, #tpu.memory_space<hbm>> -> memref<4096x384xf32, #tpu.memory_space<hbm>>
    tpu.enqueue_indirect_dma source(%dma_start3A_293 : memref<4096x384xf32, #tpu.memory_space<hbm>>) target(%arg8 : memref<128x384xf32, #tpu.memory_space<vmem>>) offsets(%arg7 : memref<128xi32, #tpu.memory_space<vmem>>) semaphore(%arg9 : memref<!tpu.dma_semaphore, #tpu.memory_space<semaphore_mem>>)
    %dma_wait3A_294 = arith.constant 0 : i32
    %dma_wait3A_295 = arith.constant 0 : i32
    %dma_wait3A_296 = tpu.memref_slice %arg3[%dma_wait3A_294, %dma_wait3A_295] : memref<4096x384xf32, #tpu.memory_space<hbm>> -> memref<4096x384xf32, #tpu.memory_space<hbm>>
    tpu.wait_indirect_dma semaphore(%arg9 : memref<!tpu.dma_semaphore, #tpu.memory_space<semaphore_mem>>) src(%dma_wait3A_296 : memref<4096x384xf32, #tpu.memory_space<hbm>>) dst(%arg8 : memref<128x384xf32, #tpu.memory_space<vmem>>)
    %mul3A_297 = arith.constant 16 : i32
    %mul3A_298 = arith.muli %mul3A_2, %mul3A_297 : i32
    %add3A_299 = arith.constant 768 : i32
    %add3A_300 = arith.addi %mul3A_298, %add3A_299 : i32
    "tpu.region"() ({
      %run_scoped3A = tpu.sem_alloc : memref<!tpu.dma_semaphore, #tpu.memory_space<semaphore_mem>>
      %dma_start3A_679 = arith.constant 0 : i32
      %dma_start3A_680 = tpu.memref_slice %arg4[%add3A_300, %dma_start3A_679] : memref<65536x384xf32, #tpu.memory_space<hbm>> -> memref<128x384xf32, #tpu.memory_space<hbm>>
      %dma_start3A_681 = arith.constant 0 : i32
      %dma_start3A_682 = tpu.memref_slice %arg4[%add3A_300, %dma_start3A_681] : memref<65536x384xf32, #tpu.memory_space<hbm>> -> memref<128x384xf32, #tpu.memory_space<hbm>>
      tpu.enqueue_dma source(%arg8 : memref<128x384xf32, #tpu.memory_space<vmem>>) target(%dma_start3A_682 : memref<128x384xf32, #tpu.memory_space<hbm>>) target_semaphore(%run_scoped3A : memref<!tpu.dma_semaphore, #tpu.memory_space<semaphore_mem>>)
      %dma_wait3A_683 = arith.constant 0 : i32
      %dma_wait3A_684 = tpu.memref_slice %arg4[%add3A_300, %dma_wait3A_683] : memref<65536x384xf32, #tpu.memory_space<hbm>> -> memref<128x384xf32, #tpu.memory_space<hbm>>
      %dma_wait3A_685 = arith.constant 0 : i32
      %dma_wait3A_686 = tpu.memref_slice %arg4[%add3A_300, %dma_wait3A_685] : memref<65536x384xf32, #tpu.memory_space<hbm>> -> memref<128x384xf32, #tpu.memory_space<hbm>>
      tpu.wait_dma2 semaphore(%run_scoped3A : memref<!tpu.dma_semaphore, #tpu.memory_space<semaphore_mem>>) src(%arg8 : memref<128x384xf32, #tpu.memory_space<vmem>>) dst(%dma_wait3A_686 : memref<128x384xf32, #tpu.memory_space<hbm>>)
      tpu.yield
    }) : () -> ()
    %get3A_301 = arith.constant 896 : index
    %get3A_302 = tpu.vector_load %arg6[%get3A_301] {strides = array<i32>} : memref<2048xi32, #tpu.memory_space<vmem>>, vector<16xi32>,
    %swap3A_303 = arith.constant 0 : index
    %swap3A_304 = tpu.vector_load %arg7[%swap3A_303] {strides = array<i32>} : memref<128xi32, #tpu.memory_space<vmem>>, vector<16xi32>,
    tpu.vector_store %arg7[%swap3A_303], %get3A_302 {strides = array<i32>} : memref<128xi32, #tpu.memory_space<vmem>>, vector<16xi32>,
    %get3A_305 = arith.constant 912 : index
    %get3A_306 = tpu.vector_load %arg6[%get3A_305] {strides = array<i32>} : memref<2048xi32, #tpu.memory_space<vmem>>, vector<16xi32>,
    %swap3A_307 = arith.constant 16 : index
    %swap3A_308 = tpu.vector_load %arg7[%swap3A_307] {strides = array<i32>} : memref<128xi32, #tpu.memory_space<vmem>>, vector<16xi32>,
    tpu.vector_store %arg7[%swap3A_307], %get3A_306 {strides = array<i32>} : memref<128xi32, #tpu.memory_space<vmem>>, vector<16xi32>,
    %get3A_309 = arith.constant 928 : index
    %get3A_310 = tpu.vector_load %arg6[%get3A_309] {strides = array<i32>} : memref<2048xi32, #tpu.memory_space<vmem>>, vector<16xi32>,
    %swap3A_311 = arith.constant 32 : index
    %swap3A_312 = tpu.vector_load %arg7[%swap3A_311] {strides = array<i32>} : memref<128xi32, #tpu.memory_space<vmem>>, vector<16xi32>,
    tpu.vector_store %arg7[%swap3A_311], %get3A_310 {strides = array<i32>} : memref<128xi32, #tpu.memory_space<vmem>>, vector<16xi32>,
    %get3A_313 = arith.constant 944 : index
    %get3A_314 = tpu.vector_load %arg6[%get3A_313] {strides = array<i32>} : memref<2048xi32, #tpu.memory_space<vmem>>, vector<16xi32>,
    %swap3A_315 = arith.constant 48 : index
    %swap3A_316 = tpu.vector_load %arg7[%swap3A_315] {strides = array<i32>} : memref<128xi32, #tpu.memory_space<vmem>>, vector<16xi32>,
    tpu.vector_store %arg7[%swap3A_315], %get3A_314 {strides = array<i32>} : memref<128xi32, #tpu.memory_space<vmem>>, vector<16xi32>,
    %get3A_317 = arith.constant 960 : index
    %get3A_318 = tpu.vector_load %arg6[%get3A_317] {strides = array<i32>} : memref<2048xi32, #tpu.memory_space<vmem>>, vector<16xi32>,
    %swap3A_319 = arith.constant 64 : index
    %swap3A_320 = tpu.vector_load %arg7[%swap3A_319] {strides = array<i32>} : memref<128xi32, #tpu.memory_space<vmem>>, vector<16xi32>,
    tpu.vector_store %arg7[%swap3A_319], %get3A_318 {strides = array<i32>} : memref<128xi32, #tpu.memory_space<vmem>>, vector<16xi32>,
    %get3A_321 = arith.constant 976 : index
    %get3A_322 = tpu.vector_load %arg6[%get3A_321] {strides = array<i32>} : memref<2048xi32, #tpu.memory_space<vmem>>, vector<16xi32>,
    %swap3A_323 = arith.constant 80 : index
    %swap3A_324 = tpu.vector_load %arg7[%swap3A_323] {strides = array<i32>} : memref<128xi32, #tpu.memory_space<vmem>>, vector<16xi32>,
    tpu.vector_store %arg7[%swap3A_323], %get3A_322 {strides = array<i32>} : memref<128xi32, #tpu.memory_space<vmem>>, vector<16xi32>,
    %get3A_325 = arith.constant 992 : index
    %get3A_326 = tpu.vector_load %arg6[%get3A_325] {strides = array<i32>} : memref<2048xi32, #tpu.memory_space<vmem>>, vector<16xi32>,
    %swap3A_327 = arith.constant 96 : index
    %swap3A_328 = tpu.vector_load %arg7[%swap3A_327] {strides = array<i32>} : memref<128xi32, #tpu.memory_space<vmem>>, vector<16xi32>,
    tpu.vector_store %arg7[%swap3A_327], %get3A_326 {strides = array<i32>} : memref<128xi32, #tpu.memory_space<vmem>>, vector<16xi32>,
    %get3A_329 = arith.constant 1008 : index
    %get3A_330 = tpu.vector_load %arg6[%get3A_329] {strides = array<i32>} : memref<2048xi32, #tpu.memory_space<vmem>>, vector<16xi32>,
    %swap3A_331 = arith.constant 112 : index
    %swap3A_332 = tpu.vector_load %arg7[%swap3A_331] {strides = array<i32>} : memref<128xi32, #tpu.memory_space<vmem>>, vector<16xi32>,
    tpu.vector_store %arg7[%swap3A_331], %get3A_330 {strides = array<i32>} : memref<128xi32, #tpu.memory_space<vmem>>, vector<16xi32>,
    %dma_start3A_333 = arith.constant 0 : i32
    %dma_start3A_334 = arith.constant 0 : i32
    %dma_start3A_335 = tpu.memref_slice %arg3[%dma_start3A_333, %dma_start3A_334] : memref<4096x384xf32, #tpu.memory_space<hbm>> -> memref<4096x384xf32, #tpu.memory_space<hbm>>
    tpu.enqueue_indirect_dma source(%dma_start3A_335 : memref<4096x384xf32, #tpu.memory_space<hbm>>) target(%arg8 : memref<128x384xf32, #tpu.memory_space<vmem>>) offsets(%arg7 : memref<128xi32, #tpu.memory_space<vmem>>) semaphore(%arg9 : memref<!tpu.dma_semaphore, #tpu.memory_space<semaphore_mem>>)
    %dma_wait3A_336 = arith.constant 0 : i32
    %dma_wait3A_337 = arith.constant 0 : i32
    %dma_wait3A_338 = tpu.memref_slice %arg3[%dma_wait3A_336, %dma_wait3A_337] : memref<4096x384xf32, #tpu.memory_space<hbm>> -> memref<4096x384xf32, #tpu.memory_space<hbm>>
    tpu.wait_indirect_dma semaphore(%arg9 : memref<!tpu.dma_semaphore, #tpu.memory_space<semaphore_mem>>) src(%dma_wait3A_338 : memref<4096x384xf32, #tpu.memory_space<hbm>>) dst(%arg8 : memref<128x384xf32, #tpu.memory_space<vmem>>)
    %mul3A_339 = arith.constant 16 : i32
    %mul3A_340 = arith.muli %mul3A_2, %mul3A_339 : i32
    %add3A_341 = arith.constant 896 : i32
    %add3A_342 = arith.addi %mul3A_340, %add3A_341 : i32
    "tpu.region"() ({
      %run_scoped3A = tpu.sem_alloc : memref<!tpu.dma_semaphore, #tpu.memory_space<semaphore_mem>>
      %dma_start3A_679 = arith.constant 0 : i32
      %dma_start3A_680 = tpu.memref_slice %arg4[%add3A_342, %dma_start3A_679] : memref<65536x384xf32, #tpu.memory_space<hbm>> -> memref<128x384xf32, #tpu.memory_space<hbm>>
      %dma_start3A_681 = arith.constant 0 : i32
      %dma_start3A_682 = tpu.memref_slice %arg4[%add3A_342, %dma_start3A_681] : memref<65536x384xf32, #tpu.memory_space<hbm>> -> memref<128x384xf32, #tpu.memory_space<hbm>>
      tpu.enqueue_dma source(%arg8 : memref<128x384xf32, #tpu.memory_space<vmem>>) target(%dma_start3A_682 : memref<128x384xf32, #tpu.memory_space<hbm>>) target_semaphore(%run_scoped3A : memref<!tpu.dma_semaphore, #tpu.memory_space<semaphore_mem>>)
      %dma_wait3A_683 = arith.constant 0 : i32
      %dma_wait3A_684 = tpu.memref_slice %arg4[%add3A_342, %dma_wait3A_683] : memref<65536x384xf32, #tpu.memory_space<hbm>> -> memref<128x384xf32, #tpu.memory_space<hbm>>
      %dma_wait3A_685 = arith.constant 0 : i32
      %dma_wait3A_686 = tpu.memref_slice %arg4[%add3A_342, %dma_wait3A_685] : memref<65536x384xf32, #tpu.memory_space<hbm>> -> memref<128x384xf32, #tpu.memory_space<hbm>>
      tpu.wait_dma2 semaphore(%run_scoped3A : memref<!tpu.dma_semaphore, #tpu.memory_space<semaphore_mem>>) src(%arg8 : memref<128x384xf32, #tpu.memory_space<vmem>>) dst(%dma_wait3A_686 : memref<128x384xf32, #tpu.memory_space<hbm>>)
      tpu.yield
    }) : () -> ()
    %get3A_343 = arith.constant 1024 : index
    %get3A_344 = tpu.vector_load %arg6[%get3A_343] {strides = array<i32>} : memref<2048xi32, #tpu.memory_space<vmem>>, vector<16xi32>,
    %swap3A_345 = arith.constant 0 : index
    %swap3A_346 = tpu.vector_load %arg7[%swap3A_345] {strides = array<i32>} : memref<128xi32, #tpu.memory_space<vmem>>, vector<16xi32>,
    tpu.vector_store %arg7[%swap3A_345], %get3A_344 {strides = array<i32>} : memref<128xi32, #tpu.memory_space<vmem>>, vector<16xi32>,
    %get3A_347 = arith.constant 1040 : index
    %get3A_348 = tpu.vector_load %arg6[%get3A_347] {strides = array<i32>} : memref<2048xi32, #tpu.memory_space<vmem>>, vector<16xi32>,
    %swap3A_349 = arith.constant 16 : index
    %swap3A_350 = tpu.vector_load %arg7[%swap3A_349] {strides = array<i32>} : memref<128xi32, #tpu.memory_space<vmem>>, vector<16xi32>,
    tpu.vector_store %arg7[%swap3A_349], %get3A_348 {strides = array<i32>} : memref<128xi32, #tpu.memory_space<vmem>>, vector<16xi32>,
    %get3A_351 = arith.constant 1056 : index
    %get3A_352 = tpu.vector_load %arg6[%get3A_351] {strides = array<i32>} : memref<2048xi32, #tpu.memory_space<vmem>>, vector<16xi32>,
    %swap3A_353 = arith.constant 32 : index
    %swap3A_354 = tpu.vector_load %arg7[%swap3A_353] {strides = array<i32>} : memref<128xi32, #tpu.memory_space<vmem>>, vector<16xi32>,
    tpu.vector_store %arg7[%swap3A_353], %get3A_352 {strides = array<i32>} : memref<128xi32, #tpu.memory_space<vmem>>, vector<16xi32>,
    %get3A_355 = arith.constant 1072 : index
    %get3A_356 = tpu.vector_load %arg6[%get3A_355] {strides = array<i32>} : memref<2048xi32, #tpu.memory_space<vmem>>, vector<16xi32>,
    %swap3A_357 = arith.constant 48 : index
    %swap3A_358 = tpu.vector_load %arg7[%swap3A_357] {strides = array<i32>} : memref<128xi32, #tpu.memory_space<vmem>>, vector<16xi32>,
    tpu.vector_store %arg7[%swap3A_357], %get3A_356 {strides = array<i32>} : memref<128xi32, #tpu.memory_space<vmem>>, vector<16xi32>,
    %get3A_359 = arith.constant 1088 : index
    %get3A_360 = tpu.vector_load %arg6[%get3A_359] {strides = array<i32>} : memref<2048xi32, #tpu.memory_space<vmem>>, vector<16xi32>,
    %swap3A_361 = arith.constant 64 : index
    %swap3A_362 = tpu.vector_load %arg7[%swap3A_361] {strides = array<i32>} : memref<128xi32, #tpu.memory_space<vmem>>, vector<16xi32>,
    tpu.vector_store %arg7[%swap3A_361], %get3A_360 {strides = array<i32>} : memref<128xi32, #tpu.memory_space<vmem>>, vector<16xi32>,
    %get3A_363 = arith.constant 1104 : index
    %get3A_364 = tpu.vector_load %arg6[%get3A_363] {strides = array<i32>} : memref<2048xi32, #tpu.memory_space<vmem>>, vector<16xi32>,
    %swap3A_365 = arith.constant 80 : index
    %swap3A_366 = tpu.vector_load %arg7[%swap3A_365] {strides = array<i32>} : memref<128xi32, #tpu.memory_space<vmem>>, vector<16xi32>,
    tpu.vector_store %arg7[%swap3A_365], %get3A_364 {strides = array<i32>} : memref<128xi32, #tpu.memory_space<vmem>>, vector<16xi32>,
    %get3A_367 = arith.constant 1120 : index
    %get3A_368 = tpu.vector_load %arg6[%get3A_367] {strides = array<i32>} : memref<2048xi32, #tpu.memory_space<vmem>>, vector<16xi32>,
    %swap3A_369 = arith.constant 96 : index
    %swap3A_370 = tpu.vector_load %arg7[%swap3A_369] {strides = array<i32>} : memref<128xi32, #tpu.memory_space<vmem>>, vector<16xi32>,
    tpu.vector_store %arg7[%swap3A_369], %get3A_368 {strides = array<i32>} : memref<128xi32, #tpu.memory_space<vmem>>, vector<16xi32>,
    %get3A_371 = arith.constant 1136 : index
    %get3A_372 = tpu.vector_load %arg6[%get3A_371] {strides = array<i32>} : memref<2048xi32, #tpu.memory_space<vmem>>, vector<16xi32>,
    %swap3A_373 = arith.constant 112 : index
    %swap3A_374 = tpu.vector_load %arg7[%swap3A_373] {strides = array<i32>} : memref<128xi32, #tpu.memory_space<vmem>>, vector<16xi32>,
    tpu.vector_store %arg7[%swap3A_373], %get3A_372 {strides = array<i32>} : memref<128xi32, #tpu.memory_space<vmem>>, vector<16xi32>,
    %dma_start3A_375 = arith.constant 0 : i32
    %dma_start3A_376 = arith.constant 0 : i32
    %dma_start3A_377 = tpu.memref_slice %arg3[%dma_start3A_375, %dma_start3A_376] : memref<4096x384xf32, #tpu.memory_space<hbm>> -> memref<4096x384xf32, #tpu.memory_space<hbm>>
    tpu.enqueue_indirect_dma source(%dma_start3A_377 : memref<4096x384xf32, #tpu.memory_space<hbm>>) target(%arg8 : memref<128x384xf32, #tpu.memory_space<vmem>>) offsets(%arg7 : memref<128xi32, #tpu.memory_space<vmem>>) semaphore(%arg9 : memref<!tpu.dma_semaphore, #tpu.memory_space<semaphore_mem>>)
    %dma_wait3A_378 = arith.constant 0 : i32
    %dma_wait3A_379 = arith.constant 0 : i32
    %dma_wait3A_380 = tpu.memref_slice %arg3[%dma_wait3A_378, %dma_wait3A_379] : memref<4096x384xf32, #tpu.memory_space<hbm>> -> memref<4096x384xf32, #tpu.memory_space<hbm>>
    tpu.wait_indirect_dma semaphore(%arg9 : memref<!tpu.dma_semaphore, #tpu.memory_space<semaphore_mem>>) src(%dma_wait3A_380 : memref<4096x384xf32, #tpu.memory_space<hbm>>) dst(%arg8 : memref<128x384xf32, #tpu.memory_space<vmem>>)
    %mul3A_381 = arith.constant 16 : i32
    %mul3A_382 = arith.muli %mul3A_2, %mul3A_381 : i32
    %add3A_383 = arith.constant 1024 : i32
    %add3A_384 = arith.addi %mul3A_382, %add3A_383 : i32
    "tpu.region"() ({
      %run_scoped3A = tpu.sem_alloc : memref<!tpu.dma_semaphore, #tpu.memory_space<semaphore_mem>>
      %dma_start3A_679 = arith.constant 0 : i32
      %dma_start3A_680 = tpu.memref_slice %arg4[%add3A_384, %dma_start3A_679] : memref<65536x384xf32, #tpu.memory_space<hbm>> -> memref<128x384xf32, #tpu.memory_space<hbm>>
      %dma_start3A_681 = arith.constant 0 : i32
      %dma_start3A_682 = tpu.memref_slice %arg4[%add3A_384, %dma_start3A_681] : memref<65536x384xf32, #tpu.memory_space<hbm>> -> memref<128x384xf32, #tpu.memory_space<hbm>>
      tpu.enqueue_dma source(%arg8 : memref<128x384xf32, #tpu.memory_space<vmem>>) target(%dma_start3A_682 : memref<128x384xf32, #tpu.memory_space<hbm>>) target_semaphore(%run_scoped3A : memref<!tpu.dma_semaphore, #tpu.memory_space<semaphore_mem>>)
      %dma_wait3A_683 = arith.constant 0 : i32
      %dma_wait3A_684 = tpu.memref_slice %arg4[%add3A_384, %dma_wait3A_683] : memref<65536x384xf32, #tpu.memory_space<hbm>> -> memref<128x384xf32, #tpu.memory_space<hbm>>
      %dma_wait3A_685 = arith.constant 0 : i32
      %dma_wait3A_686 = tpu.memref_slice %arg4[%add3A_384, %dma_wait3A_685] : memref<65536x384xf32, #tpu.memory_space<hbm>> -> memref<128x384xf32, #tpu.memory_space<hbm>>
      tpu.wait_dma2 semaphore(%run_scoped3A : memref<!tpu.dma_semaphore, #tpu.memory_space<semaphore_mem>>) src(%arg8 : memref<128x384xf32, #tpu.memory_space<vmem>>) dst(%dma_wait3A_686 : memref<128x384xf32, #tpu.memory_space<hbm>>)
      tpu.yield
    }) : () -> ()
    %get3A_385 = arith.constant 1152 : index
    %get3A_386 = tpu.vector_load %arg6[%get3A_385] {strides = array<i32>} : memref<2048xi32, #tpu.memory_space<vmem>>, vector<16xi32>,
    %swap3A_387 = arith.constant 0 : index
    %swap3A_388 = tpu.vector_load %arg7[%swap3A_387] {strides = array<i32>} : memref<128xi32, #tpu.memory_space<vmem>>, vector<16xi32>,
    tpu.vector_store %arg7[%swap3A_387], %get3A_386 {strides = array<i32>} : memref<128xi32, #tpu.memory_space<vmem>>, vector<16xi32>,
    %get3A_389 = arith.constant 1168 : index
    %get3A_390 = tpu.vector_load %arg6[%get3A_389] {strides = array<i32>} : memref<2048xi32, #tpu.memory_space<vmem>>, vector<16xi32>,
    %swap3A_391 = arith.constant 16 : index
    %swap3A_392 = tpu.vector_load %arg7[%swap3A_391] {strides = array<i32>} : memref<128xi32, #tpu.memory_space<vmem>>, vector<16xi32>,
    tpu.vector_store %arg7[%swap3A_391], %get3A_390 {strides = array<i32>} : memref<128xi32, #tpu.memory_space<vmem>>, vector<16xi32>,
    %get3A_393 = arith.constant 1184 : index
    %get3A_394 = tpu.vector_load %arg6[%get3A_393] {strides = array<i32>} : memref<2048xi32, #tpu.memory_space<vmem>>, vector<16xi32>,
    %swap3A_395 = arith.constant 32 : index
    %swap3A_396 = tpu.vector_load %arg7[%swap3A_395] {strides = array<i32>} : memref<128xi32, #tpu.memory_space<vmem>>, vector<16xi32>,
    tpu.vector_store %arg7[%swap3A_395], %get3A_394 {strides = array<i32>} : memref<128xi32, #tpu.memory_space<vmem>>, vector<16xi32>,
    %get3A_397 = arith.constant 1200 : index
    %get3A_398 = tpu.vector_load %arg6[%get3A_397] {strides = array<i32>} : memref<2048xi32, #tpu.memory_space<vmem>>, vector<16xi32>,
    %swap3A_399 = arith.constant 48 : index
    %swap3A_400 = tpu.vector_load %arg7[%swap3A_399] {strides = array<i32>} : memref<128xi32, #tpu.memory_space<vmem>>, vector<16xi32>,
    tpu.vector_store %arg7[%swap3A_399], %get3A_398 {strides = array<i32>} : memref<128xi32, #tpu.memory_space<vmem>>, vector<16xi32>,
    %get3A_401 = arith.constant 1216 : index
    %get3A_402 = tpu.vector_load %arg6[%get3A_401] {strides = array<i32>} : memref<2048xi32, #tpu.memory_space<vmem>>, vector<16xi32>,
    %swap3A_403 = arith.constant 64 : index
    %swap3A_404 = tpu.vector_load %arg7[%swap3A_403] {strides = array<i32>} : memref<128xi32, #tpu.memory_space<vmem>>, vector<16xi32>,
    tpu.vector_store %arg7[%swap3A_403], %get3A_402 {strides = array<i32>} : memref<128xi32, #tpu.memory_space<vmem>>, vector<16xi32>,
    %get3A_405 = arith.constant 1232 : index
    %get3A_406 = tpu.vector_load %arg6[%get3A_405] {strides = array<i32>} : memref<2048xi32, #tpu.memory_space<vmem>>, vector<16xi32>,
    %swap3A_407 = arith.constant 80 : index
    %swap3A_408 = tpu.vector_load %arg7[%swap3A_407] {strides = array<i32>} : memref<128xi32, #tpu.memory_space<vmem>>, vector<16xi32>,
    tpu.vector_store %arg7[%swap3A_407], %get3A_406 {strides = array<i32>} : memref<128xi32, #tpu.memory_space<vmem>>, vector<16xi32>,
    %get3A_409 = arith.constant 1248 : index
    %get3A_410 = tpu.vector_load %arg6[%get3A_409] {strides = array<i32>} : memref<2048xi32, #tpu.memory_space<vmem>>, vector<16xi32>,
    %swap3A_411 = arith.constant 96 : index
    %swap3A_412 = tpu.vector_load %arg7[%swap3A_411] {strides = array<i32>} : memref<128xi32, #tpu.memory_space<vmem>>, vector<16xi32>,
    tpu.vector_store %arg7[%swap3A_411], %get3A_410 {strides = array<i32>} : memref<128xi32, #tpu.memory_space<vmem>>, vector<16xi32>,
    %get3A_413 = arith.constant 1264 : index
    %get3A_414 = tpu.vector_load %arg6[%get3A_413] {strides = array<i32>} : memref<2048xi32, #tpu.memory_space<vmem>>, vector<16xi32>,
    %swap3A_415 = arith.constant 112 : index
    %swap3A_416 = tpu.vector_load %arg7[%swap3A_415] {strides = array<i32>} : memref<128xi32, #tpu.memory_space<vmem>>, vector<16xi32>,
    tpu.vector_store %arg7[%swap3A_415], %get3A_414 {strides = array<i32>} : memref<128xi32, #tpu.memory_space<vmem>>, vector<16xi32>,
    %dma_start3A_417 = arith.constant 0 : i32
    %dma_start3A_418 = arith.constant 0 : i32
    %dma_start3A_419 = tpu.memref_slice %arg3[%dma_start3A_417, %dma_start3A_418] : memref<4096x384xf32, #tpu.memory_space<hbm>> -> memref<4096x384xf32, #tpu.memory_space<hbm>>
    tpu.enqueue_indirect_dma source(%dma_start3A_419 : memref<4096x384xf32, #tpu.memory_space<hbm>>) target(%arg8 : memref<128x384xf32, #tpu.memory_space<vmem>>) offsets(%arg7 : memref<128xi32, #tpu.memory_space<vmem>>) semaphore(%arg9 : memref<!tpu.dma_semaphore, #tpu.memory_space<semaphore_mem>>)
    %dma_wait3A_420 = arith.constant 0 : i32
    %dma_wait3A_421 = arith.constant 0 : i32
    %dma_wait3A_422 = tpu.memref_slice %arg3[%dma_wait3A_420, %dma_wait3A_421] : memref<4096x384xf32, #tpu.memory_space<hbm>> -> memref<4096x384xf32, #tpu.memory_space<hbm>>
    tpu.wait_indirect_dma semaphore(%arg9 : memref<!tpu.dma_semaphore, #tpu.memory_space<semaphore_mem>>) src(%dma_wait3A_422 : memref<4096x384xf32, #tpu.memory_space<hbm>>) dst(%arg8 : memref<128x384xf32, #tpu.memory_space<vmem>>)
    %mul3A_423 = arith.constant 16 : i32
    %mul3A_424 = arith.muli %mul3A_2, %mul3A_423 : i32
    %add3A_425 = arith.constant 1152 : i32
    %add3A_426 = arith.addi %mul3A_424, %add3A_425 : i32
    "tpu.region"() ({
      %run_scoped3A = tpu.sem_alloc : memref<!tpu.dma_semaphore, #tpu.memory_space<semaphore_mem>>
      %dma_start3A_679 = arith.constant 0 : i32
      %dma_start3A_680 = tpu.memref_slice %arg4[%add3A_426, %dma_start3A_679] : memref<65536x384xf32, #tpu.memory_space<hbm>> -> memref<128x384xf32, #tpu.memory_space<hbm>>
      %dma_start3A_681 = arith.constant 0 : i32
      %dma_start3A_682 = tpu.memref_slice %arg4[%add3A_426, %dma_start3A_681] : memref<65536x384xf32, #tpu.memory_space<hbm>> -> memref<128x384xf32, #tpu.memory_space<hbm>>
      tpu.enqueue_dma source(%arg8 : memref<128x384xf32, #tpu.memory_space<vmem>>) target(%dma_start3A_682 : memref<128x384xf32, #tpu.memory_space<hbm>>) target_semaphore(%run_scoped3A : memref<!tpu.dma_semaphore, #tpu.memory_space<semaphore_mem>>)
      %dma_wait3A_683 = arith.constant 0 : i32
      %dma_wait3A_684 = tpu.memref_slice %arg4[%add3A_426, %dma_wait3A_683] : memref<65536x384xf32, #tpu.memory_space<hbm>> -> memref<128x384xf32, #tpu.memory_space<hbm>>
      %dma_wait3A_685 = arith.constant 0 : i32
      %dma_wait3A_686 = tpu.memref_slice %arg4[%add3A_426, %dma_wait3A_685] : memref<65536x384xf32, #tpu.memory_space<hbm>> -> memref<128x384xf32, #tpu.memory_space<hbm>>
      tpu.wait_dma2 semaphore(%run_scoped3A : memref<!tpu.dma_semaphore, #tpu.memory_space<semaphore_mem>>) src(%arg8 : memref<128x384xf32, #tpu.memory_space<vmem>>) dst(%dma_wait3A_686 : memref<128x384xf32, #tpu.memory_space<hbm>>)
      tpu.yield
    }) : () -> ()
    %get3A_427 = arith.constant 1280 : index
    %get3A_428 = tpu.vector_load %arg6[%get3A_427] {strides = array<i32>} : memref<2048xi32, #tpu.memory_space<vmem>>, vector<16xi32>,
    %swap3A_429 = arith.constant 0 : index
    %swap3A_430 = tpu.vector_load %arg7[%swap3A_429] {strides = array<i32>} : memref<128xi32, #tpu.memory_space<vmem>>, vector<16xi32>,
    tpu.vector_store %arg7[%swap3A_429], %get3A_428 {strides = array<i32>} : memref<128xi32, #tpu.memory_space<vmem>>, vector<16xi32>,
    %get3A_431 = arith.constant 1296 : index
    %get3A_432 = tpu.vector_load %arg6[%get3A_431] {strides = array<i32>} : memref<2048xi32, #tpu.memory_space<vmem>>, vector<16xi32>,
    %swap3A_433 = arith.constant 16 : index
    %swap3A_434 = tpu.vector_load %arg7[%swap3A_433] {strides = array<i32>} : memref<128xi32, #tpu.memory_space<vmem>>, vector<16xi32>,
    tpu.vector_store %arg7[%swap3A_433], %get3A_432 {strides = array<i32>} : memref<128xi32, #tpu.memory_space<vmem>>, vector<16xi32>,
    %get3A_435 = arith.constant 1312 : index
    %get3A_436 = tpu.vector_load %arg6[%get3A_435] {strides = array<i32>} : memref<2048xi32, #tpu.memory_space<vmem>>, vector<16xi32>,
    %swap3A_437 = arith.constant 32 : index
    %swap3A_438 = tpu.vector_load %arg7[%swap3A_437] {strides = array<i32>} : memref<128xi32, #tpu.memory_space<vmem>>, vector<16xi32>,
    tpu.vector_store %arg7[%swap3A_437], %get3A_436 {strides = array<i32>} : memref<128xi32, #tpu.memory_space<vmem>>, vector<16xi32>,
    %get3A_439 = arith.constant 1328 : index
    %get3A_440 = tpu.vector_load %arg6[%get3A_439] {strides = array<i32>} : memref<2048xi32, #tpu.memory_space<vmem>>, vector<16xi32>,
    %swap3A_441 = arith.constant 48 : index
    %swap3A_442 = tpu.vector_load %arg7[%swap3A_441] {strides = array<i32>} : memref<128xi32, #tpu.memory_space<vmem>>, vector<16xi32>,
    tpu.vector_store %arg7[%swap3A_441], %get3A_440 {strides = array<i32>} : memref<128xi32, #tpu.memory_space<vmem>>, vector<16xi32>,
    %get3A_443 = arith.constant 1344 : index
    %get3A_444 = tpu.vector_load %arg6[%get3A_443] {strides = array<i32>} : memref<2048xi32, #tpu.memory_space<vmem>>, vector<16xi32>,
    %swap3A_445 = arith.constant 64 : index
    %swap3A_446 = tpu.vector_load %arg7[%swap3A_445] {strides = array<i32>} : memref<128xi32, #tpu.memory_space<vmem>>, vector<16xi32>,
    tpu.vector_store %arg7[%swap3A_445], %get3A_444 {strides = array<i32>} : memref<128xi32, #tpu.memory_space<vmem>>, vector<16xi32>,
    %get3A_447 = arith.constant 1360 : index
    %get3A_448 = tpu.vector_load %arg6[%get3A_447] {strides = array<i32>} : memref<2048xi32, #tpu.memory_space<vmem>>, vector<16xi32>,
    %swap3A_449 = arith.constant 80 : index
    %swap3A_450 = tpu.vector_load %arg7[%swap3A_449] {strides = array<i32>} : memref<128xi32, #tpu.memory_space<vmem>>, vector<16xi32>,
    tpu.vector_store %arg7[%swap3A_449], %get3A_448 {strides = array<i32>} : memref<128xi32, #tpu.memory_space<vmem>>, vector<16xi32>,
    %get3A_451 = arith.constant 1376 : index
    %get3A_452 = tpu.vector_load %arg6[%get3A_451] {strides = array<i32>} : memref<2048xi32, #tpu.memory_space<vmem>>, vector<16xi32>,
    %swap3A_453 = arith.constant 96 : index
    %swap3A_454 = tpu.vector_load %arg7[%swap3A_453] {strides = array<i32>} : memref<128xi32, #tpu.memory_space<vmem>>, vector<16xi32>,
    tpu.vector_store %arg7[%swap3A_453], %get3A_452 {strides = array<i32>} : memref<128xi32, #tpu.memory_space<vmem>>, vector<16xi32>,
    %get3A_455 = arith.constant 1392 : index
    %get3A_456 = tpu.vector_load %arg6[%get3A_455] {strides = array<i32>} : memref<2048xi32, #tpu.memory_space<vmem>>, vector<16xi32>,
    %swap3A_457 = arith.constant 112 : index
    %swap3A_458 = tpu.vector_load %arg7[%swap3A_457] {strides = array<i32>} : memref<128xi32, #tpu.memory_space<vmem>>, vector<16xi32>,
    tpu.vector_store %arg7[%swap3A_457], %get3A_456 {strides = array<i32>} : memref<128xi32, #tpu.memory_space<vmem>>, vector<16xi32>,
    %dma_start3A_459 = arith.constant 0 : i32
    %dma_start3A_460 = arith.constant 0 : i32
    %dma_start3A_461 = tpu.memref_slice %arg3[%dma_start3A_459, %dma_start3A_460] : memref<4096x384xf32, #tpu.memory_space<hbm>> -> memref<4096x384xf32, #tpu.memory_space<hbm>>
    tpu.enqueue_indirect_dma source(%dma_start3A_461 : memref<4096x384xf32, #tpu.memory_space<hbm>>) target(%arg8 : memref<128x384xf32, #tpu.memory_space<vmem>>) offsets(%arg7 : memref<128xi32, #tpu.memory_space<vmem>>) semaphore(%arg9 : memref<!tpu.dma_semaphore, #tpu.memory_space<semaphore_mem>>)
    %dma_wait3A_462 = arith.constant 0 : i32
    %dma_wait3A_463 = arith.constant 0 : i32
    %dma_wait3A_464 = tpu.memref_slice %arg3[%dma_wait3A_462, %dma_wait3A_463] : memref<4096x384xf32, #tpu.memory_space<hbm>> -> memref<4096x384xf32, #tpu.memory_space<hbm>>
    tpu.wait_indirect_dma semaphore(%arg9 : memref<!tpu.dma_semaphore, #tpu.memory_space<semaphore_mem>>) src(%dma_wait3A_464 : memref<4096x384xf32, #tpu.memory_space<hbm>>) dst(%arg8 : memref<128x384xf32, #tpu.memory_space<vmem>>)
    %mul3A_465 = arith.constant 16 : i32
    %mul3A_466 = arith.muli %mul3A_2, %mul3A_465 : i32
    %add3A_467 = arith.constant 1280 : i32
    %add3A_468 = arith.addi %mul3A_466, %add3A_467 : i32
    "tpu.region"() ({
      %run_scoped3A = tpu.sem_alloc : memref<!tpu.dma_semaphore, #tpu.memory_space<semaphore_mem>>
      %dma_start3A_679 = arith.constant 0 : i32
      %dma_start3A_680 = tpu.memref_slice %arg4[%add3A_468, %dma_start3A_679] : memref<65536x384xf32, #tpu.memory_space<hbm>> -> memref<128x384xf32, #tpu.memory_space<hbm>>
      %dma_start3A_681 = arith.constant 0 : i32
      %dma_start3A_682 = tpu.memref_slice %arg4[%add3A_468, %dma_start3A_681] : memref<65536x384xf32, #tpu.memory_space<hbm>> -> memref<128x384xf32, #tpu.memory_space<hbm>>
      tpu.enqueue_dma source(%arg8 : memref<128x384xf32, #tpu.memory_space<vmem>>) target(%dma_start3A_682 : memref<128x384xf32, #tpu.memory_space<hbm>>) target_semaphore(%run_scoped3A : memref<!tpu.dma_semaphore, #tpu.memory_space<semaphore_mem>>)
      %dma_wait3A_683 = arith.constant 0 : i32
      %dma_wait3A_684 = tpu.memref_slice %arg4[%add3A_468, %dma_wait3A_683] : memref<65536x384xf32, #tpu.memory_space<hbm>> -> memref<128x384xf32, #tpu.memory_space<hbm>>
      %dma_wait3A_685 = arith.constant 0 : i32
      %dma_wait3A_686 = tpu.memref_slice %arg4[%add3A_468, %dma_wait3A_685] : memref<65536x384xf32, #tpu.memory_space<hbm>> -> memref<128x384xf32, #tpu.memory_space<hbm>>
      tpu.wait_dma2 semaphore(%run_scoped3A : memref<!tpu.dma_semaphore, #tpu.memory_space<semaphore_mem>>) src(%arg8 : memref<128x384xf32, #tpu.memory_space<vmem>>) dst(%dma_wait3A_686 : memref<128x384xf32, #tpu.memory_space<hbm>>)
      tpu.yield
    }) : () -> ()
    %get3A_469 = arith.constant 1408 : index
    %get3A_470 = tpu.vector_load %arg6[%get3A_469] {strides = array<i32>} : memref<2048xi32, #tpu.memory_space<vmem>>, vector<16xi32>,
    %swap3A_471 = arith.constant 0 : index
    %swap3A_472 = tpu.vector_load %arg7[%swap3A_471] {strides = array<i32>} : memref<128xi32, #tpu.memory_space<vmem>>, vector<16xi32>,
    tpu.vector_store %arg7[%swap3A_471], %get3A_470 {strides = array<i32>} : memref<128xi32, #tpu.memory_space<vmem>>, vector<16xi32>,
    %get3A_473 = arith.constant 1424 : index
    %get3A_474 = tpu.vector_load %arg6[%get3A_473] {strides = array<i32>} : memref<2048xi32, #tpu.memory_space<vmem>>, vector<16xi32>,
    %swap3A_475 = arith.constant 16 : index
    %swap3A_476 = tpu.vector_load %arg7[%swap3A_475] {strides = array<i32>} : memref<128xi32, #tpu.memory_space<vmem>>, vector<16xi32>,
    tpu.vector_store %arg7[%swap3A_475], %get3A_474 {strides = array<i32>} : memref<128xi32, #tpu.memory_space<vmem>>, vector<16xi32>,
    %get3A_477 = arith.constant 1440 : index
    %get3A_478 = tpu.vector_load %arg6[%get3A_477] {strides = array<i32>} : memref<2048xi32, #tpu.memory_space<vmem>>, vector<16xi32>,
    %swap3A_479 = arith.constant 32 : index
    %swap3A_480 = tpu.vector_load %arg7[%swap3A_479] {strides = array<i32>} : memref<128xi32, #tpu.memory_space<vmem>>, vector<16xi32>,
    tpu.vector_store %arg7[%swap3A_479], %get3A_478 {strides = array<i32>} : memref<128xi32, #tpu.memory_space<vmem>>, vector<16xi32>,
    %get3A_481 = arith.constant 1456 : index
    %get3A_482 = tpu.vector_load %arg6[%get3A_481] {strides = array<i32>} : memref<2048xi32, #tpu.memory_space<vmem>>, vector<16xi32>,
    %swap3A_483 = arith.constant 48 : index
    %swap3A_484 = tpu.vector_load %arg7[%swap3A_483] {strides = array<i32>} : memref<128xi32, #tpu.memory_space<vmem>>, vector<16xi32>,
    tpu.vector_store %arg7[%swap3A_483], %get3A_482 {strides = array<i32>} : memref<128xi32, #tpu.memory_space<vmem>>, vector<16xi32>,
    %get3A_485 = arith.constant 1472 : index
    %get3A_486 = tpu.vector_load %arg6[%get3A_485] {strides = array<i32>} : memref<2048xi32, #tpu.memory_space<vmem>>, vector<16xi32>,
    %swap3A_487 = arith.constant 64 : index
    %swap3A_488 = tpu.vector_load %arg7[%swap3A_487] {strides = array<i32>} : memref<128xi32, #tpu.memory_space<vmem>>, vector<16xi32>,
    tpu.vector_store %arg7[%swap3A_487], %get3A_486 {strides = array<i32>} : memref<128xi32, #tpu.memory_space<vmem>>, vector<16xi32>,
    %get3A_489 = arith.constant 1488 : index
    %get3A_490 = tpu.vector_load %arg6[%get3A_489] {strides = array<i32>} : memref<2048xi32, #tpu.memory_space<vmem>>, vector<16xi32>,
    %swap3A_491 = arith.constant 80 : index
    %swap3A_492 = tpu.vector_load %arg7[%swap3A_491] {strides = array<i32>} : memref<128xi32, #tpu.memory_space<vmem>>, vector<16xi32>,
    tpu.vector_store %arg7[%swap3A_491], %get3A_490 {strides = array<i32>} : memref<128xi32, #tpu.memory_space<vmem>>, vector<16xi32>,
    %get3A_493 = arith.constant 1504 : index
    %get3A_494 = tpu.vector_load %arg6[%get3A_493] {strides = array<i32>} : memref<2048xi32, #tpu.memory_space<vmem>>, vector<16xi32>,
    %swap3A_495 = arith.constant 96 : index
    %swap3A_496 = tpu.vector_load %arg7[%swap3A_495] {strides = array<i32>} : memref<128xi32, #tpu.memory_space<vmem>>, vector<16xi32>,
    tpu.vector_store %arg7[%swap3A_495], %get3A_494 {strides = array<i32>} : memref<128xi32, #tpu.memory_space<vmem>>, vector<16xi32>,
    %get3A_497 = arith.constant 1520 : index
    %get3A_498 = tpu.vector_load %arg6[%get3A_497] {strides = array<i32>} : memref<2048xi32, #tpu.memory_space<vmem>>, vector<16xi32>,
    %swap3A_499 = arith.constant 112 : index
    %swap3A_500 = tpu.vector_load %arg7[%swap3A_499] {strides = array<i32>} : memref<128xi32, #tpu.memory_space<vmem>>, vector<16xi32>,
    tpu.vector_store %arg7[%swap3A_499], %get3A_498 {strides = array<i32>} : memref<128xi32, #tpu.memory_space<vmem>>, vector<16xi32>,
    %dma_start3A_501 = arith.constant 0 : i32
    %dma_start3A_502 = arith.constant 0 : i32
    %dma_start3A_503 = tpu.memref_slice %arg3[%dma_start3A_501, %dma_start3A_502] : memref<4096x384xf32, #tpu.memory_space<hbm>> -> memref<4096x384xf32, #tpu.memory_space<hbm>>
    tpu.enqueue_indirect_dma source(%dma_start3A_503 : memref<4096x384xf32, #tpu.memory_space<hbm>>) target(%arg8 : memref<128x384xf32, #tpu.memory_space<vmem>>) offsets(%arg7 : memref<128xi32, #tpu.memory_space<vmem>>) semaphore(%arg9 : memref<!tpu.dma_semaphore, #tpu.memory_space<semaphore_mem>>)
    %dma_wait3A_504 = arith.constant 0 : i32
    %dma_wait3A_505 = arith.constant 0 : i32
    %dma_wait3A_506 = tpu.memref_slice %arg3[%dma_wait3A_504, %dma_wait3A_505] : memref<4096x384xf32, #tpu.memory_space<hbm>> -> memref<4096x384xf32, #tpu.memory_space<hbm>>
    tpu.wait_indirect_dma semaphore(%arg9 : memref<!tpu.dma_semaphore, #tpu.memory_space<semaphore_mem>>) src(%dma_wait3A_506 : memref<4096x384xf32, #tpu.memory_space<hbm>>) dst(%arg8 : memref<128x384xf32, #tpu.memory_space<vmem>>)
    %mul3A_507 = arith.constant 16 : i32
    %mul3A_508 = arith.muli %mul3A_2, %mul3A_507 : i32
    %add3A_509 = arith.constant 1408 : i32
    %add3A_510 = arith.addi %mul3A_508, %add3A_509 : i32
    "tpu.region"() ({
      %run_scoped3A = tpu.sem_alloc : memref<!tpu.dma_semaphore, #tpu.memory_space<semaphore_mem>>
      %dma_start3A_679 = arith.constant 0 : i32
      %dma_start3A_680 = tpu.memref_slice %arg4[%add3A_510, %dma_start3A_679] : memref<65536x384xf32, #tpu.memory_space<hbm>> -> memref<128x384xf32, #tpu.memory_space<hbm>>
      %dma_start3A_681 = arith.constant 0 : i32
      %dma_start3A_682 = tpu.memref_slice %arg4[%add3A_510, %dma_start3A_681] : memref<65536x384xf32, #tpu.memory_space<hbm>> -> memref<128x384xf32, #tpu.memory_space<hbm>>
      tpu.enqueue_dma source(%arg8 : memref<128x384xf32, #tpu.memory_space<vmem>>) target(%dma_start3A_682 : memref<128x384xf32, #tpu.memory_space<hbm>>) target_semaphore(%run_scoped3A : memref<!tpu.dma_semaphore, #tpu.memory_space<semaphore_mem>>)
      %dma_wait3A_683 = arith.constant 0 : i32
      %dma_wait3A_684 = tpu.memref_slice %arg4[%add3A_510, %dma_wait3A_683] : memref<65536x384xf32, #tpu.memory_space<hbm>> -> memref<128x384xf32, #tpu.memory_space<hbm>>
      %dma_wait3A_685 = arith.constant 0 : i32
      %dma_wait3A_686 = tpu.memref_slice %arg4[%add3A_510, %dma_wait3A_685] : memref<65536x384xf32, #tpu.memory_space<hbm>> -> memref<128x384xf32, #tpu.memory_space<hbm>>
      tpu.wait_dma2 semaphore(%run_scoped3A : memref<!tpu.dma_semaphore, #tpu.memory_space<semaphore_mem>>) src(%arg8 : memref<128x384xf32, #tpu.memory_space<vmem>>) dst(%dma_wait3A_686 : memref<128x384xf32, #tpu.memory_space<hbm>>)
      tpu.yield
    }) : () -> ()
    %get3A_511 = arith.constant 1536 : index
    %get3A_512 = tpu.vector_load %arg6[%get3A_511] {strides = array<i32>} : memref<2048xi32, #tpu.memory_space<vmem>>, vector<16xi32>,
    %swap3A_513 = arith.constant 0 : index
    %swap3A_514 = tpu.vector_load %arg7[%swap3A_513] {strides = array<i32>} : memref<128xi32, #tpu.memory_space<vmem>>, vector<16xi32>,
    tpu.vector_store %arg7[%swap3A_513], %get3A_512 {strides = array<i32>} : memref<128xi32, #tpu.memory_space<vmem>>, vector<16xi32>,
    %get3A_515 = arith.constant 1552 : index
    %get3A_516 = tpu.vector_load %arg6[%get3A_515] {strides = array<i32>} : memref<2048xi32, #tpu.memory_space<vmem>>, vector<16xi32>,
    %swap3A_517 = arith.constant 16 : index
    %swap3A_518 = tpu.vector_load %arg7[%swap3A_517] {strides = array<i32>} : memref<128xi32, #tpu.memory_space<vmem>>, vector<16xi32>,
    tpu.vector_store %arg7[%swap3A_517], %get3A_516 {strides = array<i32>} : memref<128xi32, #tpu.memory_space<vmem>>, vector<16xi32>,
    %get3A_519 = arith.constant 1568 : index
    %get3A_520 = tpu.vector_load %arg6[%get3A_519] {strides = array<i32>} : memref<2048xi32, #tpu.memory_space<vmem>>, vector<16xi32>,
    %swap3A_521 = arith.constant 32 : index
    %swap3A_522 = tpu.vector_load %arg7[%swap3A_521] {strides = array<i32>} : memref<128xi32, #tpu.memory_space<vmem>>, vector<16xi32>,
    tpu.vector_store %arg7[%swap3A_521], %get3A_520 {strides = array<i32>} : memref<128xi32, #tpu.memory_space<vmem>>, vector<16xi32>,
    %get3A_523 = arith.constant 1584 : index
    %get3A_524 = tpu.vector_load %arg6[%get3A_523] {strides = array<i32>} : memref<2048xi32, #tpu.memory_space<vmem>>, vector<16xi32>,
    %swap3A_525 = arith.constant 48 : index
    %swap3A_526 = tpu.vector_load %arg7[%swap3A_525] {strides = array<i32>} : memref<128xi32, #tpu.memory_space<vmem>>, vector<16xi32>,
    tpu.vector_store %arg7[%swap3A_525], %get3A_524 {strides = array<i32>} : memref<128xi32, #tpu.memory_space<vmem>>, vector<16xi32>,
    %get3A_527 = arith.constant 1600 : index
    %get3A_528 = tpu.vector_load %arg6[%get3A_527] {strides = array<i32>} : memref<2048xi32, #tpu.memory_space<vmem>>, vector<16xi32>,
    %swap3A_529 = arith.constant 64 : index
    %swap3A_530 = tpu.vector_load %arg7[%swap3A_529] {strides = array<i32>} : memref<128xi32, #tpu.memory_space<vmem>>, vector<16xi32>,
    tpu.vector_store %arg7[%swap3A_529], %get3A_528 {strides = array<i32>} : memref<128xi32, #tpu.memory_space<vmem>>, vector<16xi32>,
    %get3A_531 = arith.constant 1616 : index
    %get3A_532 = tpu.vector_load %arg6[%get3A_531] {strides = array<i32>} : memref<2048xi32, #tpu.memory_space<vmem>>, vector<16xi32>,
    %swap3A_533 = arith.constant 80 : index
    %swap3A_534 = tpu.vector_load %arg7[%swap3A_533] {strides = array<i32>} : memref<128xi32, #tpu.memory_space<vmem>>, vector<16xi32>,
    tpu.vector_store %arg7[%swap3A_533], %get3A_532 {strides = array<i32>} : memref<128xi32, #tpu.memory_space<vmem>>, vector<16xi32>,
    %get3A_535 = arith.constant 1632 : index
    %get3A_536 = tpu.vector_load %arg6[%get3A_535] {strides = array<i32>} : memref<2048xi32, #tpu.memory_space<vmem>>, vector<16xi32>,
    %swap3A_537 = arith.constant 96 : index
    %swap3A_538 = tpu.vector_load %arg7[%swap3A_537] {strides = array<i32>} : memref<128xi32, #tpu.memory_space<vmem>>, vector<16xi32>,
    tpu.vector_store %arg7[%swap3A_537], %get3A_536 {strides = array<i32>} : memref<128xi32, #tpu.memory_space<vmem>>, vector<16xi32>,
    %get3A_539 = arith.constant 1648 : index
    %get3A_540 = tpu.vector_load %arg6[%get3A_539] {strides = array<i32>} : memref<2048xi32, #tpu.memory_space<vmem>>, vector<16xi32>,
    %swap3A_541 = arith.constant 112 : index
    %swap3A_542 = tpu.vector_load %arg7[%swap3A_541] {strides = array<i32>} : memref<128xi32, #tpu.memory_space<vmem>>, vector<16xi32>,
    tpu.vector_store %arg7[%swap3A_541], %get3A_540 {strides = array<i32>} : memref<128xi32, #tpu.memory_space<vmem>>, vector<16xi32>,
    %dma_start3A_543 = arith.constant 0 : i32
    %dma_start3A_544 = arith.constant 0 : i32
    %dma_start3A_545 = tpu.memref_slice %arg3[%dma_start3A_543, %dma_start3A_544] : memref<4096x384xf32, #tpu.memory_space<hbm>> -> memref<4096x384xf32, #tpu.memory_space<hbm>>
    tpu.enqueue_indirect_dma source(%dma_start3A_545 : memref<4096x384xf32, #tpu.memory_space<hbm>>) target(%arg8 : memref<128x384xf32, #tpu.memory_space<vmem>>) offsets(%arg7 : memref<128xi32, #tpu.memory_space<vmem>>) semaphore(%arg9 : memref<!tpu.dma_semaphore, #tpu.memory_space<semaphore_mem>>)
    %dma_wait3A_546 = arith.constant 0 : i32
    %dma_wait3A_547 = arith.constant 0 : i32
    %dma_wait3A_548 = tpu.memref_slice %arg3[%dma_wait3A_546, %dma_wait3A_547] : memref<4096x384xf32, #tpu.memory_space<hbm>> -> memref<4096x384xf32, #tpu.memory_space<hbm>>
    tpu.wait_indirect_dma semaphore(%arg9 : memref<!tpu.dma_semaphore, #tpu.memory_space<semaphore_mem>>) src(%dma_wait3A_548 : memref<4096x384xf32, #tpu.memory_space<hbm>>) dst(%arg8 : memref<128x384xf32, #tpu.memory_space<vmem>>)
    %mul3A_549 = arith.constant 16 : i32
    %mul3A_550 = arith.muli %mul3A_2, %mul3A_549 : i32
    %add3A_551 = arith.constant 1536 : i32
    %add3A_552 = arith.addi %mul3A_550, %add3A_551 : i32
    "tpu.region"() ({
      %run_scoped3A = tpu.sem_alloc : memref<!tpu.dma_semaphore, #tpu.memory_space<semaphore_mem>>
      %dma_start3A_679 = arith.constant 0 : i32
      %dma_start3A_680 = tpu.memref_slice %arg4[%add3A_552, %dma_start3A_679] : memref<65536x384xf32, #tpu.memory_space<hbm>> -> memref<128x384xf32, #tpu.memory_space<hbm>>
      %dma_start3A_681 = arith.constant 0 : i32
      %dma_start3A_682 = tpu.memref_slice %arg4[%add3A_552, %dma_start3A_681] : memref<65536x384xf32, #tpu.memory_space<hbm>> -> memref<128x384xf32, #tpu.memory_space<hbm>>
      tpu.enqueue_dma source(%arg8 : memref<128x384xf32, #tpu.memory_space<vmem>>) target(%dma_start3A_682 : memref<128x384xf32, #tpu.memory_space<hbm>>) target_semaphore(%run_scoped3A : memref<!tpu.dma_semaphore, #tpu.memory_space<semaphore_mem>>)
      %dma_wait3A_683 = arith.constant 0 : i32
      %dma_wait3A_684 = tpu.memref_slice %arg4[%add3A_552, %dma_wait3A_683] : memref<65536x384xf32, #tpu.memory_space<hbm>> -> memref<128x384xf32, #tpu.memory_space<hbm>>
      %dma_wait3A_685 = arith.constant 0 : i32
      %dma_wait3A_686 = tpu.memref_slice %arg4[%add3A_552, %dma_wait3A_685] : memref<65536x384xf32, #tpu.memory_space<hbm>> -> memref<128x384xf32, #tpu.memory_space<hbm>>
      tpu.wait_dma2 semaphore(%run_scoped3A : memref<!tpu.dma_semaphore, #tpu.memory_space<semaphore_mem>>) src(%arg8 : memref<128x384xf32, #tpu.memory_space<vmem>>) dst(%dma_wait3A_686 : memref<128x384xf32, #tpu.memory_space<hbm>>)
      tpu.yield
    }) : () -> ()
    %get3A_553 = arith.constant 1664 : index
    %get3A_554 = tpu.vector_load %arg6[%get3A_553] {strides = array<i32>} : memref<2048xi32, #tpu.memory_space<vmem>>, vector<16xi32>,
    %swap3A_555 = arith.constant 0 : index
    %swap3A_556 = tpu.vector_load %arg7[%swap3A_555] {strides = array<i32>} : memref<128xi32, #tpu.memory_space<vmem>>, vector<16xi32>,
    tpu.vector_store %arg7[%swap3A_555], %get3A_554 {strides = array<i32>} : memref<128xi32, #tpu.memory_space<vmem>>, vector<16xi32>,
    %get3A_557 = arith.constant 1680 : index
    %get3A_558 = tpu.vector_load %arg6[%get3A_557] {strides = array<i32>} : memref<2048xi32, #tpu.memory_space<vmem>>, vector<16xi32>,
    %swap3A_559 = arith.constant 16 : index
    %swap3A_560 = tpu.vector_load %arg7[%swap3A_559] {strides = array<i32>} : memref<128xi32, #tpu.memory_space<vmem>>, vector<16xi32>,
    tpu.vector_store %arg7[%swap3A_559], %get3A_558 {strides = array<i32>} : memref<128xi32, #tpu.memory_space<vmem>>, vector<16xi32>,
    %get3A_561 = arith.constant 1696 : index
    %get3A_562 = tpu.vector_load %arg6[%get3A_561] {strides = array<i32>} : memref<2048xi32, #tpu.memory_space<vmem>>, vector<16xi32>,
    %swap3A_563 = arith.constant 32 : index
    %swap3A_564 = tpu.vector_load %arg7[%swap3A_563] {strides = array<i32>} : memref<128xi32, #tpu.memory_space<vmem>>, vector<16xi32>,
    tpu.vector_store %arg7[%swap3A_563], %get3A_562 {strides = array<i32>} : memref<128xi32, #tpu.memory_space<vmem>>, vector<16xi32>,
    %get3A_565 = arith.constant 1712 : index
    %get3A_566 = tpu.vector_load %arg6[%get3A_565] {strides = array<i32>} : memref<2048xi32, #tpu.memory_space<vmem>>, vector<16xi32>,
    %swap3A_567 = arith.constant 48 : index
    %swap3A_568 = tpu.vector_load %arg7[%swap3A_567] {strides = array<i32>} : memref<128xi32, #tpu.memory_space<vmem>>, vector<16xi32>,
    tpu.vector_store %arg7[%swap3A_567], %get3A_566 {strides = array<i32>} : memref<128xi32, #tpu.memory_space<vmem>>, vector<16xi32>,
    %get3A_569 = arith.constant 1728 : index
    %get3A_570 = tpu.vector_load %arg6[%get3A_569] {strides = array<i32>} : memref<2048xi32, #tpu.memory_space<vmem>>, vector<16xi32>,
    %swap3A_571 = arith.constant 64 : index
    %swap3A_572 = tpu.vector_load %arg7[%swap3A_571] {strides = array<i32>} : memref<128xi32, #tpu.memory_space<vmem>>, vector<16xi32>,
    tpu.vector_store %arg7[%swap3A_571], %get3A_570 {strides = array<i32>} : memref<128xi32, #tpu.memory_space<vmem>>, vector<16xi32>,
    %get3A_573 = arith.constant 1744 : index
    %get3A_574 = tpu.vector_load %arg6[%get3A_573] {strides = array<i32>} : memref<2048xi32, #tpu.memory_space<vmem>>, vector<16xi32>,
    %swap3A_575 = arith.constant 80 : index
    %swap3A_576 = tpu.vector_load %arg7[%swap3A_575] {strides = array<i32>} : memref<128xi32, #tpu.memory_space<vmem>>, vector<16xi32>,
    tpu.vector_store %arg7[%swap3A_575], %get3A_574 {strides = array<i32>} : memref<128xi32, #tpu.memory_space<vmem>>, vector<16xi32>,
    %get3A_577 = arith.constant 1760 : index
    %get3A_578 = tpu.vector_load %arg6[%get3A_577] {strides = array<i32>} : memref<2048xi32, #tpu.memory_space<vmem>>, vector<16xi32>,
    %swap3A_579 = arith.constant 96 : index
    %swap3A_580 = tpu.vector_load %arg7[%swap3A_579] {strides = array<i32>} : memref<128xi32, #tpu.memory_space<vmem>>, vector<16xi32>,
    tpu.vector_store %arg7[%swap3A_579], %get3A_578 {strides = array<i32>} : memref<128xi32, #tpu.memory_space<vmem>>, vector<16xi32>,
    %get3A_581 = arith.constant 1776 : index
    %get3A_582 = tpu.vector_load %arg6[%get3A_581] {strides = array<i32>} : memref<2048xi32, #tpu.memory_space<vmem>>, vector<16xi32>,
    %swap3A_583 = arith.constant 112 : index
    %swap3A_584 = tpu.vector_load %arg7[%swap3A_583] {strides = array<i32>} : memref<128xi32, #tpu.memory_space<vmem>>, vector<16xi32>,
    tpu.vector_store %arg7[%swap3A_583], %get3A_582 {strides = array<i32>} : memref<128xi32, #tpu.memory_space<vmem>>, vector<16xi32>,
    %dma_start3A_585 = arith.constant 0 : i32
    %dma_start3A_586 = arith.constant 0 : i32
    %dma_start3A_587 = tpu.memref_slice %arg3[%dma_start3A_585, %dma_start3A_586] : memref<4096x384xf32, #tpu.memory_space<hbm>> -> memref<4096x384xf32, #tpu.memory_space<hbm>>
    tpu.enqueue_indirect_dma source(%dma_start3A_587 : memref<4096x384xf32, #tpu.memory_space<hbm>>) target(%arg8 : memref<128x384xf32, #tpu.memory_space<vmem>>) offsets(%arg7 : memref<128xi32, #tpu.memory_space<vmem>>) semaphore(%arg9 : memref<!tpu.dma_semaphore, #tpu.memory_space<semaphore_mem>>)
    %dma_wait3A_588 = arith.constant 0 : i32
    %dma_wait3A_589 = arith.constant 0 : i32
    %dma_wait3A_590 = tpu.memref_slice %arg3[%dma_wait3A_588, %dma_wait3A_589] : memref<4096x384xf32, #tpu.memory_space<hbm>> -> memref<4096x384xf32, #tpu.memory_space<hbm>>
    tpu.wait_indirect_dma semaphore(%arg9 : memref<!tpu.dma_semaphore, #tpu.memory_space<semaphore_mem>>) src(%dma_wait3A_590 : memref<4096x384xf32, #tpu.memory_space<hbm>>) dst(%arg8 : memref<128x384xf32, #tpu.memory_space<vmem>>)
    %mul3A_591 = arith.constant 16 : i32
    %mul3A_592 = arith.muli %mul3A_2, %mul3A_591 : i32
    %add3A_593 = arith.constant 1664 : i32
    %add3A_594 = arith.addi %mul3A_592, %add3A_593 : i32
    "tpu.region"() ({
      %run_scoped3A = tpu.sem_alloc : memref<!tpu.dma_semaphore, #tpu.memory_space<semaphore_mem>>
      %dma_start3A_679 = arith.constant 0 : i32
      %dma_start3A_680 = tpu.memref_slice %arg4[%add3A_594, %dma_start3A_679] : memref<65536x384xf32, #tpu.memory_space<hbm>> -> memref<128x384xf32, #tpu.memory_space<hbm>>
      %dma_start3A_681 = arith.constant 0 : i32
      %dma_start3A_682 = tpu.memref_slice %arg4[%add3A_594, %dma_start3A_681] : memref<65536x384xf32, #tpu.memory_space<hbm>> -> memref<128x384xf32, #tpu.memory_space<hbm>>
      tpu.enqueue_dma source(%arg8 : memref<128x384xf32, #tpu.memory_space<vmem>>) target(%dma_start3A_682 : memref<128x384xf32, #tpu.memory_space<hbm>>) target_semaphore(%run_scoped3A : memref<!tpu.dma_semaphore, #tpu.memory_space<semaphore_mem>>)
      %dma_wait3A_683 = arith.constant 0 : i32
      %dma_wait3A_684 = tpu.memref_slice %arg4[%add3A_594, %dma_wait3A_683] : memref<65536x384xf32, #tpu.memory_space<hbm>> -> memref<128x384xf32, #tpu.memory_space<hbm>>
      %dma_wait3A_685 = arith.constant 0 : i32
      %dma_wait3A_686 = tpu.memref_slice %arg4[%add3A_594, %dma_wait3A_685] : memref<65536x384xf32, #tpu.memory_space<hbm>> -> memref<128x384xf32, #tpu.memory_space<hbm>>
      tpu.wait_dma2 semaphore(%run_scoped3A : memref<!tpu.dma_semaphore, #tpu.memory_space<semaphore_mem>>) src(%arg8 : memref<128x384xf32, #tpu.memory_space<vmem>>) dst(%dma_wait3A_686 : memref<128x384xf32, #tpu.memory_space<hbm>>)
      tpu.yield
    }) : () -> ()
    %get3A_595 = arith.constant 1792 : index
    %get3A_596 = tpu.vector_load %arg6[%get3A_595] {strides = array<i32>} : memref<2048xi32, #tpu.memory_space<vmem>>, vector<16xi32>,
    %swap3A_597 = arith.constant 0 : index
    %swap3A_598 = tpu.vector_load %arg7[%swap3A_597] {strides = array<i32>} : memref<128xi32, #tpu.memory_space<vmem>>, vector<16xi32>,
    tpu.vector_store %arg7[%swap3A_597], %get3A_596 {strides = array<i32>} : memref<128xi32, #tpu.memory_space<vmem>>, vector<16xi32>,
    %get3A_599 = arith.constant 1808 : index
    %get3A_600 = tpu.vector_load %arg6[%get3A_599] {strides = array<i32>} : memref<2048xi32, #tpu.memory_space<vmem>>, vector<16xi32>,
    %swap3A_601 = arith.constant 16 : index
    %swap3A_602 = tpu.vector_load %arg7[%swap3A_601] {strides = array<i32>} : memref<128xi32, #tpu.memory_space<vmem>>, vector<16xi32>,
    tpu.vector_store %arg7[%swap3A_601], %get3A_600 {strides = array<i32>} : memref<128xi32, #tpu.memory_space<vmem>>, vector<16xi32>,
    %get3A_603 = arith.constant 1824 : index
    %get3A_604 = tpu.vector_load %arg6[%get3A_603] {strides = array<i32>} : memref<2048xi32, #tpu.memory_space<vmem>>, vector<16xi32>,
    %swap3A_605 = arith.constant 32 : index
    %swap3A_606 = tpu.vector_load %arg7[%swap3A_605] {strides = array<i32>} : memref<128xi32, #tpu.memory_space<vmem>>, vector<16xi32>,
    tpu.vector_store %arg7[%swap3A_605], %get3A_604 {strides = array<i32>} : memref<128xi32, #tpu.memory_space<vmem>>, vector<16xi32>,
    %get3A_607 = arith.constant 1840 : index
    %get3A_608 = tpu.vector_load %arg6[%get3A_607] {strides = array<i32>} : memref<2048xi32, #tpu.memory_space<vmem>>, vector<16xi32>,
    %swap3A_609 = arith.constant 48 : index
    %swap3A_610 = tpu.vector_load %arg7[%swap3A_609] {strides = array<i32>} : memref<128xi32, #tpu.memory_space<vmem>>, vector<16xi32>,
    tpu.vector_store %arg7[%swap3A_609], %get3A_608 {strides = array<i32>} : memref<128xi32, #tpu.memory_space<vmem>>, vector<16xi32>,
    %get3A_611 = arith.constant 1856 : index
    %get3A_612 = tpu.vector_load %arg6[%get3A_611] {strides = array<i32>} : memref<2048xi32, #tpu.memory_space<vmem>>, vector<16xi32>,
    %swap3A_613 = arith.constant 64 : index
    %swap3A_614 = tpu.vector_load %arg7[%swap3A_613] {strides = array<i32>} : memref<128xi32, #tpu.memory_space<vmem>>, vector<16xi32>,
    tpu.vector_store %arg7[%swap3A_613], %get3A_612 {strides = array<i32>} : memref<128xi32, #tpu.memory_space<vmem>>, vector<16xi32>,
    %get3A_615 = arith.constant 1872 : index
    %get3A_616 = tpu.vector_load %arg6[%get3A_615] {strides = array<i32>} : memref<2048xi32, #tpu.memory_space<vmem>>, vector<16xi32>,
    %swap3A_617 = arith.constant 80 : index
    %swap3A_618 = tpu.vector_load %arg7[%swap3A_617] {strides = array<i32>} : memref<128xi32, #tpu.memory_space<vmem>>, vector<16xi32>,
    tpu.vector_store %arg7[%swap3A_617], %get3A_616 {strides = array<i32>} : memref<128xi32, #tpu.memory_space<vmem>>, vector<16xi32>,
    %get3A_619 = arith.constant 1888 : index
    %get3A_620 = tpu.vector_load %arg6[%get3A_619] {strides = array<i32>} : memref<2048xi32, #tpu.memory_space<vmem>>, vector<16xi32>,
    %swap3A_621 = arith.constant 96 : index
    %swap3A_622 = tpu.vector_load %arg7[%swap3A_621] {strides = array<i32>} : memref<128xi32, #tpu.memory_space<vmem>>, vector<16xi32>,
    tpu.vector_store %arg7[%swap3A_621], %get3A_620 {strides = array<i32>} : memref<128xi32, #tpu.memory_space<vmem>>, vector<16xi32>,
    %get3A_623 = arith.constant 1904 : index
    %get3A_624 = tpu.vector_load %arg6[%get3A_623] {strides = array<i32>} : memref<2048xi32, #tpu.memory_space<vmem>>, vector<16xi32>,
    %swap3A_625 = arith.constant 112 : index
    %swap3A_626 = tpu.vector_load %arg7[%swap3A_625] {strides = array<i32>} : memref<128xi32, #tpu.memory_space<vmem>>, vector<16xi32>,
    tpu.vector_store %arg7[%swap3A_625], %get3A_624 {strides = array<i32>} : memref<128xi32, #tpu.memory_space<vmem>>, vector<16xi32>,
    %dma_start3A_627 = arith.constant 0 : i32
    %dma_start3A_628 = arith.constant 0 : i32
    %dma_start3A_629 = tpu.memref_slice %arg3[%dma_start3A_627, %dma_start3A_628] : memref<4096x384xf32, #tpu.memory_space<hbm>> -> memref<4096x384xf32, #tpu.memory_space<hbm>>
    tpu.enqueue_indirect_dma source(%dma_start3A_629 : memref<4096x384xf32, #tpu.memory_space<hbm>>) target(%arg8 : memref<128x384xf32, #tpu.memory_space<vmem>>) offsets(%arg7 : memref<128xi32, #tpu.memory_space<vmem>>) semaphore(%arg9 : memref<!tpu.dma_semaphore, #tpu.memory_space<semaphore_mem>>)
    %dma_wait3A_630 = arith.constant 0 : i32
    %dma_wait3A_631 = arith.constant 0 : i32
    %dma_wait3A_632 = tpu.memref_slice %arg3[%dma_wait3A_630, %dma_wait3A_631] : memref<4096x384xf32, #tpu.memory_space<hbm>> -> memref<4096x384xf32, #tpu.memory_space<hbm>>
    tpu.wait_indirect_dma semaphore(%arg9 : memref<!tpu.dma_semaphore, #tpu.memory_space<semaphore_mem>>) src(%dma_wait3A_632 : memref<4096x384xf32, #tpu.memory_space<hbm>>) dst(%arg8 : memref<128x384xf32, #tpu.memory_space<vmem>>)
    %mul3A_633 = arith.constant 16 : i32
    %mul3A_634 = arith.muli %mul3A_2, %mul3A_633 : i32
    %add3A_635 = arith.constant 1792 : i32
    %add3A_636 = arith.addi %mul3A_634, %add3A_635 : i32
    "tpu.region"() ({
      %run_scoped3A = tpu.sem_alloc : memref<!tpu.dma_semaphore, #tpu.memory_space<semaphore_mem>>
      %dma_start3A_679 = arith.constant 0 : i32
      %dma_start3A_680 = tpu.memref_slice %arg4[%add3A_636, %dma_start3A_679] : memref<65536x384xf32, #tpu.memory_space<hbm>> -> memref<128x384xf32, #tpu.memory_space<hbm>>
      %dma_start3A_681 = arith.constant 0 : i32
      %dma_start3A_682 = tpu.memref_slice %arg4[%add3A_636, %dma_start3A_681] : memref<65536x384xf32, #tpu.memory_space<hbm>> -> memref<128x384xf32, #tpu.memory_space<hbm>>
      tpu.enqueue_dma source(%arg8 : memref<128x384xf32, #tpu.memory_space<vmem>>) target(%dma_start3A_682 : memref<128x384xf32, #tpu.memory_space<hbm>>) target_semaphore(%run_scoped3A : memref<!tpu.dma_semaphore, #tpu.memory_space<semaphore_mem>>)
      %dma_wait3A_683 = arith.constant 0 : i32
      %dma_wait3A_684 = tpu.memref_slice %arg4[%add3A_636, %dma_wait3A_683] : memref<65536x384xf32, #tpu.memory_space<hbm>> -> memref<128x384xf32, #tpu.memory_space<hbm>>
      %dma_wait3A_685 = arith.constant 0 : i32
      %dma_wait3A_686 = tpu.memref_slice %arg4[%add3A_636, %dma_wait3A_685] : memref<65536x384xf32, #tpu.memory_space<hbm>> -> memref<128x384xf32, #tpu.memory_space<hbm>>
      tpu.wait_dma2 semaphore(%run_scoped3A : memref<!tpu.dma_semaphore, #tpu.memory_space<semaphore_mem>>) src(%arg8 : memref<128x384xf32, #tpu.memory_space<vmem>>) dst(%dma_wait3A_686 : memref<128x384xf32, #tpu.memory_space<hbm>>)
      tpu.yield
    }) : () -> ()
    %get3A_637 = arith.constant 1920 : index
    %get3A_638 = tpu.vector_load %arg6[%get3A_637] {strides = array<i32>} : memref<2048xi32, #tpu.memory_space<vmem>>, vector<16xi32>,
    %swap3A_639 = arith.constant 0 : index
    %swap3A_640 = tpu.vector_load %arg7[%swap3A_639] {strides = array<i32>} : memref<128xi32, #tpu.memory_space<vmem>>, vector<16xi32>,
    tpu.vector_store %arg7[%swap3A_639], %get3A_638 {strides = array<i32>} : memref<128xi32, #tpu.memory_space<vmem>>, vector<16xi32>,
    %get3A_641 = arith.constant 1936 : index
    %get3A_642 = tpu.vector_load %arg6[%get3A_641] {strides = array<i32>} : memref<2048xi32, #tpu.memory_space<vmem>>, vector<16xi32>,
    %swap3A_643 = arith.constant 16 : index
    %swap3A_644 = tpu.vector_load %arg7[%swap3A_643] {strides = array<i32>} : memref<128xi32, #tpu.memory_space<vmem>>, vector<16xi32>,
    tpu.vector_store %arg7[%swap3A_643], %get3A_642 {strides = array<i32>} : memref<128xi32, #tpu.memory_space<vmem>>, vector<16xi32>,
    %get3A_645 = arith.constant 1952 : index
    %get3A_646 = tpu.vector_load %arg6[%get3A_645] {strides = array<i32>} : memref<2048xi32, #tpu.memory_space<vmem>>, vector<16xi32>,
    %swap3A_647 = arith.constant 32 : index
    %swap3A_648 = tpu.vector_load %arg7[%swap3A_647] {strides = array<i32>} : memref<128xi32, #tpu.memory_space<vmem>>, vector<16xi32>,
    tpu.vector_store %arg7[%swap3A_647], %get3A_646 {strides = array<i32>} : memref<128xi32, #tpu.memory_space<vmem>>, vector<16xi32>,
    %get3A_649 = arith.constant 1968 : index
    %get3A_650 = tpu.vector_load %arg6[%get3A_649] {strides = array<i32>} : memref<2048xi32, #tpu.memory_space<vmem>>, vector<16xi32>,
    %swap3A_651 = arith.constant 48 : index
    %swap3A_652 = tpu.vector_load %arg7[%swap3A_651] {strides = array<i32>} : memref<128xi32, #tpu.memory_space<vmem>>, vector<16xi32>,
    tpu.vector_store %arg7[%swap3A_651], %get3A_650 {strides = array<i32>} : memref<128xi32, #tpu.memory_space<vmem>>, vector<16xi32>,
    %get3A_653 = arith.constant 1984 : index
    %get3A_654 = tpu.vector_load %arg6[%get3A_653] {strides = array<i32>} : memref<2048xi32, #tpu.memory_space<vmem>>, vector<16xi32>,
    %swap3A_655 = arith.constant 64 : index
    %swap3A_656 = tpu.vector_load %arg7[%swap3A_655] {strides = array<i32>} : memref<128xi32, #tpu.memory_space<vmem>>, vector<16xi32>,
    tpu.vector_store %arg7[%swap3A_655], %get3A_654 {strides = array<i32>} : memref<128xi32, #tpu.memory_space<vmem>>, vector<16xi32>,
    %get3A_657 = arith.constant 2000 : index
    %get3A_658 = tpu.vector_load %arg6[%get3A_657] {strides = array<i32>} : memref<2048xi32, #tpu.memory_space<vmem>>, vector<16xi32>,
    %swap3A_659 = arith.constant 80 : index
    %swap3A_660 = tpu.vector_load %arg7[%swap3A_659] {strides = array<i32>} : memref<128xi32, #tpu.memory_space<vmem>>, vector<16xi32>,
    tpu.vector_store %arg7[%swap3A_659], %get3A_658 {strides = array<i32>} : memref<128xi32, #tpu.memory_space<vmem>>, vector<16xi32>,
    %get3A_661 = arith.constant 2016 : index
    %get3A_662 = tpu.vector_load %arg6[%get3A_661] {strides = array<i32>} : memref<2048xi32, #tpu.memory_space<vmem>>, vector<16xi32>,
    %swap3A_663 = arith.constant 96 : index
    %swap3A_664 = tpu.vector_load %arg7[%swap3A_663] {strides = array<i32>} : memref<128xi32, #tpu.memory_space<vmem>>, vector<16xi32>,
    tpu.vector_store %arg7[%swap3A_663], %get3A_662 {strides = array<i32>} : memref<128xi32, #tpu.memory_space<vmem>>, vector<16xi32>,
    %get3A_665 = arith.constant 2032 : index
    %get3A_666 = tpu.vector_load %arg6[%get3A_665] {strides = array<i32>} : memref<2048xi32, #tpu.memory_space<vmem>>, vector<16xi32>,
    %swap3A_667 = arith.constant 112 : index
    %swap3A_668 = tpu.vector_load %arg7[%swap3A_667] {strides = array<i32>} : memref<128xi32, #tpu.memory_space<vmem>>, vector<16xi32>,
    tpu.vector_store %arg7[%swap3A_667], %get3A_666 {strides = array<i32>} : memref<128xi32, #tpu.memory_space<vmem>>, vector<16xi32>,
    %dma_start3A_669 = arith.constant 0 : i32
    %dma_start3A_670 = arith.constant 0 : i32
    %dma_start3A_671 = tpu.memref_slice %arg3[%dma_start3A_669, %dma_start3A_670] : memref<4096x384xf32, #tpu.memory_space<hbm>> -> memref<4096x384xf32, #tpu.memory_space<hbm>>
    tpu.enqueue_indirect_dma source(%dma_start3A_671 : memref<4096x384xf32, #tpu.memory_space<hbm>>) target(%arg8 : memref<128x384xf32, #tpu.memory_space<vmem>>) offsets(%arg7 : memref<128xi32, #tpu.memory_space<vmem>>) semaphore(%arg9 : memref<!tpu.dma_semaphore, #tpu.memory_space<semaphore_mem>>)
    %dma_wait3A_672 = arith.constant 0 : i32
    %dma_wait3A_673 = arith.constant 0 : i32
    %dma_wait3A_674 = tpu.memref_slice %arg3[%dma_wait3A_672, %dma_wait3A_673] : memref<4096x384xf32, #tpu.memory_space<hbm>> -> memref<4096x384xf32, #tpu.memory_space<hbm>>
    tpu.wait_indirect_dma semaphore(%arg9 : memref<!tpu.dma_semaphore, #tpu.memory_space<semaphore_mem>>) src(%dma_wait3A_674 : memref<4096x384xf32, #tpu.memory_space<hbm>>) dst(%arg8 : memref<128x384xf32, #tpu.memory_space<vmem>>)
    %mul3A_675 = arith.constant 16 : i32
    %mul3A_676 = arith.muli %mul3A_2, %mul3A_675 : i32
    %add3A_677 = arith.constant 1920 : i32
    %add3A_678 = arith.addi %mul3A_676, %add3A_677 : i32
    "tpu.region"() ({
      %run_scoped3A = tpu.sem_alloc : memref<!tpu.dma_semaphore, #tpu.memory_space<semaphore_mem>>
      %dma_start3A_679 = arith.constant 0 : i32
      %dma_start3A_680 = tpu.memref_slice %arg4[%add3A_678, %dma_start3A_679] : memref<65536x384xf32, #tpu.memory_space<hbm>> -> memref<128x384xf32, #tpu.memory_space<hbm>>
      %dma_start3A_681 = arith.constant 0 : i32
      %dma_start3A_682 = tpu.memref_slice %arg4[%add3A_678, %dma_start3A_681] : memref<65536x384xf32, #tpu.memory_space<hbm>> -> memref<128x384xf32, #tpu.memory_space<hbm>>
      tpu.enqueue_dma source(%arg8 : memref<128x384xf32, #tpu.memory_space<vmem>>) target(%dma_start3A_682 : memref<128x384xf32, #tpu.memory_space<hbm>>) target_semaphore(%run_scoped3A : memref<!tpu.dma_semaphore, #tpu.memory_space<semaphore_mem>>)
      %dma_wait3A_683 = arith.constant 0 : i32
      %dma_wait3A_684 = tpu.memref_slice %arg4[%add3A_678, %dma_wait3A_683] : memref<65536x384xf32, #tpu.memory_space<hbm>> -> memref<128x384xf32, #tpu.memory_space<hbm>>
      %dma_wait3A_685 = arith.constant 0 : i32
      %dma_wait3A_686 = tpu.memref_slice %arg4[%add3A_678, %dma_wait3A_685] : memref<65536x384xf32, #tpu.memory_space<hbm>> -> memref<128x384xf32, #tpu.memory_space<hbm>>
      tpu.wait_dma2 semaphore(%run_scoped3A : memref<!tpu.dma_semaphore, #tpu.memory_space<semaphore_mem>>) src(%arg8 : memref<128x384xf32, #tpu.memory_space<vmem>>) dst(%dma_wait3A_686 : memref<128x384xf32, #tpu.memory_space<hbm>>)
      tpu.yield
    }) : () -> ()
    return
  }
}

module attributes {stable_mosaic.version = 14 : i64} {
  func.func @_proj_body(%arg0: i32, %arg1: memref<256x8xf32, #tpu.memory_space<vmem>>, %arg2: memref<8x4096xf32, #tpu.memory_space<vmem>>, %arg3: memref<256x128xf32, #tpu.memory_space<vmem>>, %arg4: memref<128x128xf32, #tpu.memory_space<vmem>>, %arg5: memref<1x128xf32, #tpu.memory_space<vmem>>, %arg6: memref<128x128xf32, #tpu.memory_space<vmem>>, %arg7: memref<1x128xf32, #tpu.memory_space<vmem>>, %arg8: memref<128x128xf32, #tpu.memory_space<vmem>>, %arg9: memref<1x128xf32, #tpu.memory_space<vmem>>, %arg10: memref<256x128xf32, #tpu.memory_space<vmem>>, %arg11: memref<256x384xf32, #tpu.memory_space<vmem>>, %arg12: memref<256x4096xf32, #tpu.memory_space<vmem>>) attributes {dimension_semantics = [#tpu.dimension_semantics<arbitrary>], iteration_bounds = array<i64: 16>, scalar_prefetch = 0 : i64, scratch_operands = 0 : i64, tpu.core_type = #tpu.core_type<tc>, window_params = [{transform_indices = @transform_0, window_bounds = array<i64: 256, 8>}, {pipeline_mode = #tpu.pipeline_mode<synchronous>, transform_indices = @transform_1, window_bounds = array<i64: 8, 4096>}, {transform_indices = @transform_2, window_bounds = array<i64: 256, 128>}, {pipeline_mode = #tpu.pipeline_mode<synchronous>, transform_indices = @transform_3, window_bounds = array<i64: 128, 128>}, {pipeline_mode = #tpu.pipeline_mode<synchronous>, transform_indices = @transform_4, window_bounds = array<i64: 1, 128>}, {pipeline_mode = #tpu.pipeline_mode<synchronous>, transform_indices = @transform_5, window_bounds = array<i64: 128, 128>}, {pipeline_mode = #tpu.pipeline_mode<synchronous>, transform_indices = @transform_6, window_bounds = array<i64: 1, 128>}, {pipeline_mode = #tpu.pipeline_mode<synchronous>, transform_indices = @transform_7, window_bounds = array<i64: 128, 128>}, {pipeline_mode = #tpu.pipeline_mode<synchronous>, transform_indices = @transform_8, window_bounds = array<i64: 1, 128>}, {transform_indices = @transform_9, window_bounds = array<i64: 256, 128>}, {transform_indices = @transform_10, window_bounds = array<i64: 256, 384>}, {transform_indices = @transform_11, window_bounds = array<i64: 256, 4096>}]} {
    %get3A = arith.constant 0 : index
    %get3A_0 = arith.constant 0 : index
    %get3A_1 = vector.load %arg3[%get3A, %get3A_0] : memref<256x128xf32, #tpu.memory_space<vmem>>, vector<256x128xf32>
    %get3A_2 = arith.constant 0 : index
    %get3A_3 = arith.constant 0 : index
    %get3A_4 = vector.load %arg4[%get3A_2, %get3A_3] : memref<128x128xf32, #tpu.memory_space<vmem>>, vector<128x128xf32>
    %dot_general3A = arith.constant dense<0.000000e+00> : vector<256x128xf32>
    %dot_general3A_5 = tpu.matmul %get3A_1, %get3A_4, %dot_general3A {dimension_numbers = #tpu.dot_dimension_numbers<[1], [0], [0], [1], [0, 0, 1, 1], [], []>, transpose_lhs_hint = false} : vector<256x128xf32>, vector<128x128xf32>, vector<256x128xf32> -> vector<256x128xf32>
    %get3A_6 = arith.constant 0 : index
    %get3A_7 = arith.constant 0 : index
    %get3A_8 = vector.load %arg5[%get3A_6, %get3A_7] : memref<1x128xf32, #tpu.memory_space<vmem>>, vector<1x128xf32>
    %add3A = vector.broadcast %get3A_8 : vector<1x128xf32> to vector<256x128xf32>
    %add3A_9 = arith.addf %dot_general3A_5, %add3A : vector<256x128xf32>
    %swap3A = arith.constant 0 : index
    %swap3A_10 = arith.constant 0 : index
    %swap3A_11 = vector.load %arg10[%swap3A, %swap3A_10] : memref<256x128xf32, #tpu.memory_space<vmem>>, vector<256x128xf32>
    tpu.vector_store %arg10[%swap3A, %swap3A_10], %add3A_9 {strides = array<i32>} : memref<256x128xf32, #tpu.memory_space<vmem>>, vector<256x128xf32>,
    %get3A_12 = arith.constant 0 : index
    %get3A_13 = arith.constant 0 : index
    %get3A_14 = vector.load %arg6[%get3A_12, %get3A_13] : memref<128x128xf32, #tpu.memory_space<vmem>>, vector<128x128xf32>
    %dot_general3A_15 = arith.constant dense<0.000000e+00> : vector<256x128xf32>
    %dot_general3A_16 = tpu.matmul %get3A_1, %get3A_14, %dot_general3A_15 {dimension_numbers = #tpu.dot_dimension_numbers<[1], [0], [0], [1], [0, 0, 1, 1], [], []>, transpose_lhs_hint = false} : vector<256x128xf32>, vector<128x128xf32>, vector<256x128xf32> -> vector<256x128xf32>
    %get3A_17 = arith.constant 0 : index
    %get3A_18 = arith.constant 0 : index
    %get3A_19 = vector.load %arg7[%get3A_17, %get3A_18] : memref<1x128xf32, #tpu.memory_space<vmem>>, vector<1x128xf32>
    %add3A_20 = vector.broadcast %get3A_19 : vector<1x128xf32> to vector<256x128xf32>
    %add3A_21 = arith.addf %dot_general3A_16, %add3A_20 : vector<256x128xf32>
    %get3A_22 = arith.constant 0 : index
    %get3A_23 = arith.constant 0 : index
    %get3A_24 = vector.load %arg8[%get3A_22, %get3A_23] : memref<128x128xf32, #tpu.memory_space<vmem>>, vector<128x128xf32>
    %dot_general3A_25 = arith.constant dense<0.000000e+00> : vector<256x128xf32>
    %dot_general3A_26 = tpu.matmul %get3A_1, %get3A_24, %dot_general3A_25 {dimension_numbers = #tpu.dot_dimension_numbers<[1], [0], [0], [1], [0, 0, 1, 1], [], []>, transpose_lhs_hint = false} : vector<256x128xf32>, vector<128x128xf32>, vector<256x128xf32> -> vector<256x128xf32>
    %get3A_27 = arith.constant 0 : index
    %get3A_28 = arith.constant 0 : index
    %get3A_29 = vector.load %arg9[%get3A_27, %get3A_28] : memref<1x128xf32, #tpu.memory_space<vmem>>, vector<1x128xf32>
    %add3A_30 = vector.broadcast %get3A_29 : vector<1x128xf32> to vector<256x128xf32>
    %add3A_31 = arith.addf %dot_general3A_26, %add3A_30 : vector<256x128xf32>
    %get3A_32 = arith.constant 0 : index
    %get3A_33 = arith.constant 0 : index
    %get3A_34 = vector.load %arg1[%get3A_32, %get3A_33] : memref<256x8xf32, #tpu.memory_space<vmem>>, vector<256x8xf32>
    %get3A_35 = arith.constant 0 : index
    %get3A_36 = arith.constant 0 : index
    %get3A_37 = vector.load %arg2[%get3A_35, %get3A_36] : memref<8x4096xf32, #tpu.memory_space<vmem>>, vector<8x4096xf32>
    %broadcast_in_dim3A = arith.constant 0.000000e+00 : f32
    %broadcast_in_dim3A_38 = vector.broadcast %broadcast_in_dim3A : f32 to vector<256x120xf32>
    %concatenate3A = tpu.concatenate %add3A_21, %add3A_31, %get3A_34, %broadcast_in_dim3A_38 in 1 : vector<256x128xf32>, vector<256x128xf32>, vector<256x8xf32>, vector<256x120xf32> -> vector<256x384xf32>
    %swap3A_39 = arith.constant 0 : index
    %swap3A_40 = arith.constant 0 : index
    %swap3A_41 = vector.load %arg11[%swap3A_39, %swap3A_40] : memref<256x384xf32, #tpu.memory_space<vmem>>, vector<256x384xf32>
    tpu.vector_store %arg11[%swap3A_39, %swap3A_40], %concatenate3A {strides = array<i32>} : memref<256x384xf32, #tpu.memory_space<vmem>>, vector<256x384xf32>,
    %mul3A = arith.mulf %get3A_34, %get3A_34 : vector<256x8xf32>
    %reduce_sum3A = arith.constant dense<0.000000e+00> : vector<256xf32>
    %reduce_sum3A_42 = vector.multi_reduction <add>, %mul3A, %reduce_sum3A [1] : vector<256x8xf32> to vector<256xf32>
    %broadcast_in_dim3A_43 = vector.shape_cast %reduce_sum3A_42 : vector<256xf32> to vector<256x1xf32>
    %mul3A_44 = arith.mulf %get3A_37, %get3A_37 : vector<8x4096xf32>
    %reduce_sum3A_45 = arith.constant dense<0.000000e+00> : vector<4096xf32>
    %reduce_sum3A_46 = vector.multi_reduction <add>, %mul3A_44, %reduce_sum3A_45 [0] : vector<8x4096xf32> to vector<4096xf32>
    %broadcast_in_dim3A_47 = vector.shape_cast %reduce_sum3A_46 : vector<4096xf32> to vector<1x4096xf32>
    %add3A_48 = vector.broadcast %broadcast_in_dim3A_43 : vector<256x1xf32> to vector<256x4096xf32>
    %add3A_49 = vector.broadcast %broadcast_in_dim3A_47 : vector<1x4096xf32> to vector<256x4096xf32>
    %add3A_50 = arith.addf %add3A_48, %add3A_49 : vector<256x4096xf32>
    %dot_general3A_51 = arith.constant dense<0.000000e+00> : vector<256x4096xf32>
    %dot_general3A_52 = tpu.matmul %get3A_34, %get3A_37, %dot_general3A_51 {dimension_numbers = #tpu.dot_dimension_numbers<[1], [0], [0], [1], [0, 0, 1, 1], [], []>, transpose_lhs_hint = false} : vector<256x8xf32>, vector<8x4096xf32>, vector<256x4096xf32> -> vector<256x4096xf32>
    %mul3A_53 = arith.constant 2.000000e+00 : f32
    %mul3A_54 = vector.broadcast %mul3A_53 : f32 to vector<256x4096xf32>
    %mul3A_55 = arith.mulf %mul3A_54, %dot_general3A_52 : vector<256x4096xf32>
    %sub3A = arith.subf %add3A_50, %mul3A_55 : vector<256x4096xf32>
    %swap3A_56 = arith.constant 0 : index
    %swap3A_57 = arith.constant 0 : index
    %swap3A_58 = vector.load %arg12[%swap3A_56, %swap3A_57] : memref<256x4096xf32, #tpu.memory_space<vmem>>, vector<256x4096xf32>
    tpu.vector_store %arg12[%swap3A_56, %swap3A_57], %sub3A {strides = array<i32>} : memref<256x4096xf32, #tpu.memory_space<vmem>>, vector<256x4096xf32>,
    return
  }
  func.func @transform_0(%arg0: i32) -> (i32, i32) {
    %c0_i32 = arith.constant 0 : i32
    %c0_i32_0 = arith.constant 0 : i32
    return %arg0, %c0_i32 : i32, i32
  }
  func.func @transform_1(%arg0: i32) -> (i32, i32) {
    %c0_i32 = arith.constant 0 : i32
    %c0_i32_0 = arith.constant 0 : i32
    %c0_i32_1 = arith.constant 0 : i32
    return %c0_i32, %c0_i32_0 : i32, i32
  }
  func.func @transform_2(%arg0: i32) -> (i32, i32) {
    %c0_i32 = arith.constant 0 : i32
    %c0_i32_0 = arith.constant 0 : i32
    return %arg0, %c0_i32 : i32, i32
  }
  func.func @transform_3(%arg0: i32) -> (i32, i32) {
    %c0_i32 = arith.constant 0 : i32
    %c0_i32_0 = arith.constant 0 : i32
    %c0_i32_1 = arith.constant 0 : i32
    return %c0_i32, %c0_i32_0 : i32, i32
  }
  func.func @transform_4(%arg0: i32) -> (i32, i32) {
    %c0_i32 = arith.constant 0 : i32
    %c0_i32_0 = arith.constant 0 : i32
    %c0_i32_1 = arith.constant 0 : i32
    return %c0_i32, %c0_i32_0 : i32, i32
  }
  func.func @transform_5(%arg0: i32) -> (i32, i32) {
    %c0_i32 = arith.constant 0 : i32
    %c0_i32_0 = arith.constant 0 : i32
    %c0_i32_1 = arith.constant 0 : i32
    return %c0_i32, %c0_i32_0 : i32, i32
  }
  func.func @transform_6(%arg0: i32) -> (i32, i32) {
    %c0_i32 = arith.constant 0 : i32
    %c0_i32_0 = arith.constant 0 : i32
    %c0_i32_1 = arith.constant 0 : i32
    return %c0_i32, %c0_i32_0 : i32, i32
  }
  func.func @transform_7(%arg0: i32) -> (i32, i32) {
    %c0_i32 = arith.constant 0 : i32
    %c0_i32_0 = arith.constant 0 : i32
    %c0_i32_1 = arith.constant 0 : i32
    return %c0_i32, %c0_i32_0 : i32, i32
  }
  func.func @transform_8(%arg0: i32) -> (i32, i32) {
    %c0_i32 = arith.constant 0 : i32
    %c0_i32_0 = arith.constant 0 : i32
    %c0_i32_1 = arith.constant 0 : i32
    return %c0_i32, %c0_i32_0 : i32, i32
  }
  func.func @transform_9(%arg0: i32) -> (i32, i32) {
    %c0_i32 = arith.constant 0 : i32
    %c0_i32_0 = arith.constant 0 : i32
    return %arg0, %c0_i32 : i32, i32
  }
  func.func @transform_10(%arg0: i32) -> (i32, i32) {
    %c0_i32 = arith.constant 0 : i32
    %c0_i32_0 = arith.constant 0 : i32
    return %arg0, %c0_i32 : i32, i32
  }
  func.func @transform_11(%arg0: i32) -> (i32, i32) {
    %c0_i32 = arith.constant 0 : i32
    %c0_i32_0 = arith.constant 0 : i32
    return %arg0, %c0_i32 : i32, i32
  }
}

module attributes {stable_mosaic.version = 14 : i64} {
  func.func @_attn_body(%arg0: i32, %arg1: memref<256x128xf32, #tpu.memory_space<vmem>>, %arg2: memref<256x16xf32, #tpu.memory_space<vmem>>, %arg3: memref<4096x384xf32, #tpu.memory_space<vmem>>, %arg4: memref<16x16xf32, #tpu.memory_space<vmem>>, %arg5: memref<1x16xf32, #tpu.memory_space<vmem>>, %arg6: memref<1x16xf32, #tpu.memory_space<vmem>>, %arg7: memref<1x16xf32, #tpu.memory_space<vmem>>, %arg8: memref<16x128xf32, #tpu.memory_space<vmem>>, %arg9: memref<1x128xf32, #tpu.memory_space<vmem>>, %arg10: memref<128x128xf32, #tpu.memory_space<vmem>>, %arg11: memref<1x128xf32, #tpu.memory_space<vmem>>, %arg12: memref<1x128xf32, #tpu.memory_space<vmem>>, %arg13: memref<128x128xf32, #tpu.memory_space<vmem>>, %arg14: memref<1x128xf32, #tpu.memory_space<vmem>>, %arg15: memref<1x128xf32, #tpu.memory_space<vmem>>, %arg16: memref<1x128xf32, #tpu.memory_space<vmem>>, %arg17: memref<128x128xf32, #tpu.memory_space<vmem>>, %arg18: memref<1x128xf32, #tpu.memory_space<vmem>>, %arg19: memref<256x128xf32, #tpu.memory_space<vmem>>) attributes {dimension_semantics = [#tpu.dimension_semantics<arbitrary>], iteration_bounds = array<i64: 16>, scalar_prefetch = 0 : i64, scratch_operands = 0 : i64, tpu.core_type = #tpu.core_type<tc>, window_params = [{transform_indices = @transform_0, window_bounds = array<i64: 256, 128>}, {transform_indices = @transform_1, window_bounds = array<i64: 256, 16>}, {transform_indices = @transform_2, window_bounds = array<i64: 4096, 384>}, {pipeline_mode = #tpu.pipeline_mode<synchronous>, transform_indices = @transform_3, window_bounds = array<i64: 16, 16>}, {pipeline_mode = #tpu.pipeline_mode<synchronous>, transform_indices = @transform_4, window_bounds = array<i64: 1, 16>}, {pipeline_mode = #tpu.pipeline_mode<synchronous>, transform_indices = @transform_5, window_bounds = array<i64: 1, 16>}, {pipeline_mode = #tpu.pipeline_mode<synchronous>, transform_indices = @transform_6, window_bounds = array<i64: 1, 16>}, {pipeline_mode = #tpu.pipeline_mode<synchronous>, transform_indices = @transform_7, window_bounds = array<i64: 16, 128>}, {pipeline_mode = #tpu.pipeline_mode<synchronous>, transform_indices = @transform_8, window_bounds = array<i64: 1, 128>}, {pipeline_mode = #tpu.pipeline_mode<synchronous>, transform_indices = @transform_9, window_bounds = array<i64: 128, 128>}, {pipeline_mode = #tpu.pipeline_mode<synchronous>, transform_indices = @transform_10, window_bounds = array<i64: 1, 128>}, {pipeline_mode = #tpu.pipeline_mode<synchronous>, transform_indices = @transform_11, window_bounds = array<i64: 1, 128>}, {pipeline_mode = #tpu.pipeline_mode<synchronous>, transform_indices = @transform_12, window_bounds = array<i64: 128, 128>}, {pipeline_mode = #tpu.pipeline_mode<synchronous>, transform_indices = @transform_13, window_bounds = array<i64: 1, 128>}, {pipeline_mode = #tpu.pipeline_mode<synchronous>, transform_indices = @transform_14, window_bounds = array<i64: 1, 128>}, {pipeline_mode = #tpu.pipeline_mode<synchronous>, transform_indices = @transform_15, window_bounds = array<i64: 1, 128>}, {pipeline_mode = #tpu.pipeline_mode<synchronous>, transform_indices = @transform_16, window_bounds = array<i64: 128, 128>}, {pipeline_mode = #tpu.pipeline_mode<synchronous>, transform_indices = @transform_17, window_bounds = array<i64: 1, 128>}, {transform_indices = @transform_18, window_bounds = array<i64: 256, 128>}]} {
    %get3A = arith.constant 0 : index
    %get3A_0 = arith.constant 0 : index
    %get3A_1 = vector.load %arg1[%get3A, %get3A_0] : memref<256x128xf32, #tpu.memory_space<vmem>>, vector<256x128xf32>
    %get3A_2 = arith.constant 0 : index
    %get3A_3 = arith.constant 0 : index
    %get3A_4 = vector.load %arg2[%get3A_2, %get3A_3] : memref<256x16xf32, #tpu.memory_space<vmem>>, vector<256x16xf32>
    %get3A_5 = arith.constant 0 : index
    %get3A_6 = arith.constant 0 : index
    %get3A_7 = vector.load %arg3[%get3A_5, %get3A_6] : memref<4096x384xf32, #tpu.memory_space<vmem>>, vector<4096x384xf32>
    %slice3A = vector.extract_strided_slice %get3A_7 {offsets = [0, 0], sizes = [4096, 128], strides = [1, 1]} : vector<4096x384xf32> to vector<4096x128xf32>
    %slice3A_8 = vector.extract_strided_slice %get3A_7 {offsets = [0, 128], sizes = [4096, 128], strides = [1, 1]} : vector<4096x384xf32> to vector<4096x128xf32>
    %slice3A_9 = vector.extract_strided_slice %get3A_7 {offsets = [0, 256], sizes = [4096, 16], strides = [1, 1]} : vector<4096x384xf32> to vector<4096x16xf32>
    %broadcast_in_dim3A = vector.shape_cast %get3A_4 : vector<256x16xf32> to vector<256x1x16xf32>
    %broadcast_in_dim3A_10 = vector.shape_cast %broadcast_in_dim3A : vector<256x1x16xf32> to vector<256x1x16xf32>
    %broadcast_in_dim3A_11 = vector.broadcast %broadcast_in_dim3A_10 : vector<256x1x16xf32> to vector<256x16x16xf32>
    %reshape3A = vector.shape_cast %broadcast_in_dim3A_11 : vector<256x16x16xf32> to vector<4096x16xf32>
    %sub3A = arith.subf %slice3A_9, %reshape3A : vector<4096x16xf32>
    %get3A_12 = arith.constant 0 : index
    %get3A_13 = arith.constant 0 : index
    %get3A_14 = vector.load %arg4[%get3A_12, %get3A_13] : memref<16x16xf32, #tpu.memory_space<vmem>>, vector<16x16xf32>
    %dot_general3A = arith.constant dense<0.000000e+00> : vector<4096x16xf32>
    %dot_general3A_15 = tpu.matmul %sub3A, %get3A_14, %dot_general3A {dimension_numbers = #tpu.dot_dimension_numbers<[1], [0], [0], [1], [0, 0, 1, 1], [], []>, transpose_lhs_hint = false} : vector<4096x16xf32>, vector<16x16xf32>, vector<4096x16xf32> -> vector<4096x16xf32>
    %get3A_16 = arith.constant 0 : index
    %get3A_17 = arith.constant 0 : index
    %get3A_18 = vector.load %arg5[%get3A_16, %get3A_17] : memref<1x16xf32, #tpu.memory_space<vmem>>, vector<1x16xf32>
    %add3A = vector.broadcast %get3A_18 : vector<1x16xf32> to vector<4096x16xf32>
    %add3A_19 = arith.addf %dot_general3A_15, %add3A : vector<4096x16xf32>
    %reduce_sum3A = arith.constant dense<0.000000e+00> : vector<4096xf32>
    %reduce_sum3A_20 = vector.multi_reduction <add>, %add3A_19, %reduce_sum3A [1] : vector<4096x16xf32> to vector<4096xf32>
    %broadcast_in_dim3A_21 = vector.shape_cast %reduce_sum3A_20 : vector<4096xf32> to vector<4096x1xf32>
    %mul3A = arith.constant 0.333333343 : f32
    %mul3A_22 = vector.broadcast %mul3A : f32 to vector<4096x1xf32>
    %mul3A_23 = arith.mulf %broadcast_in_dim3A_21, %mul3A_22 : vector<4096x1xf32>
    %iota3A = tpu.iota {dimensions = array<i32: 1>} : vector<1x16xi32>
    %lt3A = arith.constant 3 : i32
    %lt3A_24 = vector.broadcast %lt3A : i32 to vector<1x16xi32>
    %lt3A_25 = arith.cmpi slt, %iota3A, %lt3A_24 : vector<1x16xi32>
    %convert_element_type3A = arith.extui %lt3A_25 : vector<1x16xi1> to vector<1x16xi32>
    %convert_element_type3A_26 = arith.sitofp %convert_element_type3A : vector<1x16xi32> to vector<1x16xf32>
    %sub3A_27 = vector.broadcast %mul3A_23 : vector<4096x1xf32> to vector<4096x16xf32>
    %sub3A_28 = arith.subf %add3A_19, %sub3A_27 : vector<4096x16xf32>
    %mul3A_29 = vector.broadcast %convert_element_type3A_26 : vector<1x16xf32> to vector<4096x16xf32>
    %mul3A_30 = arith.mulf %sub3A_28, %mul3A_29 : vector<4096x16xf32>
    %mul3A_31 = arith.mulf %mul3A_30, %mul3A_30 : vector<4096x16xf32>
    %reduce_sum3A_32 = arith.constant dense<0.000000e+00> : vector<4096xf32>
    %reduce_sum3A_33 = vector.multi_reduction <add>, %mul3A_31, %reduce_sum3A_32 [1] : vector<4096x16xf32> to vector<4096xf32>
    %broadcast_in_dim3A_34 = vector.shape_cast %reduce_sum3A_33 : vector<4096xf32> to vector<4096x1xf32>
    %mul3A_35 = arith.constant 0.333333343 : f32
    %mul3A_36 = vector.broadcast %mul3A_35 : f32 to vector<4096x1xf32>
    %mul3A_37 = arith.mulf %broadcast_in_dim3A_34, %mul3A_36 : vector<4096x1xf32>
    %add3A_38 = arith.constant 9.99999974E-6 : f32
    %add3A_39 = vector.broadcast %add3A_38 : f32 to vector<4096x1xf32>
    %add3A_40 = arith.addf %mul3A_37, %add3A_39 : vector<4096x1xf32>
    %rsqrt3A = math.rsqrt %add3A_40 : vector<4096x1xf32>
    %mul3A_41 = vector.broadcast %rsqrt3A : vector<4096x1xf32> to vector<4096x16xf32>
    %mul3A_42 = arith.mulf %mul3A_30, %mul3A_41 : vector<4096x16xf32>
    %get3A_43 = arith.constant 0 : index
    %get3A_44 = arith.constant 0 : index
    %get3A_45 = vector.load %arg6[%get3A_43, %get3A_44] : memref<1x16xf32, #tpu.memory_space<vmem>>, vector<1x16xf32>
    %mul3A_46 = vector.broadcast %get3A_45 : vector<1x16xf32> to vector<4096x16xf32>
    %mul3A_47 = arith.mulf %mul3A_42, %mul3A_46 : vector<4096x16xf32>
    %get3A_48 = arith.constant 0 : index
    %get3A_49 = arith.constant 0 : index
    %get3A_50 = vector.load %arg7[%get3A_48, %get3A_49] : memref<1x16xf32, #tpu.memory_space<vmem>>, vector<1x16xf32>
    %add3A_51 = vector.broadcast %get3A_50 : vector<1x16xf32> to vector<4096x16xf32>
    %add3A_52 = arith.addf %mul3A_47, %add3A_51 : vector<4096x16xf32>
    %max3A = arith.constant 0.000000e+00 : f32
    %max3A_53 = vector.broadcast %max3A : f32 to vector<4096x16xf32>
    %max3A_54 = arith.maximumf %add3A_52, %max3A_53 : vector<4096x16xf32>
    %get3A_55 = arith.constant 0 : index
    %get3A_56 = arith.constant 0 : index
    %get3A_57 = vector.load %arg8[%get3A_55, %get3A_56] : memref<16x128xf32, #tpu.memory_space<vmem>>, vector<16x128xf32>
    %dot_general3A_58 = arith.constant dense<0.000000e+00> : vector<4096x128xf32>
    %dot_general3A_59 = tpu.matmul %max3A_54, %get3A_57, %dot_general3A_58 {dimension_numbers = #tpu.dot_dimension_numbers<[1], [0], [0], [1], [0, 0, 1, 1], [], []>, transpose_lhs_hint = false} : vector<4096x16xf32>, vector<16x128xf32>, vector<4096x128xf32> -> vector<4096x128xf32>
    %get3A_60 = arith.constant 0 : index
    %get3A_61 = arith.constant 0 : index
    %get3A_62 = vector.load %arg9[%get3A_60, %get3A_61] : memref<1x128xf32, #tpu.memory_space<vmem>>, vector<1x128xf32>
    %add3A_63 = vector.broadcast %get3A_62 : vector<1x128xf32> to vector<4096x128xf32>
    %add3A_64 = arith.addf %dot_general3A_59, %add3A_63 : vector<4096x128xf32>
    %broadcast_in_dim3A_65 = vector.shape_cast %get3A_1 : vector<256x128xf32> to vector<256x1x128xf32>
    %broadcast_in_dim3A_66 = vector.shape_cast %broadcast_in_dim3A_65 : vector<256x1x128xf32> to vector<256x1x128xf32>
    %broadcast_in_dim3A_67 = vector.broadcast %broadcast_in_dim3A_66 : vector<256x1x128xf32> to vector<256x16x128xf32>
    %reshape3A_68 = vector.shape_cast %broadcast_in_dim3A_67 : vector<256x16x128xf32> to vector<4096x128xf32>
    %add3A_69 = arith.addf %slice3A, %add3A_64 : vector<4096x128xf32>
    %sub3A_70 = arith.subf %add3A_69, %reshape3A_68 : vector<4096x128xf32>
    %get3A_71 = arith.constant 0 : index
    %get3A_72 = arith.constant 0 : index
    %get3A_73 = vector.load %arg10[%get3A_71, %get3A_72] : memref<128x128xf32, #tpu.memory_space<vmem>>, vector<128x128xf32>
    %dot_general3A_74 = arith.constant dense<0.000000e+00> : vector<4096x128xf32>
    %dot_general3A_75 = tpu.matmul %sub3A_70, %get3A_73, %dot_general3A_74 {dimension_numbers = #tpu.dot_dimension_numbers<[1], [0], [0], [1], [0, 0, 1, 1], [], []>, precision = #tpu.contract_precision<fp32>, transpose_lhs_hint = false} : vector<4096x128xf32>, vector<128x128xf32>, vector<4096x128xf32> -> vector<4096x128xf32>
    %mul3A_76 = arith.constant 6.250000e-02 : f32
    %mul3A_77 = vector.broadcast %mul3A_76 : f32 to vector<4096x128xf32>
    %mul3A_78 = arith.mulf %dot_general3A_75, %mul3A_77 : vector<4096x128xf32>
    %sub3A_79 = arith.subf %sub3A_70, %mul3A_78 : vector<4096x128xf32>
    %mul3A_80 = arith.mulf %sub3A_79, %sub3A_79 : vector<4096x128xf32>
    %dot_general3A_81 = arith.constant dense<0.000000e+00> : vector<4096x128xf32>
    %dot_general3A_82 = tpu.matmul %mul3A_80, %get3A_73, %dot_general3A_81 {dimension_numbers = #tpu.dot_dimension_numbers<[1], [0], [0], [1], [0, 0, 1, 1], [], []>, precision = #tpu.contract_precision<fp32>, transpose_lhs_hint = false} : vector<4096x128xf32>, vector<128x128xf32>, vector<4096x128xf32> -> vector<4096x128xf32>
    %mul3A_83 = arith.constant 6.250000e-02 : f32
    %mul3A_84 = vector.broadcast %mul3A_83 : f32 to vector<4096x128xf32>
    %mul3A_85 = arith.mulf %dot_general3A_82, %mul3A_84 : vector<4096x128xf32>
    %add3A_86 = arith.constant 9.99999974E-6 : f32
    %add3A_87 = vector.broadcast %add3A_86 : f32 to vector<4096x128xf32>
    %add3A_88 = arith.addf %mul3A_85, %add3A_87 : vector<4096x128xf32>
    %rsqrt3A_89 = math.rsqrt %add3A_88 : vector<4096x128xf32>
    %mul3A_90 = arith.mulf %sub3A_79, %rsqrt3A_89 : vector<4096x128xf32>
    %get3A_91 = arith.constant 0 : index
    %get3A_92 = arith.constant 0 : index
    %get3A_93 = vector.load %arg11[%get3A_91, %get3A_92] : memref<1x128xf32, #tpu.memory_space<vmem>>, vector<1x128xf32>
    %mul3A_94 = vector.broadcast %get3A_93 : vector<1x128xf32> to vector<4096x128xf32>
    %mul3A_95 = arith.mulf %mul3A_90, %mul3A_94 : vector<4096x128xf32>
    %get3A_96 = arith.constant 0 : index
    %get3A_97 = arith.constant 0 : index
    %get3A_98 = vector.load %arg12[%get3A_96, %get3A_97] : memref<1x128xf32, #tpu.memory_space<vmem>>, vector<1x128xf32>
    %add3A_99 = vector.broadcast %get3A_98 : vector<1x128xf32> to vector<4096x128xf32>
    %add3A_100 = arith.addf %mul3A_95, %add3A_99 : vector<4096x128xf32>
    %max3A_101 = arith.constant 0.000000e+00 : f32
    %max3A_102 = vector.broadcast %max3A_101 : f32 to vector<4096x128xf32>
    %max3A_103 = arith.maximumf %add3A_100, %max3A_102 : vector<4096x128xf32>
    %get3A_104 = arith.constant 0 : index
    %get3A_105 = arith.constant 0 : index
    %get3A_106 = vector.load %arg13[%get3A_104, %get3A_105] : memref<128x128xf32, #tpu.memory_space<vmem>>, vector<128x128xf32>
    %dot_general3A_107 = arith.constant dense<0.000000e+00> : vector<4096x128xf32>
    %dot_general3A_108 = tpu.matmul %max3A_103, %get3A_106, %dot_general3A_107 {dimension_numbers = #tpu.dot_dimension_numbers<[1], [0], [0], [1], [0, 0, 1, 1], [], []>, transpose_lhs_hint = false} : vector<4096x128xf32>, vector<128x128xf32>, vector<4096x128xf32> -> vector<4096x128xf32>
    %get3A_109 = arith.constant 0 : index
    %get3A_110 = arith.constant 0 : index
    %get3A_111 = vector.load %arg14[%get3A_109, %get3A_110] : memref<1x128xf32, #tpu.memory_space<vmem>>, vector<1x128xf32>
    %add3A_112 = vector.broadcast %get3A_111 : vector<1x128xf32> to vector<4096x128xf32>
    %add3A_113 = arith.addf %dot_general3A_108, %add3A_112 : vector<4096x128xf32>
    %dot_general3A_114 = arith.constant dense<0.000000e+00> : vector<4096x128xf32>
    %dot_general3A_115 = tpu.matmul %add3A_113, %get3A_73, %dot_general3A_114 {dimension_numbers = #tpu.dot_dimension_numbers<[1], [0], [0], [1], [0, 0, 1, 1], [], []>, precision = #tpu.contract_precision<fp32>, transpose_lhs_hint = false} : vector<4096x128xf32>, vector<128x128xf32>, vector<4096x128xf32> -> vector<4096x128xf32>
    %mul3A_116 = arith.constant 6.250000e-02 : f32
    %mul3A_117 = vector.broadcast %mul3A_116 : f32 to vector<4096x128xf32>
    %mul3A_118 = arith.mulf %dot_general3A_115, %mul3A_117 : vector<4096x128xf32>
    %sub3A_119 = arith.subf %add3A_113, %mul3A_118 : vector<4096x128xf32>
    %mul3A_120 = arith.mulf %sub3A_119, %sub3A_119 : vector<4096x128xf32>
    %dot_general3A_121 = arith.constant dense<0.000000e+00> : vector<4096x128xf32>
    %dot_general3A_122 = tpu.matmul %mul3A_120, %get3A_73, %dot_general3A_121 {dimension_numbers = #tpu.dot_dimension_numbers<[1], [0], [0], [1], [0, 0, 1, 1], [], []>, precision = #tpu.contract_precision<fp32>, transpose_lhs_hint = false} : vector<4096x128xf32>, vector<128x128xf32>, vector<4096x128xf32> -> vector<4096x128xf32>
    %mul3A_123 = arith.constant 6.250000e-02 : f32
    %mul3A_124 = vector.broadcast %mul3A_123 : f32 to vector<4096x128xf32>
    %mul3A_125 = arith.mulf %dot_general3A_122, %mul3A_124 : vector<4096x128xf32>
    %add3A_126 = arith.constant 9.99999974E-6 : f32
    %add3A_127 = vector.broadcast %add3A_126 : f32 to vector<4096x128xf32>
    %add3A_128 = arith.addf %mul3A_125, %add3A_127 : vector<4096x128xf32>
    %rsqrt3A_129 = math.rsqrt %add3A_128 : vector<4096x128xf32>
    %mul3A_130 = arith.mulf %sub3A_119, %rsqrt3A_129 : vector<4096x128xf32>
    %get3A_131 = arith.constant 0 : index
    %get3A_132 = arith.constant 0 : index
    %get3A_133 = vector.load %arg15[%get3A_131, %get3A_132] : memref<1x128xf32, #tpu.memory_space<vmem>>, vector<1x128xf32>
    %mul3A_134 = vector.broadcast %get3A_133 : vector<1x128xf32> to vector<4096x128xf32>
    %mul3A_135 = arith.mulf %mul3A_130, %mul3A_134 : vector<4096x128xf32>
    %get3A_136 = arith.constant 0 : index
    %get3A_137 = arith.constant 0 : index
    %get3A_138 = vector.load %arg16[%get3A_136, %get3A_137] : memref<1x128xf32, #tpu.memory_space<vmem>>, vector<1x128xf32>
    %add3A_139 = vector.broadcast %get3A_138 : vector<1x128xf32> to vector<4096x128xf32>
    %add3A_140 = arith.addf %mul3A_135, %add3A_139 : vector<4096x128xf32>
    %max3A_141 = arith.constant 0.000000e+00 : f32
    %max3A_142 = vector.broadcast %max3A_141 : f32 to vector<4096x128xf32>
    %max3A_143 = arith.maximumf %add3A_140, %max3A_142 : vector<4096x128xf32>
    %get3A_144 = arith.constant 0 : index
    %get3A_145 = arith.constant 0 : index
    %get3A_146 = vector.load %arg17[%get3A_144, %get3A_145] : memref<128x128xf32, #tpu.memory_space<vmem>>, vector<128x128xf32>
    %dot_general3A_147 = arith.constant dense<0.000000e+00> : vector<4096x128xf32>
    %dot_general3A_148 = tpu.matmul %max3A_143, %get3A_146, %dot_general3A_147 {dimension_numbers = #tpu.dot_dimension_numbers<[1], [0], [0], [1], [0, 0, 1, 1], [], []>, transpose_lhs_hint = false} : vector<4096x128xf32>, vector<128x128xf32>, vector<4096x128xf32> -> vector<4096x128xf32>
    %get3A_149 = arith.constant 0 : index
    %get3A_150 = arith.constant 0 : index
    %get3A_151 = vector.load %arg18[%get3A_149, %get3A_150] : memref<1x128xf32, #tpu.memory_space<vmem>>, vector<1x128xf32>
    %add3A_152 = vector.broadcast %get3A_151 : vector<1x128xf32> to vector<4096x128xf32>
    %add3A_153 = arith.addf %dot_general3A_148, %add3A_152 : vector<4096x128xf32>
    %dot_general3A_154 = arith.constant dense<0.000000e+00> : vector<4096x128xf32>
    %dot_general3A_155 = tpu.matmul %add3A_153, %get3A_73, %dot_general3A_154 {dimension_numbers = #tpu.dot_dimension_numbers<[1], [0], [0], [1], [0, 0, 1, 1], [], []>, precision = #tpu.contract_precision<fp32>, transpose_lhs_hint = false} : vector<4096x128xf32>, vector<128x128xf32>, vector<4096x128xf32> -> vector<4096x128xf32>
    %mul3A_156 = arith.constant 6.250000e-02 : f32
    %mul3A_157 = vector.broadcast %mul3A_156 : f32 to vector<4096x128xf32>
    %mul3A_158 = arith.mulf %dot_general3A_155, %mul3A_157 : vector<4096x128xf32>
    %reshape3A_159 = vector.shape_cast %mul3A_158 : vector<4096x128xf32> to vector<256x16x128xf32>
    %reduce_max3A = arith.constant dense<0xFF800000> : vector<256x128xf32>
    %reduce_max3A_160 = vector.multi_reduction <maximumf>, %reshape3A_159, %reduce_max3A [1] : vector<256x16x128xf32> to vector<256x128xf32>
    %broadcast_in_dim3A_161 = vector.shape_cast %reduce_max3A_160 : vector<256x128xf32> to vector<256x1x128xf32>
    %sub3A_162 = vector.broadcast %broadcast_in_dim3A_161 : vector<256x1x128xf32> to vector<256x16x128xf32>
    %sub3A_163 = arith.subf %reshape3A_159, %sub3A_162 : vector<256x16x128xf32>
    %exp3A = math.exp %sub3A_163 : vector<256x16x128xf32>
    %reduce_sum3A_164 = arith.constant dense<0.000000e+00> : vector<256x128xf32>
    %reduce_sum3A_165 = vector.multi_reduction <add>, %exp3A, %reduce_sum3A_164 [1] : vector<256x16x128xf32> to vector<256x128xf32>
    %broadcast_in_dim3A_166 = vector.shape_cast %reduce_sum3A_165 : vector<256x128xf32> to vector<256x1x128xf32>
    %div3A = vector.broadcast %broadcast_in_dim3A_166 : vector<256x1x128xf32> to vector<256x16x128xf32>
    %div3A_167 = arith.divf %exp3A, %div3A : vector<256x16x128xf32>
    %add3A_168 = arith.addf %slice3A_8, %add3A_64 : vector<4096x128xf32>
    %reshape3A_169 = vector.shape_cast %add3A_168 : vector<4096x128xf32> to vector<256x16x128xf32>
    %mul3A_170 = arith.mulf %reshape3A_169, %div3A_167 : vector<256x16x128xf32>
    %reduce_sum3A_171 = arith.constant dense<0.000000e+00> : vector<256x128xf32>
    %reduce_sum3A_172 = vector.multi_reduction <add>, %mul3A_170, %reduce_sum3A_171 [1] : vector<256x16x128xf32> to vector<256x128xf32>
    %swap3A = arith.constant 0 : index
    %swap3A_173 = arith.constant 0 : index
    %swap3A_174 = vector.load %arg19[%swap3A, %swap3A_173] : memref<256x128xf32, #tpu.memory_space<vmem>>, vector<256x128xf32>
    tpu.vector_store %arg19[%swap3A, %swap3A_173], %reduce_sum3A_172 {strides = array<i32>} : memref<256x128xf32, #tpu.memory_space<vmem>>, vector<256x128xf32>,
    return
  }
  func.func @transform_0(%arg0: i32) -> (i32, i32) {
    %c0_i32 = arith.constant 0 : i32
    %c0_i32_0 = arith.constant 0 : i32
    return %arg0, %c0_i32 : i32, i32
  }
  func.func @transform_1(%arg0: i32) -> (i32, i32) {
    %c0_i32 = arith.constant 0 : i32
    %c0_i32_0 = arith.constant 0 : i32
    return %arg0, %c0_i32 : i32, i32
  }
  func.func @transform_2(%arg0: i32) -> (i32, i32) {
    %c0_i32 = arith.constant 0 : i32
    %c0_i32_0 = arith.constant 0 : i32
    return %arg0, %c0_i32 : i32, i32
  }
  func.func @transform_3(%arg0: i32) -> (i32, i32) {
    %c0_i32 = arith.constant 0 : i32
    %c0_i32_0 = arith.constant 0 : i32
    %c0_i32_1 = arith.constant 0 : i32
    return %c0_i32, %c0_i32_0 : i32, i32
  }
  func.func @transform_4(%arg0: i32) -> (i32, i32) {
    %c0_i32 = arith.constant 0 : i32
    %c0_i32_0 = arith.constant 0 : i32
    %c0_i32_1 = arith.constant 0 : i32
    return %c0_i32, %c0_i32_0 : i32, i32
  }
  func.func @transform_5(%arg0: i32) -> (i32, i32) {
    %c0_i32 = arith.constant 0 : i32
    %c0_i32_0 = arith.constant 0 : i32
    %c0_i32_1 = arith.constant 0 : i32
    return %c0_i32, %c0_i32_0 : i32, i32
  }
  func.func @transform_6(%arg0: i32) -> (i32, i32) {
    %c0_i32 = arith.constant 0 : i32
    %c0_i32_0 = arith.constant 0 : i32
    %c0_i32_1 = arith.constant 0 : i32
    return %c0_i32, %c0_i32_0 : i32, i32
  }
  func.func @transform_7(%arg0: i32) -> (i32, i32) {
    %c0_i32 = arith.constant 0 : i32
    %c0_i32_0 = arith.constant 0 : i32
    %c0_i32_1 = arith.constant 0 : i32
    return %c0_i32, %c0_i32_0 : i32, i32
  }
  func.func @transform_8(%arg0: i32) -> (i32, i32) {
    %c0_i32 = arith.constant 0 : i32
    %c0_i32_0 = arith.constant 0 : i32
    %c0_i32_1 = arith.constant 0 : i32
    return %c0_i32, %c0_i32_0 : i32, i32
  }
  func.func @transform_9(%arg0: i32) -> (i32, i32) {
    %c0_i32 = arith.constant 0 : i32
    %c0_i32_0 = arith.constant 0 : i32
    %c0_i32_1 = arith.constant 0 : i32
    return %c0_i32, %c0_i32_0 : i32, i32
  }
  func.func @transform_10(%arg0: i32) -> (i32, i32) {
    %c0_i32 = arith.constant 0 : i32
    %c0_i32_0 = arith.constant 0 : i32
    %c0_i32_1 = arith.constant 0 : i32
    return %c0_i32, %c0_i32_0 : i32, i32
  }
  func.func @transform_11(%arg0: i32) -> (i32, i32) {
    %c0_i32 = arith.constant 0 : i32
    %c0_i32_0 = arith.constant 0 : i32
    %c0_i32_1 = arith.constant 0 : i32
    return %c0_i32, %c0_i32_0 : i32, i32
  }
  func.func @transform_12(%arg0: i32) -> (i32, i32) {
    %c0_i32 = arith.constant 0 : i32
    %c0_i32_0 = arith.constant 0 : i32
    %c0_i32_1 = arith.constant 0 : i32
    return %c0_i32, %c0_i32_0 : i32, i32
  }
  func.func @transform_13(%arg0: i32) -> (i32, i32) {
    %c0_i32 = arith.constant 0 : i32
    %c0_i32_0 = arith.constant 0 : i32
    %c0_i32_1 = arith.constant 0 : i32
    return %c0_i32, %c0_i32_0 : i32, i32
  }
  func.func @transform_14(%arg0: i32) -> (i32, i32) {
    %c0_i32 = arith.constant 0 : i32
    %c0_i32_0 = arith.constant 0 : i32
    %c0_i32_1 = arith.constant 0 : i32
    return %c0_i32, %c0_i32_0 : i32, i32
  }
  func.func @transform_15(%arg0: i32) -> (i32, i32) {
    %c0_i32 = arith.constant 0 : i32
    %c0_i32_0 = arith.constant 0 : i32
    %c0_i32_1 = arith.constant 0 : i32
    return %c0_i32, %c0_i32_0 : i32, i32
  }
  func.func @transform_16(%arg0: i32) -> (i32, i32) {
    %c0_i32 = arith.constant 0 : i32
    %c0_i32_0 = arith.constant 0 : i32
    %c0_i32_1 = arith.constant 0 : i32
    return %c0_i32, %c0_i32_0 : i32, i32
  }
  func.func @transform_17(%arg0: i32) -> (i32, i32) {
    %c0_i32 = arith.constant 0 : i32
    %c0_i32_0 = arith.constant 0 : i32
    %c0_i32_1 = arith.constant 0 : i32
    return %c0_i32, %c0_i32_0 : i32, i32
  }
  func.func @transform_18(%arg0: i32) -> (i32, i32) {
    %c0_i32 = arith.constant 0 : i32
    %c0_i32_0 = arith.constant 0 : i32
    return %arg0, %c0_i32 : i32, i32
  }
}

</mosaic_0001>

<sc_bundles>
// kernel: kernel.5.cloned.1.call-start
scs
__scs_entry_jumppad:
0x0: {  	(pc) =	sbr.rel $0x88, $3  }
0x1: {  	(tag) =	ssettag $0x0;
	lr =	simm.s32 $0x1  }
0x2: {  	[smem:$0x3F8B] =	sst lr;
	_ =	strace $0xD0000000  }
0x3: {  	_ = 	snop  }
0x4: {  	_ = 	snop  }
0x5: {  	_ = 	snop  }
0x6: {  	_ = 	snop  }
0x7: {  	_ = 	snop  }
__scs_overlays_trampoline_lowered:
0x8: {  	[smem:$0x3F9A] =	sst s0  }
0x9: {  	[smem:$0x3F9B] =	sst s1  }
0xa: {  	[smem:$0x3F9C] =	sst s2  }
0xb: {  	[smem:$0x3F9D] =	sst s3  }
0xc: {  	[smem:$0x3F9E] =	sst s4  }
0xd: {  	[smem:$0x3F9F] =	sst s5  }
0xe: {  	[smem:$0x3FA0] =	sst s6  }
0xf: {  	[smem:$0x3FA1] =	sst s7  }
0x10: {  	[smem:$0x3FA2] =	sst s8  }
0x11: {  	[smem:$0x3FA3] =	sst s9;
	s0 =	simm.s32 @!p0 $0x0  }
0x12: {  	s1 =	sld [smem:$0x3F89];
	s0 =	simm.s32 @p0 $0x1  }
0x13: {  	[smem:$0x3FA4] =	sst s0;
	s0 =	simm.s32 @!p1 $0x0  }
0x14: {  	s2 =	sld [smem:$0x3F88];
	s0 =	simm.s32 @p1 $0x1  }
0x15: {  	[smem:$0x3FA5] =	sst s0;
	s0 =	simm.s32 @!p2 $0x0  }
0x16: {  	s3 =	sld [smem:$0x3FDB];
	s0 =	simm.s32 @p2 $0x1  }
0x17: {  	s4 =	simm.s32 $0x1BF5;
	[smem:$0x3FA7] =	sst s0  }
0x18: {  	s0 =	sld [smem:$0x3F8A];
	_ =	swait.ge [sflag:s4], $0x0  }
0x19: {  	s7 =	sld [smem:$0x3F8B]  }
0x1a: {  	s8 =	sadd.s32 $0xFFFFE003, lr  }
0x1b: {  	s9 =	sadd.s32 $0xFFFFFEF7, lr;
	s5 =	simm.s32 $0xFFFFFFFF;
	p2 =	slt.u32 s8, $0xFFFFF086  }
0x1c: {  	p1 =	slt.u32 s9, $0xF7A;
	s5 =	simm.s32 @!p2 $0x0  }
0x1d: {  	s5 =	simm.s32 @p1 $0x1;
	p0 =	seq.s32 s7, s2  }
0x1e: {  	s7 =	smul.u32 @!p0 $0xF7A, s2;
	p2 =	seq.s32 @!p0 s5, $0x0  }
0x1f: {  	s9 =	smul.u32 $0xF7A, s1;
	s8 =	simm.s32 @!p0 $0x1BF5;
	p2 =	por !p2, p0  }
0x20: {  	[sflag:s8] =	ssyncset.s32 @!p0 $0xFFFFF086;
	s6 =	sadd.s32 @!p0 s3, s7;
	s7 =	simm.s32 @!p0 $0x108  }
0x21: {  	s3 =	sadd.s32 s3, s9;
	s6 =	sadd.s32 @!p0 $0x88, s6;
	s7 =	simm.s32 @p2 $0x1082  }
0x22: {  	[simem:s7], [sflag:s8] =	dma.local @!p0 [hbm:s6], $0xF7A  }
0x23: {  	s9 =	sor.u32 $0xD0000000, s2;
	s6 =	simm.s32 $0x108;
	_ =	swait.ge @!p0 [sflag:s8], $0x0  }
0x24: {  	s3 =	sadd.s32 $0x88, s3;
	s6 =	simm.s32 @!p1 $0x1082;
	[sflag:s4] =	ssyncset.s32 $0xFFFFF086  }
0x25: {  	[simem:s6], [sflag:s4] =	dma.local [hbm:s3], $0xF7A  }
0x26: {  	[smem:$0x3F8B] =	sst s1;
	(tag) =	ssettag s2;
	_ =	strace s9  }
0x27: {  	s1 =	sld [smem:$0x3F9B]  }
0x28: {  	s2 =	sld [smem:$0x3F9C]  }
0x29: {  	s4 =	sld [smem:$0x3F9E]  }
0x2a: {  	p0 =	seq.s32 s5, $0x0;
	s5 =	sld [smem:$0x3F9F]  }
0x2b: {  	s6 =	sld [smem:$0x3FA0]  }
0x2c: {  	s7 =	sld [smem:$0x3FA1]  }
0x2d: {  	s3 =	simm.s32 $0x108;
	s8 =	sld [smem:$0x3FA2]  }
0x2e: {  	s3 =	simm.s32 @!p0 $0x1082;
	s9 =	sld [smem:$0x3FA3]  }
0x2f: {  	lr =	sadd.s32 s0, s3;
	s0 =	sld [smem:$0x3F9A]  }
0x30: {  	s3 =	sld [smem:$0x3F9D]  }
0x31: {  	[smem:$0x3FA6] =	sst s10  }
0x32: {  	s10 =	sld [smem:$0x3FA4];
	_ =	sdelay $0x3  }
0x33: {  	p0 =	seq.s32 s10, $0x1;
	s10 =	sld [smem:$0x3FA6];
	_ =	sdelay $0x3  }
0x34: {  	[smem:$0x3FA6] =	sst s10  }
0x35: {  	s10 =	sld [smem:$0x3FA5];
	_ =	sdelay $0x3  }
0x36: {  	p1 =	seq.s32 s10, $0x1;
	s10 =	sld [smem:$0x3FA6];
	_ =	sdelay $0x3  }
0x37: {  	[smem:$0x3FA6] =	sst s10  }
0x38: {  	s10 =	sld [smem:$0x3FA7]  }
0x39: {  	_ = 	snop;
	(pc) =	sbr.ind lr, $3  }
0x3a: {  	_ = 	snop  }
0x3b: {  	_ = 	snop  }
0x3c: {  	p2 =	seq.s32 s10, $0x1;
	s10 =	sld [smem:$0x3FA6]  }
0x3d: {  	_ =	shalt  }
0x3e: {  	_ =	shalt  }
0x3f: {  	_ =	shalt  }
0x40: {  	_ =	shalt  }
0x41: {  	_ =	shalt  }
0x42: {  	_ =	shalt  }
0x43: {  	_ =	shalt  }
0x44: {  	_ =	shalt  }
0x45: {  	_ =	shalt  }
0x46: {  	_ =	shalt  }
0x47: {  	_ =	shalt  }
0x48: {  	_ =	shalt  }
0x49: {  	_ =	shalt  }
0x4a: {  	_ =	shalt  }
0x4b: {  	_ =	shalt  }
0x4c: {  	_ =	shalt  }
0x4d: {  	_ =	shalt  }
0x4e: {  	_ =	shalt  }
0x4f: {  	_ =	shalt  }
0x50: {  	_ =	shalt  }
0x51: {  	_ =	shalt  }
0x52: {  	_ =	shalt  }
0x53: {  	_ =	shalt  }
0x54: {  	_ =	shalt  }
0x55: {  	_ =	shalt  }
0x56: {  	_ =	shalt  }
0x57: {  	_ =	shalt  }
0x58: {  	_ =	shalt  }
0x59: {  	_ =	shalt  }
0x5a: {  	_ =	shalt  }
0x5b: {  	_ =	shalt  }
0x5c: {  	_ =	shalt  }
0x5d: {  	_ =	shalt  }
0x5e: {  	_ =	shalt  }
0x5f: {  	_ =	shalt  }
0x60: {  	_ =	shalt  }
0x61: {  	_ =	shalt  }
0x62: {  	_ =	shalt  }
0x63: {  	_ =	shalt  }
0x64: {  	_ =	shalt  }
0x65: {  	_ =	shalt  }
0x66: {  	_ =	shalt  }
0x67: {  	_ =	shalt  }
0x68: {  	_ =	shalt  }
0x69: {  	_ =	shalt  }
0x6a: {  	_ =	shalt  }
0x6b: {  	_ =	shalt  }
0x6c: {  	_ =	shalt  }
0x6d: {  	_ =	shalt  }
0x6e: {  	_ =	shalt  }
0x6f: {  	_ =	shalt  }
0x70: {  	_ =	shalt  }
0x71: {  	_ =	shalt  }
0x72: {  	_ =	shalt  }
0x73: {  	_ =	shalt  }
0x74: {  	_ =	shalt  }
0x75: {  	_ =	shalt  }
0x76: {  	_ =	shalt  }
0x77: {  	_ =	shalt  }
0x78: {  	_ =	shalt  }
0x79: {  	_ =	shalt  }
0x7a: {  	_ =	shalt  }
0x7b: {  	_ =	shalt  }
0x7c: {  	_ =	shalt  }
0x7d: {  	_ =	shalt  }
0x7e: {  	_ =	shalt  }
0x7f: {  	_ =	shalt  }
0x80: {  	_ =	shalt  }
0x81: {  	_ =	shalt  }
0x82: {  	_ =	shalt  }
0x83: {  	_ =	shalt  }
0x84: {  	_ =	shalt  }
0x85: {  	_ =	shalt  }
0x86: {  	_ =	shalt  }
0x87: {  	_ =	shalt  }
.Lfunc_end0:
.L_simem_size_0:
called_computation_lowered:
.L_overlay_start_0:
0x88: {  	s2 =	sld [smem:$0x3FD9]  }
0x89: {  	s3 =	sld [smem:$0x3FFE];
	_ =	sdelay $0x1  }
0x8a: {  	s1 =	srdreg.scid  }
0x8b: {  	s0 =	sand.u32 $0x1, s1  }
0x8c: {  	s16 =	sshll.u32 s0, $0xA;
	s2 =	sadd.s32 s3, s2  }
0x8d: {  	s2 =	sadd.s32 s2, s16  }
0x8e: {  	[smem:$0x3FB2] =	sst s2  }
0x8f: {  	_ = 	snop  }
0x90: {  	(tm) =	ssettm $0x1  }
0x91: {  	s17 =	sld [smem:$0x3FFB];
	_ =	sdelay $0x3  }
0x92: {  	_ =	strace s17  }
0x93: {  	s2 =	sld [smem:$0x3FFC];
	_ =	sdelay $0x3  }
0x94: {  	_ =	strace s2  }
0x95: {  	s2 =	sld [smem:$0x3FFD];
	_ =	sdelay $0x3  }
0x96: {  	_ =	strace s2  }
0x97: {  	_ =	strace $0x8FFFFFFF  }
0x98: {  	s18 =	sld [smem:$0x3FDB];
	_ =	sdelay $0x1  }
0x99: {  	s19 =	simm.s32 $_scs_section_size  }
0x9a: {  	s4 =	simm.s32 $_size__tile_overlayer_lowered;
	s5 =	simm.s32 $_tile_overlayer_lowered  }
0x9b: {  	s22 =	simm.s32 $0x1BFF;
	s21 =	sshll.u32 s5, $0x1;
	s2 =	sadd.s32 s19, s18  }
0x9c: {  	s6 =	simm.s32 $0x0;
	s20 =	sshll.u32 s4, $0x1;
	s4 =	sadd.s32 s21, s2  }
0x9d: {  	[timem:s6], [sflag:s22] =	dma.local [hbm:s4], s20  }
0x9e: {  	_ =	swait.ge [sflag:s22], s20  }
0x9f: {  	s3 =	ssub.s32 $0x0, s20;
	[sflag:s22] =	ssyncset.done $0x0  }
0xa0: {  	[sflag:s22] =	ssyncadd.s32 s3;
	_ =	sdelay $0x1  }
0xa1: {  	s23 =	simm.s32 $0x1B8B  }
0xa2: {  	_ =	swait.ge [sflag:s23], $0x1  }
0xa3: {  	[sflag:s23] =	ssyncset.done $0x0  }
0xa4: {  	s25 =	simm.s32 $0x1B8E;
	s24 =	sld [smem:$0x3FFE];
	[sflag:s23] =	ssyncadd.s32 $0xFFFFFFFF  }
0xa5: {  	s26 =	simm.s32 $execute0_lowered;
	[smem:$0x3FD2] =	sst s25  }
0xa6: {  	s4 =	sshll.u32 s26, $0x1;
	_ =	strace $0x80000046;
	[dreg:$0x1] =	wrdreg $0xFFFFFFFF  }
0xa7: {  	s28 =	simm.s32 $_size_execute0_lowered;
	s2 =	sadd.s32 s2, s4;
	[dreg:$0x0] =	wrdreg $0x0  }
0xa8: {  	s4 =	sshll.u32 s28, $0x1;
	[dreg:$0x2] =	wrdreg s2  }
0xa9: {  	[dreg:$0x3] =	wrdreg s4  }
0xaa: {  	[dreg:$0x4] =	wrdreg $0xC0  }
0xab: {  	_ =	task [dreg:s6], $0x5FFFF  }
0xac: {  	[dreg:$0x1] =	wrdreg $0xFFFFFFFF  }
0xad: {  	[dreg:$0x0] =	wrdreg $0x60  }
0xae: {  	[dreg:$0x2] =	wrdreg s24  }
0xaf: {  	[dreg:$0x3] =	wrdreg $0x9  }
0xb0: {  	_ =	task.clear_ibuf [dreg:s6], $0x4FFFF;
	_ =	strace $0x90000046  }
0xb1: {  	s29 =	simm.s32 $0x9;
	_ =	strace $0x80000048  }
0xb2: {  	_ =	swait.ge [sflag:s29], $0x1  }
0xb3: {  	[sflag:s29] =	ssyncadd.s32 $0xFFFFFFFF  }
0xb4: {  	_ =	strace $0x90000048  }
0xb5: {  	_ =	sfence  }
0xb6: {  	s30 =	sld [smem:$0x0];
	_ =	sdelay $0x2  }
0xb7: {  	s31 =	sshll.u32 s1, $0xD;
	s1 =	sshrl.u32 s1, $0x2  }
0xb8: {  	s3 =	sand.u32 $0x4000, s31;
	s1 =	sadd.s32 s1, s30  }
0xb9: {  	s0 =	sor.u32 s3, s0;
	s1 =	sshll.u32 s1, $0x11  }
0xba: {  	s0 =	sor.u32 s1, s0  }
0xbb: {  	s0 =	sadd.s32 $0x8F2B, s0  }
0xbc: {  	[sflag:s0] =	ssyncadd.remote.s32 $0x1  }
0xbd: {  	_ =	sfence.sel $0xFFFF  }
0xbe: {  	[dreg:$0x0] =	wrdreg $0xFFFFFFFF;
	(pc) =	sbr.abs _section_cstart, $3  }
0xbf: {  	[dreg:$0x1] =	wrdreg $0xFFFFFFFF  }
0xc0: {  	_ =	task.clear_ibuf [dreg:s6], $0x2FFFF;
	_ =	strace $0x9FFFFFFF  }
0xc1: {  	(tm) =	ssettm $0x7FFFFFFF  }
tec
execute0_lowered:
.L_overlay_start_1:
0x0: {  	(tag) =	ssettag $0x1  }
0x1: {  	s0 =	srdreg.scid;
	s2 =	stileid.u32  }
0x2: {  	s1 =	rddreg [dreg:$0x0];
	s0 =	sand.u32 $0x1, s0;
	s3 =	sshll.u32 s2, $0x1  }
0x3: {  	s2 =	simm.s32 $0x0;
	s8 =	sadd.s32 $0x443800, s1;
	s4 =	sor.u32 s0, s3  }
0x4: {  	[smem:$0x7FF] =	sst s2;
	s0 =	ssub.s32 $0x2, s0;
	s7 =	smul.u32 $0x18000, s4  }
0x5: {  	s3 =	sshll.u32 s4, $0x10;
	_ =	strace $0x80000047;
	s6 =	sshrl.u32 s0, $0x1  }
0x6: {  	s15 =	smul.u32 $0xC0000, s4;
	s0 =	ssub.s32 s0, s6;
	s7 =	sadd.s32 s8, s7  }
0x7: {  	s5 =	sadd.s32 s3, s1;
	s0 =	smax.u32 s0, $0x1;
	[dreg:$0x2] =	wrdreg s7  }
0x8: {  	s3 =	sadd.s32 $0x203800, s1;
	s16 =	sadd.s32 $0x1800, s7;
	[dreg:$0x12] =	wrdreg s0  }
0x9: {  	s4 =	sadd.s32 $0x243800, s5;
	s17 =	sadd.s32 $0x3000, s7;
	[dreg:$0x3] =	wrdreg s16  }
0xa: {  	s5 =	sadd.s32 $0x203900, s1;
	s19 =	sadd.s32 $0x4800, s7;
	[dreg:$0x4] =	wrdreg s17  }
0xb: {  	s18 =	sshrl.u32 s15, $0x3;
	s20 =	sadd.s32 $0x6000, s7;
	[dreg:$0x5] =	wrdreg s19  }
0xc: {  	s1 =	sadd.s32 s8, s18;
	s21 =	sadd.s32 $0x7800, s7;
	[dreg:$0x6] =	wrdreg s20  }
0xd: {  	[dreg:$0x7] =	wrdreg s21;
	s22 =	sadd.s32 $0x9000, s1  }
0xe: {  	s23 =	sadd.s32 $0xA800, s1;
	[dreg:$0x8] =	wrdreg s22  }
0xf: {  	s24 =	sadd.s32 $0xC000, s1;
	[dreg:$0x9] =	wrdreg s23  }
0x10: {  	s25 =	sadd.s32 $0xD800, s1;
	[dreg:$0xa] =	wrdreg s24  }
0x11: {  	s26 =	sadd.s32 $0xF000, s1;
	[dreg:$0xb] =	wrdreg s25  }
0x12: {  	s28 =	sadd.s32 $0x10800, s1;
	[dreg:$0xc] =	wrdreg s26  }
0x13: {  	s29 =	sadd.s32 $0x12000, s1;
	[dreg:$0xd] =	wrdreg s28  }
0x14: {  	s30 =	sadd.s32 $0x13800, s1;
	[dreg:$0xe] =	wrdreg s29  }
0x15: {  	v0 =	vlaneseq.u32;
	s31 =	sadd.s32 $0x15000, s1;
	[dreg:$0xf] =	wrdreg s30  }
0x16: {  	vm0 =	vmmov $0xffff;
	v1 =	vmul.u32 $0xFFFFFFFF, v0;
	s1 =	sadd.s32 $0x16800, s1;
	[dreg:$0x10] =	wrdreg s31  }
0x17: {  	vm1 =	vmmov $0xff;
	v3 =	vshrl.u32 v0, $0x3;
	v2 =	vand.u32 $0x7, v0;
	s6 =	simm.s32 $0x0;
	s0 =	simm.s32 $0x3;
	[dreg:$0x11] =	wrdreg s1  }
0x18: {  	v4 =	vor.u32 $0x8, v0;
	v3 =	vmul.u32 $0x8, v3;
	v1 =	vadd.s32 $0xF, v1;
	s23 =	simm.s32 $0x2;
	s25 =	simm.s32 $0x1880;
	s1 =	simm.s32 $0x1  }
.LBB2_1:
0x19: {  	[dreg:$0x13] =	wrdreg s6;
	s7 =	simm.s32 $0x0  }
.LBB2_2:
0x1a: {  	s8 =	simm.s32 $0x0  }
0x1b: {  	v5 =	vmov s8  }
0x1c: {  	v5 =	vshll.u32 v5, $0x4  }
0x1d: {  	v5 =	vbroadcast v5, $0x0  }
0x1e: {  	s9 =	sshll.u32 s7, $0x9  }
0x1f: {  	s9 =	sadd.s32 s9, s4;
	v5 =	vor.u32 v0, v5  }
0x20: {  	[tilespmem:s8], [sflag:$0x2] =	stream.linear.gather [hbm4b:s9+s8], $0x1000, $0x38;
	[tilespmem:$0xD880] =	vst v63  }
0x21: {  	_ =	swait.ge [sflag:s23], $0x1000  }
0x22: {  	[sflag:s23] =	ssyncset.done $0x0  }
0x23: {  	[sflag:s23] =	ssyncadd.s32 $0xFFFFF000  }
0x24: {  	v6 =	vld.idx.msk [tilespmem:v5+s2+$0x0], $0xffff;
	_ =	sdelay $0x4  }
0x25: {  	(xrf1) =	vsort.ascd.msk.f32 $0xffff, v6, v5;
	_ =	sdelay $0x1  }
0x26: {  	s30 =	simm.s32 $0x1  }
0x27: {  	v5 =	vmov s30  }
0x28: {  	v5 =	vshll.u32 v5, $0x4  }
0x29: {  	v5 =	vbroadcast v5, $0x0;
	_ =	sdelay $0x1  }
0x2a: {  	v5 =	vor.u32 v0, v5;
	_ =	sdelay $0x4  }
0x2b: {  	v6 =	vld.idx.msk [tilespmem:v5+s2+$0x0], $0xffff;
	_ =	sdelay $0x1  }
0x2c: {  	v7, v8, _ =	vpop (xrf1)  }
0x2d: {  	v7 =	vperm.xlane v7, v1  }
0x2e: {  	v9 =	vimm.f32 $+Inf;
	v8 =	vperm.xlane v8, v1  }
0x2f: {  	v10 =	vimm.s32 $0x0;
	(xrf1) =	vsort.ascd.msk.f32 $0xffff, v6, v5;
	vm2 =	vle.f32 v9, v7  }
0x30: {  	s31 =	simm.s32 $0x2;
	v6 =	vsel vm2, v9, v7;
	v7 =	vsel vm2, v10, v8  }
0x31: {  	s8 =	simm.s32 $0x3;
	v5 =	vmov s31;
	(xrf1) =	vsort.ascd.msk.f32 $0xffff, v6, v7  }
.LBB2_3:
0x32: {  	p0 =	sne.s32 s8, $0xFF;
	v5 =	vshll.u32 v5, $0x4  }
0x33: {  	v5 =	vbroadcast v5, $0x0;
	_ =	sdelay $0x1  }
0x34: {  	v5 =	vor.u32 v0, v5;
	_ =	sdelay $0x4  }
0x35: {  	v6 =	vld.idx.msk [tilespmem:v5+s2+$0x0], $0xffff;
	_ =	sdelay $0x2  }
0x36: {  	v7, v8, _ =	vpop (xrf1)  }
.Ltmp0:
0x37: {  	v7 =	vperm.xlane v7, v1;
	(pc) =	sbr.rel @p0 .LBB2_3-.Ltmp0, $4  }
0x38: {  	v8 =	vperm.xlane v8, v1;
	v9, v10, _ =	vpop (xrf1)  }
0x39: {  	(xrf1) =	vsort.ascd.msk.f32 $0xffff, v6, v5;
	vm2 =	vle.f32 v9, v7  }
0x3a: {  	v6 =	vsel vm2, v9, v7;
	v7 =	vsel vm2, v10, v8  }
0x3b: {  	v5 =	vmov s8;
	s8 =	sadd.s32 $0x1, s8;
	(xrf1) =	vsort.ascd.msk.f32 $0xffff, v6, v7  }
0x3c: {  	_ = 	snop  }
0x3d: {  	v5 =	vshll.u32 v5, $0x4  }
0x3e: {  	v5 =	vbroadcast v5, $0x0;
	_ =	sdelay $0x1  }
0x3f: {  	v5 =	vor.u32 v0, v5;
	_ =	sdelay $0x4  }
0x40: {  	v6 =	vld.idx.msk [tilespmem:v5+s2+$0x0], $0xffff;
	_ =	sdelay $0x1  }
0x41: {  	v7, v8, _ =	vpop (xrf1)  }
0x42: {  	v7 =	vperm.xlane v7, v1  }
0x43: {  	v8 =	vperm.xlane v8, v1;
	v9, v10, _ =	vpop (xrf1)  }
0x44: {  	(xrf1) =	vsort.ascd.msk.f32 $0xffff, v6, v5;
	vm2 =	vle.f32 v9, v7  }
0x45: {  	v5 =	vsel vm2, v9, v7;
	v6 =	vsel vm2, v10, v8  }
0x46: {  	(xrf1) =	vsort.ascd.msk.f32 $0xffff, v5, v6;
	_ =	sdelay $0xb  }
0x47: {  	v5, v6, _ =	vpop (xrf1)  }
0x48: {  	v5 =	vperm.xlane v5, v1  }
0x49: {  	v6 =	vperm.xlane v6, v1;
	v7, v63, _ =	vpop (xrf1)  }
0x4a: {  	vm2 =	vle.f32 v7, v5  }
0x4b: {  	v5 =	vsel vm2, v7, v5;
	v6 =	vsel vm2, v63, v6  }
0x4c: {  	(xrf1) =	vsort.ascd.msk.f32 $0xffff, v5, v6;
	_ =	sdelay $0x8  }
0x4d: {  	s8 =	sshll.u32 s7, $0x4;
	s7 =	sadd.s32 $0x1, s7  }
0x4e: {  	p0 =	sne.s32 s7, $0x80  }
.Ltmp1:
0x4f: {  	_ = 	snop;
	(pc) =	sbr.rel @p0 .LBB2_2-.Ltmp1, $3  }
0x50: {  	_ =	sdelay $0x1  }
0x51: {  	s8 =	sand.u32 $0x3FFFFFF0, s8;
	v5, v6, _ =	vpop (xrf1)  }
0x52: {  	[tilespmem:s8+$0x1000] =	vst v6  }
0x53: {  	v5 =	vld [tilespmem:$0x1000];
	_ =	sdelay $0x3  }
0x54: {  	v6 =	vld [tilespmem:$0x1010]  }
0x55: {  	v7 =	vld [tilespmem:$0x1020];
	v8 =	vshrl.u32 v5, $0x3  }
0x56: {  	v9 =	vld [tilespmem:$0x1030];
	v8 =	vmul.u32 $0x18, v8  }
0x57: {  	v10 =	vld [tilespmem:$0x1040];
	v11 =	vand.u32 $0x7, v5  }
0x58: {  	[tilespmem:$0x1800] =	vst v5;
	v5 =	vld [tilespmem:$0x1050];
	v8 =	vor.u32 v11, v8  }
0x59: {  	[tilespmem:$0x1810] =	vst v6;
	v6 =	vld [tilespmem:$0x1060];
	v11 =	vperm.xlane v8, v2  }
0x5a: {  	[tilespmem:$0x1820] =	vst v7;
	v7 =	vld [tilespmem:$0x1070]  }
0x5b: {  	[tilespmem:$0x1830] =	vst v9;
	v40 =	vadd.s32 v3, v11  }
0x5c: {  	[tilespmem:$0x1840] =	vst v10  }
0x5d: {  	[tilespmem:$0x1850] =	vst v5;
	v5 =	vperm.xlane v8, v4  }
0x5e: {  	[tilespmem:$0x1860] =	vst v6  }
0x5f: {  	[tilespmem:$0x1870] =	vst v7;
	v5 =	vadd.s32 v3, v5  }
0x60: {  	[tilespmem:s25], [sflag:$0x1] =	stream.indirect_vreg.gather [hbm4b:s3+s2], $0x80, v40, vm0, $0xb8;
	[tilespmem:$0xD880] =	vst v63  }
0x61: {  	s6 =	simm.s32 $0x2080  }
0x62: {  	[tilespmem:s6], [sflag:$0x1] =	stream.indirect_vreg.gather [hbm4b:s5+s2], $0x80, v40, vm1, $0xb8;
	[tilespmem:$0xD880] =	vst v63  }
0x63: {  	s10 =	simm.s32 $0x2480  }
0x64: {  	[tilespmem:s10], [sflag:$0x1] =	stream.indirect_vreg.gather [hbm4b:s3+s2], $0x80, v5, vm0, $0xb8;
	[tilespmem:$0xD880] =	vst v63  }
0x65: {  	s11 =	simm.s32 $0x2C80  }
0x66: {  	[tilespmem:s11], [sflag:$0x1] =	stream.indirect_vreg.gather [hbm4b:s5+s2], $0x80, v5, vm1, $0xb8;
	[tilespmem:$0xD880] =	vst v63  }
0x67: {  	v5 =	vld [tilespmem:$0x1810];
	_ =	sdelay $0x4  }
0x68: {  	v6 =	vshrl.u32 v5, $0x3  }
0x69: {  	v6 =	vmul.u32 $0x18, v6  }
0x6a: {  	v5 =	vand.u32 $0x7, v5  }
0x6b: {  	v5 =	vor.u32 v5, v6  }
0x6c: {  	v6 =	vperm.xlane v5, v2;
	_ =	sdelay $0x1  }
0x6d: {  	v6 =	vadd.s32 v3, v6;
	_ =	sdelay $0x1  }
0x6e: {  	v5 =	vperm.xlane v5, v4;
	_ =	sdelay $0x1  }
0x6f: {  	s12 =	simm.s32 $0x3080;
	v5 =	vadd.s32 v3, v5  }
0x70: {  	[tilespmem:s12], [sflag:$0x1] =	stream.indirect_vreg.gather [hbm4b:s3+s2], $0x80, v6, vm0, $0xb8;
	[tilespmem:$0xD880] =	vst v63  }
0x71: {  	s13 =	simm.s32 $0x3880  }
0x72: {  	[tilespmem:s13], [sflag:$0x1] =	stream.indirect_vreg.gather [hbm4b:s5+s2], $0x80, v6, vm1, $0xb8;
	[tilespmem:$0xD880] =	vst v63  }
0x73: {  	s14 =	simm.s32 $0x3C80  }
0x74: {  	[tilespmem:s14], [sflag:$0x1] =	stream.indirect_vreg.gather [hbm4b:s3+s2], $0x80, v5, vm0, $0xb8;
	[tilespmem:$0xD880] =	vst v63  }
0x75: {  	s15 =	simm.s32 $0x4480  }
0x76: {  	[tilespmem:s15], [sflag:$0x1] =	stream.indirect_vreg.gather [hbm4b:s5+s2], $0x80, v5, vm1, $0xb8;
	[tilespmem:$0xD880] =	vst v63  }
0x77: {  	v5 =	vld [tilespmem:$0x1820];
	_ =	sdelay $0x4  }
0x78: {  	v6 =	vshrl.u32 v5, $0x3  }
0x79: {  	v6 =	vmul.u32 $0x18, v6  }
0x7a: {  	v5 =	vand.u32 $0x7, v5  }
0x7b: {  	v5 =	vor.u32 v5, v6  }
0x7c: {  	v6 =	vperm.xlane v5, v2;
	_ =	sdelay $0x1  }
0x7d: {  	v6 =	vadd.s32 v3, v6;
	_ =	sdelay $0x1  }
0x7e: {  	v5 =	vperm.xlane v5, v4;
	_ =	sdelay $0x1  }
0x7f: {  	s16 =	simm.s32 $0x4880;
	v5 =	vadd.s32 v3, v5  }
0x80: {  	[tilespmem:s16], [sflag:$0x1] =	stream.indirect_vreg.gather [hbm4b:s3+s2], $0x80, v6, vm0, $0xb8;
	[tilespmem:$0xD880] =	vst v63  }
0x81: {  	s17 =	simm.s32 $0x5080  }
0x82: {  	[tilespmem:s17], [sflag:$0x1] =	stream.indirect_vreg.gather [hbm4b:s5+s2], $0x80, v6, vm1, $0xb8;
	[tilespmem:$0xD880] =	vst v63  }
0x83: {  	s18 =	simm.s32 $0x5480  }
0x84: {  	[tilespmem:s18], [sflag:$0x1] =	stream.indirect_vreg.gather [hbm4b:s3+s2], $0x80, v5, vm0, $0xb8;
	[tilespmem:$0xD880] =	vst v63  }
0x85: {  	s19 =	simm.s32 $0x5C80  }
0x86: {  	[tilespmem:s19], [sflag:$0x1] =	stream.indirect_vreg.gather [hbm4b:s5+s2], $0x80, v5, vm1, $0xb8;
	[tilespmem:$0xD880] =	vst v63  }
0x87: {  	v5 =	vld [tilespmem:$0x1830];
	_ =	sdelay $0x4  }
0x88: {  	v6 =	vshrl.u32 v5, $0x3  }
0x89: {  	v6 =	vmul.u32 $0x18, v6  }
0x8a: {  	v5 =	vand.u32 $0x7, v5  }
0x8b: {  	v5 =	vor.u32 v5, v6  }
0x8c: {  	v6 =	vperm.xlane v5, v2;
	_ =	sdelay $0x1  }
0x8d: {  	v6 =	vadd.s32 v3, v6;
	_ =	sdelay $0x1  }
0x8e: {  	v5 =	vperm.xlane v5, v4;
	_ =	sdelay $0x1  }
0x8f: {  	s20 =	simm.s32 $0x6080;
	v5 =	vadd.s32 v3, v5  }
0x90: {  	[tilespmem:s20], [sflag:$0x1] =	stream.indirect_vreg.gather [hbm4b:s3+s2], $0x80, v6, vm0, $0xb8;
	[tilespmem:$0xD880] =	vst v63  }
0x91: {  	s21 =	simm.s32 $0x6880  }
0x92: {  	[tilespmem:s21], [sflag:$0x1] =	stream.indirect_vreg.gather [hbm4b:s5+s2], $0x80, v6, vm1, $0xb8;
	[tilespmem:$0xD880] =	vst v63  }
0x93: {  	s22 =	simm.s32 $0x6C80  }
0x94: {  	[tilespmem:s22], [sflag:$0x1] =	stream.indirect_vreg.gather [hbm4b:s3+s2], $0x80, v5, vm0, $0xb8;
	[tilespmem:$0xD880] =	vst v63  }
0x95: {  	s24 =	simm.s32 $0x7480  }
0x96: {  	[tilespmem:s24], [sflag:$0x1] =	stream.indirect_vreg.gather [hbm4b:s5+s2], $0x80, v5, vm1, $0xb8;
	[tilespmem:$0xD880] =	vst v63  }
0x97: {  	v5 =	vld [tilespmem:$0x1840];
	_ =	sdelay $0x4  }
0x98: {  	v6 =	vshrl.u32 v5, $0x3  }
0x99: {  	v6 =	vmul.u32 $0x18, v6  }
0x9a: {  	v5 =	vand.u32 $0x7, v5  }
0x9b: {  	v5 =	vor.u32 v5, v6  }
0x9c: {  	v6 =	vperm.xlane v5, v2;
	_ =	sdelay $0x1  }
0x9d: {  	v6 =	vadd.s32 v3, v6;
	_ =	sdelay $0x1  }
0x9e: {  	v5 =	vperm.xlane v5, v4;
	_ =	sdelay $0x1  }
0x9f: {  	s26 =	simm.s32 $0x7880;
	v5 =	vadd.s32 v3, v5  }
0xa0: {  	[tilespmem:s26], [sflag:$0x1] =	stream.indirect_vreg.gather [hbm4b:s3+s2], $0x80, v6, vm0, $0xb8;
	[tilespmem:$0xD880] =	vst v63  }
0xa1: {  	s28 =	simm.s32 $0x8080  }
0xa2: {  	[tilespmem:s28], [sflag:$0x1] =	stream.indirect_vreg.gather [hbm4b:s5+s2], $0x80, v6, vm1, $0xb8;
	[tilespmem:$0xD880] =	vst v63  }
0xa3: {  	s29 =	simm.s32 $0x8480  }
0xa4: {  	[tilespmem:s29], [sflag:$0x1] =	stream.indirect_vreg.gather [hbm4b:s3+s2], $0x80, v5, vm0, $0xb8;
	[tilespmem:$0xD880] =	vst v63  }
0xa5: {  	s30 =	simm.s32 $0x8C80  }
0xa6: {  	[tilespmem:s30], [sflag:$0x1] =	stream.indirect_vreg.gather [hbm4b:s5+s2], $0x80, v5, vm1, $0xb8;
	[tilespmem:$0xD880] =	vst v63  }
0xa7: {  	v5 =	vld [tilespmem:$0x1850];
	_ =	sdelay $0x4  }
0xa8: {  	v6 =	vshrl.u32 v5, $0x3  }
0xa9: {  	v6 =	vmul.u32 $0x18, v6  }
0xaa: {  	v5 =	vand.u32 $0x7, v5  }
0xab: {  	v5 =	vor.u32 v5, v6  }
0xac: {  	v6 =	vperm.xlane v5, v2;
	_ =	sdelay $0x1  }
0xad: {  	v6 =	vadd.s32 v3, v6;
	_ =	sdelay $0x1  }
0xae: {  	v5 =	vperm.xlane v5, v4;
	_ =	sdelay $0x1  }
0xaf: {  	s31 =	simm.s32 $0x9080;
	v5 =	vadd.s32 v3, v5  }
0xb0: {  	[tilespmem:s31], [sflag:$0x1] =	stream.indirect_vreg.gather [hbm4b:s3+s2], $0x80, v6, vm0, $0xb8;
	[tilespmem:$0xD880] =	vst v63  }
0xb1: {  	s7 =	simm.s32 $0x9880  }
0xb2: {  	[tilespmem:s7], [sflag:$0x1] =	stream.indirect_vreg.gather [hbm4b:s5+s2], $0x80, v6, vm1, $0xb8;
	[tilespmem:$0xD880] =	vst v63  }
0xb3: {  	s8 =	simm.s32 $0x9C80  }
0xb4: {  	[tilespmem:s8], [sflag:$0x1] =	stream.indirect_vreg.gather [hbm4b:s3+s2], $0x80, v5, vm0, $0xb8;
	[tilespmem:$0xD880] =	vst v63  }
0xb5: {  	s7 =	simm.s32 $0xA480  }
0xb6: {  	[tilespmem:s7], [sflag:$0x1] =	stream.indirect_vreg.gather [hbm4b:s5+s2], $0x80, v5, vm1, $0xb8;
	[tilespmem:$0xD880] =	vst v63  }
0xb7: {  	v5 =	vld [tilespmem:$0x1860];
	_ =	sdelay $0x4  }
0xb8: {  	v6 =	vshrl.u32 v5, $0x3  }
0xb9: {  	v6 =	vmul.u32 $0x18, v6  }
0xba: {  	v5 =	vand.u32 $0x7, v5  }
0xbb: {  	v5 =	vor.u32 v5, v6  }
0xbc: {  	v6 =	vperm.xlane v5, v2;
	_ =	sdelay $0x1  }
0xbd: {  	v6 =	vadd.s32 v3, v6;
	_ =	sdelay $0x1  }
0xbe: {  	v5 =	vperm.xlane v5, v4;
	_ =	sdelay $0x1  }
0xbf: {  	s10 =	simm.s32 $0xA880;
	v5 =	vadd.s32 v3, v5  }
0xc0: {  	[tilespmem:s10], [sflag:$0x1] =	stream.indirect_vreg.gather [hbm4b:s3+s2], $0x80, v6, vm0, $0xb8;
	[tilespmem:$0xD880] =	vst v63  }
0xc1: {  	s11 =	simm.s32 $0xB080  }
0xc2: {  	[tilespmem:s11], [sflag:$0x1] =	stream.indirect_vreg.gather [hbm4b:s5+s2], $0x80, v6, vm1, $0xb8;
	[tilespmem:$0xD880] =	vst v63  }
0xc3: {  	s13 =	simm.s32 $0xB480  }
0xc4: {  	[tilespmem:s13], [sflag:$0x1] =	stream.indirect_vreg.gather [hbm4b:s3+s2], $0x80, v5, vm0, $0xb8;
	[tilespmem:$0xD880] =	vst v63  }
0xc5: {  	s14 =	simm.s32 $0xBC80  }
0xc6: {  	[tilespmem:s14], [sflag:$0x1] =	stream.indirect_vreg.gather [hbm4b:s5+s2], $0x80, v5, vm1, $0xb8;
	[tilespmem:$0xD880] =	vst v63  }
0xc7: {  	v5 =	vld [tilespmem:$0x1870];
	_ =	sdelay $0x4  }
0xc8: {  	v6 =	vshrl.u32 v5, $0x3  }
0xc9: {  	v6 =	vmul.u32 $0x18, v6  }
0xca: {  	v5 =	vand.u32 $0x7, v5  }
0xcb: {  	v5 =	vor.u32 v5, v6  }
0xcc: {  	v6 =	vperm.xlane v5, v2;
	_ =	sdelay $0x1  }
0xcd: {  	v6 =	vadd.s32 v3, v6;
	_ =	sdelay $0x1  }
0xce: {  	v5 =	vperm.xlane v5, v4;
	_ =	sdelay $0x1  }
0xcf: {  	s16 =	simm.s32 $0xC080;
	v5 =	vadd.s32 v3, v5  }
0xd0: {  	[tilespmem:s16], [sflag:$0x1] =	stream.indirect_vreg.gather [hbm4b:s3+s2], $0x80, v6, vm0, $0xb8;
	[tilespmem:$0xD880] =	vst v63  }
0xd1: {  	s17 =	simm.s32 $0xC880  }
0xd2: {  	[tilespmem:s17], [sflag:$0x1] =	stream.indirect_vreg.gather [hbm4b:s5+s2], $0x80, v6, vm1, $0xb8;
	[tilespmem:$0xD880] =	vst v63  }
0xd3: {  	s18 =	simm.s32 $0xCC80  }
0xd4: {  	[tilespmem:s18], [sflag:$0x1] =	stream.indirect_vreg.gather [hbm4b:s3+s2], $0x80, v5, vm0, $0xb8;
	[tilespmem:$0xD880] =	vst v63  }
0xd5: {  	s21 =	simm.s32 $0xD480  }
0xd6: {  	[tilespmem:s21], [sflag:$0x1] =	stream.indirect_vreg.gather [hbm4b:s5+s2], $0x80, v5, vm1, $0xb8;
	[tilespmem:$0xD880] =	vst v63  }
0xd7: {  	_ =	swait.ge [sflag:s1], $0xC000  }
0xd8: {  	[sflag:s1] =	ssyncset.done $0x0  }
0xd9: {  	s24 =	rddreg [dreg:$0x2];
	[sflag:s1] =	ssyncadd.s32 $0xFFFF4000  }
0xda: {  	[hbm4b:s24+s2] =	stream.linear.scatter [tilespmem:s25], [sflag:$0x3], $0xC000, $0x38;
	[tilespmem:$0xD880] =	vst v63  }
0xdb: {  	_ =	swait.ge [sflag:s0], $0xC000  }
0xdc: {  	[sflag:s0] =	ssyncset.done $0x0  }
0xdd: {  	[sflag:s0] =	ssyncadd.s32 $0xFFFF4000  }
0xde: {  	v5 =	vld [tilespmem:$0x1080];
	_ =	sdelay $0x3  }
0xdf: {  	v6 =	vld [tilespmem:$0x1090]  }
0xe0: {  	v7 =	vld [tilespmem:$0x10A0];
	v41 =	vshrl.u32 v5, $0x3  }
0xe1: {  	v42 =	vld [tilespmem:$0x10B0];
	v8 =	vmul.u32 $0x18, v41  }
0xe2: {  	v43 =	vld [tilespmem:$0x10C0];
	v44 =	vand.u32 $0x7, v5  }
0xe3: {  	[tilespmem:$0x1800] =	vst v5;
	v5 =	vld [tilespmem:$0x10D0];
	v8 =	vor.u32 v44, v8  }
0xe4: {  	[tilespmem:$0x1810] =	vst v6;
	v6 =	vld [tilespmem:$0x10E0];
	v11 =	vperm.xlane v8, v2  }
0xe5: {  	[tilespmem:$0x1820] =	vst v7;
	v7 =	vld [tilespmem:$0x10F0]  }
0xe6: {  	[tilespmem:$0x1830] =	vst v42;
	v45 =	vadd.s32 v3, v11  }
0xe7: {  	[tilespmem:$0x1840] =	vst v43  }
0xe8: {  	[tilespmem:$0x1850] =	vst v5;
	v5 =	vperm.xlane v8, v4  }
0xe9: {  	[tilespmem:$0x1860] =	vst v6  }
0xea: {  	[tilespmem:$0x1870] =	vst v7;
	v5 =	vadd.s32 v3, v5  }
0xeb: {  	[tilespmem:s25], [sflag:$0x1] =	stream.indirect_vreg.gather [hbm4b:s3+s2], $0x80, v45, vm0, $0xb8;
	[tilespmem:$0xD880] =	vst v63  }
0xec: {  	s6 =	simm.s32 $0x2080  }
0xed: {  	[tilespmem:s6], [sflag:$0x1] =	stream.indirect_vreg.gather [hbm4b:s5+s2], $0x80, v45, vm1, $0xb8;
	[tilespmem:$0xD880] =	vst v63  }
0xee: {  	s8 =	simm.s32 $0x2480  }
0xef: {  	[tilespmem:s8], [sflag:$0x1] =	stream.indirect_vreg.gather [hbm4b:s3+s2], $0x80, v5, vm0, $0xb8;
	[tilespmem:$0xD880] =	vst v63  }
0xf0: {  	s9 =	simm.s32 $0x2C80  }
0xf1: {  	[tilespmem:s9], [sflag:$0x1] =	stream.indirect_vreg.gather [hbm4b:s5+s2], $0x80, v5, vm1, $0xb8;
	[tilespmem:$0xD880] =	vst v63  }
0xf2: {  	v5 =	vld [tilespmem:$0x1810];
	_ =	sdelay $0x4  }
0xf3: {  	v6 =	vshrl.u32 v5, $0x3  }
0xf4: {  	v6 =	vmul.u32 $0x18, v6  }
0xf5: {  	v5 =	vand.u32 $0x7, v5  }
0xf6: {  	v5 =	vor.u32 v5, v6  }
0xf7: {  	v6 =	vperm.xlane v5, v2;
	_ =	sdelay $0x1  }
0xf8: {  	v6 =	vadd.s32 v3, v6;
	_ =	sdelay $0x1  }
0xf9: {  	v5 =	vperm.xlane v5, v4;
	_ =	sdelay $0x1  }
0xfa: {  	s9 =	simm.s32 $0x3080;
	v5 =	vadd.s32 v3, v5  }
0xfb: {  	[tilespmem:s9], [sflag:$0x1] =	stream.indirect_vreg.gather [hbm4b:s3+s2], $0x80, v6, vm0, $0xb8;
	[tilespmem:$0xD880] =	vst v63  }
0xfc: {  	s10 =	simm.s32 $0x3880  }
0xfd: {  	[tilespmem:s10], [sflag:$0x1] =	stream.indirect_vreg.gather [hbm4b:s5+s2], $0x80, v6, vm1, $0xb8;
	[tilespmem:$0xD880] =	vst v63  }
0xfe: {  	s11 =	simm.s32 $0x3C80  }
0xff: {  	[tilespmem:s11], [sflag:$0x1] =	stream.indirect_vreg.gather [hbm4b:s3+s2], $0x80, v5, vm0, $0xb8;
	[tilespmem:$0xD880] =	vst v63  }
0x100: {  	s12 =	simm.s32 $0x4480  }
0x101: {  	[tilespmem:s12], [sflag:$0x1] =	stream.indirect_vreg.gather [hbm4b:s5+s2], $0x80, v5, vm1, $0xb8;
	[tilespmem:$0xD880] =	vst v63  }
0x102: {  	v5 =	vld [tilespmem:$0x1820];
	_ =	sdelay $0x4  }
0x103: {  	v6 =	vshrl.u32 v5, $0x3  }
0x104: {  	v6 =	vmul.u32 $0x18, v6  }
0x105: {  	v5 =	vand.u32 $0x7, v5  }
0x106: {  	v5 =	vor.u32 v5, v6  }
0x107: {  	v6 =	vperm.xlane v5, v2;
	_ =	sdelay $0x1  }
0x108: {  	v6 =	vadd.s32 v3, v6;
	_ =	sdelay $0x1  }
0x109: {  	v5 =	vperm.xlane v5, v4;
	_ =	sdelay $0x1  }
0x10a: {  	s12 =	simm.s32 $0x4880;
	v5 =	vadd.s32 v3, v5  }
0x10b: {  	[tilespmem:s12], [sflag:$0x1] =	stream.indirect_vreg.gather [hbm4b:s3+s2], $0x80, v6, vm0, $0xb8;
	[tilespmem:$0xD880] =	vst v63  }
0x10c: {  	s13 =	simm.s32 $0x5080  }
0x10d: {  	[tilespmem:s13], [sflag:$0x1] =	stream.indirect_vreg.gather [hbm4b:s5+s2], $0x80, v6, vm1, $0xb8;
	[tilespmem:$0xD880] =	vst v63  }
0x10e: {  	s14 =	simm.s32 $0x5480  }
0x10f: {  	[tilespmem:s14], [sflag:$0x1] =	stream.indirect_vreg.gather [hbm4b:s3+s2], $0x80, v5, vm0, $0xb8;
	[tilespmem:$0xD880] =	vst v63  }
0x110: {  	s15 =	simm.s32 $0x5C80  }
0x111: {  	[tilespmem:s15], [sflag:$0x1] =	stream.indirect_vreg.gather [hbm4b:s5+s2], $0x80, v5, vm1, $0xb8;
	[tilespmem:$0xD880] =	vst v63  }
0x112: {  	v5 =	vld [tilespmem:$0x1830];
	_ =	sdelay $0x4  }
0x113: {  	v6 =	vshrl.u32 v5, $0x3  }
0x114: {  	v6 =	vmul.u32 $0x18, v6  }
0x115: {  	v5 =	vand.u32 $0x7, v5  }
0x116: {  	v5 =	vor.u32 v5, v6  }
0x117: {  	v6 =	vperm.xlane v5, v2;
	_ =	sdelay $0x1  }
0x118: {  	v6 =	vadd.s32 v3, v6;
	_ =	sdelay $0x1  }
0x119: {  	v5 =	vperm.xlane v5, v4;
	_ =	sdelay $0x1  }
0x11a: {  	s15 =	simm.s32 $0x6080;
	v5 =	vadd.s32 v3, v5  }
0x11b: {  	[tilespmem:s15], [sflag:$0x1] =	stream.indirect_vreg.gather [hbm4b:s3+s2], $0x80, v6, vm0, $0xb8;
	[tilespmem:$0xD880] =	vst v63  }
0x11c: {  	s16 =	simm.s32 $0x6880  }
0x11d: {  	[tilespmem:s16], [sflag:$0x1] =	stream.indirect_vreg.gather [hbm4b:s5+s2], $0x80, v6, vm1, $0xb8;
	[tilespmem:$0xD880] =	vst v63  }
0x11e: {  	s17 =	simm.s32 $0x6C80  }
0x11f: {  	[tilespmem:s17], [sflag:$0x1] =	stream.indirect_vreg.gather [hbm4b:s3+s2], $0x80, v5, vm0, $0xb8;
	[tilespmem:$0xD880] =	vst v63  }
0x120: {  	s18 =	simm.s32 $0x7480  }
0x121: {  	[tilespmem:s18], [sflag:$0x1] =	stream.indirect_vreg.gather [hbm4b:s5+s2], $0x80, v5, vm1, $0xb8;
	[tilespmem:$0xD880] =	vst v63  }
0x122: {  	v5 =	vld [tilespmem:$0x1840];
	_ =	sdelay $0x4  }
0x123: {  	v6 =	vshrl.u32 v5, $0x3  }
0x124: {  	v6 =	vmul.u32 $0x18, v6  }
0x125: {  	v5 =	vand.u32 $0x7, v5  }
0x126: {  	v5 =	vor.u32 v5, v6  }
0x127: {  	v6 =	vperm.xlane v5, v2;
	_ =	sdelay $0x1  }
0x128: {  	v6 =	vadd.s32 v3, v6;
	_ =	sdelay $0x1  }
0x129: {  	v5 =	vperm.xlane v5, v4;
	_ =	sdelay $0x1  }
0x12a: {  	s20 =	simm.s32 $0x7880;
	v5 =	vadd.s32 v3, v5  }
0x12b: {  	[tilespmem:s20], [sflag:$0x1] =	stream.indirect_vreg.gather [hbm4b:s3+s2], $0x80, v6, vm0, $0xb8;
	[tilespmem:$0xD880] =	vst v63  }
0x12c: {  	s20 =	simm.s32 $0x8080  }
0x12d: {  	[tilespmem:s20], [sflag:$0x1] =	stream.indirect_vreg.gather [hbm4b:s5+s2], $0x80, v6, vm1, $0xb8;
	[tilespmem:$0xD880] =	vst v63  }
0x12e: {  	s28 =	simm.s32 $0x8480  }
0x12f: {  	[tilespmem:s28], [sflag:$0x1] =	stream.indirect_vreg.gather [hbm4b:s3+s2], $0x80, v5, vm0, $0xb8;
	[tilespmem:$0xD880] =	vst v63  }
0x130: {  	s24 =	simm.s32 $0x8C80  }
0x131: {  	[tilespmem:s24], [sflag:$0x1] =	stream.indirect_vreg.gather [hbm4b:s5+s2], $0x80, v5, vm1, $0xb8;
	[tilespmem:$0xD880] =	vst v63  }
0x132: {  	v5 =	vld [tilespmem:$0x1850];
	_ =	sdelay $0x4  }
0x133: {  	v6 =	vshrl.u32 v5, $0x3  }
0x134: {  	v6 =	vmul.u32 $0x18, v6  }
0x135: {  	v5 =	vand.u32 $0x7, v5  }
0x136: {  	v5 =	vor.u32 v5, v6  }
0x137: {  	v6 =	vperm.xlane v5, v2;
	_ =	sdelay $0x1  }
0x138: {  	v6 =	vadd.s32 v3, v6;
	_ =	sdelay $0x1  }
0x139: {  	v5 =	vperm.xlane v5, v4;
	_ =	sdelay $0x1  }
0x13a: {  	s30 =	simm.s32 $0x9080;
	v5 =	vadd.s32 v3, v5  }
0x13b: {  	[tilespmem:s30], [sflag:$0x1] =	stream.indirect_vreg.gather [hbm4b:s3+s2], $0x80, v6, vm0, $0xb8;
	[tilespmem:$0xD880] =	vst v63  }
0x13c: {  	s26 =	simm.s32 $0x9880  }
0x13d: {  	[tilespmem:s26], [sflag:$0x1] =	stream.indirect_vreg.gather [hbm4b:s5+s2], $0x80, v6, vm1, $0xb8;
	[tilespmem:$0xD880] =	vst v63  }
0x13e: {  	s30 =	simm.s32 $0x9C80  }
0x13f: {  	[tilespmem:s30], [sflag:$0x1] =	stream.indirect_vreg.gather [hbm4b:s3+s2], $0x80, v5, vm0, $0xb8;
	[tilespmem:$0xD880] =	vst v63  }
0x140: {  	s22 =	simm.s32 $0xA480  }
0x141: {  	[tilespmem:s22], [sflag:$0x1] =	stream.indirect_vreg.gather [hbm4b:s5+s2], $0x80, v5, vm1, $0xb8;
	[tilespmem:$0xD880] =	vst v63  }
0x142: {  	v5 =	vld [tilespmem:$0x1860];
	_ =	sdelay $0x4  }
0x143: {  	v6 =	vshrl.u32 v5, $0x3  }
0x144: {  	v6 =	vmul.u32 $0x18, v6  }
0x145: {  	v5 =	vand.u32 $0x7, v5  }
0x146: {  	v5 =	vor.u32 v5, v6  }
0x147: {  	v6 =	vperm.xlane v5, v2;
	_ =	sdelay $0x1  }
0x148: {  	v6 =	vadd.s32 v3, v6;
	_ =	sdelay $0x1  }
0x149: {  	v5 =	vperm.xlane v5, v4;
	_ =	sdelay $0x1  }
0x14a: {  	s26 =	simm.s32 $0xA880;
	v5 =	vadd.s32 v3, v5  }
0x14b: {  	[tilespmem:s26], [sflag:$0x1] =	stream.indirect_vreg.gather [hbm4b:s3+s2], $0x80, v6, vm0, $0xb8;
	[tilespmem:$0xD880] =	vst v63  }
0x14c: {  	s28 =	simm.s32 $0xB080  }
0x14d: {  	[tilespmem:s28], [sflag:$0x1] =	stream.indirect_vreg.gather [hbm4b:s5+s2], $0x80, v6, vm1, $0xb8;
	[tilespmem:$0xD880] =	vst v63  }
0x14e: {  	s30 =	simm.s32 $0xB480  }
0x14f: {  	[tilespmem:s30], [sflag:$0x1] =	stream.indirect_vreg.gather [hbm4b:s3+s2], $0x80, v5, vm0, $0xb8;
	[tilespmem:$0xD880] =	vst v63  }
0x150: {  	s19 =	simm.s32 $0xBC80  }
0x151: {  	[tilespmem:s19], [sflag:$0x1] =	stream.indirect_vreg.gather [hbm4b:s5+s2], $0x80, v5, vm1, $0xb8;
	[tilespmem:$0xD880] =	vst v63  }
0x152: {  	v5 =	vld [tilespmem:$0x1870];
	_ =	sdelay $0x4  }
0x153: {  	v6 =	vshrl.u32 v5, $0x3  }
0x154: {  	v6 =	vmul.u32 $0x18, v6  }
0x155: {  	v5 =	vand.u32 $0x7, v5  }
0x156: {  	v5 =	vor.u32 v5, v6  }
0x157: {  	v6 =	vperm.xlane v5, v2;
	_ =	sdelay $0x1  }
0x158: {  	v6 =	vadd.s32 v3, v6;
	_ =	sdelay $0x1  }
0x159: {  	v5 =	vperm.xlane v5, v4;
	_ =	sdelay $0x1  }
0x15a: {  	s19 =	simm.s32 $0xC080;
	v5 =	vadd.s32 v3, v5  }
0x15b: {  	[tilespmem:s19], [sflag:$0x1] =	stream.indirect_vreg.gather [hbm4b:s3+s2], $0x80, v6, vm0, $0xb8;
	[tilespmem:$0xD880] =	vst v63  }
0x15c: {  	s29 =	simm.s32 $0xC880  }
0x15d: {  	[tilespmem:s29], [sflag:$0x1] =	stream.indirect_vreg.gather [hbm4b:s5+s2], $0x80, v6, vm1, $0xb8;
	[tilespmem:$0xD880] =	vst v63  }
0x15e: {  	s30 =	simm.s32 $0xCC80  }
0x15f: {  	[tilespmem:s30], [sflag:$0x1] =	stream.indirect_vreg.gather [hbm4b:s3+s2], $0x80, v5, vm0, $0xb8;
	[tilespmem:$0xD880] =	vst v63  }
0x160: {  	s21 =	simm.s32 $0xD480  }
0x161: {  	[tilespmem:s21], [sflag:$0x1] =	stream.indirect_vreg.gather [hbm4b:s5+s2], $0x80, v5, vm1, $0xb8;
	[tilespmem:$0xD880] =	vst v63  }
0x162: {  	_ =	swait.ge [sflag:s1], $0xC000  }
0x163: {  	[sflag:s1] =	ssyncset.done $0x0  }
0x164: {  	s7 =	rddreg [dreg:$0x3];
	[sflag:s1] =	ssyncadd.s32 $0xFFFF4000  }
0x165: {  	[hbm4b:s7+s2] =	stream.linear.scatter [tilespmem:s25], [sflag:$0x3], $0xC000, $0x38;
	[tilespmem:$0xD880] =	vst v63  }
0x166: {  	_ =	swait.ge [sflag:s0], $0xC000  }
0x167: {  	[sflag:s0] =	ssyncset.done $0x0  }
0x168: {  	[sflag:s0] =	ssyncadd.s32 $0xFFFF4000  }
0x169: {  	v5 =	vld [tilespmem:$0x1100];
	_ =	sdelay $0x3  }
0x16a: {  	v6 =	vld [tilespmem:$0x1110]  }
0x16b: {  	v7 =	vld [tilespmem:$0x1120];
	v46 =	vshrl.u32 v5, $0x3  }
0x16c: {  	v47 =	vld [tilespmem:$0x1130];
	v8 =	vmul.u32 $0x18, v46  }
0x16d: {  	v48 =	vld [tilespmem:$0x1140];
	v49 =	vand.u32 $0x7, v5  }
0x16e: {  	[tilespmem:$0x1800] =	vst v5;
	v5 =	vld [tilespmem:$0x1150];
	v8 =	vor.u32 v49, v8  }
0x16f: {  	[tilespmem:$0x1810] =	vst v6;
	v6 =	vld [tilespmem:$0x1160];
	v11 =	vperm.xlane v8, v2  }
0x170: {  	[tilespmem:$0x1820] =	vst v7;
	v7 =	vld [tilespmem:$0x1170]  }
0x171: {  	[tilespmem:$0x1830] =	vst v47;
	v50 =	vadd.s32 v3, v11  }
0x172: {  	[tilespmem:$0x1840] =	vst v48  }
0x173: {  	[tilespmem:$0x1850] =	vst v5;
	v5 =	vperm.xlane v8, v4  }
0x174: {  	[tilespmem:$0x1860] =	vst v6  }
0x175: {  	[tilespmem:$0x1870] =	vst v7;
	v5 =	vadd.s32 v3, v5  }
0x176: {  	[tilespmem:s25], [sflag:$0x1] =	stream.indirect_vreg.gather [hbm4b:s3+s2], $0x80, v50, vm0, $0xb8;
	[tilespmem:$0xD880] =	vst v63  }
0x177: {  	_ = 	snop  }
0x178: {  	[tilespmem:s6], [sflag:$0x1] =	stream.indirect_vreg.gather [hbm4b:s5+s2], $0x80, v50, vm1, $0xb8;
	[tilespmem:$0xD880] =	vst v63  }
0x179: {  	_ = 	snop  }
0x17a: {  	[tilespmem:s8], [sflag:$0x1] =	stream.indirect_vreg.gather [hbm4b:s3+s2], $0x80, v5, vm0, $0xb8;
	[tilespmem:$0xD880] =	vst v63  }
0x17b: {  	s7 =	simm.s32 $0x2C80  }
0x17c: {  	[tilespmem:s7], [sflag:$0x1] =	stream.indirect_vreg.gather [hbm4b:s5+s2], $0x80, v5, vm1, $0xb8;
	[tilespmem:$0xD880] =	vst v63  }
0x17d: {  	v5 =	vld [tilespmem:$0x1810];
	_ =	sdelay $0x4  }
0x17e: {  	v6 =	vshrl.u32 v5, $0x3  }
0x17f: {  	v6 =	vmul.u32 $0x18, v6  }
0x180: {  	v5 =	vand.u32 $0x7, v5  }
0x181: {  	v5 =	vor.u32 v5, v6  }
0x182: {  	v6 =	vperm.xlane v5, v2;
	_ =	sdelay $0x1  }
0x183: {  	v6 =	vadd.s32 v3, v6;
	_ =	sdelay $0x1  }
0x184: {  	v5 =	vperm.xlane v5, v4;
	_ =	sdelay $0x1  }
0x185: {  	v5 =	vadd.s32 v3, v5  }
0x186: {  	[tilespmem:s9], [sflag:$0x1] =	stream.indirect_vreg.gather [hbm4b:s3+s2], $0x80, v6, vm0, $0xb8;
	[tilespmem:$0xD880] =	vst v63  }
0x187: {  	_ = 	snop  }
0x188: {  	[tilespmem:s10], [sflag:$0x1] =	stream.indirect_vreg.gather [hbm4b:s5+s2], $0x80, v6, vm1, $0xb8;
	[tilespmem:$0xD880] =	vst v63  }
0x189: {  	_ = 	snop  }
0x18a: {  	[tilespmem:s11], [sflag:$0x1] =	stream.indirect_vreg.gather [hbm4b:s3+s2], $0x80, v5, vm0, $0xb8;
	[tilespmem:$0xD880] =	vst v63  }
0x18b: {  	s7 =	simm.s32 $0x4480  }
0x18c: {  	[tilespmem:s7], [sflag:$0x1] =	stream.indirect_vreg.gather [hbm4b:s5+s2], $0x80, v5, vm1, $0xb8;
	[tilespmem:$0xD880] =	vst v63  }
0x18d: {  	v5 =	vld [tilespmem:$0x1820];
	_ =	sdelay $0x4  }
0x18e: {  	v6 =	vshrl.u32 v5, $0x3  }
0x18f: {  	v6 =	vmul.u32 $0x18, v6  }
0x190: {  	v5 =	vand.u32 $0x7, v5  }
0x191: {  	v5 =	vor.u32 v5, v6  }
0x192: {  	v6 =	vperm.xlane v5, v2;
	_ =	sdelay $0x1  }
0x193: {  	v6 =	vadd.s32 v3, v6;
	_ =	sdelay $0x1  }
0x194: {  	v5 =	vperm.xlane v5, v4;
	_ =	sdelay $0x1  }
0x195: {  	v5 =	vadd.s32 v3, v5  }
0x196: {  	[tilespmem:s12], [sflag:$0x1] =	stream.indirect_vreg.gather [hbm4b:s3+s2], $0x80, v6, vm0, $0xb8;
	[tilespmem:$0xD880] =	vst v63  }
0x197: {  	_ = 	snop  }
0x198: {  	[tilespmem:s13], [sflag:$0x1] =	stream.indirect_vreg.gather [hbm4b:s5+s2], $0x80, v6, vm1, $0xb8;
	[tilespmem:$0xD880] =	vst v63  }
0x199: {  	_ = 	snop  }
0x19a: {  	[tilespmem:s14], [sflag:$0x1] =	stream.indirect_vreg.gather [hbm4b:s3+s2], $0x80, v5, vm0, $0xb8;
	[tilespmem:$0xD880] =	vst v63  }
0x19b: {  	s7 =	simm.s32 $0x5C80  }
0x19c: {  	[tilespmem:s7], [sflag:$0x1] =	stream.indirect_vreg.gather [hbm4b:s5+s2], $0x80, v5, vm1, $0xb8;
	[tilespmem:$0xD880] =	vst v63  }
0x19d: {  	v5 =	vld [tilespmem:$0x1830];
	_ =	sdelay $0x4  }
0x19e: {  	v6 =	vshrl.u32 v5, $0x3  }
0x19f: {  	v6 =	vmul.u32 $0x18, v6  }
0x1a0: {  	v5 =	vand.u32 $0x7, v5  }
0x1a1: {  	v5 =	vor.u32 v5, v6  }
0x1a2: {  	v6 =	vperm.xlane v5, v2;
	_ =	sdelay $0x1  }
0x1a3: {  	v6 =	vadd.s32 v3, v6;
	_ =	sdelay $0x1  }
0x1a4: {  	v5 =	vperm.xlane v5, v4;
	_ =	sdelay $0x1  }
0x1a5: {  	v5 =	vadd.s32 v3, v5  }
0x1a6: {  	[tilespmem:s15], [sflag:$0x1] =	stream.indirect_vreg.gather [hbm4b:s3+s2], $0x80, v6, vm0, $0xb8;
	[tilespmem:$0xD880] =	vst v63  }
0x1a7: {  	_ = 	snop  }
0x1a8: {  	[tilespmem:s16], [sflag:$0x1] =	stream.indirect_vreg.gather [hbm4b:s5+s2], $0x80, v6, vm1, $0xb8;
	[tilespmem:$0xD880] =	vst v63  }
0x1a9: {  	_ = 	snop  }
0x1aa: {  	[tilespmem:s17], [sflag:$0x1] =	stream.indirect_vreg.gather [hbm4b:s3+s2], $0x80, v5, vm0, $0xb8;
	[tilespmem:$0xD880] =	vst v63  }
0x1ab: {  	_ = 	snop  }
0x1ac: {  	[tilespmem:s18], [sflag:$0x1] =	stream.indirect_vreg.gather [hbm4b:s5+s2], $0x80, v5, vm1, $0xb8;
	[tilespmem:$0xD880] =	vst v63  }
0x1ad: {  	v5 =	vld [tilespmem:$0x1840];
	_ =	sdelay $0x4  }
0x1ae: {  	v6 =	vshrl.u32 v5, $0x3  }
0x1af: {  	v6 =	vmul.u32 $0x18, v6  }
0x1b0: {  	v5 =	vand.u32 $0x7, v5  }
0x1b1: {  	v5 =	vor.u32 v5, v6  }
0x1b2: {  	v6 =	vperm.xlane v5, v2;
	_ =	sdelay $0x1  }
0x1b3: {  	v6 =	vadd.s32 v3, v6;
	_ =	sdelay $0x1  }
0x1b4: {  	v5 =	vperm.xlane v5, v4;
	_ =	sdelay $0x1  }
0x1b5: {  	s31 =	simm.s32 $0x7880;
	v5 =	vadd.s32 v3, v5  }
0x1b6: {  	[tilespmem:s31], [sflag:$0x1] =	stream.indirect_vreg.gather [hbm4b:s3+s2], $0x80, v6, vm0, $0xb8;
	[tilespmem:$0xD880] =	vst v63  }
0x1b7: {  	_ = 	snop  }
0x1b8: {  	[tilespmem:s20], [sflag:$0x1] =	stream.indirect_vreg.gather [hbm4b:s5+s2], $0x80, v6, vm1, $0xb8;
	[tilespmem:$0xD880] =	vst v63  }
0x1b9: {  	s20 =	simm.s32 $0x8480  }
0x1ba: {  	[tilespmem:s20], [sflag:$0x1] =	stream.indirect_vreg.gather [hbm4b:s3+s2], $0x80, v5, vm0, $0xb8;
	[tilespmem:$0xD880] =	vst v63  }
0x1bb: {  	_ = 	snop  }
0x1bc: {  	[tilespmem:s24], [sflag:$0x1] =	stream.indirect_vreg.gather [hbm4b:s5+s2], $0x80, v5, vm1, $0xb8;
	[tilespmem:$0xD880] =	vst v63  }
0x1bd: {  	v5 =	vld [tilespmem:$0x1850];
	_ =	sdelay $0x4  }
0x1be: {  	v6 =	vshrl.u32 v5, $0x3  }
0x1bf: {  	v6 =	vmul.u32 $0x18, v6  }
0x1c0: {  	v5 =	vand.u32 $0x7, v5  }
0x1c1: {  	v5 =	vor.u32 v5, v6  }
0x1c2: {  	v6 =	vperm.xlane v5, v2;
	_ =	sdelay $0x1  }
0x1c3: {  	v6 =	vadd.s32 v3, v6;
	_ =	sdelay $0x1  }
0x1c4: {  	v5 =	vperm.xlane v5, v4;
	_ =	sdelay $0x1  }
0x1c5: {  	s24 =	simm.s32 $0x9080;
	v5 =	vadd.s32 v3, v5  }
0x1c6: {  	[tilespmem:s24], [sflag:$0x1] =	stream.indirect_vreg.gather [hbm4b:s3+s2], $0x80, v6, vm0, $0xb8;
	[tilespmem:$0xD880] =	vst v63  }
0x1c7: {  	s24 =	simm.s32 $0x9880  }
0x1c8: {  	[tilespmem:s24], [sflag:$0x1] =	stream.indirect_vreg.gather [hbm4b:s5+s2], $0x80, v6, vm1, $0xb8;
	[tilespmem:$0xD880] =	vst v63  }
0x1c9: {  	s24 =	simm.s32 $0x9C80  }
0x1ca: {  	[tilespmem:s24], [sflag:$0x1] =	stream.indirect_vreg.gather [hbm4b:s3+s2], $0x80, v5, vm0, $0xb8;
	[tilespmem:$0xD880] =	vst v63  }
0x1cb: {  	s24 =	simm.s32 $0xA480  }
0x1cc: {  	[tilespmem:s24], [sflag:$0x1] =	stream.indirect_vreg.gather [hbm4b:s5+s2], $0x80, v5, vm1, $0xb8;
	[tilespmem:$0xD880] =	vst v63  }
0x1cd: {  	v5 =	vld [tilespmem:$0x1860];
	_ =	sdelay $0x4  }
0x1ce: {  	v6 =	vshrl.u32 v5, $0x3  }
0x1cf: {  	v6 =	vmul.u32 $0x18, v6  }
0x1d0: {  	v5 =	vand.u32 $0x7, v5  }
0x1d1: {  	v5 =	vor.u32 v5, v6  }
0x1d2: {  	v6 =	vperm.xlane v5, v2;
	_ =	sdelay $0x1  }
0x1d3: {  	v6 =	vadd.s32 v3, v6;
	_ =	sdelay $0x1  }
0x1d4: {  	v5 =	vperm.xlane v5, v4;
	_ =	sdelay $0x1  }
0x1d5: {  	s22 =	simm.s32 $0xA880;
	v5 =	vadd.s32 v3, v5  }
0x1d6: {  	[tilespmem:s22], [sflag:$0x1] =	stream.indirect_vreg.gather [hbm4b:s3+s2], $0x80, v6, vm0, $0xb8;
	[tilespmem:$0xD880] =	vst v63  }
0x1d7: {  	s26 =	simm.s32 $0xB080  }
0x1d8: {  	[tilespmem:s26], [sflag:$0x1] =	stream.indirect_vreg.gather [hbm4b:s5+s2], $0x80, v6, vm1, $0xb8;
	[tilespmem:$0xD880] =	vst v63  }
0x1d9: {  	s28 =	simm.s32 $0xB480  }
0x1da: {  	[tilespmem:s28], [sflag:$0x1] =	stream.indirect_vreg.gather [hbm4b:s3+s2], $0x80, v5, vm0, $0xb8;
	[tilespmem:$0xD880] =	vst v63  }
0x1db: {  	s28 =	simm.s32 $0xBC80  }
0x1dc: {  	[tilespmem:s28], [sflag:$0x1] =	stream.indirect_vreg.gather [hbm4b:s5+s2], $0x80, v5, vm1, $0xb8;
	[tilespmem:$0xD880] =	vst v63  }
0x1dd: {  	v5 =	vld [tilespmem:$0x1870];
	_ =	sdelay $0x4  }
0x1de: {  	v6 =	vshrl.u32 v5, $0x3  }
0x1df: {  	v6 =	vmul.u32 $0x18, v6  }
0x1e0: {  	v5 =	vand.u32 $0x7, v5  }
0x1e1: {  	v5 =	vor.u32 v5, v6  }
0x1e2: {  	v6 =	vperm.xlane v5, v2;
	_ =	sdelay $0x1  }
0x1e3: {  	v6 =	vadd.s32 v3, v6;
	_ =	sdelay $0x1  }
0x1e4: {  	v5 =	vperm.xlane v5, v4;
	_ =	sdelay $0x1  }
0x1e5: {  	s19 =	simm.s32 $0xC080;
	v5 =	vadd.s32 v3, v5  }
0x1e6: {  	[tilespmem:s19], [sflag:$0x1] =	stream.indirect_vreg.gather [hbm4b:s3+s2], $0x80, v6, vm0, $0xb8;
	[tilespmem:$0xD880] =	vst v63  }
0x1e7: {  	s29 =	simm.s32 $0xC880  }
0x1e8: {  	[tilespmem:s29], [sflag:$0x1] =	stream.indirect_vreg.gather [hbm4b:s5+s2], $0x80, v6, vm1, $0xb8;
	[tilespmem:$0xD880] =	vst v63  }
0x1e9: {  	s30 =	simm.s32 $0xCC80  }
0x1ea: {  	[tilespmem:s30], [sflag:$0x1] =	stream.indirect_vreg.gather [hbm4b:s3+s2], $0x80, v5, vm0, $0xb8;
	[tilespmem:$0xD880] =	vst v63  }
0x1eb: {  	s21 =	simm.s32 $0xD480  }
0x1ec: {  	[tilespmem:s21], [sflag:$0x1] =	stream.indirect_vreg.gather [hbm4b:s5+s2], $0x80, v5, vm1, $0xb8;
	[tilespmem:$0xD880] =	vst v63  }
0x1ed: {  	_ =	swait.ge [sflag:s1], $0xC000  }
0x1ee: {  	[sflag:s1] =	ssyncset.done $0x0  }
0x1ef: {  	s30 =	rddreg [dreg:$0x4];
	[sflag:s1] =	ssyncadd.s32 $0xFFFF4000  }
0x1f0: {  	[hbm4b:s30+s2] =	stream.linear.scatter [tilespmem:s25], [sflag:$0x3], $0xC000, $0x38;
	[tilespmem:$0xD880] =	vst v63  }
0x1f1: {  	_ =	swait.ge [sflag:s0], $0xC000  }
0x1f2: {  	[sflag:s0] =	ssyncset.done $0x0  }
0x1f3: {  	[sflag:s0] =	ssyncadd.s32 $0xFFFF4000  }
0x1f4: {  	v5 =	vld [tilespmem:$0x1180];
	_ =	sdelay $0x3  }
0x1f5: {  	v6 =	vld [tilespmem:$0x1190]  }
0x1f6: {  	v7 =	vld [tilespmem:$0x11A0];
	v51 =	vshrl.u32 v5, $0x3  }
0x1f7: {  	v52 =	vld [tilespmem:$0x11B0];
	v8 =	vmul.u32 $0x18, v51  }
0x1f8: {  	v53 =	vld [tilespmem:$0x11C0];
	v54 =	vand.u32 $0x7, v5  }
0x1f9: {  	[tilespmem:$0x1800] =	vst v5;
	v5 =	vld [tilespmem:$0x11D0];
	v8 =	vor.u32 v54, v8  }
0x1fa: {  	[tilespmem:$0x1810] =	vst v6;
	v6 =	vld [tilespmem:$0x11E0];
	v11 =	vperm.xlane v8, v2  }
0x1fb: {  	[tilespmem:$0x1820] =	vst v7;
	v7 =	vld [tilespmem:$0x11F0]  }
0x1fc: {  	[tilespmem:$0x1830] =	vst v52;
	v55 =	vadd.s32 v3, v11  }
0x1fd: {  	[tilespmem:$0x1840] =	vst v53  }
0x1fe: {  	[tilespmem:$0x1850] =	vst v5;
	v5 =	vperm.xlane v8, v4  }
0x1ff: {  	[tilespmem:$0x1860] =	vst v6  }
0x200: {  	[tilespmem:$0x1870] =	vst v7;
	v5 =	vadd.s32 v3, v5  }
0x201: {  	[tilespmem:s25], [sflag:$0x1] =	stream.indirect_vreg.gather [hbm4b:s3+s2], $0x80, v55, vm0, $0xb8;
	[tilespmem:$0xD880] =	vst v63  }
0x202: {  	s6 =	simm.s32 $0x2080  }
0x203: {  	[tilespmem:s6], [sflag:$0x1] =	stream.indirect_vreg.gather [hbm4b:s5+s2], $0x80, v55, vm1, $0xb8;
	[tilespmem:$0xD880] =	vst v63  }
0x204: {  	s8 =	simm.s32 $0x2480  }
0x205: {  	[tilespmem:s8], [sflag:$0x1] =	stream.indirect_vreg.gather [hbm4b:s3+s2], $0x80, v5, vm0, $0xb8;
	[tilespmem:$0xD880] =	vst v63  }
0x206: {  	s30 =	simm.s32 $0x2C80  }
0x207: {  	[tilespmem:s30], [sflag:$0x1] =	stream.indirect_vreg.gather [hbm4b:s5+s2], $0x80, v5, vm1, $0xb8;
	[tilespmem:$0xD880] =	vst v63  }
0x208: {  	v5 =	vld [tilespmem:$0x1810];
	_ =	sdelay $0x4  }
0x209: {  	v6 =	vshrl.u32 v5, $0x3  }
0x20a: {  	v6 =	vmul.u32 $0x18, v6  }
0x20b: {  	v5 =	vand.u32 $0x7, v5  }
0x20c: {  	v5 =	vor.u32 v5, v6  }
0x20d: {  	v6 =	vperm.xlane v5, v2;
	_ =	sdelay $0x1  }
0x20e: {  	v6 =	vadd.s32 v3, v6;
	_ =	sdelay $0x1  }
0x20f: {  	v5 =	vperm.xlane v5, v4;
	_ =	sdelay $0x1  }
0x210: {  	s9 =	simm.s32 $0x3080;
	v5 =	vadd.s32 v3, v5  }
0x211: {  	[tilespmem:s9], [sflag:$0x1] =	stream.indirect_vreg.gather [hbm4b:s3+s2], $0x80, v6, vm0, $0xb8;
	[tilespmem:$0xD880] =	vst v63  }
0x212: {  	s10 =	simm.s32 $0x3880  }
0x213: {  	[tilespmem:s10], [sflag:$0x1] =	stream.indirect_vreg.gather [hbm4b:s5+s2], $0x80, v6, vm1, $0xb8;
	[tilespmem:$0xD880] =	vst v63  }
0x214: {  	s11 =	simm.s32 $0x3C80  }
0x215: {  	[tilespmem:s11], [sflag:$0x1] =	stream.indirect_vreg.gather [hbm4b:s3+s2], $0x80, v5, vm0, $0xb8;
	[tilespmem:$0xD880] =	vst v63  }
0x216: {  	s30 =	simm.s32 $0x4480  }
0x217: {  	[tilespmem:s30], [sflag:$0x1] =	stream.indirect_vreg.gather [hbm4b:s5+s2], $0x80, v5, vm1, $0xb8;
	[tilespmem:$0xD880] =	vst v63  }
0x218: {  	v5 =	vld [tilespmem:$0x1820];
	_ =	sdelay $0x4  }
0x219: {  	v6 =	vshrl.u32 v5, $0x3  }
0x21a: {  	v6 =	vmul.u32 $0x18, v6  }
0x21b: {  	v5 =	vand.u32 $0x7, v5  }
0x21c: {  	v5 =	vor.u32 v5, v6  }
0x21d: {  	v6 =	vperm.xlane v5, v2;
	_ =	sdelay $0x1  }
0x21e: {  	v6 =	vadd.s32 v3, v6;
	_ =	sdelay $0x1  }
0x21f: {  	v5 =	vperm.xlane v5, v4;
	_ =	sdelay $0x1  }
0x220: {  	s12 =	simm.s32 $0x4880;
	v5 =	vadd.s32 v3, v5  }
0x221: {  	[tilespmem:s12], [sflag:$0x1] =	stream.indirect_vreg.gather [hbm4b:s3+s2], $0x80, v6, vm0, $0xb8;
	[tilespmem:$0xD880] =	vst v63  }
0x222: {  	s13 =	simm.s32 $0x5080  }
0x223: {  	[tilespmem:s13], [sflag:$0x1] =	stream.indirect_vreg.gather [hbm4b:s5+s2], $0x80, v6, vm1, $0xb8;
	[tilespmem:$0xD880] =	vst v63  }
0x224: {  	s14 =	simm.s32 $0x5480  }
0x225: {  	[tilespmem:s14], [sflag:$0x1] =	stream.indirect_vreg.gather [hbm4b:s3+s2], $0x80, v5, vm0, $0xb8;
	[tilespmem:$0xD880] =	vst v63  }
0x226: {  	s30 =	simm.s32 $0x5C80  }
0x227: {  	[tilespmem:s30], [sflag:$0x1] =	stream.indirect_vreg.gather [hbm4b:s5+s2], $0x80, v5, vm1, $0xb8;
	[tilespmem:$0xD880] =	vst v63  }
0x228: {  	v5 =	vld [tilespmem:$0x1830];
	_ =	sdelay $0x4  }
0x229: {  	v6 =	vshrl.u32 v5, $0x3  }
0x22a: {  	v6 =	vmul.u32 $0x18, v6  }
0x22b: {  	v5 =	vand.u32 $0x7, v5  }
0x22c: {  	v5 =	vor.u32 v5, v6  }
0x22d: {  	v6 =	vperm.xlane v5, v2;
	_ =	sdelay $0x1  }
0x22e: {  	v6 =	vadd.s32 v3, v6;
	_ =	sdelay $0x1  }
0x22f: {  	v5 =	vperm.xlane v5, v4;
	_ =	sdelay $0x1  }
0x230: {  	s15 =	simm.s32 $0x6080;
	v5 =	vadd.s32 v3, v5  }
0x231: {  	[tilespmem:s15], [sflag:$0x1] =	stream.indirect_vreg.gather [hbm4b:s3+s2], $0x80, v6, vm0, $0xb8;
	[tilespmem:$0xD880] =	vst v63  }
0x232: {  	s16 =	simm.s32 $0x6880  }
0x233: {  	[tilespmem:s16], [sflag:$0x1] =	stream.indirect_vreg.gather [hbm4b:s5+s2], $0x80, v6, vm1, $0xb8;
	[tilespmem:$0xD880] =	vst v63  }
0x234: {  	s17 =	simm.s32 $0x6C80  }
0x235: {  	[tilespmem:s17], [sflag:$0x1] =	stream.indirect_vreg.gather [hbm4b:s3+s2], $0x80, v5, vm0, $0xb8;
	[tilespmem:$0xD880] =	vst v63  }
0x236: {  	s30 =	simm.s32 $0x7480  }
0x237: {  	[tilespmem:s30], [sflag:$0x1] =	stream.indirect_vreg.gather [hbm4b:s5+s2], $0x80, v5, vm1, $0xb8;
	[tilespmem:$0xD880] =	vst v63  }
0x238: {  	v5 =	vld [tilespmem:$0x1840];
	_ =	sdelay $0x4  }
0x239: {  	v6 =	vshrl.u32 v5, $0x3  }
0x23a: {  	v6 =	vmul.u32 $0x18, v6  }
0x23b: {  	v5 =	vand.u32 $0x7, v5  }
0x23c: {  	v5 =	vor.u32 v5, v6  }
0x23d: {  	v6 =	vperm.xlane v5, v2;
	_ =	sdelay $0x1  }
0x23e: {  	v6 =	vadd.s32 v3, v6;
	_ =	sdelay $0x1  }
0x23f: {  	v5 =	vperm.xlane v5, v4;
	_ =	sdelay $0x1  }
0x240: {  	s31 =	simm.s32 $0x7880;
	v5 =	vadd.s32 v3, v5  }
0x241: {  	[tilespmem:s31], [sflag:$0x1] =	stream.indirect_vreg.gather [hbm4b:s3+s2], $0x80, v6, vm0, $0xb8;
	[tilespmem:$0xD880] =	vst v63  }
0x242: {  	s18 =	simm.s32 $0x8080  }
0x243: {  	[tilespmem:s18], [sflag:$0x1] =	stream.indirect_vreg.gather [hbm4b:s5+s2], $0x80, v6, vm1, $0xb8;
	[tilespmem:$0xD880] =	vst v63  }
0x244: {  	s30 =	simm.s32 $0x8480  }
0x245: {  	[tilespmem:s30], [sflag:$0x1] =	stream.indirect_vreg.gather [hbm4b:s3+s2], $0x80, v5, vm0, $0xb8;
	[tilespmem:$0xD880] =	vst v63  }
0x246: {  	s20 =	simm.s32 $0x8C80  }
0x247: {  	[tilespmem:s20], [sflag:$0x1] =	stream.indirect_vreg.gather [hbm4b:s5+s2], $0x80, v5, vm1, $0xb8;
	[tilespmem:$0xD880] =	vst v63  }
0x248: {  	v5 =	vld [tilespmem:$0x1850];
	_ =	sdelay $0x4  }
0x249: {  	v6 =	vshrl.u32 v5, $0x3  }
0x24a: {  	v6 =	vmul.u32 $0x18, v6  }
0x24b: {  	v5 =	vand.u32 $0x7, v5  }
0x24c: {  	v5 =	vor.u32 v5, v6  }
0x24d: {  	v6 =	vperm.xlane v5, v2;
	_ =	sdelay $0x1  }
0x24e: {  	v6 =	vadd.s32 v3, v6;
	_ =	sdelay $0x1  }
0x24f: {  	v5 =	vperm.xlane v5, v4;
	_ =	sdelay $0x1  }
0x250: {  	s7 =	simm.s32 $0x9080;
	v5 =	vadd.s32 v3, v5  }
0x251: {  	[tilespmem:s7], [sflag:$0x1] =	stream.indirect_vreg.gather [hbm4b:s3+s2], $0x80, v6, vm0, $0xb8;
	[tilespmem:$0xD880] =	vst v63  }
0x252: {  	s7 =	simm.s32 $0x9880  }
0x253: {  	[tilespmem:s7], [sflag:$0x1] =	stream.indirect_vreg.gather [hbm4b:s5+s2], $0x80, v6, vm1, $0xb8;
	[tilespmem:$0xD880] =	vst v63  }
0x254: {  	s7 =	simm.s32 $0x9C80  }
0x255: {  	[tilespmem:s7], [sflag:$0x1] =	stream.indirect_vreg.gather [hbm4b:s3+s2], $0x80, v5, vm0, $0xb8;
	[tilespmem:$0xD880] =	vst v63  }
0x256: {  	s7 =	simm.s32 $0xA480  }
0x257: {  	[tilespmem:s7], [sflag:$0x1] =	stream.indirect_vreg.gather [hbm4b:s5+s2], $0x80, v5, vm1, $0xb8;
	[tilespmem:$0xD880] =	vst v63  }
0x258: {  	v5 =	vld [tilespmem:$0x1860];
	_ =	sdelay $0x4  }
0x259: {  	v6 =	vshrl.u32 v5, $0x3  }
0x25a: {  	v6 =	vmul.u32 $0x18, v6  }
0x25b: {  	v5 =	vand.u32 $0x7, v5  }
0x25c: {  	v5 =	vor.u32 v5, v6  }
0x25d: {  	v6 =	vperm.xlane v5, v2;
	_ =	sdelay $0x1  }
0x25e: {  	v6 =	vadd.s32 v3, v6;
	_ =	sdelay $0x1  }
0x25f: {  	v5 =	vperm.xlane v5, v4;
	_ =	sdelay $0x1  }
0x260: {  	s22 =	simm.s32 $0xA880;
	v5 =	vadd.s32 v3, v5  }
0x261: {  	[tilespmem:s22], [sflag:$0x1] =	stream.indirect_vreg.gather [hbm4b:s3+s2], $0x80, v6, vm0, $0xb8;
	[tilespmem:$0xD880] =	vst v63  }
0x262: {  	s24 =	simm.s32 $0xB080  }
0x263: {  	[tilespmem:s24], [sflag:$0x1] =	stream.indirect_vreg.gather [hbm4b:s5+s2], $0x80, v6, vm1, $0xb8;
	[tilespmem:$0xD880] =	vst v63  }
0x264: {  	s26 =	simm.s32 $0xB480  }
0x265: {  	[tilespmem:s26], [sflag:$0x1] =	stream.indirect_vreg.gather [hbm4b:s3+s2], $0x80, v5, vm0, $0xb8;
	[tilespmem:$0xD880] =	vst v63  }
0x266: {  	s7 =	simm.s32 $0xBC80  }
0x267: {  	[tilespmem:s7], [sflag:$0x1] =	stream.indirect_vreg.gather [hbm4b:s5+s2], $0x80, v5, vm1, $0xb8;
	[tilespmem:$0xD880] =	vst v63  }
0x268: {  	v5 =	vld [tilespmem:$0x1870];
	_ =	sdelay $0x4  }
0x269: {  	v6 =	vshrl.u32 v5, $0x3  }
0x26a: {  	v6 =	vmul.u32 $0x18, v6  }
0x26b: {  	v5 =	vand.u32 $0x7, v5  }
0x26c: {  	v5 =	vor.u32 v5, v6  }
0x26d: {  	v6 =	vperm.xlane v5, v2;
	_ =	sdelay $0x1  }
0x26e: {  	v6 =	vadd.s32 v3, v6;
	_ =	sdelay $0x1  }
0x26f: {  	v5 =	vperm.xlane v5, v4;
	_ =	sdelay $0x1  }
0x270: {  	s19 =	simm.s32 $0xC080;
	v5 =	vadd.s32 v3, v5  }
0x271: {  	[tilespmem:s19], [sflag:$0x1] =	stream.indirect_vreg.gather [hbm4b:s3+s2], $0x80, v6, vm0, $0xb8;
	[tilespmem:$0xD880] =	vst v63  }
0x272: {  	s28 =	simm.s32 $0xC880  }
0x273: {  	[tilespmem:s28], [sflag:$0x1] =	stream.indirect_vreg.gather [hbm4b:s5+s2], $0x80, v6, vm1, $0xb8;
	[tilespmem:$0xD880] =	vst v63  }
0x274: {  	s29 =	simm.s32 $0xCC80  }
0x275: {  	[tilespmem:s29], [sflag:$0x1] =	stream.indirect_vreg.gather [hbm4b:s3+s2], $0x80, v5, vm0, $0xb8;
	[tilespmem:$0xD880] =	vst v63  }
0x276: {  	s21 =	simm.s32 $0xD480  }
0x277: {  	[tilespmem:s21], [sflag:$0x1] =	stream.indirect_vreg.gather [hbm4b:s5+s2], $0x80, v5, vm1, $0xb8;
	[tilespmem:$0xD880] =	vst v63  }
0x278: {  	_ =	swait.ge [sflag:s1], $0xC000  }
0x279: {  	[sflag:s1] =	ssyncset.done $0x0  }
0x27a: {  	s7 =	rddreg [dreg:$0x5];
	[sflag:s1] =	ssyncadd.s32 $0xFFFF4000  }
0x27b: {  	[hbm4b:s7+s2] =	stream.linear.scatter [tilespmem:s25], [sflag:$0x3], $0xC000, $0x38;
	[tilespmem:$0xD880] =	vst v63  }
0x27c: {  	_ =	swait.ge [sflag:s0], $0xC000  }
0x27d: {  	[sflag:s0] =	ssyncset.done $0x0  }
0x27e: {  	[sflag:s0] =	ssyncadd.s32 $0xFFFF4000  }
0x27f: {  	v5 =	vld [tilespmem:$0x1200];
	_ =	sdelay $0x3  }
0x280: {  	v6 =	vld [tilespmem:$0x1210]  }
0x281: {  	v7 =	vld [tilespmem:$0x1220];
	v56 =	vshrl.u32 v5, $0x3  }
0x282: {  	v57 =	vld [tilespmem:$0x1230];
	v8 =	vmul.u32 $0x18, v56  }
0x283: {  	v58 =	vld [tilespmem:$0x1240];
	v59 =	vand.u32 $0x7, v5  }
0x284: {  	[tilespmem:$0x1800] =	vst v5;
	v5 =	vld [tilespmem:$0x1250];
	v8 =	vor.u32 v59, v8  }
0x285: {  	[tilespmem:$0x1810] =	vst v6;
	v6 =	vld [tilespmem:$0x1260];
	v11 =	vperm.xlane v8, v2  }
0x286: {  	[tilespmem:$0x1820] =	vst v7;
	v7 =	vld [tilespmem:$0x1270]  }
0x287: {  	[tilespmem:$0x1830] =	vst v57;
	v60 =	vadd.s32 v3, v11  }
0x288: {  	[tilespmem:$0x1840] =	vst v58  }
0x289: {  	[tilespmem:$0x1850] =	vst v5;
	v5 =	vperm.xlane v8, v4  }
0x28a: {  	[tilespmem:$0x1860] =	vst v6  }
0x28b: {  	[tilespmem:$0x1870] =	vst v7;
	v5 =	vadd.s32 v3, v5  }
0x28c: {  	[tilespmem:s25], [sflag:$0x1] =	stream.indirect_vreg.gather [hbm4b:s3+s2], $0x80, v60, vm0, $0xb8;
	[tilespmem:$0xD880] =	vst v63  }
0x28d: {  	s6 =	simm.s32 $0x2080  }
0x28e: {  	[tilespmem:s6], [sflag:$0x1] =	stream.indirect_vreg.gather [hbm4b:s5+s2], $0x80, v60, vm1, $0xb8;
	[tilespmem:$0xD880] =	vst v63  }
0x28f: {  	s8 =	simm.s32 $0x2480  }
0x290: {  	[tilespmem:s8], [sflag:$0x1] =	stream.indirect_vreg.gather [hbm4b:s3+s2], $0x80, v5, vm0, $0xb8;
	[tilespmem:$0xD880] =	vst v63  }
0x291: {  	s7 =	simm.s32 $0x2C80  }
0x292: {  	[tilespmem:s7], [sflag:$0x1] =	stream.indirect_vreg.gather [hbm4b:s5+s2], $0x80, v5, vm1, $0xb8;
	[tilespmem:$0xD880] =	vst v63  }
0x293: {  	v5 =	vld [tilespmem:$0x1810];
	_ =	sdelay $0x4  }
0x294: {  	v6 =	vshrl.u32 v5, $0x3  }
0x295: {  	v6 =	vmul.u32 $0x18, v6  }
0x296: {  	v5 =	vand.u32 $0x7, v5  }
0x297: {  	v5 =	vor.u32 v5, v6  }
0x298: {  	v6 =	vperm.xlane v5, v2;
	_ =	sdelay $0x1  }
0x299: {  	v6 =	vadd.s32 v3, v6;
	_ =	sdelay $0x1  }
0x29a: {  	v5 =	vperm.xlane v5, v4;
	_ =	sdelay $0x1  }
0x29b: {  	s9 =	simm.s32 $0x3080;
	v5 =	vadd.s32 v3, v5  }
0x29c: {  	[tilespmem:s9], [sflag:$0x1] =	stream.indirect_vreg.gather [hbm4b:s3+s2], $0x80, v6, vm0, $0xb8;
	[tilespmem:$0xD880] =	vst v63  }
0x29d: {  	s10 =	simm.s32 $0x3880  }
0x29e: {  	[tilespmem:s10], [sflag:$0x1] =	stream.indirect_vreg.gather [hbm4b:s5+s2], $0x80, v6, vm1, $0xb8;
	[tilespmem:$0xD880] =	vst v63  }
0x29f: {  	s11 =	simm.s32 $0x3C80  }
0x2a0: {  	[tilespmem:s11], [sflag:$0x1] =	stream.indirect_vreg.gather [hbm4b:s3+s2], $0x80, v5, vm0, $0xb8;
	[tilespmem:$0xD880] =	vst v63  }
0x2a1: {  	s7 =	simm.s32 $0x4480  }
0x2a2: {  	[tilespmem:s7], [sflag:$0x1] =	stream.indirect_vreg.gather [hbm4b:s5+s2], $0x80, v5, vm1, $0xb8;
	[tilespmem:$0xD880] =	vst v63  }
0x2a3: {  	v5 =	vld [tilespmem:$0x1820];
	_ =	sdelay $0x4  }
0x2a4: {  	v6 =	vshrl.u32 v5, $0x3  }
0x2a5: {  	v6 =	vmul.u32 $0x18, v6  }
0x2a6: {  	v5 =	vand.u32 $0x7, v5  }
0x2a7: {  	v5 =	vor.u32 v5, v6  }
0x2a8: {  	v6 =	vperm.xlane v5, v2;
	_ =	sdelay $0x1  }
0x2a9: {  	v6 =	vadd.s32 v3, v6;
	_ =	sdelay $0x1  }
0x2aa: {  	v5 =	vperm.xlane v5, v4;
	_ =	sdelay $0x1  }
0x2ab: {  	s12 =	simm.s32 $0x4880;
	v5 =	vadd.s32 v3, v5  }
0x2ac: {  	[tilespmem:s12], [sflag:$0x1] =	stream.indirect_vreg.gather [hbm4b:s3+s2], $0x80, v6, vm0, $0xb8;
	[tilespmem:$0xD880] =	vst v63  }
0x2ad: {  	s13 =	simm.s32 $0x5080  }
0x2ae: {  	[tilespmem:s13], [sflag:$0x1] =	stream.indirect_vreg.gather [hbm4b:s5+s2], $0x80, v6, vm1, $0xb8;
	[tilespmem:$0xD880] =	vst v63  }
0x2af: {  	s14 =	simm.s32 $0x5480  }
0x2b0: {  	[tilespmem:s14], [sflag:$0x1] =	stream.indirect_vreg.gather [hbm4b:s3+s2], $0x80, v5, vm0, $0xb8;
	[tilespmem:$0xD880] =	vst v63  }
0x2b1: {  	s7 =	simm.s32 $0x5C80  }
0x2b2: {  	[tilespmem:s7], [sflag:$0x1] =	stream.indirect_vreg.gather [hbm4b:s5+s2], $0x80, v5, vm1, $0xb8;
	[tilespmem:$0xD880] =	vst v63  }
0x2b3: {  	v5 =	vld [tilespmem:$0x1830];
	_ =	sdelay $0x4  }
0x2b4: {  	v6 =	vshrl.u32 v5, $0x3  }
0x2b5: {  	v6 =	vmul.u32 $0x18, v6  }
0x2b6: {  	v5 =	vand.u32 $0x7, v5  }
0x2b7: {  	v5 =	vor.u32 v5, v6  }
0x2b8: {  	v6 =	vperm.xlane v5, v2;
	_ =	sdelay $0x1  }
0x2b9: {  	v6 =	vadd.s32 v3, v6;
	_ =	sdelay $0x1  }
0x2ba: {  	v5 =	vperm.xlane v5, v4;
	_ =	sdelay $0x1  }
0x2bb: {  	s15 =	simm.s32 $0x6080;
	v5 =	vadd.s32 v3, v5  }
0x2bc: {  	[tilespmem:s15], [sflag:$0x1] =	stream.indirect_vreg.gather [hbm4b:s3+s2], $0x80, v6, vm0, $0xb8;
	[tilespmem:$0xD880] =	vst v63  }
0x2bd: {  	s16 =	simm.s32 $0x6880  }
0x2be: {  	[tilespmem:s16], [sflag:$0x1] =	stream.indirect_vreg.gather [hbm4b:s5+s2], $0x80, v6, vm1, $0xb8;
	[tilespmem:$0xD880] =	vst v63  }
0x2bf: {  	s17 =	simm.s32 $0x6C80  }
0x2c0: {  	[tilespmem:s17], [sflag:$0x1] =	stream.indirect_vreg.gather [hbm4b:s3+s2], $0x80, v5, vm0, $0xb8;
	[tilespmem:$0xD880] =	vst v63  }
0x2c1: {  	s7 =	simm.s32 $0x7480  }
0x2c2: {  	[tilespmem:s7], [sflag:$0x1] =	stream.indirect_vreg.gather [hbm4b:s5+s2], $0x80, v5, vm1, $0xb8;
	[tilespmem:$0xD880] =	vst v63  }
0x2c3: {  	v5 =	vld [tilespmem:$0x1840];
	_ =	sdelay $0x4  }
0x2c4: {  	v6 =	vshrl.u32 v5, $0x3  }
0x2c5: {  	v6 =	vmul.u32 $0x18, v6  }
0x2c6: {  	v5 =	vand.u32 $0x7, v5  }
0x2c7: {  	v5 =	vor.u32 v5, v6  }
0x2c8: {  	v6 =	vperm.xlane v5, v2;
	_ =	sdelay $0x1  }
0x2c9: {  	v6 =	vadd.s32 v3, v6;
	_ =	sdelay $0x1  }
0x2ca: {  	v5 =	vperm.xlane v5, v4;
	_ =	sdelay $0x1  }
0x2cb: {  	s31 =	simm.s32 $0x7880;
	v5 =	vadd.s32 v3, v5  }
0x2cc: {  	[tilespmem:s31], [sflag:$0x1] =	stream.indirect_vreg.gather [hbm4b:s3+s2], $0x80, v6, vm0, $0xb8;
	[tilespmem:$0xD880] =	vst v63  }
0x2cd: {  	s18 =	simm.s32 $0x8080  }
0x2ce: {  	[tilespmem:s18], [sflag:$0x1] =	stream.indirect_vreg.gather [hbm4b:s5+s2], $0x80, v6, vm1, $0xb8;
	[tilespmem:$0xD880] =	vst v63  }
0x2cf: {  	s30 =	simm.s32 $0x8480  }
0x2d0: {  	[tilespmem:s30], [sflag:$0x1] =	stream.indirect_vreg.gather [hbm4b:s3+s2], $0x80, v5, vm0, $0xb8;
	[tilespmem:$0xD880] =	vst v63  }
0x2d1: {  	s20 =	simm.s32 $0x8C80  }
0x2d2: {  	[tilespmem:s20], [sflag:$0x1] =	stream.indirect_vreg.gather [hbm4b:s5+s2], $0x80, v5, vm1, $0xb8;
	[tilespmem:$0xD880] =	vst v63  }
0x2d3: {  	v5 =	vld [tilespmem:$0x1850];
	_ =	sdelay $0x4  }
0x2d4: {  	v6 =	vshrl.u32 v5, $0x3  }
0x2d5: {  	v6 =	vmul.u32 $0x18, v6  }
0x2d6: {  	v5 =	vand.u32 $0x7, v5  }
0x2d7: {  	v5 =	vor.u32 v5, v6  }
0x2d8: {  	v6 =	vperm.xlane v5, v2;
	_ =	sdelay $0x1  }
0x2d9: {  	v6 =	vadd.s32 v3, v6;
	_ =	sdelay $0x1  }
0x2da: {  	v5 =	vperm.xlane v5, v4;
	_ =	sdelay $0x1  }
0x2db: {  	s30 =	simm.s32 $0x9080;
	v5 =	vadd.s32 v3, v5  }
0x2dc: {  	[tilespmem:s30], [sflag:$0x1] =	stream.indirect_vreg.gather [hbm4b:s3+s2], $0x80, v6, vm0, $0xb8;
	[tilespmem:$0xD880] =	vst v63  }
0x2dd: {  	s30 =	simm.s32 $0x9880  }
0x2de: {  	[tilespmem:s30], [sflag:$0x1] =	stream.indirect_vreg.gather [hbm4b:s5+s2], $0x80, v6, vm1, $0xb8;
	[tilespmem:$0xD880] =	vst v63  }
0x2df: {  	s30 =	simm.s32 $0x9C80  }
0x2e0: {  	[tilespmem:s30], [sflag:$0x1] =	stream.indirect_vreg.gather [hbm4b:s3+s2], $0x80, v5, vm0, $0xb8;
	[tilespmem:$0xD880] =	vst v63  }
0x2e1: {  	s30 =	simm.s32 $0xA480  }
0x2e2: {  	[tilespmem:s30], [sflag:$0x1] =	stream.indirect_vreg.gather [hbm4b:s5+s2], $0x80, v5, vm1, $0xb8;
	[tilespmem:$0xD880] =	vst v63  }
0x2e3: {  	v5 =	vld [tilespmem:$0x1860];
	_ =	sdelay $0x4  }
0x2e4: {  	v6 =	vshrl.u32 v5, $0x3  }
0x2e5: {  	v6 =	vmul.u32 $0x18, v6  }
0x2e6: {  	v5 =	vand.u32 $0x7, v5  }
0x2e7: {  	v5 =	vor.u32 v5, v6  }
0x2e8: {  	v6 =	vperm.xlane v5, v2;
	_ =	sdelay $0x1  }
0x2e9: {  	v6 =	vadd.s32 v3, v6;
	_ =	sdelay $0x1  }
0x2ea: {  	v5 =	vperm.xlane v5, v4;
	_ =	sdelay $0x1  }
0x2eb: {  	s22 =	simm.s32 $0xA880;
	v5 =	vadd.s32 v3, v5  }
0x2ec: {  	[tilespmem:s22], [sflag:$0x1] =	stream.indirect_vreg.gather [hbm4b:s3+s2], $0x80, v6, vm0, $0xb8;
	[tilespmem:$0xD880] =	vst v63  }
0x2ed: {  	s24 =	simm.s32 $0xB080  }
0x2ee: {  	[tilespmem:s24], [sflag:$0x1] =	stream.indirect_vreg.gather [hbm4b:s5+s2], $0x80, v6, vm1, $0xb8;
	[tilespmem:$0xD880] =	vst v63  }
0x2ef: {  	s26 =	simm.s32 $0xB480  }
0x2f0: {  	[tilespmem:s26], [sflag:$0x1] =	stream.indirect_vreg.gather [hbm4b:s3+s2], $0x80, v5, vm0, $0xb8;
	[tilespmem:$0xD880] =	vst v63  }
0x2f1: {  	s7 =	simm.s32 $0xBC80  }
0x2f2: {  	[tilespmem:s7], [sflag:$0x1] =	stream.indirect_vreg.gather [hbm4b:s5+s2], $0x80, v5, vm1, $0xb8;
	[tilespmem:$0xD880] =	vst v63  }
0x2f3: {  	v5 =	vld [tilespmem:$0x1870];
	_ =	sdelay $0x4  }
0x2f4: {  	v6 =	vshrl.u32 v5, $0x3  }
0x2f5: {  	v6 =	vmul.u32 $0x18, v6  }
0x2f6: {  	v5 =	vand.u32 $0x7, v5  }
0x2f7: {  	v5 =	vor.u32 v5, v6  }
0x2f8: {  	v6 =	vperm.xlane v5, v2;
	_ =	sdelay $0x1  }
0x2f9: {  	v6 =	vadd.s32 v3, v6;
	_ =	sdelay $0x1  }
0x2fa: {  	v5 =	vperm.xlane v5, v4;
	_ =	sdelay $0x1  }
0x2fb: {  	s19 =	simm.s32 $0xC080;
	v5 =	vadd.s32 v3, v5  }
0x2fc: {  	[tilespmem:s19], [sflag:$0x1] =	stream.indirect_vreg.gather [hbm4b:s3+s2], $0x80, v6, vm0, $0xb8;
	[tilespmem:$0xD880] =	vst v63  }
0x2fd: {  	s28 =	simm.s32 $0xC880  }
0x2fe: {  	[tilespmem:s28], [sflag:$0x1] =	stream.indirect_vreg.gather [hbm4b:s5+s2], $0x80, v6, vm1, $0xb8;
	[tilespmem:$0xD880] =	vst v63  }
0x2ff: {  	s29 =	simm.s32 $0xCC80  }
0x300: {  	[tilespmem:s29], [sflag:$0x1] =	stream.indirect_vreg.gather [hbm4b:s3+s2], $0x80, v5, vm0, $0xb8;
	[tilespmem:$0xD880] =	vst v63  }
0x301: {  	s21 =	simm.s32 $0xD480  }
0x302: {  	[tilespmem:s21], [sflag:$0x1] =	stream.indirect_vreg.gather [hbm4b:s5+s2], $0x80, v5, vm1, $0xb8;
	[tilespmem:$0xD880] =	vst v63  }
0x303: {  	_ =	swait.ge [sflag:s1], $0xC000  }
0x304: {  	[sflag:s1] =	ssyncset.done $0x0  }
0x305: {  	s7 =	rddreg [dreg:$0x6];
	[sflag:s1] =	ssyncadd.s32 $0xFFFF4000  }
0x306: {  	[hbm4b:s7+s2] =	stream.linear.scatter [tilespmem:s25], [sflag:$0x3], $0xC000, $0x38;
	[tilespmem:$0xD880] =	vst v63  }
0x307: {  	_ =	swait.ge [sflag:s0], $0xC000  }
0x308: {  	[sflag:s0] =	ssyncset.done $0x0  }
0x309: {  	[sflag:s0] =	ssyncadd.s32 $0xFFFF4000  }
0x30a: {  	v5 =	vld [tilespmem:$0x1280];
	_ =	sdelay $0x3  }
0x30b: {  	v6 =	vld [tilespmem:$0x1290]  }
0x30c: {  	v7 =	vld [tilespmem:$0x12A0];
	v61 =	vshrl.u32 v5, $0x3  }
0x30d: {  	v62 =	vld [tilespmem:$0x12B0];
	v8 =	vmul.u32 $0x18, v61  }
0x30e: {  	v63 =	vld [tilespmem:$0x12C0];
	v12 =	vand.u32 $0x7, v5  }
0x30f: {  	[tilespmem:$0x1800] =	vst v5;
	v5 =	vld [tilespmem:$0x12D0];
	v8 =	vor.u32 v12, v8  }
0x310: {  	[tilespmem:$0x1810] =	vst v6;
	v6 =	vld [tilespmem:$0x12E0];
	v11 =	vperm.xlane v8, v2  }
0x311: {  	[tilespmem:$0x1820] =	vst v7;
	v7 =	vld [tilespmem:$0x12F0]  }
0x312: {  	[tilespmem:$0x1830] =	vst v62;
	v13 =	vadd.s32 v3, v11  }
0x313: {  	[tilespmem:$0x1840] =	vst v63  }
0x314: {  	[tilespmem:$0x1850] =	vst v5;
	v5 =	vperm.xlane v8, v4  }
0x315: {  	[tilespmem:$0x1860] =	vst v6  }
0x316: {  	[tilespmem:$0x1870] =	vst v7;
	v5 =	vadd.s32 v3, v5  }
0x317: {  	[tilespmem:s25], [sflag:$0x1] =	stream.indirect_vreg.gather [hbm4b:s3+s2], $0x80, v13, vm0, $0xb8;
	[tilespmem:$0xD880] =	vst v63  }
0x318: {  	s6 =	simm.s32 $0x2080  }
0x319: {  	[tilespmem:s6], [sflag:$0x1] =	stream.indirect_vreg.gather [hbm4b:s5+s2], $0x80, v13, vm1, $0xb8;
	[tilespmem:$0xD880] =	vst v63  }
0x31a: {  	s8 =	simm.s32 $0x2480  }
0x31b: {  	[tilespmem:s8], [sflag:$0x1] =	stream.indirect_vreg.gather [hbm4b:s3+s2], $0x80, v5, vm0, $0xb8;
	[tilespmem:$0xD880] =	vst v63  }
0x31c: {  	s7 =	simm.s32 $0x2C80  }
0x31d: {  	[tilespmem:s7], [sflag:$0x1] =	stream.indirect_vreg.gather [hbm4b:s5+s2], $0x80, v5, vm1, $0xb8;
	[tilespmem:$0xD880] =	vst v63  }
0x31e: {  	v5 =	vld [tilespmem:$0x1810];
	_ =	sdelay $0x4  }
0x31f: {  	v6 =	vshrl.u32 v5, $0x3  }
0x320: {  	v6 =	vmul.u32 $0x18, v6  }
0x321: {  	v5 =	vand.u32 $0x7, v5  }
0x322: {  	v5 =	vor.u32 v5, v6  }
0x323: {  	v6 =	vperm.xlane v5, v2;
	_ =	sdelay $0x1  }
0x324: {  	v6 =	vadd.s32 v3, v6;
	_ =	sdelay $0x1  }
0x325: {  	v5 =	vperm.xlane v5, v4;
	_ =	sdelay $0x1  }
0x326: {  	s9 =	simm.s32 $0x3080;
	v5 =	vadd.s32 v3, v5  }
0x327: {  	[tilespmem:s9], [sflag:$0x1] =	stream.indirect_vreg.gather [hbm4b:s3+s2], $0x80, v6, vm0, $0xb8;
	[tilespmem:$0xD880] =	vst v63  }
0x328: {  	s10 =	simm.s32 $0x3880  }
0x329: {  	[tilespmem:s10], [sflag:$0x1] =	stream.indirect_vreg.gather [hbm4b:s5+s2], $0x80, v6, vm1, $0xb8;
	[tilespmem:$0xD880] =	vst v63  }
0x32a: {  	s11 =	simm.s32 $0x3C80  }
0x32b: {  	[tilespmem:s11], [sflag:$0x1] =	stream.indirect_vreg.gather [hbm4b:s3+s2], $0x80, v5, vm0, $0xb8;
	[tilespmem:$0xD880] =	vst v63  }
0x32c: {  	s7 =	simm.s32 $0x4480  }
0x32d: {  	[tilespmem:s7], [sflag:$0x1] =	stream.indirect_vreg.gather [hbm4b:s5+s2], $0x80, v5, vm1, $0xb8;
	[tilespmem:$0xD880] =	vst v63  }
0x32e: {  	v5 =	vld [tilespmem:$0x1820];
	_ =	sdelay $0x4  }
0x32f: {  	v6 =	vshrl.u32 v5, $0x3  }
0x330: {  	v6 =	vmul.u32 $0x18, v6  }
0x331: {  	v5 =	vand.u32 $0x7, v5  }
0x332: {  	v5 =	vor.u32 v5, v6  }
0x333: {  	v6 =	vperm.xlane v5, v2;
	_ =	sdelay $0x1  }
0x334: {  	v6 =	vadd.s32 v3, v6;
	_ =	sdelay $0x1  }
0x335: {  	v5 =	vperm.xlane v5, v4;
	_ =	sdelay $0x1  }
0x336: {  	s12 =	simm.s32 $0x4880;
	v5 =	vadd.s32 v3, v5  }
0x337: {  	[tilespmem:s12], [sflag:$0x1] =	stream.indirect_vreg.gather [hbm4b:s3+s2], $0x80, v6, vm0, $0xb8;
	[tilespmem:$0xD880] =	vst v63  }
0x338: {  	s13 =	simm.s32 $0x5080  }
0x339: {  	[tilespmem:s13], [sflag:$0x1] =	stream.indirect_vreg.gather [hbm4b:s5+s2], $0x80, v6, vm1, $0xb8;
	[tilespmem:$0xD880] =	vst v63  }
0x33a: {  	s14 =	simm.s32 $0x5480  }
0x33b: {  	[tilespmem:s14], [sflag:$0x1] =	stream.indirect_vreg.gather [hbm4b:s3+s2], $0x80, v5, vm0, $0xb8;
	[tilespmem:$0xD880] =	vst v63  }
0x33c: {  	s7 =	simm.s32 $0x5C80  }
0x33d: {  	[tilespmem:s7], [sflag:$0x1] =	stream.indirect_vreg.gather [hbm4b:s5+s2], $0x80, v5, vm1, $0xb8;
	[tilespmem:$0xD880] =	vst v63  }
0x33e: {  	v5 =	vld [tilespmem:$0x1830];
	_ =	sdelay $0x4  }
0x33f: {  	v6 =	vshrl.u32 v5, $0x3  }
0x340: {  	v6 =	vmul.u32 $0x18, v6  }
0x341: {  	v5 =	vand.u32 $0x7, v5  }
0x342: {  	v5 =	vor.u32 v5, v6  }
0x343: {  	v6 =	vperm.xlane v5, v2;
	_ =	sdelay $0x1  }
0x344: {  	v6 =	vadd.s32 v3, v6;
	_ =	sdelay $0x1  }
0x345: {  	v5 =	vperm.xlane v5, v4;
	_ =	sdelay $0x1  }
0x346: {  	s15 =	simm.s32 $0x6080;
	v5 =	vadd.s32 v3, v5  }
0x347: {  	[tilespmem:s15], [sflag:$0x1] =	stream.indirect_vreg.gather [hbm4b:s3+s2], $0x80, v6, vm0, $0xb8;
	[tilespmem:$0xD880] =	vst v63  }
0x348: {  	s16 =	simm.s32 $0x6880  }
0x349: {  	[tilespmem:s16], [sflag:$0x1] =	stream.indirect_vreg.gather [hbm4b:s5+s2], $0x80, v6, vm1, $0xb8;
	[tilespmem:$0xD880] =	vst v63  }
0x34a: {  	s17 =	simm.s32 $0x6C80  }
0x34b: {  	[tilespmem:s17], [sflag:$0x1] =	stream.indirect_vreg.gather [hbm4b:s3+s2], $0x80, v5, vm0, $0xb8;
	[tilespmem:$0xD880] =	vst v63  }
0x34c: {  	s7 =	simm.s32 $0x7480  }
0x34d: {  	[tilespmem:s7], [sflag:$0x1] =	stream.indirect_vreg.gather [hbm4b:s5+s2], $0x80, v5, vm1, $0xb8;
	[tilespmem:$0xD880] =	vst v63  }
0x34e: {  	v5 =	vld [tilespmem:$0x1840];
	_ =	sdelay $0x4  }
0x34f: {  	v6 =	vshrl.u32 v5, $0x3  }
0x350: {  	v6 =	vmul.u32 $0x18, v6  }
0x351: {  	v5 =	vand.u32 $0x7, v5  }
0x352: {  	v5 =	vor.u32 v5, v6  }
0x353: {  	v6 =	vperm.xlane v5, v2;
	_ =	sdelay $0x1  }
0x354: {  	v6 =	vadd.s32 v3, v6;
	_ =	sdelay $0x1  }
0x355: {  	v5 =	vperm.xlane v5, v4;
	_ =	sdelay $0x1  }
0x356: {  	s7 =	simm.s32 $0x7880;
	v5 =	vadd.s32 v3, v5  }
0x357: {  	[tilespmem:s7], [sflag:$0x1] =	stream.indirect_vreg.gather [hbm4b:s3+s2], $0x80, v6, vm0, $0xb8;
	[tilespmem:$0xD880] =	vst v63  }
0x358: {  	s18 =	simm.s32 $0x8080  }
0x359: {  	[tilespmem:s18], [sflag:$0x1] =	stream.indirect_vreg.gather [hbm4b:s5+s2], $0x80, v6, vm1, $0xb8;
	[tilespmem:$0xD880] =	vst v63  }
0x35a: {  	s31 =	simm.s32 $0x8480  }
0x35b: {  	[tilespmem:s31], [sflag:$0x1] =	stream.indirect_vreg.gather [hbm4b:s3+s2], $0x80, v5, vm0, $0xb8;
	[tilespmem:$0xD880] =	vst v63  }
0x35c: {  	s20 =	simm.s32 $0x8C80  }
0x35d: {  	[tilespmem:s20], [sflag:$0x1] =	stream.indirect_vreg.gather [hbm4b:s5+s2], $0x80, v5, vm1, $0xb8;
	[tilespmem:$0xD880] =	vst v63  }
0x35e: {  	v5 =	vld [tilespmem:$0x1850];
	_ =	sdelay $0x4  }
0x35f: {  	v6 =	vshrl.u32 v5, $0x3  }
0x360: {  	v6 =	vmul.u32 $0x18, v6  }
0x361: {  	v5 =	vand.u32 $0x7, v5  }
0x362: {  	v5 =	vor.u32 v5, v6  }
0x363: {  	v6 =	vperm.xlane v5, v2;
	_ =	sdelay $0x1  }
0x364: {  	v6 =	vadd.s32 v3, v6;
	_ =	sdelay $0x1  }
0x365: {  	v5 =	vperm.xlane v5, v4;
	_ =	sdelay $0x1  }
0x366: {  	s7 =	simm.s32 $0x9080;
	v5 =	vadd.s32 v3, v5  }
0x367: {  	[tilespmem:s7], [sflag:$0x1] =	stream.indirect_vreg.gather [hbm4b:s3+s2], $0x80, v6, vm0, $0xb8;
	[tilespmem:$0xD880] =	vst v63  }
0x368: {  	s7 =	simm.s32 $0x9880  }
0x369: {  	[tilespmem:s7], [sflag:$0x1] =	stream.indirect_vreg.gather [hbm4b:s5+s2], $0x80, v6, vm1, $0xb8;
	[tilespmem:$0xD880] =	vst v63  }
0x36a: {  	s7 =	simm.s32 $0x9C80  }
0x36b: {  	[tilespmem:s7], [sflag:$0x1] =	stream.indirect_vreg.gather [hbm4b:s3+s2], $0x80, v5, vm0, $0xb8;
	[tilespmem:$0xD880] =	vst v63  }
0x36c: {  	s30 =	simm.s32 $0xA480  }
0x36d: {  	[tilespmem:s30], [sflag:$0x1] =	stream.indirect_vreg.gather [hbm4b:s5+s2], $0x80, v5, vm1, $0xb8;
	[tilespmem:$0xD880] =	vst v63  }
0x36e: {  	v5 =	vld [tilespmem:$0x1860];
	_ =	sdelay $0x4  }
0x36f: {  	v6 =	vshrl.u32 v5, $0x3  }
0x370: {  	v6 =	vmul.u32 $0x18, v6  }
0x371: {  	v5 =	vand.u32 $0x7, v5  }
0x372: {  	v5 =	vor.u32 v5, v6  }
0x373: {  	v6 =	vperm.xlane v5, v2;
	_ =	sdelay $0x1  }
0x374: {  	v6 =	vadd.s32 v3, v6;
	_ =	sdelay $0x1  }
0x375: {  	v5 =	vperm.xlane v5, v4;
	_ =	sdelay $0x1  }
0x376: {  	s22 =	simm.s32 $0xA880;
	v5 =	vadd.s32 v3, v5  }
0x377: {  	[tilespmem:s22], [sflag:$0x1] =	stream.indirect_vreg.gather [hbm4b:s3+s2], $0x80, v6, vm0, $0xb8;
	[tilespmem:$0xD880] =	vst v63  }
0x378: {  	s24 =	simm.s32 $0xB080  }
0x379: {  	[tilespmem:s24], [sflag:$0x1] =	stream.indirect_vreg.gather [hbm4b:s5+s2], $0x80, v6, vm1, $0xb8;
	[tilespmem:$0xD880] =	vst v63  }
0x37a: {  	s26 =	simm.s32 $0xB480  }
0x37b: {  	[tilespmem:s26], [sflag:$0x1] =	stream.indirect_vreg.gather [hbm4b:s3+s2], $0x80, v5, vm0, $0xb8;
	[tilespmem:$0xD880] =	vst v63  }
0x37c: {  	s7 =	simm.s32 $0xBC80  }
0x37d: {  	[tilespmem:s7], [sflag:$0x1] =	stream.indirect_vreg.gather [hbm4b:s5+s2], $0x80, v5, vm1, $0xb8;
	[tilespmem:$0xD880] =	vst v63  }
0x37e: {  	v5 =	vld [tilespmem:$0x1870];
	_ =	sdelay $0x4  }
0x37f: {  	v6 =	vshrl.u32 v5, $0x3  }
0x380: {  	v6 =	vmul.u32 $0x18, v6  }
0x381: {  	v5 =	vand.u32 $0x7, v5  }
0x382: {  	v5 =	vor.u32 v5, v6  }
0x383: {  	v6 =	vperm.xlane v5, v2;
	_ =	sdelay $0x1  }
0x384: {  	v6 =	vadd.s32 v3, v6;
	_ =	sdelay $0x1  }
0x385: {  	v5 =	vperm.xlane v5, v4;
	_ =	sdelay $0x1  }
0x386: {  	s19 =	simm.s32 $0xC080;
	v5 =	vadd.s32 v3, v5  }
0x387: {  	[tilespmem:s19], [sflag:$0x1] =	stream.indirect_vreg.gather [hbm4b:s3+s2], $0x80, v6, vm0, $0xb8;
	[tilespmem:$0xD880] =	vst v63  }
0x388: {  	s28 =	simm.s32 $0xC880  }
0x389: {  	[tilespmem:s28], [sflag:$0x1] =	stream.indirect_vreg.gather [hbm4b:s5+s2], $0x80, v6, vm1, $0xb8;
	[tilespmem:$0xD880] =	vst v63  }
0x38a: {  	s29 =	simm.s32 $0xCC80  }
0x38b: {  	[tilespmem:s29], [sflag:$0x1] =	stream.indirect_vreg.gather [hbm4b:s3+s2], $0x80, v5, vm0, $0xb8;
	[tilespmem:$0xD880] =	vst v63  }
0x38c: {  	s21 =	simm.s32 $0xD480  }
0x38d: {  	[tilespmem:s21], [sflag:$0x1] =	stream.indirect_vreg.gather [hbm4b:s5+s2], $0x80, v5, vm1, $0xb8;
	[tilespmem:$0xD880] =	vst v63  }
0x38e: {  	_ =	swait.ge [sflag:s1], $0xC000  }
0x38f: {  	[sflag:s1] =	ssyncset.done $0x0  }
0x390: {  	s7 =	rddreg [dreg:$0x7];
	[sflag:s1] =	ssyncadd.s32 $0xFFFF4000  }
0x391: {  	[hbm4b:s7+s2] =	stream.linear.scatter [tilespmem:s25], [sflag:$0x3], $0xC000, $0x38;
	[tilespmem:$0xD880] =	vst v63  }
0x392: {  	_ =	swait.ge [sflag:s0], $0xC000  }
0x393: {  	[sflag:s0] =	ssyncset.done $0x0  }
0x394: {  	[sflag:s0] =	ssyncadd.s32 $0xFFFF4000  }
0x395: {  	v5 =	vld [tilespmem:$0x1300];
	_ =	sdelay $0x3  }
0x396: {  	v6 =	vld [tilespmem:$0x1310]  }
0x397: {  	v7 =	vld [tilespmem:$0x1320];
	v14 =	vshrl.u32 v5, $0x3  }
0x398: {  	v15 =	vld [tilespmem:$0x1330];
	v8 =	vmul.u32 $0x18, v14  }
0x399: {  	v16 =	vld [tilespmem:$0x1340];
	v17 =	vand.u32 $0x7, v5  }
0x39a: {  	[tilespmem:$0x1800] =	vst v5;
	v5 =	vld [tilespmem:$0x1350];
	v8 =	vor.u32 v17, v8  }
0x39b: {  	[tilespmem:$0x1810] =	vst v6;
	v6 =	vld [tilespmem:$0x1360];
	v11 =	vperm.xlane v8, v2  }
0x39c: {  	[tilespmem:$0x1820] =	vst v7;
	v7 =	vld [tilespmem:$0x1370]  }
0x39d: {  	[tilespmem:$0x1830] =	vst v15;
	v18 =	vadd.s32 v3, v11  }
0x39e: {  	[tilespmem:$0x1840] =	vst v16  }
0x39f: {  	[tilespmem:$0x1850] =	vst v5;
	v5 =	vperm.xlane v8, v4  }
0x3a0: {  	[tilespmem:$0x1860] =	vst v6  }
0x3a1: {  	[tilespmem:$0x1870] =	vst v7;
	v5 =	vadd.s32 v3, v5  }
0x3a2: {  	[tilespmem:s25], [sflag:$0x1] =	stream.indirect_vreg.gather [hbm4b:s3+s2], $0x80, v18, vm0, $0xb8;
	[tilespmem:$0xD880] =	vst v63  }
0x3a3: {  	s6 =	simm.s32 $0x2080  }
0x3a4: {  	[tilespmem:s6], [sflag:$0x1] =	stream.indirect_vreg.gather [hbm4b:s5+s2], $0x80, v18, vm1, $0xb8;
	[tilespmem:$0xD880] =	vst v63  }
0x3a5: {  	s8 =	simm.s32 $0x2480  }
0x3a6: {  	[tilespmem:s8], [sflag:$0x1] =	stream.indirect_vreg.gather [hbm4b:s3+s2], $0x80, v5, vm0, $0xb8;
	[tilespmem:$0xD880] =	vst v63  }
0x3a7: {  	s7 =	simm.s32 $0x2C80  }
0x3a8: {  	[tilespmem:s7], [sflag:$0x1] =	stream.indirect_vreg.gather [hbm4b:s5+s2], $0x80, v5, vm1, $0xb8;
	[tilespmem:$0xD880] =	vst v63  }
0x3a9: {  	v5 =	vld [tilespmem:$0x1810];
	_ =	sdelay $0x4  }
0x3aa: {  	v6 =	vshrl.u32 v5, $0x3  }
0x3ab: {  	v6 =	vmul.u32 $0x18, v6  }
0x3ac: {  	v5 =	vand.u32 $0x7, v5  }
0x3ad: {  	v5 =	vor.u32 v5, v6  }
0x3ae: {  	v6 =	vperm.xlane v5, v2;
	_ =	sdelay $0x1  }
0x3af: {  	v6 =	vadd.s32 v3, v6;
	_ =	sdelay $0x1  }
0x3b0: {  	v5 =	vperm.xlane v5, v4;
	_ =	sdelay $0x1  }
0x3b1: {  	s9 =	simm.s32 $0x3080;
	v5 =	vadd.s32 v3, v5  }
0x3b2: {  	[tilespmem:s9], [sflag:$0x1] =	stream.indirect_vreg.gather [hbm4b:s3+s2], $0x80, v6, vm0, $0xb8;
	[tilespmem:$0xD880] =	vst v63  }
0x3b3: {  	s10 =	simm.s32 $0x3880  }
0x3b4: {  	[tilespmem:s10], [sflag:$0x1] =	stream.indirect_vreg.gather [hbm4b:s5+s2], $0x80, v6, vm1, $0xb8;
	[tilespmem:$0xD880] =	vst v63  }
0x3b5: {  	s11 =	simm.s32 $0x3C80  }
0x3b6: {  	[tilespmem:s11], [sflag:$0x1] =	stream.indirect_vreg.gather [hbm4b:s3+s2], $0x80, v5, vm0, $0xb8;
	[tilespmem:$0xD880] =	vst v63  }
0x3b7: {  	s7 =	simm.s32 $0x4480  }
0x3b8: {  	[tilespmem:s7], [sflag:$0x1] =	stream.indirect_vreg.gather [hbm4b:s5+s2], $0x80, v5, vm1, $0xb8;
	[tilespmem:$0xD880] =	vst v63  }
0x3b9: {  	v5 =	vld [tilespmem:$0x1820];
	_ =	sdelay $0x4  }
0x3ba: {  	v6 =	vshrl.u32 v5, $0x3  }
0x3bb: {  	v6 =	vmul.u32 $0x18, v6  }
0x3bc: {  	v5 =	vand.u32 $0x7, v5  }
0x3bd: {  	v5 =	vor.u32 v5, v6  }
0x3be: {  	v6 =	vperm.xlane v5, v2;
	_ =	sdelay $0x1  }
0x3bf: {  	v6 =	vadd.s32 v3, v6;
	_ =	sdelay $0x1  }
0x3c0: {  	v5 =	vperm.xlane v5, v4;
	_ =	sdelay $0x1  }
0x3c1: {  	s12 =	simm.s32 $0x4880;
	v5 =	vadd.s32 v3, v5  }
0x3c2: {  	[tilespmem:s12], [sflag:$0x1] =	stream.indirect_vreg.gather [hbm4b:s3+s2], $0x80, v6, vm0, $0xb8;
	[tilespmem:$0xD880] =	vst v63  }
0x3c3: {  	s13 =	simm.s32 $0x5080  }
0x3c4: {  	[tilespmem:s13], [sflag:$0x1] =	stream.indirect_vreg.gather [hbm4b:s5+s2], $0x80, v6, vm1, $0xb8;
	[tilespmem:$0xD880] =	vst v63  }
0x3c5: {  	s14 =	simm.s32 $0x5480  }
0x3c6: {  	[tilespmem:s14], [sflag:$0x1] =	stream.indirect_vreg.gather [hbm4b:s3+s2], $0x80, v5, vm0, $0xb8;
	[tilespmem:$0xD880] =	vst v63  }
0x3c7: {  	s7 =	simm.s32 $0x5C80  }
0x3c8: {  	[tilespmem:s7], [sflag:$0x1] =	stream.indirect_vreg.gather [hbm4b:s5+s2], $0x80, v5, vm1, $0xb8;
	[tilespmem:$0xD880] =	vst v63  }
0x3c9: {  	v5 =	vld [tilespmem:$0x1830];
	_ =	sdelay $0x4  }
0x3ca: {  	v6 =	vshrl.u32 v5, $0x3  }
0x3cb: {  	v6 =	vmul.u32 $0x18, v6  }
0x3cc: {  	v5 =	vand.u32 $0x7, v5  }
0x3cd: {  	v5 =	vor.u32 v5, v6  }
0x3ce: {  	v6 =	vperm.xlane v5, v2;
	_ =	sdelay $0x1  }
0x3cf: {  	v6 =	vadd.s32 v3, v6;
	_ =	sdelay $0x1  }
0x3d0: {  	v5 =	vperm.xlane v5, v4;
	_ =	sdelay $0x1  }
0x3d1: {  	s15 =	simm.s32 $0x6080;
	v5 =	vadd.s32 v3, v5  }
0x3d2: {  	[tilespmem:s15], [sflag:$0x1] =	stream.indirect_vreg.gather [hbm4b:s3+s2], $0x80, v6, vm0, $0xb8;
	[tilespmem:$0xD880] =	vst v63  }
0x3d3: {  	s16 =	simm.s32 $0x6880  }
0x3d4: {  	[tilespmem:s16], [sflag:$0x1] =	stream.indirect_vreg.gather [hbm4b:s5+s2], $0x80, v6, vm1, $0xb8;
	[tilespmem:$0xD880] =	vst v63  }
0x3d5: {  	s17 =	simm.s32 $0x6C80  }
0x3d6: {  	[tilespmem:s17], [sflag:$0x1] =	stream.indirect_vreg.gather [hbm4b:s3+s2], $0x80, v5, vm0, $0xb8;
	[tilespmem:$0xD880] =	vst v63  }
0x3d7: {  	s7 =	simm.s32 $0x7480  }
0x3d8: {  	[tilespmem:s7], [sflag:$0x1] =	stream.indirect_vreg.gather [hbm4b:s5+s2], $0x80, v5, vm1, $0xb8;
	[tilespmem:$0xD880] =	vst v63  }
0x3d9: {  	v5 =	vld [tilespmem:$0x1840];
	_ =	sdelay $0x4  }
0x3da: {  	v6 =	vshrl.u32 v5, $0x3  }
0x3db: {  	v6 =	vmul.u32 $0x18, v6  }
0x3dc: {  	v5 =	vand.u32 $0x7, v5  }
0x3dd: {  	v5 =	vor.u32 v5, v6  }
0x3de: {  	v6 =	vperm.xlane v5, v2;
	_ =	sdelay $0x1  }
0x3df: {  	v6 =	vadd.s32 v3, v6;
	_ =	sdelay $0x1  }
0x3e0: {  	v5 =	vperm.xlane v5, v4;
	_ =	sdelay $0x1  }
0x3e1: {  	s7 =	simm.s32 $0x7880;
	v5 =	vadd.s32 v3, v5  }
0x3e2: {  	[tilespmem:s7], [sflag:$0x1] =	stream.indirect_vreg.gather [hbm4b:s3+s2], $0x80, v6, vm0, $0xb8;
	[tilespmem:$0xD880] =	vst v63  }
0x3e3: {  	s18 =	simm.s32 $0x8080  }
0x3e4: {  	[tilespmem:s18], [sflag:$0x1] =	stream.indirect_vreg.gather [hbm4b:s5+s2], $0x80, v6, vm1, $0xb8;
	[tilespmem:$0xD880] =	vst v63  }
0x3e5: {  	s31 =	simm.s32 $0x8480  }
0x3e6: {  	[tilespmem:s31], [sflag:$0x1] =	stream.indirect_vreg.gather [hbm4b:s3+s2], $0x80, v5, vm0, $0xb8;
	[tilespmem:$0xD880] =	vst v63  }
0x3e7: {  	s20 =	simm.s32 $0x8C80  }
0x3e8: {  	[tilespmem:s20], [sflag:$0x1] =	stream.indirect_vreg.gather [hbm4b:s5+s2], $0x80, v5, vm1, $0xb8;
	[tilespmem:$0xD880] =	vst v63  }
0x3e9: {  	v5 =	vld [tilespmem:$0x1850];
	_ =	sdelay $0x4  }
0x3ea: {  	v6 =	vshrl.u32 v5, $0x3  }
0x3eb: {  	v6 =	vmul.u32 $0x18, v6  }
0x3ec: {  	v5 =	vand.u32 $0x7, v5  }
0x3ed: {  	v5 =	vor.u32 v5, v6  }
0x3ee: {  	v6 =	vperm.xlane v5, v2;
	_ =	sdelay $0x1  }
0x3ef: {  	v6 =	vadd.s32 v3, v6;
	_ =	sdelay $0x1  }
0x3f0: {  	v5 =	vperm.xlane v5, v4;
	_ =	sdelay $0x1  }
0x3f1: {  	s7 =	simm.s32 $0x9080;
	v5 =	vadd.s32 v3, v5  }
0x3f2: {  	[tilespmem:s7], [sflag:$0x1] =	stream.indirect_vreg.gather [hbm4b:s3+s2], $0x80, v6, vm0, $0xb8;
	[tilespmem:$0xD880] =	vst v63  }
0x3f3: {  	s7 =	simm.s32 $0x9880  }
0x3f4: {  	[tilespmem:s7], [sflag:$0x1] =	stream.indirect_vreg.gather [hbm4b:s5+s2], $0x80, v6, vm1, $0xb8;
	[tilespmem:$0xD880] =	vst v63  }
0x3f5: {  	s7 =	simm.s32 $0x9C80  }
0x3f6: {  	[tilespmem:s7], [sflag:$0x1] =	stream.indirect_vreg.gather [hbm4b:s3+s2], $0x80, v5, vm0, $0xb8;
	[tilespmem:$0xD880] =	vst v63  }
0x3f7: {  	s30 =	simm.s32 $0xA480  }
0x3f8: {  	[tilespmem:s30], [sflag:$0x1] =	stream.indirect_vreg.gather [hbm4b:s5+s2], $0x80, v5, vm1, $0xb8;
	[tilespmem:$0xD880] =	vst v63  }
0x3f9: {  	v5 =	vld [tilespmem:$0x1860];
	_ =	sdelay $0x4  }
0x3fa: {  	v6 =	vshrl.u32 v5, $0x3  }
0x3fb: {  	v6 =	vmul.u32 $0x18, v6  }
0x3fc: {  	v5 =	vand.u32 $0x7, v5  }
0x3fd: {  	v5 =	vor.u32 v5, v6  }
0x3fe: {  	v6 =	vperm.xlane v5, v2;
	_ =	sdelay $0x1  }
0x3ff: {  	v6 =	vadd.s32 v3, v6;
	_ =	sdelay $0x1  }
0x400: {  	v5 =	vperm.xlane v5, v4;
	_ =	sdelay $0x1  }
0x401: {  	s22 =	simm.s32 $0xA880;
	v5 =	vadd.s32 v3, v5  }
0x402: {  	[tilespmem:s22], [sflag:$0x1] =	stream.indirect_vreg.gather [hbm4b:s3+s2], $0x80, v6, vm0, $0xb8;
	[tilespmem:$0xD880] =	vst v63  }
0x403: {  	s24 =	simm.s32 $0xB080  }
0x404: {  	[tilespmem:s24], [sflag:$0x1] =	stream.indirect_vreg.gather [hbm4b:s5+s2], $0x80, v6, vm1, $0xb8;
	[tilespmem:$0xD880] =	vst v63  }
0x405: {  	s26 =	simm.s32 $0xB480  }
0x406: {  	[tilespmem:s26], [sflag:$0x1] =	stream.indirect_vreg.gather [hbm4b:s3+s2], $0x80, v5, vm0, $0xb8;
	[tilespmem:$0xD880] =	vst v63  }
0x407: {  	s7 =	simm.s32 $0xBC80  }
0x408: {  	[tilespmem:s7], [sflag:$0x1] =	stream.indirect_vreg.gather [hbm4b:s5+s2], $0x80, v5, vm1, $0xb8;
	[tilespmem:$0xD880] =	vst v63  }
0x409: {  	v5 =	vld [tilespmem:$0x1870];
	_ =	sdelay $0x4  }
0x40a: {  	v6 =	vshrl.u32 v5, $0x3  }
0x40b: {  	v6 =	vmul.u32 $0x18, v6  }
0x40c: {  	v5 =	vand.u32 $0x7, v5  }
0x40d: {  	v5 =	vor.u32 v5, v6  }
0x40e: {  	v6 =	vperm.xlane v5, v2;
	_ =	sdelay $0x1  }
0x40f: {  	v6 =	vadd.s32 v3, v6;
	_ =	sdelay $0x1  }
0x410: {  	v5 =	vperm.xlane v5, v4;
	_ =	sdelay $0x1  }
0x411: {  	s19 =	simm.s32 $0xC080;
	v5 =	vadd.s32 v3, v5  }
0x412: {  	[tilespmem:s19], [sflag:$0x1] =	stream.indirect_vreg.gather [hbm4b:s3+s2], $0x80, v6, vm0, $0xb8;
	[tilespmem:$0xD880] =	vst v63  }
0x413: {  	s28 =	simm.s32 $0xC880  }
0x414: {  	[tilespmem:s28], [sflag:$0x1] =	stream.indirect_vreg.gather [hbm4b:s5+s2], $0x80, v6, vm1, $0xb8;
	[tilespmem:$0xD880] =	vst v63  }
0x415: {  	s29 =	simm.s32 $0xCC80  }
0x416: {  	[tilespmem:s29], [sflag:$0x1] =	stream.indirect_vreg.gather [hbm4b:s3+s2], $0x80, v5, vm0, $0xb8;
	[tilespmem:$0xD880] =	vst v63  }
0x417: {  	s21 =	simm.s32 $0xD480  }
0x418: {  	[tilespmem:s21], [sflag:$0x1] =	stream.indirect_vreg.gather [hbm4b:s5+s2], $0x80, v5, vm1, $0xb8;
	[tilespmem:$0xD880] =	vst v63  }
0x419: {  	_ =	swait.ge [sflag:s1], $0xC000  }
0x41a: {  	[sflag:s1] =	ssyncset.done $0x0  }
0x41b: {  	s7 =	rddreg [dreg:$0x8];
	[sflag:s1] =	ssyncadd.s32 $0xFFFF4000  }
0x41c: {  	[hbm4b:s7+s2] =	stream.linear.scatter [tilespmem:s25], [sflag:$0x3], $0xC000, $0x38;
	[tilespmem:$0xD880] =	vst v63  }
0x41d: {  	_ =	swait.ge [sflag:s0], $0xC000  }
0x41e: {  	[sflag:s0] =	ssyncset.done $0x0  }
0x41f: {  	[sflag:s0] =	ssyncadd.s32 $0xFFFF4000  }
0x420: {  	v5 =	vld [tilespmem:$0x1380];
	_ =	sdelay $0x3  }
0x421: {  	v6 =	vld [tilespmem:$0x1390]  }
0x422: {  	v7 =	vld [tilespmem:$0x13A0];
	v19 =	vshrl.u32 v5, $0x3  }
0x423: {  	v20 =	vld [tilespmem:$0x13B0];
	v8 =	vmul.u32 $0x18, v19  }
0x424: {  	v21 =	vld [tilespmem:$0x13C0];
	v22 =	vand.u32 $0x7, v5  }
0x425: {  	[tilespmem:$0x1800] =	vst v5;
	v5 =	vld [tilespmem:$0x13D0];
	v8 =	vor.u32 v22, v8  }
0x426: {  	[tilespmem:$0x1810] =	vst v6;
	v6 =	vld [tilespmem:$0x13E0];
	v11 =	vperm.xlane v8, v2  }
0x427: {  	[tilespmem:$0x1820] =	vst v7;
	v7 =	vld [tilespmem:$0x13F0]  }
0x428: {  	[tilespmem:$0x1830] =	vst v20;
	v23 =	vadd.s32 v3, v11  }
0x429: {  	[tilespmem:$0x1840] =	vst v21  }
0x42a: {  	[tilespmem:$0x1850] =	vst v5;
	v5 =	vperm.xlane v8, v4  }
0x42b: {  	[tilespmem:$0x1860] =	vst v6  }
0x42c: {  	[tilespmem:$0x1870] =	vst v7;
	v5 =	vadd.s32 v3, v5  }
0x42d: {  	[tilespmem:s25], [sflag:$0x1] =	stream.indirect_vreg.gather [hbm4b:s3+s2], $0x80, v23, vm0, $0xb8;
	[tilespmem:$0xD880] =	vst v63  }
0x42e: {  	s6 =	simm.s32 $0x2080  }
0x42f: {  	[tilespmem:s6], [sflag:$0x1] =	stream.indirect_vreg.gather [hbm4b:s5+s2], $0x80, v23, vm1, $0xb8;
	[tilespmem:$0xD880] =	vst v63  }
0x430: {  	s8 =	simm.s32 $0x2480  }
0x431: {  	[tilespmem:s8], [sflag:$0x1] =	stream.indirect_vreg.gather [hbm4b:s3+s2], $0x80, v5, vm0, $0xb8;
	[tilespmem:$0xD880] =	vst v63  }
0x432: {  	s7 =	simm.s32 $0x2C80  }
0x433: {  	[tilespmem:s7], [sflag:$0x1] =	stream.indirect_vreg.gather [hbm4b:s5+s2], $0x80, v5, vm1, $0xb8;
	[tilespmem:$0xD880] =	vst v63  }
0x434: {  	v5 =	vld [tilespmem:$0x1810];
	_ =	sdelay $0x4  }
0x435: {  	v6 =	vshrl.u32 v5, $0x3  }
0x436: {  	v6 =	vmul.u32 $0x18, v6  }
0x437: {  	v5 =	vand.u32 $0x7, v5  }
0x438: {  	v5 =	vor.u32 v5, v6  }
0x439: {  	v6 =	vperm.xlane v5, v2;
	_ =	sdelay $0x1  }
0x43a: {  	v6 =	vadd.s32 v3, v6;
	_ =	sdelay $0x1  }
0x43b: {  	v5 =	vperm.xlane v5, v4;
	_ =	sdelay $0x1  }
0x43c: {  	s9 =	simm.s32 $0x3080;
	v5 =	vadd.s32 v3, v5  }
0x43d: {  	[tilespmem:s9], [sflag:$0x1] =	stream.indirect_vreg.gather [hbm4b:s3+s2], $0x80, v6, vm0, $0xb8;
	[tilespmem:$0xD880] =	vst v63  }
0x43e: {  	s10 =	simm.s32 $0x3880  }
0x43f: {  	[tilespmem:s10], [sflag:$0x1] =	stream.indirect_vreg.gather [hbm4b:s5+s2], $0x80, v6, vm1, $0xb8;
	[tilespmem:$0xD880] =	vst v63  }
0x440: {  	s11 =	simm.s32 $0x3C80  }
0x441: {  	[tilespmem:s11], [sflag:$0x1] =	stream.indirect_vreg.gather [hbm4b:s3+s2], $0x80, v5, vm0, $0xb8;
	[tilespmem:$0xD880] =	vst v63  }
0x442: {  	s7 =	simm.s32 $0x4480  }
0x443: {  	[tilespmem:s7], [sflag:$0x1] =	stream.indirect_vreg.gather [hbm4b:s5+s2], $0x80, v5, vm1, $0xb8;
	[tilespmem:$0xD880] =	vst v63  }
0x444: {  	v5 =	vld [tilespmem:$0x1820];
	_ =	sdelay $0x4  }
0x445: {  	v6 =	vshrl.u32 v5, $0x3  }
0x446: {  	v6 =	vmul.u32 $0x18, v6  }
0x447: {  	v5 =	vand.u32 $0x7, v5  }
0x448: {  	v5 =	vor.u32 v5, v6  }
0x449: {  	v6 =	vperm.xlane v5, v2;
	_ =	sdelay $0x1  }
0x44a: {  	v6 =	vadd.s32 v3, v6;
	_ =	sdelay $0x1  }
0x44b: {  	v5 =	vperm.xlane v5, v4;
	_ =	sdelay $0x1  }
0x44c: {  	s12 =	simm.s32 $0x4880;
	v5 =	vadd.s32 v3, v5  }
0x44d: {  	[tilespmem:s12], [sflag:$0x1] =	stream.indirect_vreg.gather [hbm4b:s3+s2], $0x80, v6, vm0, $0xb8;
	[tilespmem:$0xD880] =	vst v63  }
0x44e: {  	s13 =	simm.s32 $0x5080  }
0x44f: {  	[tilespmem:s13], [sflag:$0x1] =	stream.indirect_vreg.gather [hbm4b:s5+s2], $0x80, v6, vm1, $0xb8;
	[tilespmem:$0xD880] =	vst v63  }
0x450: {  	s14 =	simm.s32 $0x5480  }
0x451: {  	[tilespmem:s14], [sflag:$0x1] =	stream.indirect_vreg.gather [hbm4b:s3+s2], $0x80, v5, vm0, $0xb8;
	[tilespmem:$0xD880] =	vst v63  }
0x452: {  	s7 =	simm.s32 $0x5C80  }
0x453: {  	[tilespmem:s7], [sflag:$0x1] =	stream.indirect_vreg.gather [hbm4b:s5+s2], $0x80, v5, vm1, $0xb8;
	[tilespmem:$0xD880] =	vst v63  }
0x454: {  	v5 =	vld [tilespmem:$0x1830];
	_ =	sdelay $0x4  }
0x455: {  	v6 =	vshrl.u32 v5, $0x3  }
0x456: {  	v6 =	vmul.u32 $0x18, v6  }
0x457: {  	v5 =	vand.u32 $0x7, v5  }
0x458: {  	v5 =	vor.u32 v5, v6  }
0x459: {  	v6 =	vperm.xlane v5, v2;
	_ =	sdelay $0x1  }
0x45a: {  	v6 =	vadd.s32 v3, v6;
	_ =	sdelay $0x1  }
0x45b: {  	v5 =	vperm.xlane v5, v4;
	_ =	sdelay $0x1  }
0x45c: {  	s15 =	simm.s32 $0x6080;
	v5 =	vadd.s32 v3, v5  }
0x45d: {  	[tilespmem:s15], [sflag:$0x1] =	stream.indirect_vreg.gather [hbm4b:s3+s2], $0x80, v6, vm0, $0xb8;
	[tilespmem:$0xD880] =	vst v63  }
0x45e: {  	s16 =	simm.s32 $0x6880  }
0x45f: {  	[tilespmem:s16], [sflag:$0x1] =	stream.indirect_vreg.gather [hbm4b:s5+s2], $0x80, v6, vm1, $0xb8;
	[tilespmem:$0xD880] =	vst v63  }
0x460: {  	s17 =	simm.s32 $0x6C80  }
0x461: {  	[tilespmem:s17], [sflag:$0x1] =	stream.indirect_vreg.gather [hbm4b:s3+s2], $0x80, v5, vm0, $0xb8;
	[tilespmem:$0xD880] =	vst v63  }
0x462: {  	s7 =	simm.s32 $0x7480  }
0x463: {  	[tilespmem:s7], [sflag:$0x1] =	stream.indirect_vreg.gather [hbm4b:s5+s2], $0x80, v5, vm1, $0xb8;
	[tilespmem:$0xD880] =	vst v63  }
0x464: {  	v5 =	vld [tilespmem:$0x1840];
	_ =	sdelay $0x4  }
0x465: {  	v6 =	vshrl.u32 v5, $0x3  }
0x466: {  	v6 =	vmul.u32 $0x18, v6  }
0x467: {  	v5 =	vand.u32 $0x7, v5  }
0x468: {  	v5 =	vor.u32 v5, v6  }
0x469: {  	v6 =	vperm.xlane v5, v2;
	_ =	sdelay $0x1  }
0x46a: {  	v6 =	vadd.s32 v3, v6;
	_ =	sdelay $0x1  }
0x46b: {  	v5 =	vperm.xlane v5, v4;
	_ =	sdelay $0x1  }
0x46c: {  	s7 =	simm.s32 $0x7880;
	v5 =	vadd.s32 v3, v5  }
0x46d: {  	[tilespmem:s7], [sflag:$0x1] =	stream.indirect_vreg.gather [hbm4b:s3+s2], $0x80, v6, vm0, $0xb8;
	[tilespmem:$0xD880] =	vst v63  }
0x46e: {  	s18 =	simm.s32 $0x8080  }
0x46f: {  	[tilespmem:s18], [sflag:$0x1] =	stream.indirect_vreg.gather [hbm4b:s5+s2], $0x80, v6, vm1, $0xb8;
	[tilespmem:$0xD880] =	vst v63  }
0x470: {  	s31 =	simm.s32 $0x8480  }
0x471: {  	[tilespmem:s31], [sflag:$0x1] =	stream.indirect_vreg.gather [hbm4b:s3+s2], $0x80, v5, vm0, $0xb8;
	[tilespmem:$0xD880] =	vst v63  }
0x472: {  	s20 =	simm.s32 $0x8C80  }
0x473: {  	[tilespmem:s20], [sflag:$0x1] =	stream.indirect_vreg.gather [hbm4b:s5+s2], $0x80, v5, vm1, $0xb8;
	[tilespmem:$0xD880] =	vst v63  }
0x474: {  	v5 =	vld [tilespmem:$0x1850];
	_ =	sdelay $0x4  }
0x475: {  	v6 =	vshrl.u32 v5, $0x3  }
0x476: {  	v6 =	vmul.u32 $0x18, v6  }
0x477: {  	v5 =	vand.u32 $0x7, v5  }
0x478: {  	v5 =	vor.u32 v5, v6  }
0x479: {  	v6 =	vperm.xlane v5, v2;
	_ =	sdelay $0x1  }
0x47a: {  	v6 =	vadd.s32 v3, v6;
	_ =	sdelay $0x1  }
0x47b: {  	v5 =	vperm.xlane v5, v4;
	_ =	sdelay $0x1  }
0x47c: {  	s7 =	simm.s32 $0x9080;
	v5 =	vadd.s32 v3, v5  }
0x47d: {  	[tilespmem:s7], [sflag:$0x1] =	stream.indirect_vreg.gather [hbm4b:s3+s2], $0x80, v6, vm0, $0xb8;
	[tilespmem:$0xD880] =	vst v63  }
0x47e: {  	s7 =	simm.s32 $0x9880  }
0x47f: {  	[tilespmem:s7], [sflag:$0x1] =	stream.indirect_vreg.gather [hbm4b:s5+s2], $0x80, v6, vm1, $0xb8;
	[tilespmem:$0xD880] =	vst v63  }
0x480: {  	s7 =	simm.s32 $0x9C80  }
0x481: {  	[tilespmem:s7], [sflag:$0x1] =	stream.indirect_vreg.gather [hbm4b:s3+s2], $0x80, v5, vm0, $0xb8;
	[tilespmem:$0xD880] =	vst v63  }
0x482: {  	s30 =	simm.s32 $0xA480  }
0x483: {  	[tilespmem:s30], [sflag:$0x1] =	stream.indirect_vreg.gather [hbm4b:s5+s2], $0x80, v5, vm1, $0xb8;
	[tilespmem:$0xD880] =	vst v63  }
0x484: {  	v5 =	vld [tilespmem:$0x1860];
	_ =	sdelay $0x4  }
0x485: {  	v6 =	vshrl.u32 v5, $0x3  }
0x486: {  	v6 =	vmul.u32 $0x18, v6  }
0x487: {  	v5 =	vand.u32 $0x7, v5  }
0x488: {  	v5 =	vor.u32 v5, v6  }
0x489: {  	v6 =	vperm.xlane v5, v2;
	_ =	sdelay $0x1  }
0x48a: {  	v6 =	vadd.s32 v3, v6;
	_ =	sdelay $0x1  }
0x48b: {  	v5 =	vperm.xlane v5, v4;
	_ =	sdelay $0x1  }
0x48c: {  	s22 =	simm.s32 $0xA880;
	v5 =	vadd.s32 v3, v5  }
0x48d: {  	[tilespmem:s22], [sflag:$0x1] =	stream.indirect_vreg.gather [hbm4b:s3+s2], $0x80, v6, vm0, $0xb8;
	[tilespmem:$0xD880] =	vst v63  }
0x48e: {  	s24 =	simm.s32 $0xB080  }
0x48f: {  	[tilespmem:s24], [sflag:$0x1] =	stream.indirect_vreg.gather [hbm4b:s5+s2], $0x80, v6, vm1, $0xb8;
	[tilespmem:$0xD880] =	vst v63  }
0x490: {  	s26 =	simm.s32 $0xB480  }
0x491: {  	[tilespmem:s26], [sflag:$0x1] =	stream.indirect_vreg.gather [hbm4b:s3+s2], $0x80, v5, vm0, $0xb8;
	[tilespmem:$0xD880] =	vst v63  }
0x492: {  	s7 =	simm.s32 $0xBC80  }
0x493: {  	[tilespmem:s7], [sflag:$0x1] =	stream.indirect_vreg.gather [hbm4b:s5+s2], $0x80, v5, vm1, $0xb8;
	[tilespmem:$0xD880] =	vst v63  }
0x494: {  	v5 =	vld [tilespmem:$0x1870];
	_ =	sdelay $0x4  }
0x495: {  	v6 =	vshrl.u32 v5, $0x3  }
0x496: {  	v6 =	vmul.u32 $0x18, v6  }
0x497: {  	v5 =	vand.u32 $0x7, v5  }
0x498: {  	v5 =	vor.u32 v5, v6  }
0x499: {  	v6 =	vperm.xlane v5, v2;
	_ =	sdelay $0x1  }
0x49a: {  	v6 =	vadd.s32 v3, v6;
	_ =	sdelay $0x1  }
0x49b: {  	v5 =	vperm.xlane v5, v4;
	_ =	sdelay $0x1  }
0x49c: {  	s19 =	simm.s32 $0xC080;
	v5 =	vadd.s32 v3, v5  }
0x49d: {  	[tilespmem:s19], [sflag:$0x1] =	stream.indirect_vreg.gather [hbm4b:s3+s2], $0x80, v6, vm0, $0xb8;
	[tilespmem:$0xD880] =	vst v63  }
0x49e: {  	s28 =	simm.s32 $0xC880  }
0x49f: {  	[tilespmem:s28], [sflag:$0x1] =	stream.indirect_vreg.gather [hbm4b:s5+s2], $0x80, v6, vm1, $0xb8;
	[tilespmem:$0xD880] =	vst v63  }
0x4a0: {  	s29 =	simm.s32 $0xCC80  }
0x4a1: {  	[tilespmem:s29], [sflag:$0x1] =	stream.indirect_vreg.gather [hbm4b:s3+s2], $0x80, v5, vm0, $0xb8;
	[tilespmem:$0xD880] =	vst v63  }
0x4a2: {  	s21 =	simm.s32 $0xD480  }
0x4a3: {  	[tilespmem:s21], [sflag:$0x1] =	stream.indirect_vreg.gather [hbm4b:s5+s2], $0x80, v5, vm1, $0xb8;
	[tilespmem:$0xD880] =	vst v63  }
0x4a4: {  	_ =	swait.ge [sflag:s1], $0xC000  }
0x4a5: {  	[sflag:s1] =	ssyncset.done $0x0  }
0x4a6: {  	s7 =	rddreg [dreg:$0x9];
	[sflag:s1] =	ssyncadd.s32 $0xFFFF4000  }
0x4a7: {  	[hbm4b:s7+s2] =	stream.linear.scatter [tilespmem:s25], [sflag:$0x3], $0xC000, $0x38;
	[tilespmem:$0xD880] =	vst v63  }
0x4a8: {  	_ =	swait.ge [sflag:s0], $0xC000  }
0x4a9: {  	[sflag:s0] =	ssyncset.done $0x0  }
0x4aa: {  	[sflag:s0] =	ssyncadd.s32 $0xFFFF4000  }
0x4ab: {  	v5 =	vld [tilespmem:$0x1400];
	_ =	sdelay $0x3  }
0x4ac: {  	v6 =	vld [tilespmem:$0x1410]  }
0x4ad: {  	v7 =	vld [tilespmem:$0x1420];
	v24 =	vshrl.u32 v5, $0x3  }
0x4ae: {  	v25 =	vld [tilespmem:$0x1430];
	v8 =	vmul.u32 $0x18, v24  }
0x4af: {  	v26 =	vld [tilespmem:$0x1440];
	v27 =	vand.u32 $0x7, v5  }
0x4b0: {  	[tilespmem:$0x1800] =	vst v5;
	v5 =	vld [tilespmem:$0x1450];
	v8 =	vor.u32 v27, v8  }
0x4b1: {  	[tilespmem:$0x1810] =	vst v6;
	v6 =	vld [tilespmem:$0x1460];
	v11 =	vperm.xlane v8, v2  }
0x4b2: {  	[tilespmem:$0x1820] =	vst v7;
	v7 =	vld [tilespmem:$0x1470]  }
0x4b3: {  	[tilespmem:$0x1830] =	vst v25;
	v28 =	vadd.s32 v3, v11  }
0x4b4: {  	[tilespmem:$0x1840] =	vst v26  }
0x4b5: {  	[tilespmem:$0x1850] =	vst v5;
	v5 =	vperm.xlane v8, v4  }
0x4b6: {  	[tilespmem:$0x1860] =	vst v6  }
0x4b7: {  	[tilespmem:$0x1870] =	vst v7;
	v5 =	vadd.s32 v3, v5  }
0x4b8: {  	[tilespmem:s25], [sflag:$0x1] =	stream.indirect_vreg.gather [hbm4b:s3+s2], $0x80, v28, vm0, $0xb8;
	[tilespmem:$0xD880] =	vst v63  }
0x4b9: {  	s6 =	simm.s32 $0x2080  }
0x4ba: {  	[tilespmem:s6], [sflag:$0x1] =	stream.indirect_vreg.gather [hbm4b:s5+s2], $0x80, v28, vm1, $0xb8;
	[tilespmem:$0xD880] =	vst v63  }
0x4bb: {  	s8 =	simm.s32 $0x2480  }
0x4bc: {  	[tilespmem:s8], [sflag:$0x1] =	stream.indirect_vreg.gather [hbm4b:s3+s2], $0x80, v5, vm0, $0xb8;
	[tilespmem:$0xD880] =	vst v63  }
0x4bd: {  	s7 =	simm.s32 $0x2C80  }
0x4be: {  	[tilespmem:s7], [sflag:$0x1] =	stream.indirect_vreg.gather [hbm4b:s5+s2], $0x80, v5, vm1, $0xb8;
	[tilespmem:$0xD880] =	vst v63  }
0x4bf: {  	v5 =	vld [tilespmem:$0x1810];
	_ =	sdelay $0x4  }
0x4c0: {  	v6 =	vshrl.u32 v5, $0x3  }
0x4c1: {  	v6 =	vmul.u32 $0x18, v6  }
0x4c2: {  	v5 =	vand.u32 $0x7, v5  }
0x4c3: {  	v5 =	vor.u32 v5, v6  }
0x4c4: {  	v6 =	vperm.xlane v5, v2;
	_ =	sdelay $0x1  }
0x4c5: {  	v6 =	vadd.s32 v3, v6;
	_ =	sdelay $0x1  }
0x4c6: {  	v5 =	vperm.xlane v5, v4;
	_ =	sdelay $0x1  }
0x4c7: {  	s9 =	simm.s32 $0x3080;
	v5 =	vadd.s32 v3, v5  }
0x4c8: {  	[tilespmem:s9], [sflag:$0x1] =	stream.indirect_vreg.gather [hbm4b:s3+s2], $0x80, v6, vm0, $0xb8;
	[tilespmem:$0xD880] =	vst v63  }
0x4c9: {  	s10 =	simm.s32 $0x3880  }
0x4ca: {  	[tilespmem:s10], [sflag:$0x1] =	stream.indirect_vreg.gather [hbm4b:s5+s2], $0x80, v6, vm1, $0xb8;
	[tilespmem:$0xD880] =	vst v63  }
0x4cb: {  	s11 =	simm.s32 $0x3C80  }
0x4cc: {  	[tilespmem:s11], [sflag:$0x1] =	stream.indirect_vreg.gather [hbm4b:s3+s2], $0x80, v5, vm0, $0xb8;
	[tilespmem:$0xD880] =	vst v63  }
0x4cd: {  	s7 =	simm.s32 $0x4480  }
0x4ce: {  	[tilespmem:s7], [sflag:$0x1] =	stream.indirect_vreg.gather [hbm4b:s5+s2], $0x80, v5, vm1, $0xb8;
	[tilespmem:$0xD880] =	vst v63  }
0x4cf: {  	v5 =	vld [tilespmem:$0x1820];
	_ =	sdelay $0x4  }
0x4d0: {  	v6 =	vshrl.u32 v5, $0x3  }
0x4d1: {  	v6 =	vmul.u32 $0x18, v6  }
0x4d2: {  	v5 =	vand.u32 $0x7, v5  }
0x4d3: {  	v5 =	vor.u32 v5, v6  }
0x4d4: {  	v6 =	vperm.xlane v5, v2;
	_ =	sdelay $0x1  }
0x4d5: {  	v6 =	vadd.s32 v3, v6;
	_ =	sdelay $0x1  }
0x4d6: {  	v5 =	vperm.xlane v5, v4;
	_ =	sdelay $0x1  }
0x4d7: {  	s12 =	simm.s32 $0x4880;
	v5 =	vadd.s32 v3, v5  }
0x4d8: {  	[tilespmem:s12], [sflag:$0x1] =	stream.indirect_vreg.gather [hbm4b:s3+s2], $0x80, v6, vm0, $0xb8;
	[tilespmem:$0xD880] =	vst v63  }
0x4d9: {  	s13 =	simm.s32 $0x5080  }
0x4da: {  	[tilespmem:s13], [sflag:$0x1] =	stream.indirect_vreg.gather [hbm4b:s5+s2], $0x80, v6, vm1, $0xb8;
	[tilespmem:$0xD880] =	vst v63  }
0x4db: {  	s14 =	simm.s32 $0x5480  }
0x4dc: {  	[tilespmem:s14], [sflag:$0x1] =	stream.indirect_vreg.gather [hbm4b:s3+s2], $0x80, v5, vm0, $0xb8;
	[tilespmem:$0xD880] =	vst v63  }
0x4dd: {  	s7 =	simm.s32 $0x5C80  }
0x4de: {  	[tilespmem:s7], [sflag:$0x1] =	stream.indirect_vreg.gather [hbm4b:s5+s2], $0x80, v5, vm1, $0xb8;
	[tilespmem:$0xD880] =	vst v63  }
0x4df: {  	v5 =	vld [tilespmem:$0x1830];
	_ =	sdelay $0x4  }
0x4e0: {  	v6 =	vshrl.u32 v5, $0x3  }
0x4e1: {  	v6 =	vmul.u32 $0x18, v6  }
0x4e2: {  	v5 =	vand.u32 $0x7, v5  }
0x4e3: {  	v5 =	vor.u32 v5, v6  }
0x4e4: {  	v6 =	vperm.xlane v5, v2;
	_ =	sdelay $0x1  }
0x4e5: {  	v6 =	vadd.s32 v3, v6;
	_ =	sdelay $0x1  }
0x4e6: {  	v5 =	vperm.xlane v5, v4;
	_ =	sdelay $0x1  }
0x4e7: {  	s15 =	simm.s32 $0x6080;
	v5 =	vadd.s32 v3, v5  }
0x4e8: {  	[tilespmem:s15], [sflag:$0x1] =	stream.indirect_vreg.gather [hbm4b:s3+s2], $0x80, v6, vm0, $0xb8;
	[tilespmem:$0xD880] =	vst v63  }
0x4e9: {  	s16 =	simm.s32 $0x6880  }
0x4ea: {  	[tilespmem:s16], [sflag:$0x1] =	stream.indirect_vreg.gather [hbm4b:s5+s2], $0x80, v6, vm1, $0xb8;
	[tilespmem:$0xD880] =	vst v63  }
0x4eb: {  	s17 =	simm.s32 $0x6C80  }
0x4ec: {  	[tilespmem:s17], [sflag:$0x1] =	stream.indirect_vreg.gather [hbm4b:s3+s2], $0x80, v5, vm0, $0xb8;
	[tilespmem:$0xD880] =	vst v63  }
0x4ed: {  	s7 =	simm.s32 $0x7480  }
0x4ee: {  	[tilespmem:s7], [sflag:$0x1] =	stream.indirect_vreg.gather [hbm4b:s5+s2], $0x80, v5, vm1, $0xb8;
	[tilespmem:$0xD880] =	vst v63  }
0x4ef: {  	v5 =	vld [tilespmem:$0x1840];
	_ =	sdelay $0x4  }
0x4f0: {  	v6 =	vshrl.u32 v5, $0x3  }
0x4f1: {  	v6 =	vmul.u32 $0x18, v6  }
0x4f2: {  	v5 =	vand.u32 $0x7, v5  }
0x4f3: {  	v5 =	vor.u32 v5, v6  }
0x4f4: {  	v6 =	vperm.xlane v5, v2;
	_ =	sdelay $0x1  }
0x4f5: {  	v6 =	vadd.s32 v3, v6;
	_ =	sdelay $0x1  }
0x4f6: {  	v5 =	vperm.xlane v5, v4;
	_ =	sdelay $0x1  }
0x4f7: {  	s7 =	simm.s32 $0x7880;
	v5 =	vadd.s32 v3, v5  }
0x4f8: {  	[tilespmem:s7], [sflag:$0x1] =	stream.indirect_vreg.gather [hbm4b:s3+s2], $0x80, v6, vm0, $0xb8;
	[tilespmem:$0xD880] =	vst v63  }
0x4f9: {  	s18 =	simm.s32 $0x8080  }
0x4fa: {  	[tilespmem:s18], [sflag:$0x1] =	stream.indirect_vreg.gather [hbm4b:s5+s2], $0x80, v6, vm1, $0xb8;
	[tilespmem:$0xD880] =	vst v63  }
0x4fb: {  	s31 =	simm.s32 $0x8480  }
0x4fc: {  	[tilespmem:s31], [sflag:$0x1] =	stream.indirect_vreg.gather [hbm4b:s3+s2], $0x80, v5, vm0, $0xb8;
	[tilespmem:$0xD880] =	vst v63  }
0x4fd: {  	s20 =	simm.s32 $0x8C80  }
0x4fe: {  	[tilespmem:s20], [sflag:$0x1] =	stream.indirect_vreg.gather [hbm4b:s5+s2], $0x80, v5, vm1, $0xb8;
	[tilespmem:$0xD880] =	vst v63  }
0x4ff: {  	v5 =	vld [tilespmem:$0x1850];
	_ =	sdelay $0x4  }
0x500: {  	v6 =	vshrl.u32 v5, $0x3  }
0x501: {  	v6 =	vmul.u32 $0x18, v6  }
0x502: {  	v5 =	vand.u32 $0x7, v5  }
0x503: {  	v5 =	vor.u32 v5, v6  }
0x504: {  	v6 =	vperm.xlane v5, v2;
	_ =	sdelay $0x1  }
0x505: {  	v6 =	vadd.s32 v3, v6;
	_ =	sdelay $0x1  }
0x506: {  	v5 =	vperm.xlane v5, v4;
	_ =	sdelay $0x1  }
0x507: {  	s7 =	simm.s32 $0x9080;
	v5 =	vadd.s32 v3, v5  }
0x508: {  	[tilespmem:s7], [sflag:$0x1] =	stream.indirect_vreg.gather [hbm4b:s3+s2], $0x80, v6, vm0, $0xb8;
	[tilespmem:$0xD880] =	vst v63  }
0x509: {  	s7 =	simm.s32 $0x9880  }
0x50a: {  	[tilespmem:s7], [sflag:$0x1] =	stream.indirect_vreg.gather [hbm4b:s5+s2], $0x80, v6, vm1, $0xb8;
	[tilespmem:$0xD880] =	vst v63  }
0x50b: {  	s7 =	simm.s32 $0x9C80  }
0x50c: {  	[tilespmem:s7], [sflag:$0x1] =	stream.indirect_vreg.gather [hbm4b:s3+s2], $0x80, v5, vm0, $0xb8;
	[tilespmem:$0xD880] =	vst v63  }
0x50d: {  	s30 =	simm.s32 $0xA480  }
0x50e: {  	[tilespmem:s30], [sflag:$0x1] =	stream.indirect_vreg.gather [hbm4b:s5+s2], $0x80, v5, vm1, $0xb8;
	[tilespmem:$0xD880] =	vst v63  }
0x50f: {  	v5 =	vld [tilespmem:$0x1860];
	_ =	sdelay $0x4  }
0x510: {  	v6 =	vshrl.u32 v5, $0x3  }
0x511: {  	v6 =	vmul.u32 $0x18, v6  }
0x512: {  	v5 =	vand.u32 $0x7, v5  }
0x513: {  	v5 =	vor.u32 v5, v6  }
0x514: {  	v6 =	vperm.xlane v5, v2;
	_ =	sdelay $0x1  }
0x515: {  	v6 =	vadd.s32 v3, v6;
	_ =	sdelay $0x1  }
0x516: {  	v5 =	vperm.xlane v5, v4;
	_ =	sdelay $0x1  }
0x517: {  	s22 =	simm.s32 $0xA880;
	v5 =	vadd.s32 v3, v5  }
0x518: {  	[tilespmem:s22], [sflag:$0x1] =	stream.indirect_vreg.gather [hbm4b:s3+s2], $0x80, v6, vm0, $0xb8;
	[tilespmem:$0xD880] =	vst v63  }
0x519: {  	s24 =	simm.s32 $0xB080  }
0x51a: {  	[tilespmem:s24], [sflag:$0x1] =	stream.indirect_vreg.gather [hbm4b:s5+s2], $0x80, v6, vm1, $0xb8;
	[tilespmem:$0xD880] =	vst v63  }
0x51b: {  	s26 =	simm.s32 $0xB480  }
0x51c: {  	[tilespmem:s26], [sflag:$0x1] =	stream.indirect_vreg.gather [hbm4b:s3+s2], $0x80, v5, vm0, $0xb8;
	[tilespmem:$0xD880] =	vst v63  }
0x51d: {  	s7 =	simm.s32 $0xBC80  }
0x51e: {  	[tilespmem:s7], [sflag:$0x1] =	stream.indirect_vreg.gather [hbm4b:s5+s2], $0x80, v5, vm1, $0xb8;
	[tilespmem:$0xD880] =	vst v63  }
0x51f: {  	v5 =	vld [tilespmem:$0x1870];
	_ =	sdelay $0x4  }
0x520: {  	v6 =	vshrl.u32 v5, $0x3  }
0x521: {  	v6 =	vmul.u32 $0x18, v6  }
0x522: {  	v5 =	vand.u32 $0x7, v5  }
0x523: {  	v5 =	vor.u32 v5, v6  }
0x524: {  	v6 =	vperm.xlane v5, v2;
	_ =	sdelay $0x1  }
0x525: {  	v6 =	vadd.s32 v3, v6;
	_ =	sdelay $0x1  }
0x526: {  	v5 =	vperm.xlane v5, v4;
	_ =	sdelay $0x1  }
0x527: {  	s19 =	simm.s32 $0xC080;
	v5 =	vadd.s32 v3, v5  }
0x528: {  	[tilespmem:s19], [sflag:$0x1] =	stream.indirect_vreg.gather [hbm4b:s3+s2], $0x80, v6, vm0, $0xb8;
	[tilespmem:$0xD880] =	vst v63  }
0x529: {  	s28 =	simm.s32 $0xC880  }
0x52a: {  	[tilespmem:s28], [sflag:$0x1] =	stream.indirect_vreg.gather [hbm4b:s5+s2], $0x80, v6, vm1, $0xb8;
	[tilespmem:$0xD880] =	vst v63  }
0x52b: {  	s29 =	simm.s32 $0xCC80  }
0x52c: {  	[tilespmem:s29], [sflag:$0x1] =	stream.indirect_vreg.gather [hbm4b:s3+s2], $0x80, v5, vm0, $0xb8;
	[tilespmem:$0xD880] =	vst v63  }
0x52d: {  	s21 =	simm.s32 $0xD480  }
0x52e: {  	[tilespmem:s21], [sflag:$0x1] =	stream.indirect_vreg.gather [hbm4b:s5+s2], $0x80, v5, vm1, $0xb8;
	[tilespmem:$0xD880] =	vst v63  }
0x52f: {  	_ =	swait.ge [sflag:s1], $0xC000  }
0x530: {  	[sflag:s1] =	ssyncset.done $0x0  }
0x531: {  	s7 =	rddreg [dreg:$0xa];
	[sflag:s1] =	ssyncadd.s32 $0xFFFF4000  }
0x532: {  	[hbm4b:s7+s2] =	stream.linear.scatter [tilespmem:s25], [sflag:$0x3], $0xC000, $0x38;
	[tilespmem:$0xD880] =	vst v63  }
0x533: {  	_ =	swait.ge [sflag:s0], $0xC000  }
0x534: {  	[sflag:s0] =	ssyncset.done $0x0  }
0x535: {  	[sflag:s0] =	ssyncadd.s32 $0xFFFF4000  }
0x536: {  	v5 =	vld [tilespmem:$0x1480];
	_ =	sdelay $0x3  }
0x537: {  	v6 =	vld [tilespmem:$0x1490]  }
0x538: {  	v7 =	vld [tilespmem:$0x14A0];
	v29 =	vshrl.u32 v5, $0x3  }
0x539: {  	v30 =	vld [tilespmem:$0x14B0];
	v8 =	vmul.u32 $0x18, v29  }
0x53a: {  	v31 =	vld [tilespmem:$0x14C0];
	v32 =	vand.u32 $0x7, v5  }
0x53b: {  	[tilespmem:$0x1800] =	vst v5;
	v5 =	vld [tilespmem:$0x14D0];
	v8 =	vor.u32 v32, v8  }
0x53c: {  	[tilespmem:$0x1810] =	vst v6;
	v6 =	vld [tilespmem:$0x14E0];
	v11 =	vperm.xlane v8, v2  }
0x53d: {  	[tilespmem:$0x1820] =	vst v7;
	v7 =	vld [tilespmem:$0x14F0]  }
0x53e: {  	[tilespmem:$0x1830] =	vst v30;
	v33 =	vadd.s32 v3, v11  }
0x53f: {  	[tilespmem:$0x1840] =	vst v31  }
0x540: {  	[tilespmem:$0x1850] =	vst v5;
	v5 =	vperm.xlane v8, v4  }
0x541: {  	[tilespmem:$0x1860] =	vst v6  }
0x542: {  	[tilespmem:$0x1870] =	vst v7;
	v5 =	vadd.s32 v3, v5  }
0x543: {  	[tilespmem:s25], [sflag:$0x1] =	stream.indirect_vreg.gather [hbm4b:s3+s2], $0x80, v33, vm0, $0xb8;
	[tilespmem:$0xD880] =	vst v63  }
0x544: {  	s6 =	simm.s32 $0x2080  }
0x545: {  	[tilespmem:s6], [sflag:$0x1] =	stream.indirect_vreg.gather [hbm4b:s5+s2], $0x80, v33, vm1, $0xb8;
	[tilespmem:$0xD880] =	vst v63  }
0x546: {  	s8 =	simm.s32 $0x2480  }
0x547: {  	[tilespmem:s8], [sflag:$0x1] =	stream.indirect_vreg.gather [hbm4b:s3+s2], $0x80, v5, vm0, $0xb8;
	[tilespmem:$0xD880] =	vst v63  }
0x548: {  	s7 =	simm.s32 $0x2C80  }
0x549: {  	[tilespmem:s7], [sflag:$0x1] =	stream.indirect_vreg.gather [hbm4b:s5+s2], $0x80, v5, vm1, $0xb8;
	[tilespmem:$0xD880] =	vst v63  }
0x54a: {  	v5 =	vld [tilespmem:$0x1810];
	_ =	sdelay $0x4  }
0x54b: {  	v6 =	vshrl.u32 v5, $0x3  }
0x54c: {  	v6 =	vmul.u32 $0x18, v6  }
0x54d: {  	v5 =	vand.u32 $0x7, v5  }
0x54e: {  	v5 =	vor.u32 v5, v6  }
0x54f: {  	v6 =	vperm.xlane v5, v2;
	_ =	sdelay $0x1  }
0x550: {  	v6 =	vadd.s32 v3, v6;
	_ =	sdelay $0x1  }
0x551: {  	v5 =	vperm.xlane v5, v4;
	_ =	sdelay $0x1  }
0x552: {  	s9 =	simm.s32 $0x3080;
	v5 =	vadd.s32 v3, v5  }
0x553: {  	[tilespmem:s9], [sflag:$0x1] =	stream.indirect_vreg.gather [hbm4b:s3+s2], $0x80, v6, vm0, $0xb8;
	[tilespmem:$0xD880] =	vst v63  }
0x554: {  	s10 =	simm.s32 $0x3880  }
0x555: {  	[tilespmem:s10], [sflag:$0x1] =	stream.indirect_vreg.gather [hbm4b:s5+s2], $0x80, v6, vm1, $0xb8;
	[tilespmem:$0xD880] =	vst v63  }
0x556: {  	s11 =	simm.s32 $0x3C80  }
0x557: {  	[tilespmem:s11], [sflag:$0x1] =	stream.indirect_vreg.gather [hbm4b:s3+s2], $0x80, v5, vm0, $0xb8;
	[tilespmem:$0xD880] =	vst v63  }
0x558: {  	s7 =	simm.s32 $0x4480  }
0x559: {  	[tilespmem:s7], [sflag:$0x1] =	stream.indirect_vreg.gather [hbm4b:s5+s2], $0x80, v5, vm1, $0xb8;
	[tilespmem:$0xD880] =	vst v63  }
0x55a: {  	v5 =	vld [tilespmem:$0x1820];
	_ =	sdelay $0x4  }
0x55b: {  	v6 =	vshrl.u32 v5, $0x3  }
0x55c: {  	v6 =	vmul.u32 $0x18, v6  }
0x55d: {  	v5 =	vand.u32 $0x7, v5  }
0x55e: {  	v5 =	vor.u32 v5, v6  }
0x55f: {  	v6 =	vperm.xlane v5, v2;
	_ =	sdelay $0x1  }
0x560: {  	v6 =	vadd.s32 v3, v6;
	_ =	sdelay $0x1  }
0x561: {  	v5 =	vperm.xlane v5, v4;
	_ =	sdelay $0x1  }
0x562: {  	s12 =	simm.s32 $0x4880;
	v5 =	vadd.s32 v3, v5  }
0x563: {  	[tilespmem:s12], [sflag:$0x1] =	stream.indirect_vreg.gather [hbm4b:s3+s2], $0x80, v6, vm0, $0xb8;
	[tilespmem:$0xD880] =	vst v63  }
0x564: {  	s13 =	simm.s32 $0x5080  }
0x565: {  	[tilespmem:s13], [sflag:$0x1] =	stream.indirect_vreg.gather [hbm4b:s5+s2], $0x80, v6, vm1, $0xb8;
	[tilespmem:$0xD880] =	vst v63  }
0x566: {  	s14 =	simm.s32 $0x5480  }
0x567: {  	[tilespmem:s14], [sflag:$0x1] =	stream.indirect_vreg.gather [hbm4b:s3+s2], $0x80, v5, vm0, $0xb8;
	[tilespmem:$0xD880] =	vst v63  }
0x568: {  	s7 =	simm.s32 $0x5C80  }
0x569: {  	[tilespmem:s7], [sflag:$0x1] =	stream.indirect_vreg.gather [hbm4b:s5+s2], $0x80, v5, vm1, $0xb8;
	[tilespmem:$0xD880] =	vst v63  }
0x56a: {  	v5 =	vld [tilespmem:$0x1830];
	_ =	sdelay $0x4  }
0x56b: {  	v6 =	vshrl.u32 v5, $0x3  }
0x56c: {  	v6 =	vmul.u32 $0x18, v6  }
0x56d: {  	v5 =	vand.u32 $0x7, v5  }
0x56e: {  	v5 =	vor.u32 v5, v6  }
0x56f: {  	v6 =	vperm.xlane v5, v2;
	_ =	sdelay $0x1  }
0x570: {  	v6 =	vadd.s32 v3, v6;
	_ =	sdelay $0x1  }
0x571: {  	v5 =	vperm.xlane v5, v4;
	_ =	sdelay $0x1  }
0x572: {  	s15 =	simm.s32 $0x6080;
	v5 =	vadd.s32 v3, v5  }
0x573: {  	[tilespmem:s15], [sflag:$0x1] =	stream.indirect_vreg.gather [hbm4b:s3+s2], $0x80, v6, vm0, $0xb8;
	[tilespmem:$0xD880] =	vst v63  }
0x574: {  	s16 =	simm.s32 $0x6880  }
0x575: {  	[tilespmem:s16], [sflag:$0x1] =	stream.indirect_vreg.gather [hbm4b:s5+s2], $0x80, v6, vm1, $0xb8;
	[tilespmem:$0xD880] =	vst v63  }
0x576: {  	s17 =	simm.s32 $0x6C80  }
0x577: {  	[tilespmem:s17], [sflag:$0x1] =	stream.indirect_vreg.gather [hbm4b:s3+s2], $0x80, v5, vm0, $0xb8;
	[tilespmem:$0xD880] =	vst v63  }
0x578: {  	s7 =	simm.s32 $0x7480  }
0x579: {  	[tilespmem:s7], [sflag:$0x1] =	stream.indirect_vreg.gather [hbm4b:s5+s2], $0x80, v5, vm1, $0xb8;
	[tilespmem:$0xD880] =	vst v63  }
0x57a: {  	v5 =	vld [tilespmem:$0x1840];
	_ =	sdelay $0x4  }
0x57b: {  	v6 =	vshrl.u32 v5, $0x3  }
0x57c: {  	v6 =	vmul.u32 $0x18, v6  }
0x57d: {  	v5 =	vand.u32 $0x7, v5  }
0x57e: {  	v5 =	vor.u32 v5, v6  }
0x57f: {  	v6 =	vperm.xlane v5, v2;
	_ =	sdelay $0x1  }
0x580: {  	v6 =	vadd.s32 v3, v6;
	_ =	sdelay $0x1  }
0x581: {  	v5 =	vperm.xlane v5, v4;
	_ =	sdelay $0x1  }
0x582: {  	s7 =	simm.s32 $0x7880;
	v5 =	vadd.s32 v3, v5  }
0x583: {  	[tilespmem:s7], [sflag:$0x1] =	stream.indirect_vreg.gather [hbm4b:s3+s2], $0x80, v6, vm0, $0xb8;
	[tilespmem:$0xD880] =	vst v63  }
0x584: {  	s18 =	simm.s32 $0x8080  }
0x585: {  	[tilespmem:s18], [sflag:$0x1] =	stream.indirect_vreg.gather [hbm4b:s5+s2], $0x80, v6, vm1, $0xb8;
	[tilespmem:$0xD880] =	vst v63  }
0x586: {  	s31 =	simm.s32 $0x8480  }
0x587: {  	[tilespmem:s31], [sflag:$0x1] =	stream.indirect_vreg.gather [hbm4b:s3+s2], $0x80, v5, vm0, $0xb8;
	[tilespmem:$0xD880] =	vst v63  }
0x588: {  	s20 =	simm.s32 $0x8C80  }
0x589: {  	[tilespmem:s20], [sflag:$0x1] =	stream.indirect_vreg.gather [hbm4b:s5+s2], $0x80, v5, vm1, $0xb8;
	[tilespmem:$0xD880] =	vst v63  }
0x58a: {  	v5 =	vld [tilespmem:$0x1850];
	_ =	sdelay $0x4  }
0x58b: {  	v6 =	vshrl.u32 v5, $0x3  }
0x58c: {  	v6 =	vmul.u32 $0x18, v6  }
0x58d: {  	v5 =	vand.u32 $0x7, v5  }
0x58e: {  	v5 =	vor.u32 v5, v6  }
0x58f: {  	v6 =	vperm.xlane v5, v2;
	_ =	sdelay $0x1  }
0x590: {  	v6 =	vadd.s32 v3, v6;
	_ =	sdelay $0x1  }
0x591: {  	v5 =	vperm.xlane v5, v4;
	_ =	sdelay $0x1  }
0x592: {  	s7 =	simm.s32 $0x9080;
	v5 =	vadd.s32 v3, v5  }
0x593: {  	[tilespmem:s7], [sflag:$0x1] =	stream.indirect_vreg.gather [hbm4b:s3+s2], $0x80, v6, vm0, $0xb8;
	[tilespmem:$0xD880] =	vst v63  }
0x594: {  	s7 =	simm.s32 $0x9880  }
0x595: {  	[tilespmem:s7], [sflag:$0x1] =	stream.indirect_vreg.gather [hbm4b:s5+s2], $0x80, v6, vm1, $0xb8;
	[tilespmem:$0xD880] =	vst v63  }
0x596: {  	s7 =	simm.s32 $0x9C80  }
0x597: {  	[tilespmem:s7], [sflag:$0x1] =	stream.indirect_vreg.gather [hbm4b:s3+s2], $0x80, v5, vm0, $0xb8;
	[tilespmem:$0xD880] =	vst v63  }
0x598: {  	s30 =	simm.s32 $0xA480  }
0x599: {  	[tilespmem:s30], [sflag:$0x1] =	stream.indirect_vreg.gather [hbm4b:s5+s2], $0x80, v5, vm1, $0xb8;
	[tilespmem:$0xD880] =	vst v63  }
0x59a: {  	v5 =	vld [tilespmem:$0x1860];
	_ =	sdelay $0x4  }
0x59b: {  	v6 =	vshrl.u32 v5, $0x3  }
0x59c: {  	v6 =	vmul.u32 $0x18, v6  }
0x59d: {  	v5 =	vand.u32 $0x7, v5  }
0x59e: {  	v5 =	vor.u32 v5, v6  }
0x59f: {  	v6 =	vperm.xlane v5, v2;
	_ =	sdelay $0x1  }
0x5a0: {  	v6 =	vadd.s32 v3, v6;
	_ =	sdelay $0x1  }
0x5a1: {  	v5 =	vperm.xlane v5, v4;
	_ =	sdelay $0x1  }
0x5a2: {  	s22 =	simm.s32 $0xA880;
	v5 =	vadd.s32 v3, v5  }
0x5a3: {  	[tilespmem:s22], [sflag:$0x1] =	stream.indirect_vreg.gather [hbm4b:s3+s2], $0x80, v6, vm0, $0xb8;
	[tilespmem:$0xD880] =	vst v63  }
0x5a4: {  	s24 =	simm.s32 $0xB080  }
0x5a5: {  	[tilespmem:s24], [sflag:$0x1] =	stream.indirect_vreg.gather [hbm4b:s5+s2], $0x80, v6, vm1, $0xb8;
	[tilespmem:$0xD880] =	vst v63  }
0x5a6: {  	s26 =	simm.s32 $0xB480  }
0x5a7: {  	[tilespmem:s26], [sflag:$0x1] =	stream.indirect_vreg.gather [hbm4b:s3+s2], $0x80, v5, vm0, $0xb8;
	[tilespmem:$0xD880] =	vst v63  }
0x5a8: {  	s7 =	simm.s32 $0xBC80  }
0x5a9: {  	[tilespmem:s7], [sflag:$0x1] =	stream.indirect_vreg.gather [hbm4b:s5+s2], $0x80, v5, vm1, $0xb8;
	[tilespmem:$0xD880] =	vst v63  }
0x5aa: {  	v5 =	vld [tilespmem:$0x1870];
	_ =	sdelay $0x4  }
0x5ab: {  	v6 =	vshrl.u32 v5, $0x3  }
0x5ac: {  	v6 =	vmul.u32 $0x18, v6  }
0x5ad: {  	v5 =	vand.u32 $0x7, v5  }
0x5ae: {  	v5 =	vor.u32 v5, v6  }
0x5af: {  	v6 =	vperm.xlane v5, v2;
	_ =	sdelay $0x1  }
0x5b0: {  	v6 =	vadd.s32 v3, v6;
	_ =	sdelay $0x1  }
0x5b1: {  	v5 =	vperm.xlane v5, v4;
	_ =	sdelay $0x1  }
0x5b2: {  	s19 =	simm.s32 $0xC080;
	v5 =	vadd.s32 v3, v5  }
0x5b3: {  	[tilespmem:s19], [sflag:$0x1] =	stream.indirect_vreg.gather [hbm4b:s3+s2], $0x80, v6, vm0, $0xb8;
	[tilespmem:$0xD880] =	vst v63  }
0x5b4: {  	s28 =	simm.s32 $0xC880  }
0x5b5: {  	[tilespmem:s28], [sflag:$0x1] =	stream.indirect_vreg.gather [hbm4b:s5+s2], $0x80, v6, vm1, $0xb8;
	[tilespmem:$0xD880] =	vst v63  }
0x5b6: {  	s29 =	simm.s32 $0xCC80  }
0x5b7: {  	[tilespmem:s29], [sflag:$0x1] =	stream.indirect_vreg.gather [hbm4b:s3+s2], $0x80, v5, vm0, $0xb8;
	[tilespmem:$0xD880] =	vst v63  }
0x5b8: {  	s21 =	simm.s32 $0xD480  }
0x5b9: {  	[tilespmem:s21], [sflag:$0x1] =	stream.indirect_vreg.gather [hbm4b:s5+s2], $0x80, v5, vm1, $0xb8;
	[tilespmem:$0xD880] =	vst v63  }
0x5ba: {  	_ =	swait.ge [sflag:s1], $0xC000  }
0x5bb: {  	[sflag:s1] =	ssyncset.done $0x0  }
0x5bc: {  	s7 =	rddreg [dreg:$0xb];
	[sflag:s1] =	ssyncadd.s32 $0xFFFF4000  }
0x5bd: {  	[hbm4b:s7+s2] =	stream.linear.scatter [tilespmem:s25], [sflag:$0x3], $0xC000, $0x38;
	[tilespmem:$0xD880] =	vst v63  }
0x5be: {  	_ =	swait.ge [sflag:s0], $0xC000  }
0x5bf: {  	[sflag:s0] =	ssyncset.done $0x0  }
0x5c0: {  	[sflag:s0] =	ssyncadd.s32 $0xFFFF4000  }
0x5c1: {  	v5 =	vld [tilespmem:$0x1500];
	_ =	sdelay $0x3  }
0x5c2: {  	v6 =	vld [tilespmem:$0x1510]  }
0x5c3: {  	v7 =	vld [tilespmem:$0x1520];
	v34 =	vshrl.u32 v5, $0x3  }
0x5c4: {  	v35 =	vld [tilespmem:$0x1530];
	v8 =	vmul.u32 $0x18, v34  }
0x5c5: {  	v36 =	vld [tilespmem:$0x1540];
	v37 =	vand.u32 $0x7, v5  }
0x5c6: {  	[tilespmem:$0x1800] =	vst v5;
	v5 =	vld [tilespmem:$0x1550];
	v8 =	vor.u32 v37, v8  }
0x5c7: {  	[tilespmem:$0x1810] =	vst v6;
	v6 =	vld [tilespmem:$0x1560];
	v11 =	vperm.xlane v8, v2  }
0x5c8: {  	[tilespmem:$0x1820] =	vst v7;
	v7 =	vld [tilespmem:$0x1570]  }
0x5c9: {  	[tilespmem:$0x1830] =	vst v35;
	v38 =	vadd.s32 v3, v11  }
0x5ca: {  	[tilespmem:$0x1840] =	vst v36  }
0x5cb: {  	[tilespmem:$0x1850] =	vst v5;
	v5 =	vperm.xlane v8, v4  }
0x5cc: {  	[tilespmem:$0x1860] =	vst v6  }
0x5cd: {  	[tilespmem:$0x1870] =	vst v7;
	v5 =	vadd.s32 v3, v5  }
0x5ce: {  	[tilespmem:s25], [sflag:$0x1] =	stream.indirect_vreg.gather [hbm4b:s3+s2], $0x80, v38, vm0, $0xb8;
	[tilespmem:$0xD880] =	vst v63  }
0x5cf: {  	s6 =	simm.s32 $0x2080  }
0x5d0: {  	[tilespmem:s6], [sflag:$0x1] =	stream.indirect_vreg.gather [hbm4b:s5+s2], $0x80, v38, vm1, $0xb8;
	[tilespmem:$0xD880] =	vst v63  }
0x5d1: {  	s8 =	simm.s32 $0x2480  }
0x5d2: {  	[tilespmem:s8], [sflag:$0x1] =	stream.indirect_vreg.gather [hbm4b:s3+s2], $0x80, v5, vm0, $0xb8;
	[tilespmem:$0xD880] =	vst v63  }
0x5d3: {  	s7 =	simm.s32 $0x2C80  }
0x5d4: {  	[tilespmem:s7], [sflag:$0x1] =	stream.indirect_vreg.gather [hbm4b:s5+s2], $0x80, v5, vm1, $0xb8;
	[tilespmem:$0xD880] =	vst v63  }
0x5d5: {  	v5 =	vld [tilespmem:$0x1810];
	_ =	sdelay $0x4  }
0x5d6: {  	v6 =	vshrl.u32 v5, $0x3  }
0x5d7: {  	v6 =	vmul.u32 $0x18, v6  }
0x5d8: {  	v5 =	vand.u32 $0x7, v5  }
0x5d9: {  	v5 =	vor.u32 v5, v6  }
0x5da: {  	v6 =	vperm.xlane v5, v2;
	_ =	sdelay $0x1  }
0x5db: {  	v6 =	vadd.s32 v3, v6;
	_ =	sdelay $0x1  }
0x5dc: {  	v5 =	vperm.xlane v5, v4;
	_ =	sdelay $0x1  }
0x5dd: {  	s9 =	simm.s32 $0x3080;
	v5 =	vadd.s32 v3, v5  }
0x5de: {  	[tilespmem:s9], [sflag:$0x1] =	stream.indirect_vreg.gather [hbm4b:s3+s2], $0x80, v6, vm0, $0xb8;
	[tilespmem:$0xD880] =	vst v63  }
0x5df: {  	s10 =	simm.s32 $0x3880  }
0x5e0: {  	[tilespmem:s10], [sflag:$0x1] =	stream.indirect_vreg.gather [hbm4b:s5+s2], $0x80, v6, vm1, $0xb8;
	[tilespmem:$0xD880] =	vst v63  }
0x5e1: {  	s11 =	simm.s32 $0x3C80  }
0x5e2: {  	[tilespmem:s11], [sflag:$0x1] =	stream.indirect_vreg.gather [hbm4b:s3+s2], $0x80, v5, vm0, $0xb8;
	[tilespmem:$0xD880] =	vst v63  }
0x5e3: {  	s7 =	simm.s32 $0x4480  }
0x5e4: {  	[tilespmem:s7], [sflag:$0x1] =	stream.indirect_vreg.gather [hbm4b:s5+s2], $0x80, v5, vm1, $0xb8;
	[tilespmem:$0xD880] =	vst v63  }
0x5e5: {  	v5 =	vld [tilespmem:$0x1820];
	_ =	sdelay $0x4  }
0x5e6: {  	v6 =	vshrl.u32 v5, $0x3  }
0x5e7: {  	v6 =	vmul.u32 $0x18, v6  }
0x5e8: {  	v5 =	vand.u32 $0x7, v5  }
0x5e9: {  	v5 =	vor.u32 v5, v6  }
0x5ea: {  	v6 =	vperm.xlane v5, v2;
	_ =	sdelay $0x1  }
0x5eb: {  	v6 =	vadd.s32 v3, v6;
	_ =	sdelay $0x1  }
0x5ec: {  	v5 =	vperm.xlane v5, v4;
	_ =	sdelay $0x1  }
0x5ed: {  	s12 =	simm.s32 $0x4880;
	v5 =	vadd.s32 v3, v5  }
0x5ee: {  	[tilespmem:s12], [sflag:$0x1] =	stream.indirect_vreg.gather [hbm4b:s3+s2], $0x80, v6, vm0, $0xb8;
	[tilespmem:$0xD880] =	vst v63  }
0x5ef: {  	s13 =	simm.s32 $0x5080  }
0x5f0: {  	[tilespmem:s13], [sflag:$0x1] =	stream.indirect_vreg.gather [hbm4b:s5+s2], $0x80, v6, vm1, $0xb8;
	[tilespmem:$0xD880] =	vst v63  }
0x5f1: {  	s14 =	simm.s32 $0x5480  }
0x5f2: {  	[tilespmem:s14], [sflag:$0x1] =	stream.indirect_vreg.gather [hbm4b:s3+s2], $0x80, v5, vm0, $0xb8;
	[tilespmem:$0xD880] =	vst v63  }
0x5f3: {  	s7 =	simm.s32 $0x5C80  }
0x5f4: {  	[tilespmem:s7], [sflag:$0x1] =	stream.indirect_vreg.gather [hbm4b:s5+s2], $0x80, v5, vm1, $0xb8;
	[tilespmem:$0xD880] =	vst v63  }
0x5f5: {  	v5 =	vld [tilespmem:$0x1830];
	_ =	sdelay $0x4  }
0x5f6: {  	v6 =	vshrl.u32 v5, $0x3  }
0x5f7: {  	v6 =	vmul.u32 $0x18, v6  }
0x5f8: {  	v5 =	vand.u32 $0x7, v5  }
0x5f9: {  	v5 =	vor.u32 v5, v6  }
0x5fa: {  	v6 =	vperm.xlane v5, v2;
	_ =	sdelay $0x1  }
0x5fb: {  	v6 =	vadd.s32 v3, v6;
	_ =	sdelay $0x1  }
0x5fc: {  	v5 =	vperm.xlane v5, v4;
	_ =	sdelay $0x1  }
0x5fd: {  	s15 =	simm.s32 $0x6080;
	v5 =	vadd.s32 v3, v5  }
0x5fe: {  	[tilespmem:s15], [sflag:$0x1] =	stream.indirect_vreg.gather [hbm4b:s3+s2], $0x80, v6, vm0, $0xb8;
	[tilespmem:$0xD880] =	vst v63  }
0x5ff: {  	s16 =	simm.s32 $0x6880  }
0x600: {  	[tilespmem:s16], [sflag:$0x1] =	stream.indirect_vreg.gather [hbm4b:s5+s2], $0x80, v6, vm1, $0xb8;
	[tilespmem:$0xD880] =	vst v63  }
0x601: {  	s17 =	simm.s32 $0x6C80  }
0x602: {  	[tilespmem:s17], [sflag:$0x1] =	stream.indirect_vreg.gather [hbm4b:s3+s2], $0x80, v5, vm0, $0xb8;
	[tilespmem:$0xD880] =	vst v63  }
0x603: {  	s7 =	simm.s32 $0x7480  }
0x604: {  	[tilespmem:s7], [sflag:$0x1] =	stream.indirect_vreg.gather [hbm4b:s5+s2], $0x80, v5, vm1, $0xb8;
	[tilespmem:$0xD880] =	vst v63  }
0x605: {  	v5 =	vld [tilespmem:$0x1840];
	_ =	sdelay $0x4  }
0x606: {  	v6 =	vshrl.u32 v5, $0x3  }
0x607: {  	v6 =	vmul.u32 $0x18, v6  }
0x608: {  	v5 =	vand.u32 $0x7, v5  }
0x609: {  	v5 =	vor.u32 v5, v6  }
0x60a: {  	v6 =	vperm.xlane v5, v2;
	_ =	sdelay $0x1  }
0x60b: {  	v6 =	vadd.s32 v3, v6;
	_ =	sdelay $0x1  }
0x60c: {  	v5 =	vperm.xlane v5, v4;
	_ =	sdelay $0x1  }
0x60d: {  	s7 =	simm.s32 $0x7880;
	v5 =	vadd.s32 v3, v5  }
0x60e: {  	[tilespmem:s7], [sflag:$0x1] =	stream.indirect_vreg.gather [hbm4b:s3+s2], $0x80, v6, vm0, $0xb8;
	[tilespmem:$0xD880] =	vst v63  }
0x60f: {  	s18 =	simm.s32 $0x8080  }
0x610: {  	[tilespmem:s18], [sflag:$0x1] =	stream.indirect_vreg.gather [hbm4b:s5+s2], $0x80, v6, vm1, $0xb8;
	[tilespmem:$0xD880] =	vst v63  }
0x611: {  	s31 =	simm.s32 $0x8480  }
0x612: {  	[tilespmem:s31], [sflag:$0x1] =	stream.indirect_vreg.gather [hbm4b:s3+s2], $0x80, v5, vm0, $0xb8;
	[tilespmem:$0xD880] =	vst v63  }
0x613: {  	s20 =	simm.s32 $0x8C80  }
0x614: {  	[tilespmem:s20], [sflag:$0x1] =	stream.indirect_vreg.gather [hbm4b:s5+s2], $0x80, v5, vm1, $0xb8;
	[tilespmem:$0xD880] =	vst v63  }
0x615: {  	v5 =	vld [tilespmem:$0x1850];
	_ =	sdelay $0x4  }
0x616: {  	v6 =	vshrl.u32 v5, $0x3  }
0x617: {  	v6 =	vmul.u32 $0x18, v6  }
0x618: {  	v5 =	vand.u32 $0x7, v5  }
0x619: {  	v5 =	vor.u32 v5, v6  }
0x61a: {  	v6 =	vperm.xlane v5, v2;
	_ =	sdelay $0x1  }
0x61b: {  	v6 =	vadd.s32 v3, v6;
	_ =	sdelay $0x1  }
0x61c: {  	v5 =	vperm.xlane v5, v4;
	_ =	sdelay $0x1  }
0x61d: {  	s7 =	simm.s32 $0x9080;
	v5 =	vadd.s32 v3, v5  }
0x61e: {  	[tilespmem:s7], [sflag:$0x1] =	stream.indirect_vreg.gather [hbm4b:s3+s2], $0x80, v6, vm0, $0xb8;
	[tilespmem:$0xD880] =	vst v63  }
0x61f: {  	s7 =	simm.s32 $0x9880  }
0x620: {  	[tilespmem:s7], [sflag:$0x1] =	stream.indirect_vreg.gather [hbm4b:s5+s2], $0x80, v6, vm1, $0xb8;
	[tilespmem:$0xD880] =	vst v63  }
0x621: {  	s7 =	simm.s32 $0x9C80  }
0x622: {  	[tilespmem:s7], [sflag:$0x1] =	stream.indirect_vreg.gather [hbm4b:s3+s2], $0x80, v5, vm0, $0xb8;
	[tilespmem:$0xD880] =	vst v63  }
0x623: {  	s30 =	simm.s32 $0xA480  }
0x624: {  	[tilespmem:s30], [sflag:$0x1] =	stream.indirect_vreg.gather [hbm4b:s5+s2], $0x80, v5, vm1, $0xb8;
	[tilespmem:$0xD880] =	vst v63  }
0x625: {  	v5 =	vld [tilespmem:$0x1860];
	_ =	sdelay $0x4  }
0x626: {  	v6 =	vshrl.u32 v5, $0x3  }
0x627: {  	v6 =	vmul.u32 $0x18, v6  }
0x628: {  	v5 =	vand.u32 $0x7, v5  }
0x629: {  	v5 =	vor.u32 v5, v6  }
0x62a: {  	v6 =	vperm.xlane v5, v2;
	_ =	sdelay $0x1  }
0x62b: {  	v6 =	vadd.s32 v3, v6;
	_ =	sdelay $0x1  }
0x62c: {  	v5 =	vperm.xlane v5, v4;
	_ =	sdelay $0x1  }
0x62d: {  	s22 =	simm.s32 $0xA880;
	v5 =	vadd.s32 v3, v5  }
0x62e: {  	[tilespmem:s22], [sflag:$0x1] =	stream.indirect_vreg.gather [hbm4b:s3+s2], $0x80, v6, vm0, $0xb8;
	[tilespmem:$0xD880] =	vst v63  }
0x62f: {  	s24 =	simm.s32 $0xB080  }
0x630: {  	[tilespmem:s24], [sflag:$0x1] =	stream.indirect_vreg.gather [hbm4b:s5+s2], $0x80, v6, vm1, $0xb8;
	[tilespmem:$0xD880] =	vst v63  }
0x631: {  	s26 =	simm.s32 $0xB480  }
0x632: {  	[tilespmem:s26], [sflag:$0x1] =	stream.indirect_vreg.gather [hbm4b:s3+s2], $0x80, v5, vm0, $0xb8;
	[tilespmem:$0xD880] =	vst v63  }
0x633: {  	s7 =	simm.s32 $0xBC80  }
0x634: {  	[tilespmem:s7], [sflag:$0x1] =	stream.indirect_vreg.gather [hbm4b:s5+s2], $0x80, v5, vm1, $0xb8;
	[tilespmem:$0xD880] =	vst v63  }
0x635: {  	v5 =	vld [tilespmem:$0x1870];
	_ =	sdelay $0x4  }
0x636: {  	v6 =	vshrl.u32 v5, $0x3  }
0x637: {  	v6 =	vmul.u32 $0x18, v6  }
0x638: {  	v5 =	vand.u32 $0x7, v5  }
0x639: {  	v5 =	vor.u32 v5, v6  }
0x63a: {  	v6 =	vperm.xlane v5, v2;
	_ =	sdelay $0x1  }
0x63b: {  	v6 =	vadd.s32 v3, v6;
	_ =	sdelay $0x1  }
0x63c: {  	v5 =	vperm.xlane v5, v4;
	_ =	sdelay $0x1  }
0x63d: {  	s19 =	simm.s32 $0xC080;
	v5 =	vadd.s32 v3, v5  }
0x63e: {  	[tilespmem:s19], [sflag:$0x1] =	stream.indirect_vreg.gather [hbm4b:s3+s2], $0x80, v6, vm0, $0xb8;
	[tilespmem:$0xD880] =	vst v63  }
0x63f: {  	s28 =	simm.s32 $0xC880  }
0x640: {  	[tilespmem:s28], [sflag:$0x1] =	stream.indirect_vreg.gather [hbm4b:s5+s2], $0x80, v6, vm1, $0xb8;
	[tilespmem:$0xD880] =	vst v63  }
0x641: {  	s29 =	simm.s32 $0xCC80  }
0x642: {  	[tilespmem:s29], [sflag:$0x1] =	stream.indirect_vreg.gather [hbm4b:s3+s2], $0x80, v5, vm0, $0xb8;
	[tilespmem:$0xD880] =	vst v63  }
0x643: {  	s21 =	simm.s32 $0xD480  }
0x644: {  	[tilespmem:s21], [sflag:$0x1] =	stream.indirect_vreg.gather [hbm4b:s5+s2], $0x80, v5, vm1, $0xb8;
	[tilespmem:$0xD880] =	vst v63  }
0x645: {  	_ =	swait.ge [sflag:s1], $0xC000  }
0x646: {  	[sflag:s1] =	ssyncset.done $0x0  }
0x647: {  	s7 =	rddreg [dreg:$0xc];
	[sflag:s1] =	ssyncadd.s32 $0xFFFF4000  }
0x648: {  	[hbm4b:s7+s2] =	stream.linear.scatter [tilespmem:s25], [sflag:$0x3], $0xC000, $0x38;
	[tilespmem:$0xD880] =	vst v63  }
0x649: {  	_ =	swait.ge [sflag:s0], $0xC000  }
0x64a: {  	[sflag:s0] =	ssyncset.done $0x0  }
0x64b: {  	[sflag:s0] =	ssyncadd.s32 $0xFFFF4000  }
0x64c: {  	v5 =	vld [tilespmem:$0x1580];
	_ =	sdelay $0x3  }
0x64d: {  	v6 =	vld [tilespmem:$0x1590]  }
0x64e: {  	v7 =	vld [tilespmem:$0x15A0];
	v39 =	vshrl.u32 v5, $0x3  }
0x64f: {  	v40 =	vld [tilespmem:$0x15B0];
	v8 =	vmul.u32 $0x18, v39  }
0x650: {  	v41 =	vld [tilespmem:$0x15C0];
	v42 =	vand.u32 $0x7, v5  }
0x651: {  	[tilespmem:$0x1800] =	vst v5;
	v5 =	vld [tilespmem:$0x15D0];
	v8 =	vor.u32 v42, v8  }
0x652: {  	[tilespmem:$0x1810] =	vst v6;
	v6 =	vld [tilespmem:$0x15E0];
	v11 =	vperm.xlane v8, v2  }
0x653: {  	[tilespmem:$0x1820] =	vst v7;
	v7 =	vld [tilespmem:$0x15F0]  }
0x654: {  	[tilespmem:$0x1830] =	vst v40;
	v43 =	vadd.s32 v3, v11  }
0x655: {  	[tilespmem:$0x1840] =	vst v41  }
0x656: {  	[tilespmem:$0x1850] =	vst v5;
	v5 =	vperm.xlane v8, v4  }
0x657: {  	[tilespmem:$0x1860] =	vst v6  }
0x658: {  	[tilespmem:$0x1870] =	vst v7;
	v5 =	vadd.s32 v3, v5  }
0x659: {  	[tilespmem:s25], [sflag:$0x1] =	stream.indirect_vreg.gather [hbm4b:s3+s2], $0x80, v43, vm0, $0xb8;
	[tilespmem:$0xD880] =	vst v63  }
0x65a: {  	s6 =	simm.s32 $0x2080  }
0x65b: {  	[tilespmem:s6], [sflag:$0x1] =	stream.indirect_vreg.gather [hbm4b:s5+s2], $0x80, v43, vm1, $0xb8;
	[tilespmem:$0xD880] =	vst v63  }
0x65c: {  	s8 =	simm.s32 $0x2480  }
0x65d: {  	[tilespmem:s8], [sflag:$0x1] =	stream.indirect_vreg.gather [hbm4b:s3+s2], $0x80, v5, vm0, $0xb8;
	[tilespmem:$0xD880] =	vst v63  }
0x65e: {  	s7 =	simm.s32 $0x2C80  }
0x65f: {  	[tilespmem:s7], [sflag:$0x1] =	stream.indirect_vreg.gather [hbm4b:s5+s2], $0x80, v5, vm1, $0xb8;
	[tilespmem:$0xD880] =	vst v63  }
0x660: {  	v5 =	vld [tilespmem:$0x1810];
	_ =	sdelay $0x4  }
0x661: {  	v6 =	vshrl.u32 v5, $0x3  }
0x662: {  	v6 =	vmul.u32 $0x18, v6  }
0x663: {  	v5 =	vand.u32 $0x7, v5  }
0x664: {  	v5 =	vor.u32 v5, v6  }
0x665: {  	v6 =	vperm.xlane v5, v2;
	_ =	sdelay $0x1  }
0x666: {  	v6 =	vadd.s32 v3, v6;
	_ =	sdelay $0x1  }
0x667: {  	v5 =	vperm.xlane v5, v4;
	_ =	sdelay $0x1  }
0x668: {  	s9 =	simm.s32 $0x3080;
	v5 =	vadd.s32 v3, v5  }
0x669: {  	[tilespmem:s9], [sflag:$0x1] =	stream.indirect_vreg.gather [hbm4b:s3+s2], $0x80, v6, vm0, $0xb8;
	[tilespmem:$0xD880] =	vst v63  }
0x66a: {  	s10 =	simm.s32 $0x3880  }
0x66b: {  	[tilespmem:s10], [sflag:$0x1] =	stream.indirect_vreg.gather [hbm4b:s5+s2], $0x80, v6, vm1, $0xb8;
	[tilespmem:$0xD880] =	vst v63  }
0x66c: {  	s11 =	simm.s32 $0x3C80  }
0x66d: {  	[tilespmem:s11], [sflag:$0x1] =	stream.indirect_vreg.gather [hbm4b:s3+s2], $0x80, v5, vm0, $0xb8;
	[tilespmem:$0xD880] =	vst v63  }
0x66e: {  	s7 =	simm.s32 $0x4480  }
0x66f: {  	[tilespmem:s7], [sflag:$0x1] =	stream.indirect_vreg.gather [hbm4b:s5+s2], $0x80, v5, vm1, $0xb8;
	[tilespmem:$0xD880] =	vst v63  }
0x670: {  	v5 =	vld [tilespmem:$0x1820];
	_ =	sdelay $0x4  }
0x671: {  	v6 =	vshrl.u32 v5, $0x3  }
0x672: {  	v6 =	vmul.u32 $0x18, v6  }
0x673: {  	v5 =	vand.u32 $0x7, v5  }
0x674: {  	v5 =	vor.u32 v5, v6  }
0x675: {  	v6 =	vperm.xlane v5, v2;
	_ =	sdelay $0x1  }
0x676: {  	v6 =	vadd.s32 v3, v6;
	_ =	sdelay $0x1  }
0x677: {  	v5 =	vperm.xlane v5, v4;
	_ =	sdelay $0x1  }
0x678: {  	s12 =	simm.s32 $0x4880;
	v5 =	vadd.s32 v3, v5  }
0x679: {  	[tilespmem:s12], [sflag:$0x1] =	stream.indirect_vreg.gather [hbm4b:s3+s2], $0x80, v6, vm0, $0xb8;
	[tilespmem:$0xD880] =	vst v63  }
0x67a: {  	s13 =	simm.s32 $0x5080  }
0x67b: {  	[tilespmem:s13], [sflag:$0x1] =	stream.indirect_vreg.gather [hbm4b:s5+s2], $0x80, v6, vm1, $0xb8;
	[tilespmem:$0xD880] =	vst v63  }
0x67c: {  	s14 =	simm.s32 $0x5480  }
0x67d: {  	[tilespmem:s14], [sflag:$0x1] =	stream.indirect_vreg.gather [hbm4b:s3+s2], $0x80, v5, vm0, $0xb8;
	[tilespmem:$0xD880] =	vst v63  }
0x67e: {  	s7 =	simm.s32 $0x5C80  }
0x67f: {  	[tilespmem:s7], [sflag:$0x1] =	stream.indirect_vreg.gather [hbm4b:s5+s2], $0x80, v5, vm1, $0xb8;
	[tilespmem:$0xD880] =	vst v63  }
0x680: {  	v5 =	vld [tilespmem:$0x1830];
	_ =	sdelay $0x4  }
0x681: {  	v6 =	vshrl.u32 v5, $0x3  }
0x682: {  	v6 =	vmul.u32 $0x18, v6  }
0x683: {  	v5 =	vand.u32 $0x7, v5  }
0x684: {  	v5 =	vor.u32 v5, v6  }
0x685: {  	v6 =	vperm.xlane v5, v2;
	_ =	sdelay $0x1  }
0x686: {  	v6 =	vadd.s32 v3, v6;
	_ =	sdelay $0x1  }
0x687: {  	v5 =	vperm.xlane v5, v4;
	_ =	sdelay $0x1  }
0x688: {  	s15 =	simm.s32 $0x6080;
	v5 =	vadd.s32 v3, v5  }
0x689: {  	[tilespmem:s15], [sflag:$0x1] =	stream.indirect_vreg.gather [hbm4b:s3+s2], $0x80, v6, vm0, $0xb8;
	[tilespmem:$0xD880] =	vst v63  }
0x68a: {  	s16 =	simm.s32 $0x6880  }
0x68b: {  	[tilespmem:s16], [sflag:$0x1] =	stream.indirect_vreg.gather [hbm4b:s5+s2], $0x80, v6, vm1, $0xb8;
	[tilespmem:$0xD880] =	vst v63  }
0x68c: {  	s17 =	simm.s32 $0x6C80  }
0x68d: {  	[tilespmem:s17], [sflag:$0x1] =	stream.indirect_vreg.gather [hbm4b:s3+s2], $0x80, v5, vm0, $0xb8;
	[tilespmem:$0xD880] =	vst v63  }
0x68e: {  	s7 =	simm.s32 $0x7480  }
0x68f: {  	[tilespmem:s7], [sflag:$0x1] =	stream.indirect_vreg.gather [hbm4b:s5+s2], $0x80, v5, vm1, $0xb8;
	[tilespmem:$0xD880] =	vst v63  }
0x690: {  	v5 =	vld [tilespmem:$0x1840];
	_ =	sdelay $0x4  }
0x691: {  	v6 =	vshrl.u32 v5, $0x3  }
0x692: {  	v6 =	vmul.u32 $0x18, v6  }
0x693: {  	v5 =	vand.u32 $0x7, v5  }
0x694: {  	v5 =	vor.u32 v5, v6  }
0x695: {  	v6 =	vperm.xlane v5, v2;
	_ =	sdelay $0x1  }
0x696: {  	v6 =	vadd.s32 v3, v6;
	_ =	sdelay $0x1  }
0x697: {  	v5 =	vperm.xlane v5, v4;
	_ =	sdelay $0x1  }
0x698: {  	s7 =	simm.s32 $0x7880;
	v5 =	vadd.s32 v3, v5  }
0x699: {  	[tilespmem:s7], [sflag:$0x1] =	stream.indirect_vreg.gather [hbm4b:s3+s2], $0x80, v6, vm0, $0xb8;
	[tilespmem:$0xD880] =	vst v63  }
0x69a: {  	s18 =	simm.s32 $0x8080  }
0x69b: {  	[tilespmem:s18], [sflag:$0x1] =	stream.indirect_vreg.gather [hbm4b:s5+s2], $0x80, v6, vm1, $0xb8;
	[tilespmem:$0xD880] =	vst v63  }
0x69c: {  	s31 =	simm.s32 $0x8480  }
0x69d: {  	[tilespmem:s31], [sflag:$0x1] =	stream.indirect_vreg.gather [hbm4b:s3+s2], $0x80, v5, vm0, $0xb8;
	[tilespmem:$0xD880] =	vst v63  }
0x69e: {  	s20 =	simm.s32 $0x8C80  }
0x69f: {  	[tilespmem:s20], [sflag:$0x1] =	stream.indirect_vreg.gather [hbm4b:s5+s2], $0x80, v5, vm1, $0xb8;
	[tilespmem:$0xD880] =	vst v63  }
0x6a0: {  	v5 =	vld [tilespmem:$0x1850];
	_ =	sdelay $0x4  }
0x6a1: {  	v6 =	vshrl.u32 v5, $0x3  }
0x6a2: {  	v6 =	vmul.u32 $0x18, v6  }
0x6a3: {  	v5 =	vand.u32 $0x7, v5  }
0x6a4: {  	v5 =	vor.u32 v5, v6  }
0x6a5: {  	v6 =	vperm.xlane v5, v2;
	_ =	sdelay $0x1  }
0x6a6: {  	v6 =	vadd.s32 v3, v6;
	_ =	sdelay $0x1  }
0x6a7: {  	v5 =	vperm.xlane v5, v4;
	_ =	sdelay $0x1  }
0x6a8: {  	s7 =	simm.s32 $0x9080;
	v5 =	vadd.s32 v3, v5  }
0x6a9: {  	[tilespmem:s7], [sflag:$0x1] =	stream.indirect_vreg.gather [hbm4b:s3+s2], $0x80, v6, vm0, $0xb8;
	[tilespmem:$0xD880] =	vst v63  }
0x6aa: {  	s7 =	simm.s32 $0x9880  }
0x6ab: {  	[tilespmem:s7], [sflag:$0x1] =	stream.indirect_vreg.gather [hbm4b:s5+s2], $0x80, v6, vm1, $0xb8;
	[tilespmem:$0xD880] =	vst v63  }
0x6ac: {  	s7 =	simm.s32 $0x9C80  }
0x6ad: {  	[tilespmem:s7], [sflag:$0x1] =	stream.indirect_vreg.gather [hbm4b:s3+s2], $0x80, v5, vm0, $0xb8;
	[tilespmem:$0xD880] =	vst v63  }
0x6ae: {  	s30 =	simm.s32 $0xA480  }
0x6af: {  	[tilespmem:s30], [sflag:$0x1] =	stream.indirect_vreg.gather [hbm4b:s5+s2], $0x80, v5, vm1, $0xb8;
	[tilespmem:$0xD880] =	vst v63  }
0x6b0: {  	v5 =	vld [tilespmem:$0x1860];
	_ =	sdelay $0x4  }
0x6b1: {  	v6 =	vshrl.u32 v5, $0x3  }
0x6b2: {  	v6 =	vmul.u32 $0x18, v6  }
0x6b3: {  	v5 =	vand.u32 $0x7, v5  }
0x6b4: {  	v5 =	vor.u32 v5, v6  }
0x6b5: {  	v6 =	vperm.xlane v5, v2;
	_ =	sdelay $0x1  }
0x6b6: {  	v6 =	vadd.s32 v3, v6;
	_ =	sdelay $0x1  }
0x6b7: {  	v5 =	vperm.xlane v5, v4;
	_ =	sdelay $0x1  }
0x6b8: {  	s22 =	simm.s32 $0xA880;
	v5 =	vadd.s32 v3, v5  }
0x6b9: {  	[tilespmem:s22], [sflag:$0x1] =	stream.indirect_vreg.gather [hbm4b:s3+s2], $0x80, v6, vm0, $0xb8;
	[tilespmem:$0xD880] =	vst v63  }
0x6ba: {  	s24 =	simm.s32 $0xB080  }
0x6bb: {  	[tilespmem:s24], [sflag:$0x1] =	stream.indirect_vreg.gather [hbm4b:s5+s2], $0x80, v6, vm1, $0xb8;
	[tilespmem:$0xD880] =	vst v63  }
0x6bc: {  	s26 =	simm.s32 $0xB480  }
0x6bd: {  	[tilespmem:s26], [sflag:$0x1] =	stream.indirect_vreg.gather [hbm4b:s3+s2], $0x80, v5, vm0, $0xb8;
	[tilespmem:$0xD880] =	vst v63  }
0x6be: {  	s7 =	simm.s32 $0xBC80  }
0x6bf: {  	[tilespmem:s7], [sflag:$0x1] =	stream.indirect_vreg.gather [hbm4b:s5+s2], $0x80, v5, vm1, $0xb8;
	[tilespmem:$0xD880] =	vst v63  }
0x6c0: {  	v5 =	vld [tilespmem:$0x1870];
	_ =	sdelay $0x4  }
0x6c1: {  	v6 =	vshrl.u32 v5, $0x3  }
0x6c2: {  	v6 =	vmul.u32 $0x18, v6  }
0x6c3: {  	v5 =	vand.u32 $0x7, v5  }
0x6c4: {  	v5 =	vor.u32 v5, v6  }
0x6c5: {  	v6 =	vperm.xlane v5, v2;
	_ =	sdelay $0x1  }
0x6c6: {  	v6 =	vadd.s32 v3, v6;
	_ =	sdelay $0x1  }
0x6c7: {  	v5 =	vperm.xlane v5, v4;
	_ =	sdelay $0x1  }
0x6c8: {  	s19 =	simm.s32 $0xC080;
	v5 =	vadd.s32 v3, v5  }
0x6c9: {  	[tilespmem:s19], [sflag:$0x1] =	stream.indirect_vreg.gather [hbm4b:s3+s2], $0x80, v6, vm0, $0xb8;
	[tilespmem:$0xD880] =	vst v63  }
0x6ca: {  	s28 =	simm.s32 $0xC880  }
0x6cb: {  	[tilespmem:s28], [sflag:$0x1] =	stream.indirect_vreg.gather [hbm4b:s5+s2], $0x80, v6, vm1, $0xb8;
	[tilespmem:$0xD880] =	vst v63  }
0x6cc: {  	s29 =	simm.s32 $0xCC80  }
0x6cd: {  	[tilespmem:s29], [sflag:$0x1] =	stream.indirect_vreg.gather [hbm4b:s3+s2], $0x80, v5, vm0, $0xb8;
	[tilespmem:$0xD880] =	vst v63  }
0x6ce: {  	s21 =	simm.s32 $0xD480  }
0x6cf: {  	[tilespmem:s21], [sflag:$0x1] =	stream.indirect_vreg.gather [hbm4b:s5+s2], $0x80, v5, vm1, $0xb8;
	[tilespmem:$0xD880] =	vst v63  }
0x6d0: {  	_ =	swait.ge [sflag:s1], $0xC000  }
0x6d1: {  	[sflag:s1] =	ssyncset.done $0x0  }
0x6d2: {  	s7 =	rddreg [dreg:$0xd];
	[sflag:s1] =	ssyncadd.s32 $0xFFFF4000  }
0x6d3: {  	[hbm4b:s7+s2] =	stream.linear.scatter [tilespmem:s25], [sflag:$0x3], $0xC000, $0x38;
	[tilespmem:$0xD880] =	vst v63  }
0x6d4: {  	_ =	swait.ge [sflag:s0], $0xC000  }
0x6d5: {  	[sflag:s0] =	ssyncset.done $0x0  }
0x6d6: {  	[sflag:s0] =	ssyncadd.s32 $0xFFFF4000  }
0x6d7: {  	v5 =	vld [tilespmem:$0x1600];
	_ =	sdelay $0x3  }
0x6d8: {  	v6 =	vld [tilespmem:$0x1610]  }
0x6d9: {  	v7 =	vld [tilespmem:$0x1620];
	v44 =	vshrl.u32 v5, $0x3  }
0x6da: {  	v45 =	vld [tilespmem:$0x1630];
	v8 =	vmul.u32 $0x18, v44  }
0x6db: {  	v46 =	vld [tilespmem:$0x1640];
	v47 =	vand.u32 $0x7, v5  }
0x6dc: {  	[tilespmem:$0x1800] =	vst v5;
	v5 =	vld [tilespmem:$0x1650];
	v8 =	vor.u32 v47, v8  }
0x6dd: {  	[tilespmem:$0x1810] =	vst v6;
	v6 =	vld [tilespmem:$0x1660];
	v11 =	vperm.xlane v8, v2  }
0x6de: {  	[tilespmem:$0x1820] =	vst v7;
	v7 =	vld [tilespmem:$0x1670]  }
0x6df: {  	[tilespmem:$0x1830] =	vst v45;
	v48 =	vadd.s32 v3, v11  }
0x6e0: {  	[tilespmem:$0x1840] =	vst v46  }
0x6e1: {  	[tilespmem:$0x1850] =	vst v5;
	v5 =	vperm.xlane v8, v4  }
0x6e2: {  	[tilespmem:$0x1860] =	vst v6  }
0x6e3: {  	[tilespmem:$0x1870] =	vst v7;
	v5 =	vadd.s32 v3, v5  }
0x6e4: {  	[tilespmem:s25], [sflag:$0x1] =	stream.indirect_vreg.gather [hbm4b:s3+s2], $0x80, v48, vm0, $0xb8;
	[tilespmem:$0xD880] =	vst v63  }
0x6e5: {  	s6 =	simm.s32 $0x2080  }
0x6e6: {  	[tilespmem:s6], [sflag:$0x1] =	stream.indirect_vreg.gather [hbm4b:s5+s2], $0x80, v48, vm1, $0xb8;
	[tilespmem:$0xD880] =	vst v63  }
0x6e7: {  	s8 =	simm.s32 $0x2480  }
0x6e8: {  	[tilespmem:s8], [sflag:$0x1] =	stream.indirect_vreg.gather [hbm4b:s3+s2], $0x80, v5, vm0, $0xb8;
	[tilespmem:$0xD880] =	vst v63  }
0x6e9: {  	s7 =	simm.s32 $0x2C80  }
0x6ea: {  	[tilespmem:s7], [sflag:$0x1] =	stream.indirect_vreg.gather [hbm4b:s5+s2], $0x80, v5, vm1, $0xb8;
	[tilespmem:$0xD880] =	vst v63  }
0x6eb: {  	v5 =	vld [tilespmem:$0x1810];
	_ =	sdelay $0x4  }
0x6ec: {  	v6 =	vshrl.u32 v5, $0x3  }
0x6ed: {  	v6 =	vmul.u32 $0x18, v6  }
0x6ee: {  	v5 =	vand.u32 $0x7, v5  }
0x6ef: {  	v5 =	vor.u32 v5, v6  }
0x6f0: {  	v6 =	vperm.xlane v5, v2;
	_ =	sdelay $0x1  }
0x6f1: {  	v6 =	vadd.s32 v3, v6;
	_ =	sdelay $0x1  }
0x6f2: {  	v5 =	vperm.xlane v5, v4;
	_ =	sdelay $0x1  }
0x6f3: {  	s9 =	simm.s32 $0x3080;
	v5 =	vadd.s32 v3, v5  }
0x6f4: {  	[tilespmem:s9], [sflag:$0x1] =	stream.indirect_vreg.gather [hbm4b:s3+s2], $0x80, v6, vm0, $0xb8;
	[tilespmem:$0xD880] =	vst v63  }
0x6f5: {  	s10 =	simm.s32 $0x3880  }
0x6f6: {  	[tilespmem:s10], [sflag:$0x1] =	stream.indirect_vreg.gather [hbm4b:s5+s2], $0x80, v6, vm1, $0xb8;
	[tilespmem:$0xD880] =	vst v63  }
0x6f7: {  	s11 =	simm.s32 $0x3C80  }
0x6f8: {  	[tilespmem:s11], [sflag:$0x1] =	stream.indirect_vreg.gather [hbm4b:s3+s2], $0x80, v5, vm0, $0xb8;
	[tilespmem:$0xD880] =	vst v63  }
0x6f9: {  	s7 =	simm.s32 $0x4480  }
0x6fa: {  	[tilespmem:s7], [sflag:$0x1] =	stream.indirect_vreg.gather [hbm4b:s5+s2], $0x80, v5, vm1, $0xb8;
	[tilespmem:$0xD880] =	vst v63  }
0x6fb: {  	v5 =	vld [tilespmem:$0x1820];
	_ =	sdelay $0x4  }
0x6fc: {  	v6 =	vshrl.u32 v5, $0x3  }
0x6fd: {  	v6 =	vmul.u32 $0x18, v6  }
0x6fe: {  	v5 =	vand.u32 $0x7, v5  }
0x6ff: {  	v5 =	vor.u32 v5, v6  }
0x700: {  	v6 =	vperm.xlane v5, v2;
	_ =	sdelay $0x1  }
0x701: {  	v6 =	vadd.s32 v3, v6;
	_ =	sdelay $0x1  }
0x702: {  	v5 =	vperm.xlane v5, v4;
	_ =	sdelay $0x1  }
0x703: {  	s12 =	simm.s32 $0x4880;
	v5 =	vadd.s32 v3, v5  }
0x704: {  	[tilespmem:s12], [sflag:$0x1] =	stream.indirect_vreg.gather [hbm4b:s3+s2], $0x80, v6, vm0, $0xb8;
	[tilespmem:$0xD880] =	vst v63  }
0x705: {  	s13 =	simm.s32 $0x5080  }
0x706: {  	[tilespmem:s13], [sflag:$0x1] =	stream.indirect_vreg.gather [hbm4b:s5+s2], $0x80, v6, vm1, $0xb8;
	[tilespmem:$0xD880] =	vst v63  }
0x707: {  	s14 =	simm.s32 $0x5480  }
0x708: {  	[tilespmem:s14], [sflag:$0x1] =	stream.indirect_vreg.gather [hbm4b:s3+s2], $0x80, v5, vm0, $0xb8;
	[tilespmem:$0xD880] =	vst v63  }
0x709: {  	s7 =	simm.s32 $0x5C80  }
0x70a: {  	[tilespmem:s7], [sflag:$0x1] =	stream.indirect_vreg.gather [hbm4b:s5+s2], $0x80, v5, vm1, $0xb8;
	[tilespmem:$0xD880] =	vst v63  }
0x70b: {  	v5 =	vld [tilespmem:$0x1830];
	_ =	sdelay $0x4  }
0x70c: {  	v6 =	vshrl.u32 v5, $0x3  }
0x70d: {  	v6 =	vmul.u32 $0x18, v6  }
0x70e: {  	v5 =	vand.u32 $0x7, v5  }
0x70f: {  	v5 =	vor.u32 v5, v6  }
0x710: {  	v6 =	vperm.xlane v5, v2;
	_ =	sdelay $0x1  }
0x711: {  	v6 =	vadd.s32 v3, v6;
	_ =	sdelay $0x1  }
0x712: {  	v5 =	vperm.xlane v5, v4;
	_ =	sdelay $0x1  }
0x713: {  	s15 =	simm.s32 $0x6080;
	v5 =	vadd.s32 v3, v5  }
0x714: {  	[tilespmem:s15], [sflag:$0x1] =	stream.indirect_vreg.gather [hbm4b:s3+s2], $0x80, v6, vm0, $0xb8;
	[tilespmem:$0xD880] =	vst v63  }
0x715: {  	s16 =	simm.s32 $0x6880  }
0x716: {  	[tilespmem:s16], [sflag:$0x1] =	stream.indirect_vreg.gather [hbm4b:s5+s2], $0x80, v6, vm1, $0xb8;
	[tilespmem:$0xD880] =	vst v63  }
0x717: {  	s17 =	simm.s32 $0x6C80  }
0x718: {  	[tilespmem:s17], [sflag:$0x1] =	stream.indirect_vreg.gather [hbm4b:s3+s2], $0x80, v5, vm0, $0xb8;
	[tilespmem:$0xD880] =	vst v63  }
0x719: {  	s7 =	simm.s32 $0x7480  }
0x71a: {  	[tilespmem:s7], [sflag:$0x1] =	stream.indirect_vreg.gather [hbm4b:s5+s2], $0x80, v5, vm1, $0xb8;
	[tilespmem:$0xD880] =	vst v63  }
0x71b: {  	v5 =	vld [tilespmem:$0x1840];
	_ =	sdelay $0x4  }
0x71c: {  	v6 =	vshrl.u32 v5, $0x3  }
0x71d: {  	v6 =	vmul.u32 $0x18, v6  }
0x71e: {  	v5 =	vand.u32 $0x7, v5  }
0x71f: {  	v5 =	vor.u32 v5, v6  }
0x720: {  	v6 =	vperm.xlane v5, v2;
	_ =	sdelay $0x1  }
0x721: {  	v6 =	vadd.s32 v3, v6;
	_ =	sdelay $0x1  }
0x722: {  	v5 =	vperm.xlane v5, v4;
	_ =	sdelay $0x1  }
0x723: {  	s7 =	simm.s32 $0x7880;
	v5 =	vadd.s32 v3, v5  }
0x724: {  	[tilespmem:s7], [sflag:$0x1] =	stream.indirect_vreg.gather [hbm4b:s3+s2], $0x80, v6, vm0, $0xb8;
	[tilespmem:$0xD880] =	vst v63  }
0x725: {  	s18 =	simm.s32 $0x8080  }
0x726: {  	[tilespmem:s18], [sflag:$0x1] =	stream.indirect_vreg.gather [hbm4b:s5+s2], $0x80, v6, vm1, $0xb8;
	[tilespmem:$0xD880] =	vst v63  }
0x727: {  	s31 =	simm.s32 $0x8480  }
0x728: {  	[tilespmem:s31], [sflag:$0x1] =	stream.indirect_vreg.gather [hbm4b:s3+s2], $0x80, v5, vm0, $0xb8;
	[tilespmem:$0xD880] =	vst v63  }
0x729: {  	s20 =	simm.s32 $0x8C80  }
0x72a: {  	[tilespmem:s20], [sflag:$0x1] =	stream.indirect_vreg.gather [hbm4b:s5+s2], $0x80, v5, vm1, $0xb8;
	[tilespmem:$0xD880] =	vst v63  }
0x72b: {  	v5 =	vld [tilespmem:$0x1850];
	_ =	sdelay $0x4  }
0x72c: {  	v6 =	vshrl.u32 v5, $0x3  }
0x72d: {  	v6 =	vmul.u32 $0x18, v6  }
0x72e: {  	v5 =	vand.u32 $0x7, v5  }
0x72f: {  	v5 =	vor.u32 v5, v6  }
0x730: {  	v6 =	vperm.xlane v5, v2;
	_ =	sdelay $0x1  }
0x731: {  	v6 =	vadd.s32 v3, v6;
	_ =	sdelay $0x1  }
0x732: {  	v5 =	vperm.xlane v5, v4;
	_ =	sdelay $0x1  }
0x733: {  	s7 =	simm.s32 $0x9080;
	v5 =	vadd.s32 v3, v5  }
0x734: {  	[tilespmem:s7], [sflag:$0x1] =	stream.indirect_vreg.gather [hbm4b:s3+s2], $0x80, v6, vm0, $0xb8;
	[tilespmem:$0xD880] =	vst v63  }
0x735: {  	s7 =	simm.s32 $0x9880  }
0x736: {  	[tilespmem:s7], [sflag:$0x1] =	stream.indirect_vreg.gather [hbm4b:s5+s2], $0x80, v6, vm1, $0xb8;
	[tilespmem:$0xD880] =	vst v63  }
0x737: {  	s7 =	simm.s32 $0x9C80  }
0x738: {  	[tilespmem:s7], [sflag:$0x1] =	stream.indirect_vreg.gather [hbm4b:s3+s2], $0x80, v5, vm0, $0xb8;
	[tilespmem:$0xD880] =	vst v63  }
0x739: {  	s30 =	simm.s32 $0xA480  }
0x73a: {  	[tilespmem:s30], [sflag:$0x1] =	stream.indirect_vreg.gather [hbm4b:s5+s2], $0x80, v5, vm1, $0xb8;
	[tilespmem:$0xD880] =	vst v63  }
0x73b: {  	v5 =	vld [tilespmem:$0x1860];
	_ =	sdelay $0x4  }
0x73c: {  	v6 =	vshrl.u32 v5, $0x3  }
0x73d: {  	v6 =	vmul.u32 $0x18, v6  }
0x73e: {  	v5 =	vand.u32 $0x7, v5  }
0x73f: {  	v5 =	vor.u32 v5, v6  }
0x740: {  	v6 =	vperm.xlane v5, v2;
	_ =	sdelay $0x1  }
0x741: {  	v6 =	vadd.s32 v3, v6;
	_ =	sdelay $0x1  }
0x742: {  	v5 =	vperm.xlane v5, v4;
	_ =	sdelay $0x1  }
0x743: {  	s22 =	simm.s32 $0xA880;
	v5 =	vadd.s32 v3, v5  }
0x744: {  	[tilespmem:s22], [sflag:$0x1] =	stream.indirect_vreg.gather [hbm4b:s3+s2], $0x80, v6, vm0, $0xb8;
	[tilespmem:$0xD880] =	vst v63  }
0x745: {  	s24 =	simm.s32 $0xB080  }
0x746: {  	[tilespmem:s24], [sflag:$0x1] =	stream.indirect_vreg.gather [hbm4b:s5+s2], $0x80, v6, vm1, $0xb8;
	[tilespmem:$0xD880] =	vst v63  }
0x747: {  	s26 =	simm.s32 $0xB480  }
0x748: {  	[tilespmem:s26], [sflag:$0x1] =	stream.indirect_vreg.gather [hbm4b:s3+s2], $0x80, v5, vm0, $0xb8;
	[tilespmem:$0xD880] =	vst v63  }
0x749: {  	s7 =	simm.s32 $0xBC80  }
0x74a: {  	[tilespmem:s7], [sflag:$0x1] =	stream.indirect_vreg.gather [hbm4b:s5+s2], $0x80, v5, vm1, $0xb8;
	[tilespmem:$0xD880] =	vst v63  }
0x74b: {  	v5 =	vld [tilespmem:$0x1870];
	_ =	sdelay $0x4  }
0x74c: {  	v6 =	vshrl.u32 v5, $0x3  }
0x74d: {  	v6 =	vmul.u32 $0x18, v6  }
0x74e: {  	v5 =	vand.u32 $0x7, v5  }
0x74f: {  	v5 =	vor.u32 v5, v6  }
0x750: {  	v6 =	vperm.xlane v5, v2;
	_ =	sdelay $0x1  }
0x751: {  	v6 =	vadd.s32 v3, v6;
	_ =	sdelay $0x1  }
0x752: {  	v5 =	vperm.xlane v5, v4;
	_ =	sdelay $0x1  }
0x753: {  	s19 =	simm.s32 $0xC080;
	v5 =	vadd.s32 v3, v5  }
0x754: {  	[tilespmem:s19], [sflag:$0x1] =	stream.indirect_vreg.gather [hbm4b:s3+s2], $0x80, v6, vm0, $0xb8;
	[tilespmem:$0xD880] =	vst v63  }
0x755: {  	s28 =	simm.s32 $0xC880  }
0x756: {  	[tilespmem:s28], [sflag:$0x1] =	stream.indirect_vreg.gather [hbm4b:s5+s2], $0x80, v6, vm1, $0xb8;
	[tilespmem:$0xD880] =	vst v63  }
0x757: {  	s29 =	simm.s32 $0xCC80  }
0x758: {  	[tilespmem:s29], [sflag:$0x1] =	stream.indirect_vreg.gather [hbm4b:s3+s2], $0x80, v5, vm0, $0xb8;
	[tilespmem:$0xD880] =	vst v63  }
0x759: {  	s21 =	simm.s32 $0xD480  }
0x75a: {  	[tilespmem:s21], [sflag:$0x1] =	stream.indirect_vreg.gather [hbm4b:s5+s2], $0x80, v5, vm1, $0xb8;
	[tilespmem:$0xD880] =	vst v63  }
0x75b: {  	_ =	swait.ge [sflag:s1], $0xC000  }
0x75c: {  	[sflag:s1] =	ssyncset.done $0x0  }
0x75d: {  	s7 =	rddreg [dreg:$0xe];
	[sflag:s1] =	ssyncadd.s32 $0xFFFF4000  }
0x75e: {  	[hbm4b:s7+s2] =	stream.linear.scatter [tilespmem:s25], [sflag:$0x3], $0xC000, $0x38;
	[tilespmem:$0xD880] =	vst v63  }
0x75f: {  	_ =	swait.ge [sflag:s0], $0xC000  }
0x760: {  	[sflag:s0] =	ssyncset.done $0x0  }
0x761: {  	[sflag:s0] =	ssyncadd.s32 $0xFFFF4000  }
0x762: {  	v5 =	vld [tilespmem:$0x1680];
	_ =	sdelay $0x3  }
0x763: {  	v6 =	vld [tilespmem:$0x1690]  }
0x764: {  	v7 =	vld [tilespmem:$0x16A0];
	v49 =	vshrl.u32 v5, $0x3  }
0x765: {  	v50 =	vld [tilespmem:$0x16B0];
	v8 =	vmul.u32 $0x18, v49  }
0x766: {  	v51 =	vld [tilespmem:$0x16C0];
	v52 =	vand.u32 $0x7, v5  }
0x767: {  	[tilespmem:$0x1800] =	vst v5;
	v5 =	vld [tilespmem:$0x16D0];
	v8 =	vor.u32 v52, v8  }
0x768: {  	[tilespmem:$0x1810] =	vst v6;
	v6 =	vld [tilespmem:$0x16E0];
	v11 =	vperm.xlane v8, v2  }
0x769: {  	[tilespmem:$0x1820] =	vst v7;
	v7 =	vld [tilespmem:$0x16F0]  }
0x76a: {  	[tilespmem:$0x1830] =	vst v50;
	v53 =	vadd.s32 v3, v11  }
0x76b: {  	[tilespmem:$0x1840] =	vst v51  }
0x76c: {  	[tilespmem:$0x1850] =	vst v5;
	v5 =	vperm.xlane v8, v4  }
0x76d: {  	[tilespmem:$0x1860] =	vst v6  }
0x76e: {  	[tilespmem:$0x1870] =	vst v7;
	v5 =	vadd.s32 v3, v5  }
0x76f: {  	[tilespmem:s25], [sflag:$0x1] =	stream.indirect_vreg.gather [hbm4b:s3+s2], $0x80, v53, vm0, $0xb8;
	[tilespmem:$0xD880] =	vst v63  }
0x770: {  	s6 =	simm.s32 $0x2080  }
0x771: {  	[tilespmem:s6], [sflag:$0x1] =	stream.indirect_vreg.gather [hbm4b:s5+s2], $0x80, v53, vm1, $0xb8;
	[tilespmem:$0xD880] =	vst v63  }
0x772: {  	s8 =	simm.s32 $0x2480  }
0x773: {  	[tilespmem:s8], [sflag:$0x1] =	stream.indirect_vreg.gather [hbm4b:s3+s2], $0x80, v5, vm0, $0xb8;
	[tilespmem:$0xD880] =	vst v63  }
0x774: {  	s7 =	simm.s32 $0x2C80  }
0x775: {  	[tilespmem:s7], [sflag:$0x1] =	stream.indirect_vreg.gather [hbm4b:s5+s2], $0x80, v5, vm1, $0xb8;
	[tilespmem:$0xD880] =	vst v63  }
0x776: {  	v5 =	vld [tilespmem:$0x1810];
	_ =	sdelay $0x4  }
0x777: {  	v6 =	vshrl.u32 v5, $0x3  }
0x778: {  	v6 =	vmul.u32 $0x18, v6  }
0x779: {  	v5 =	vand.u32 $0x7, v5  }
0x77a: {  	v5 =	vor.u32 v5, v6  }
0x77b: {  	v6 =	vperm.xlane v5, v2;
	_ =	sdelay $0x1  }
0x77c: {  	v6 =	vadd.s32 v3, v6;
	_ =	sdelay $0x1  }
0x77d: {  	v5 =	vperm.xlane v5, v4;
	_ =	sdelay $0x1  }
0x77e: {  	s9 =	simm.s32 $0x3080;
	v5 =	vadd.s32 v3, v5  }
0x77f: {  	[tilespmem:s9], [sflag:$0x1] =	stream.indirect_vreg.gather [hbm4b:s3+s2], $0x80, v6, vm0, $0xb8;
	[tilespmem:$0xD880] =	vst v63  }
0x780: {  	s10 =	simm.s32 $0x3880  }
0x781: {  	[tilespmem:s10], [sflag:$0x1] =	stream.indirect_vreg.gather [hbm4b:s5+s2], $0x80, v6, vm1, $0xb8;
	[tilespmem:$0xD880] =	vst v63  }
0x782: {  	s11 =	simm.s32 $0x3C80  }
0x783: {  	[tilespmem:s11], [sflag:$0x1] =	stream.indirect_vreg.gather [hbm4b:s3+s2], $0x80, v5, vm0, $0xb8;
	[tilespmem:$0xD880] =	vst v63  }
0x784: {  	s7 =	simm.s32 $0x4480  }
0x785: {  	[tilespmem:s7], [sflag:$0x1] =	stream.indirect_vreg.gather [hbm4b:s5+s2], $0x80, v5, vm1, $0xb8;
	[tilespmem:$0xD880] =	vst v63  }
0x786: {  	v5 =	vld [tilespmem:$0x1820];
	_ =	sdelay $0x4  }
0x787: {  	v6 =	vshrl.u32 v5, $0x3  }
0x788: {  	v6 =	vmul.u32 $0x18, v6  }
0x789: {  	v5 =	vand.u32 $0x7, v5  }
0x78a: {  	v5 =	vor.u32 v5, v6  }
0x78b: {  	v6 =	vperm.xlane v5, v2;
	_ =	sdelay $0x1  }
0x78c: {  	v6 =	vadd.s32 v3, v6;
	_ =	sdelay $0x1  }
0x78d: {  	v5 =	vperm.xlane v5, v4;
	_ =	sdelay $0x1  }
0x78e: {  	s12 =	simm.s32 $0x4880;
	v5 =	vadd.s32 v3, v5  }
0x78f: {  	[tilespmem:s12], [sflag:$0x1] =	stream.indirect_vreg.gather [hbm4b:s3+s2], $0x80, v6, vm0, $0xb8;
	[tilespmem:$0xD880] =	vst v63  }
0x790: {  	s13 =	simm.s32 $0x5080  }
0x791: {  	[tilespmem:s13], [sflag:$0x1] =	stream.indirect_vreg.gather [hbm4b:s5+s2], $0x80, v6, vm1, $0xb8;
	[tilespmem:$0xD880] =	vst v63  }
0x792: {  	s14 =	simm.s32 $0x5480  }
0x793: {  	[tilespmem:s14], [sflag:$0x1] =	stream.indirect_vreg.gather [hbm4b:s3+s2], $0x80, v5, vm0, $0xb8;
	[tilespmem:$0xD880] =	vst v63  }
0x794: {  	s7 =	simm.s32 $0x5C80  }
0x795: {  	[tilespmem:s7], [sflag:$0x1] =	stream.indirect_vreg.gather [hbm4b:s5+s2], $0x80, v5, vm1, $0xb8;
	[tilespmem:$0xD880] =	vst v63  }
0x796: {  	v5 =	vld [tilespmem:$0x1830];
	_ =	sdelay $0x4  }
0x797: {  	v6 =	vshrl.u32 v5, $0x3  }
0x798: {  	v6 =	vmul.u32 $0x18, v6  }
0x799: {  	v5 =	vand.u32 $0x7, v5  }
0x79a: {  	v5 =	vor.u32 v5, v6  }
0x79b: {  	v6 =	vperm.xlane v5, v2;
	_ =	sdelay $0x1  }
0x79c: {  	v6 =	vadd.s32 v3, v6;
	_ =	sdelay $0x1  }
0x79d: {  	v5 =	vperm.xlane v5, v4;
	_ =	sdelay $0x1  }
0x79e: {  	s15 =	simm.s32 $0x6080;
	v5 =	vadd.s32 v3, v5  }
0x79f: {  	[tilespmem:s15], [sflag:$0x1] =	stream.indirect_vreg.gather [hbm4b:s3+s2], $0x80, v6, vm0, $0xb8;
	[tilespmem:$0xD880] =	vst v63  }
0x7a0: {  	s16 =	simm.s32 $0x6880  }
0x7a1: {  	[tilespmem:s16], [sflag:$0x1] =	stream.indirect_vreg.gather [hbm4b:s5+s2], $0x80, v6, vm1, $0xb8;
	[tilespmem:$0xD880] =	vst v63  }
0x7a2: {  	s17 =	simm.s32 $0x6C80  }
0x7a3: {  	[tilespmem:s17], [sflag:$0x1] =	stream.indirect_vreg.gather [hbm4b:s3+s2], $0x80, v5, vm0, $0xb8;
	[tilespmem:$0xD880] =	vst v63  }
0x7a4: {  	s7 =	simm.s32 $0x7480  }
0x7a5: {  	[tilespmem:s7], [sflag:$0x1] =	stream.indirect_vreg.gather [hbm4b:s5+s2], $0x80, v5, vm1, $0xb8;
	[tilespmem:$0xD880] =	vst v63  }
0x7a6: {  	v5 =	vld [tilespmem:$0x1840];
	_ =	sdelay $0x4  }
0x7a7: {  	v6 =	vshrl.u32 v5, $0x3  }
0x7a8: {  	v6 =	vmul.u32 $0x18, v6  }
0x7a9: {  	v5 =	vand.u32 $0x7, v5  }
0x7aa: {  	v5 =	vor.u32 v5, v6  }
0x7ab: {  	v6 =	vperm.xlane v5, v2;
	_ =	sdelay $0x1  }
0x7ac: {  	v6 =	vadd.s32 v3, v6;
	_ =	sdelay $0x1  }
0x7ad: {  	v5 =	vperm.xlane v5, v4;
	_ =	sdelay $0x1  }
0x7ae: {  	s7 =	simm.s32 $0x7880;
	v5 =	vadd.s32 v3, v5  }
0x7af: {  	[tilespmem:s7], [sflag:$0x1] =	stream.indirect_vreg.gather [hbm4b:s3+s2], $0x80, v6, vm0, $0xb8;
	[tilespmem:$0xD880] =	vst v63  }
0x7b0: {  	s18 =	simm.s32 $0x8080  }
0x7b1: {  	[tilespmem:s18], [sflag:$0x1] =	stream.indirect_vreg.gather [hbm4b:s5+s2], $0x80, v6, vm1, $0xb8;
	[tilespmem:$0xD880] =	vst v63  }
0x7b2: {  	s31 =	simm.s32 $0x8480  }
0x7b3: {  	[tilespmem:s31], [sflag:$0x1] =	stream.indirect_vreg.gather [hbm4b:s3+s2], $0x80, v5, vm0, $0xb8;
	[tilespmem:$0xD880] =	vst v63  }
0x7b4: {  	s20 =	simm.s32 $0x8C80  }
0x7b5: {  	[tilespmem:s20], [sflag:$0x1] =	stream.indirect_vreg.gather [hbm4b:s5+s2], $0x80, v5, vm1, $0xb8;
	[tilespmem:$0xD880] =	vst v63  }
0x7b6: {  	v5 =	vld [tilespmem:$0x1850];
	_ =	sdelay $0x4  }
0x7b7: {  	v6 =	vshrl.u32 v5, $0x3  }
0x7b8: {  	v6 =	vmul.u32 $0x18, v6  }
0x7b9: {  	v5 =	vand.u32 $0x7, v5  }
0x7ba: {  	v5 =	vor.u32 v5, v6  }
0x7bb: {  	v6 =	vperm.xlane v5, v2;
	_ =	sdelay $0x1  }
0x7bc: {  	v6 =	vadd.s32 v3, v6;
	_ =	sdelay $0x1  }
0x7bd: {  	v5 =	vperm.xlane v5, v4;
	_ =	sdelay $0x1  }
0x7be: {  	s31 =	simm.s32 $0x9080;
	v5 =	vadd.s32 v3, v5  }
0x7bf: {  	[tilespmem:s31], [sflag:$0x1] =	stream.indirect_vreg.gather [hbm4b:s3+s2], $0x80, v6, vm0, $0xb8;
	[tilespmem:$0xD880] =	vst v63  }
0x7c0: {  	s31 =	simm.s32 $0x9880  }
0x7c1: {  	[tilespmem:s31], [sflag:$0x1] =	stream.indirect_vreg.gather [hbm4b:s5+s2], $0x80, v6, vm1, $0xb8;
	[tilespmem:$0xD880] =	vst v63  }
0x7c2: {  	s31 =	simm.s32 $0x9C80  }
0x7c3: {  	[tilespmem:s31], [sflag:$0x1] =	stream.indirect_vreg.gather [hbm4b:s3+s2], $0x80, v5, vm0, $0xb8;
	[tilespmem:$0xD880] =	vst v63  }
0x7c4: {  	s30 =	simm.s32 $0xA480  }
0x7c5: {  	[tilespmem:s30], [sflag:$0x1] =	stream.indirect_vreg.gather [hbm4b:s5+s2], $0x80, v5, vm1, $0xb8;
	[tilespmem:$0xD880] =	vst v63  }
0x7c6: {  	v5 =	vld [tilespmem:$0x1860];
	_ =	sdelay $0x4  }
0x7c7: {  	v6 =	vshrl.u32 v5, $0x3  }
0x7c8: {  	v6 =	vmul.u32 $0x18, v6  }
0x7c9: {  	v5 =	vand.u32 $0x7, v5  }
0x7ca: {  	v5 =	vor.u32 v5, v6  }
0x7cb: {  	v6 =	vperm.xlane v5, v2;
	_ =	sdelay $0x1  }
0x7cc: {  	v6 =	vadd.s32 v3, v6;
	_ =	sdelay $0x1  }
0x7cd: {  	v5 =	vperm.xlane v5, v4;
	_ =	sdelay $0x1  }
0x7ce: {  	s22 =	simm.s32 $0xA880;
	v5 =	vadd.s32 v3, v5  }
0x7cf: {  	[tilespmem:s22], [sflag:$0x1] =	stream.indirect_vreg.gather [hbm4b:s3+s2], $0x80, v6, vm0, $0xb8;
	[tilespmem:$0xD880] =	vst v63  }
0x7d0: {  	s24 =	simm.s32 $0xB080  }
0x7d1: {  	[tilespmem:s24], [sflag:$0x1] =	stream.indirect_vreg.gather [hbm4b:s5+s2], $0x80, v6, vm1, $0xb8;
	[tilespmem:$0xD880] =	vst v63  }
0x7d2: {  	s26 =	simm.s32 $0xB480  }
0x7d3: {  	[tilespmem:s26], [sflag:$0x1] =	stream.indirect_vreg.gather [hbm4b:s3+s2], $0x80, v5, vm0, $0xb8;
	[tilespmem:$0xD880] =	vst v63  }
0x7d4: {  	s30 =	simm.s32 $0xBC80  }
0x7d5: {  	[tilespmem:s30], [sflag:$0x1] =	stream.indirect_vreg.gather [hbm4b:s5+s2], $0x80, v5, vm1, $0xb8;
	[tilespmem:$0xD880] =	vst v63  }
0x7d6: {  	v5 =	vld [tilespmem:$0x1870];
	_ =	sdelay $0x4  }
0x7d7: {  	v6 =	vshrl.u32 v5, $0x3  }
0x7d8: {  	v6 =	vmul.u32 $0x18, v6  }
0x7d9: {  	v5 =	vand.u32 $0x7, v5  }
0x7da: {  	v5 =	vor.u32 v5, v6  }
0x7db: {  	v6 =	vperm.xlane v5, v2;
	_ =	sdelay $0x1  }
0x7dc: {  	v6 =	vadd.s32 v3, v6;
	_ =	sdelay $0x1  }
0x7dd: {  	v5 =	vperm.xlane v5, v4;
	_ =	sdelay $0x1  }
0x7de: {  	s19 =	simm.s32 $0xC080;
	v5 =	vadd.s32 v3, v5  }
0x7df: {  	[tilespmem:s19], [sflag:$0x1] =	stream.indirect_vreg.gather [hbm4b:s3+s2], $0x80, v6, vm0, $0xb8;
	[tilespmem:$0xD880] =	vst v63  }
0x7e0: {  	s28 =	simm.s32 $0xC880  }
0x7e1: {  	[tilespmem:s28], [sflag:$0x1] =	stream.indirect_vreg.gather [hbm4b:s5+s2], $0x80, v6, vm1, $0xb8;
	[tilespmem:$0xD880] =	vst v63  }
0x7e2: {  	s29 =	simm.s32 $0xCC80  }
0x7e3: {  	[tilespmem:s29], [sflag:$0x1] =	stream.indirect_vreg.gather [hbm4b:s3+s2], $0x80, v5, vm0, $0xb8;
	[tilespmem:$0xD880] =	vst v63  }
0x7e4: {  	s21 =	simm.s32 $0xD480  }
0x7e5: {  	[tilespmem:s21], [sflag:$0x1] =	stream.indirect_vreg.gather [hbm4b:s5+s2], $0x80, v5, vm1, $0xb8;
	[tilespmem:$0xD880] =	vst v63  }
0x7e6: {  	_ =	swait.ge [sflag:s1], $0xC000  }
0x7e7: {  	[sflag:s1] =	ssyncset.done $0x0  }
0x7e8: {  	s31 =	rddreg [dreg:$0xf];
	[sflag:s1] =	ssyncadd.s32 $0xFFFF4000  }
0x7e9: {  	[hbm4b:s31+s2] =	stream.linear.scatter [tilespmem:s25], [sflag:$0x3], $0xC000, $0x38;
	[tilespmem:$0xD880] =	vst v63  }
0x7ea: {  	_ =	swait.ge [sflag:s0], $0xC000  }
0x7eb: {  	[sflag:s0] =	ssyncset.done $0x0  }
0x7ec: {  	[sflag:s0] =	ssyncadd.s32 $0xFFFF4000  }
0x7ed: {  	v5 =	vld [tilespmem:$0x1700];
	_ =	sdelay $0x3  }
0x7ee: {  	v6 =	vld [tilespmem:$0x1710]  }
0x7ef: {  	v7 =	vld [tilespmem:$0x1720];
	v54 =	vshrl.u32 v5, $0x3  }
0x7f0: {  	v55 =	vld [tilespmem:$0x1730];
	v8 =	vmul.u32 $0x18, v54  }
0x7f1: {  	v56 =	vld [tilespmem:$0x1740];
	v57 =	vand.u32 $0x7, v5  }
0x7f2: {  	[tilespmem:$0x1800] =	vst v5;
	v5 =	vld [tilespmem:$0x1750];
	v8 =	vor.u32 v57, v8  }
0x7f3: {  	[tilespmem:$0x1810] =	vst v6;
	v6 =	vld [tilespmem:$0x1760];
	v11 =	vperm.xlane v8, v2  }
0x7f4: {  	[tilespmem:$0x1820] =	vst v7;
	v7 =	vld [tilespmem:$0x1770]  }
0x7f5: {  	[tilespmem:$0x1830] =	vst v55;
	v58 =	vadd.s32 v3, v11  }
0x7f6: {  	[tilespmem:$0x1840] =	vst v56  }
0x7f7: {  	[tilespmem:$0x1850] =	vst v5;
	v5 =	vperm.xlane v8, v4  }
0x7f8: {  	[tilespmem:$0x1860] =	vst v6  }
0x7f9: {  	[tilespmem:$0x1870] =	vst v7;
	v5 =	vadd.s32 v3, v5  }
0x7fa: {  	[tilespmem:s25], [sflag:$0x1] =	stream.indirect_vreg.gather [hbm4b:s3+s2], $0x80, v58, vm0, $0xb8;
	[tilespmem:$0xD880] =	vst v63  }
0x7fb: {  	s6 =	simm.s32 $0x2080  }
0x7fc: {  	[tilespmem:s6], [sflag:$0x1] =	stream.indirect_vreg.gather [hbm4b:s5+s2], $0x80, v58, vm1, $0xb8;
	[tilespmem:$0xD880] =	vst v63  }
0x7fd: {  	s8 =	simm.s32 $0x2480  }
0x7fe: {  	[tilespmem:s8], [sflag:$0x1] =	stream.indirect_vreg.gather [hbm4b:s3+s2], $0x80, v5, vm0, $0xb8;
	[tilespmem:$0xD880] =	vst v63  }
0x7ff: {  	s8 =	simm.s32 $0x2C80  }
0x800: {  	[tilespmem:s8], [sflag:$0x1] =	stream.indirect_vreg.gather [hbm4b:s5+s2], $0x80, v5, vm1, $0xb8;
	[tilespmem:$0xD880] =	vst v63  }
0x801: {  	v5 =	vld [tilespmem:$0x1810];
	_ =	sdelay $0x4  }
0x802: {  	v6 =	vshrl.u32 v5, $0x3  }
0x803: {  	v6 =	vmul.u32 $0x18, v6  }
0x804: {  	v5 =	vand.u32 $0x7, v5  }
0x805: {  	v5 =	vor.u32 v5, v6  }
0x806: {  	v6 =	vperm.xlane v5, v2;
	_ =	sdelay $0x1  }
0x807: {  	v6 =	vadd.s32 v3, v6;
	_ =	sdelay $0x1  }
0x808: {  	v5 =	vperm.xlane v5, v4;
	_ =	sdelay $0x1  }
0x809: {  	s9 =	simm.s32 $0x3080;
	v5 =	vadd.s32 v3, v5  }
0x80a: {  	[tilespmem:s9], [sflag:$0x1] =	stream.indirect_vreg.gather [hbm4b:s3+s2], $0x80, v6, vm0, $0xb8;
	[tilespmem:$0xD880] =	vst v63  }
0x80b: {  	s10 =	simm.s32 $0x3880  }
0x80c: {  	[tilespmem:s10], [sflag:$0x1] =	stream.indirect_vreg.gather [hbm4b:s5+s2], $0x80, v6, vm1, $0xb8;
	[tilespmem:$0xD880] =	vst v63  }
0x80d: {  	s11 =	simm.s32 $0x3C80  }
0x80e: {  	[tilespmem:s11], [sflag:$0x1] =	stream.indirect_vreg.gather [hbm4b:s3+s2], $0x80, v5, vm0, $0xb8;
	[tilespmem:$0xD880] =	vst v63  }
0x80f: {  	s11 =	simm.s32 $0x4480  }
0x810: {  	[tilespmem:s11], [sflag:$0x1] =	stream.indirect_vreg.gather [hbm4b:s5+s2], $0x80, v5, vm1, $0xb8;
	[tilespmem:$0xD880] =	vst v63  }
0x811: {  	v5 =	vld [tilespmem:$0x1820];
	_ =	sdelay $0x4  }
0x812: {  	v6 =	vshrl.u32 v5, $0x3  }
0x813: {  	v6 =	vmul.u32 $0x18, v6  }
0x814: {  	v5 =	vand.u32 $0x7, v5  }
0x815: {  	v5 =	vor.u32 v5, v6  }
0x816: {  	v6 =	vperm.xlane v5, v2;
	_ =	sdelay $0x1  }
0x817: {  	v6 =	vadd.s32 v3, v6;
	_ =	sdelay $0x1  }
0x818: {  	v5 =	vperm.xlane v5, v4;
	_ =	sdelay $0x1  }
0x819: {  	s12 =	simm.s32 $0x4880;
	v5 =	vadd.s32 v3, v5  }
0x81a: {  	[tilespmem:s12], [sflag:$0x1] =	stream.indirect_vreg.gather [hbm4b:s3+s2], $0x80, v6, vm0, $0xb8;
	[tilespmem:$0xD880] =	vst v63  }
0x81b: {  	s13 =	simm.s32 $0x5080  }
0x81c: {  	[tilespmem:s13], [sflag:$0x1] =	stream.indirect_vreg.gather [hbm4b:s5+s2], $0x80, v6, vm1, $0xb8;
	[tilespmem:$0xD880] =	vst v63  }
0x81d: {  	s14 =	simm.s32 $0x5480  }
0x81e: {  	[tilespmem:s14], [sflag:$0x1] =	stream.indirect_vreg.gather [hbm4b:s3+s2], $0x80, v5, vm0, $0xb8;
	[tilespmem:$0xD880] =	vst v63  }
0x81f: {  	s30 =	simm.s32 $0x5C80  }
0x820: {  	[tilespmem:s30], [sflag:$0x1] =	stream.indirect_vreg.gather [hbm4b:s5+s2], $0x80, v5, vm1, $0xb8;
	[tilespmem:$0xD880] =	vst v63  }
0x821: {  	v5 =	vld [tilespmem:$0x1830];
	_ =	sdelay $0x4  }
0x822: {  	v6 =	vshrl.u32 v5, $0x3  }
0x823: {  	v6 =	vmul.u32 $0x18, v6  }
0x824: {  	v5 =	vand.u32 $0x7, v5  }
0x825: {  	v5 =	vor.u32 v5, v6  }
0x826: {  	v6 =	vperm.xlane v5, v2;
	_ =	sdelay $0x1  }
0x827: {  	v6 =	vadd.s32 v3, v6;
	_ =	sdelay $0x1  }
0x828: {  	v5 =	vperm.xlane v5, v4;
	_ =	sdelay $0x1  }
0x829: {  	s15 =	simm.s32 $0x6080;
	v5 =	vadd.s32 v3, v5  }
0x82a: {  	[tilespmem:s15], [sflag:$0x1] =	stream.indirect_vreg.gather [hbm4b:s3+s2], $0x80, v6, vm0, $0xb8;
	[tilespmem:$0xD880] =	vst v63  }
0x82b: {  	s16 =	simm.s32 $0x6880  }
0x82c: {  	[tilespmem:s16], [sflag:$0x1] =	stream.indirect_vreg.gather [hbm4b:s5+s2], $0x80, v6, vm1, $0xb8;
	[tilespmem:$0xD880] =	vst v63  }
0x82d: {  	s17 =	simm.s32 $0x6C80  }
0x82e: {  	[tilespmem:s17], [sflag:$0x1] =	stream.indirect_vreg.gather [hbm4b:s3+s2], $0x80, v5, vm0, $0xb8;
	[tilespmem:$0xD880] =	vst v63  }
0x82f: {  	s31 =	simm.s32 $0x7480  }
0x830: {  	[tilespmem:s31], [sflag:$0x1] =	stream.indirect_vreg.gather [hbm4b:s5+s2], $0x80, v5, vm1, $0xb8;
	[tilespmem:$0xD880] =	vst v63  }
0x831: {  	v5 =	vld [tilespmem:$0x1840];
	_ =	sdelay $0x4  }
0x832: {  	v6 =	vshrl.u32 v5, $0x3  }
0x833: {  	v6 =	vmul.u32 $0x18, v6  }
0x834: {  	v5 =	vand.u32 $0x7, v5  }
0x835: {  	v5 =	vor.u32 v5, v6  }
0x836: {  	v6 =	vperm.xlane v5, v2;
	_ =	sdelay $0x1  }
0x837: {  	v6 =	vadd.s32 v3, v6;
	_ =	sdelay $0x1  }
0x838: {  	v5 =	vperm.xlane v5, v4;
	_ =	sdelay $0x1  }
0x839: {  	s17 =	simm.s32 $0x7880;
	v5 =	vadd.s32 v3, v5  }
0x83a: {  	[tilespmem:s17], [sflag:$0x1] =	stream.indirect_vreg.gather [hbm4b:s3+s2], $0x80, v6, vm0, $0xb8;
	[tilespmem:$0xD880] =	vst v63  }
0x83b: {  	s18 =	simm.s32 $0x8080  }
0x83c: {  	[tilespmem:s18], [sflag:$0x1] =	stream.indirect_vreg.gather [hbm4b:s5+s2], $0x80, v6, vm1, $0xb8;
	[tilespmem:$0xD880] =	vst v63  }
0x83d: {  	s18 =	simm.s32 $0x8480  }
0x83e: {  	[tilespmem:s18], [sflag:$0x1] =	stream.indirect_vreg.gather [hbm4b:s3+s2], $0x80, v5, vm0, $0xb8;
	[tilespmem:$0xD880] =	vst v63  }
0x83f: {  	s20 =	simm.s32 $0x8C80  }
0x840: {  	[tilespmem:s20], [sflag:$0x1] =	stream.indirect_vreg.gather [hbm4b:s5+s2], $0x80, v5, vm1, $0xb8;
	[tilespmem:$0xD880] =	vst v63  }
0x841: {  	v5 =	vld [tilespmem:$0x1850];
	_ =	sdelay $0x4  }
0x842: {  	v6 =	vshrl.u32 v5, $0x3  }
0x843: {  	v6 =	vmul.u32 $0x18, v6  }
0x844: {  	v5 =	vand.u32 $0x7, v5  }
0x845: {  	v5 =	vor.u32 v5, v6  }
0x846: {  	v6 =	vperm.xlane v5, v2;
	_ =	sdelay $0x1  }
0x847: {  	v6 =	vadd.s32 v3, v6;
	_ =	sdelay $0x1  }
0x848: {  	v5 =	vperm.xlane v5, v4;
	_ =	sdelay $0x1  }
0x849: {  	s20 =	simm.s32 $0x9080;
	v5 =	vadd.s32 v3, v5  }
0x84a: {  	[tilespmem:s20], [sflag:$0x1] =	stream.indirect_vreg.gather [hbm4b:s3+s2], $0x80, v6, vm0, $0xb8;
	[tilespmem:$0xD880] =	vst v63  }
0x84b: {  	s20 =	simm.s32 $0x9880  }
0x84c: {  	[tilespmem:s20], [sflag:$0x1] =	stream.indirect_vreg.gather [hbm4b:s5+s2], $0x80, v6, vm1, $0xb8;
	[tilespmem:$0xD880] =	vst v63  }
0x84d: {  	s20 =	simm.s32 $0x9C80  }
0x84e: {  	[tilespmem:s20], [sflag:$0x1] =	stream.indirect_vreg.gather [hbm4b:s3+s2], $0x80, v5, vm0, $0xb8;
	[tilespmem:$0xD880] =	vst v63  }
0x84f: {  	s20 =	simm.s32 $0xA480  }
0x850: {  	[tilespmem:s20], [sflag:$0x1] =	stream.indirect_vreg.gather [hbm4b:s5+s2], $0x80, v5, vm1, $0xb8;
	[tilespmem:$0xD880] =	vst v63  }
0x851: {  	v5 =	vld [tilespmem:$0x1860];
	_ =	sdelay $0x4  }
0x852: {  	v6 =	vshrl.u32 v5, $0x3  }
0x853: {  	v6 =	vmul.u32 $0x18, v6  }
0x854: {  	v5 =	vand.u32 $0x7, v5  }
0x855: {  	v5 =	vor.u32 v5, v6  }
0x856: {  	v6 =	vperm.xlane v5, v2;
	_ =	sdelay $0x1  }
0x857: {  	v6 =	vadd.s32 v3, v6;
	_ =	sdelay $0x1  }
0x858: {  	v5 =	vperm.xlane v5, v4;
	_ =	sdelay $0x1  }
0x859: {  	s22 =	simm.s32 $0xA880;
	v5 =	vadd.s32 v3, v5  }
0x85a: {  	[tilespmem:s22], [sflag:$0x1] =	stream.indirect_vreg.gather [hbm4b:s3+s2], $0x80, v6, vm0, $0xb8;
	[tilespmem:$0xD880] =	vst v63  }
0x85b: {  	s24 =	simm.s32 $0xB080  }
0x85c: {  	[tilespmem:s24], [sflag:$0x1] =	stream.indirect_vreg.gather [hbm4b:s5+s2], $0x80, v6, vm1, $0xb8;
	[tilespmem:$0xD880] =	vst v63  }
0x85d: {  	s26 =	simm.s32 $0xB480  }
0x85e: {  	[tilespmem:s26], [sflag:$0x1] =	stream.indirect_vreg.gather [hbm4b:s3+s2], $0x80, v5, vm0, $0xb8;
	[tilespmem:$0xD880] =	vst v63  }
0x85f: {  	s26 =	simm.s32 $0xBC80  }
0x860: {  	[tilespmem:s26], [sflag:$0x1] =	stream.indirect_vreg.gather [hbm4b:s5+s2], $0x80, v5, vm1, $0xb8;
	[tilespmem:$0xD880] =	vst v63  }
0x861: {  	v5 =	vld [tilespmem:$0x1870];
	_ =	sdelay $0x4  }
0x862: {  	v6 =	vshrl.u32 v5, $0x3  }
0x863: {  	v6 =	vmul.u32 $0x18, v6  }
0x864: {  	v5 =	vand.u32 $0x7, v5  }
0x865: {  	v5 =	vor.u32 v5, v6  }
0x866: {  	v6 =	vperm.xlane v5, v2;
	_ =	sdelay $0x1  }
0x867: {  	v6 =	vadd.s32 v3, v6;
	_ =	sdelay $0x1  }
0x868: {  	v5 =	vperm.xlane v5, v4;
	_ =	sdelay $0x1  }
0x869: {  	s19 =	simm.s32 $0xC080;
	v5 =	vadd.s32 v3, v5  }
0x86a: {  	[tilespmem:s19], [sflag:$0x1] =	stream.indirect_vreg.gather [hbm4b:s3+s2], $0x80, v6, vm0, $0xb8;
	[tilespmem:$0xD880] =	vst v63  }
0x86b: {  	s28 =	simm.s32 $0xC880  }
0x86c: {  	[tilespmem:s28], [sflag:$0x1] =	stream.indirect_vreg.gather [hbm4b:s5+s2], $0x80, v6, vm1, $0xb8;
	[tilespmem:$0xD880] =	vst v63  }
0x86d: {  	s29 =	simm.s32 $0xCC80  }
0x86e: {  	[tilespmem:s29], [sflag:$0x1] =	stream.indirect_vreg.gather [hbm4b:s3+s2], $0x80, v5, vm0, $0xb8;
	[tilespmem:$0xD880] =	vst v63  }
0x86f: {  	s29 =	simm.s32 $0xD480  }
0x870: {  	[tilespmem:s29], [sflag:$0x1] =	stream.indirect_vreg.gather [hbm4b:s5+s2], $0x80, v5, vm1, $0xb8;
	[tilespmem:$0xD880] =	vst v63  }
0x871: {  	_ =	swait.ge [sflag:s1], $0xC000  }
0x872: {  	[sflag:s1] =	ssyncset.done $0x0  }
0x873: {  	s7 =	rddreg [dreg:$0x10];
	[sflag:s1] =	ssyncadd.s32 $0xFFFF4000  }
0x874: {  	[hbm4b:s7+s2] =	stream.linear.scatter [tilespmem:s25], [sflag:$0x3], $0xC000, $0x38;
	[tilespmem:$0xD880] =	vst v63  }
0x875: {  	_ =	swait.ge [sflag:s0], $0xC000  }
0x876: {  	[sflag:s0] =	ssyncset.done $0x0  }
0x877: {  	[sflag:s0] =	ssyncadd.s32 $0xFFFF4000  }
0x878: {  	v5 =	vld [tilespmem:$0x1780];
	_ =	sdelay $0x3  }
0x879: {  	v6 =	vld [tilespmem:$0x1790]  }
0x87a: {  	v7 =	vld [tilespmem:$0x17A0];
	v59 =	vshrl.u32 v5, $0x3  }
0x87b: {  	v60 =	vld [tilespmem:$0x17B0];
	v8 =	vmul.u32 $0x18, v59  }
0x87c: {  	v61 =	vld [tilespmem:$0x17C0];
	v62 =	vand.u32 $0x7, v5  }
0x87d: {  	[tilespmem:$0x1800] =	vst v5;
	v5 =	vld [tilespmem:$0x17D0];
	v8 =	vor.u32 v62, v8  }
0x87e: {  	[tilespmem:$0x1810] =	vst v6;
	v6 =	vld [tilespmem:$0x17E0];
	v11 =	vperm.xlane v8, v2  }
0x87f: {  	[tilespmem:$0x1820] =	vst v7;
	v7 =	vld [tilespmem:$0x17F0]  }
0x880: {  	[tilespmem:$0x1830] =	vst v60;
	v63 =	vadd.s32 v3, v11  }
0x881: {  	[tilespmem:$0x1840] =	vst v61  }
0x882: {  	[tilespmem:$0x1850] =	vst v5;
	v5 =	vperm.xlane v8, v4  }
0x883: {  	[tilespmem:$0x1860] =	vst v6  }
0x884: {  	[tilespmem:$0x1870] =	vst v7;
	v5 =	vadd.s32 v3, v5  }
0x885: {  	[tilespmem:s25], [sflag:$0x1] =	stream.indirect_vreg.gather [hbm4b:s3+s2], $0x80, v63, vm0, $0xb8;
	[tilespmem:$0xD880] =	vst v63  }
0x886: {  	s21 =	simm.s32 $0x2080  }
0x887: {  	[tilespmem:s21], [sflag:$0x1] =	stream.indirect_vreg.gather [hbm4b:s5+s2], $0x80, v63, vm1, $0xb8;
	[tilespmem:$0xD880] =	vst v63  }
0x888: {  	s6 =	simm.s32 $0x2480  }
0x889: {  	[tilespmem:s6], [sflag:$0x1] =	stream.indirect_vreg.gather [hbm4b:s3+s2], $0x80, v5, vm0, $0xb8;
	[tilespmem:$0xD880] =	vst v63  }
0x88a: {  	s7 =	simm.s32 $0x2C80  }
0x88b: {  	[tilespmem:s7], [sflag:$0x1] =	stream.indirect_vreg.gather [hbm4b:s5+s2], $0x80, v5, vm1, $0xb8;
	[tilespmem:$0xD880] =	vst v63  }
0x88c: {  	v5 =	vld [tilespmem:$0x1810];
	_ =	sdelay $0x4  }
0x88d: {  	v6 =	vshrl.u32 v5, $0x3  }
0x88e: {  	v6 =	vmul.u32 $0x18, v6  }
0x88f: {  	v5 =	vand.u32 $0x7, v5  }
0x890: {  	v5 =	vor.u32 v5, v6  }
0x891: {  	v6 =	vperm.xlane v5, v2;
	_ =	sdelay $0x1  }
0x892: {  	v6 =	vadd.s32 v3, v6;
	_ =	sdelay $0x1  }
0x893: {  	v5 =	vperm.xlane v5, v4;
	_ =	sdelay $0x1  }
0x894: {  	s8 =	simm.s32 $0x3080;
	v5 =	vadd.s32 v3, v5  }
0x895: {  	[tilespmem:s8], [sflag:$0x1] =	stream.indirect_vreg.gather [hbm4b:s3+s2], $0x80, v6, vm0, $0xb8;
	[tilespmem:$0xD880] =	vst v63  }
0x896: {  	s9 =	simm.s32 $0x3880  }
0x897: {  	[tilespmem:s9], [sflag:$0x1] =	stream.indirect_vreg.gather [hbm4b:s5+s2], $0x80, v6, vm1, $0xb8;
	[tilespmem:$0xD880] =	vst v63  }
0x898: {  	s10 =	simm.s32 $0x3C80  }
0x899: {  	[tilespmem:s10], [sflag:$0x1] =	stream.indirect_vreg.gather [hbm4b:s3+s2], $0x80, v5, vm0, $0xb8;
	[tilespmem:$0xD880] =	vst v63  }
0x89a: {  	s10 =	simm.s32 $0x4480  }
0x89b: {  	[tilespmem:s10], [sflag:$0x1] =	stream.indirect_vreg.gather [hbm4b:s5+s2], $0x80, v5, vm1, $0xb8;
	[tilespmem:$0xD880] =	vst v63  }
0x89c: {  	v5 =	vld [tilespmem:$0x1820];
	_ =	sdelay $0x4  }
0x89d: {  	v6 =	vshrl.u32 v5, $0x3  }
0x89e: {  	v6 =	vmul.u32 $0x18, v6  }
0x89f: {  	v5 =	vand.u32 $0x7, v5  }
0x8a0: {  	v5 =	vor.u32 v5, v6  }
0x8a1: {  	v6 =	vperm.xlane v5, v2;
	_ =	sdelay $0x1  }
0x8a2: {  	v6 =	vadd.s32 v3, v6;
	_ =	sdelay $0x1  }
0x8a3: {  	v5 =	vperm.xlane v5, v4;
	_ =	sdelay $0x1  }
0x8a4: {  	s11 =	simm.s32 $0x4880;
	v5 =	vadd.s32 v3, v5  }
0x8a5: {  	[tilespmem:s11], [sflag:$0x1] =	stream.indirect_vreg.gather [hbm4b:s3+s2], $0x80, v6, vm0, $0xb8;
	[tilespmem:$0xD880] =	vst v63  }
0x8a6: {  	s12 =	simm.s32 $0x5080  }
0x8a7: {  	[tilespmem:s12], [sflag:$0x1] =	stream.indirect_vreg.gather [hbm4b:s5+s2], $0x80, v6, vm1, $0xb8;
	[tilespmem:$0xD880] =	vst v63  }
0x8a8: {  	s13 =	simm.s32 $0x5480  }
0x8a9: {  	[tilespmem:s13], [sflag:$0x1] =	stream.indirect_vreg.gather [hbm4b:s3+s2], $0x80, v5, vm0, $0xb8;
	[tilespmem:$0xD880] =	vst v63  }
0x8aa: {  	s13 =	simm.s32 $0x5C80  }
0x8ab: {  	[tilespmem:s13], [sflag:$0x1] =	stream.indirect_vreg.gather [hbm4b:s5+s2], $0x80, v5, vm1, $0xb8;
	[tilespmem:$0xD880] =	vst v63  }
0x8ac: {  	v5 =	vld [tilespmem:$0x1830];
	_ =	sdelay $0x4  }
0x8ad: {  	v6 =	vshrl.u32 v5, $0x3  }
0x8ae: {  	v6 =	vmul.u32 $0x18, v6  }
0x8af: {  	v5 =	vand.u32 $0x7, v5  }
0x8b0: {  	v5 =	vor.u32 v5, v6  }
0x8b1: {  	v6 =	vperm.xlane v5, v2;
	_ =	sdelay $0x1  }
0x8b2: {  	v6 =	vadd.s32 v3, v6;
	_ =	sdelay $0x1  }
0x8b3: {  	v5 =	vperm.xlane v5, v4;
	_ =	sdelay $0x1  }
0x8b4: {  	s14 =	simm.s32 $0x6080;
	v5 =	vadd.s32 v3, v5  }
0x8b5: {  	[tilespmem:s14], [sflag:$0x1] =	stream.indirect_vreg.gather [hbm4b:s3+s2], $0x80, v6, vm0, $0xb8;
	[tilespmem:$0xD880] =	vst v63  }
0x8b6: {  	s15 =	simm.s32 $0x6880  }
0x8b7: {  	[tilespmem:s15], [sflag:$0x1] =	stream.indirect_vreg.gather [hbm4b:s5+s2], $0x80, v6, vm1, $0xb8;
	[tilespmem:$0xD880] =	vst v63  }
0x8b8: {  	s16 =	simm.s32 $0x6C80  }
0x8b9: {  	[tilespmem:s16], [sflag:$0x1] =	stream.indirect_vreg.gather [hbm4b:s3+s2], $0x80, v5, vm0, $0xb8;
	[tilespmem:$0xD880] =	vst v63  }
0x8ba: {  	s30 =	simm.s32 $0x7480  }
0x8bb: {  	[tilespmem:s30], [sflag:$0x1] =	stream.indirect_vreg.gather [hbm4b:s5+s2], $0x80, v5, vm1, $0xb8;
	[tilespmem:$0xD880] =	vst v63  }
0x8bc: {  	v5 =	vld [tilespmem:$0x1840];
	_ =	sdelay $0x4  }
0x8bd: {  	v6 =	vshrl.u32 v5, $0x3  }
0x8be: {  	v6 =	vmul.u32 $0x18, v6  }
0x8bf: {  	v5 =	vand.u32 $0x7, v5  }
0x8c0: {  	v5 =	vor.u32 v5, v6  }
0x8c1: {  	v6 =	vperm.xlane v5, v2;
	_ =	sdelay $0x1  }
0x8c2: {  	v6 =	vadd.s32 v3, v6;
	_ =	sdelay $0x1  }
0x8c3: {  	v5 =	vperm.xlane v5, v4;
	_ =	sdelay $0x1  }
0x8c4: {  	s31 =	simm.s32 $0x7880;
	v5 =	vadd.s32 v3, v5  }
0x8c5: {  	[tilespmem:s31], [sflag:$0x1] =	stream.indirect_vreg.gather [hbm4b:s3+s2], $0x80, v6, vm0, $0xb8;
	[tilespmem:$0xD880] =	vst v63  }
0x8c6: {  	s17 =	simm.s32 $0x8080  }
0x8c7: {  	[tilespmem:s17], [sflag:$0x1] =	stream.indirect_vreg.gather [hbm4b:s5+s2], $0x80, v6, vm1, $0xb8;
	[tilespmem:$0xD880] =	vst v63  }
0x8c8: {  	s15 =	simm.s32 $0x8480  }
0x8c9: {  	[tilespmem:s15], [sflag:$0x1] =	stream.indirect_vreg.gather [hbm4b:s3+s2], $0x80, v5, vm0, $0xb8;
	[tilespmem:$0xD880] =	vst v63  }
0x8ca: {  	s18 =	simm.s32 $0x8C80  }
0x8cb: {  	[tilespmem:s18], [sflag:$0x1] =	stream.indirect_vreg.gather [hbm4b:s5+s2], $0x80, v5, vm1, $0xb8;
	[tilespmem:$0xD880] =	vst v63  }
0x8cc: {  	v5 =	vld [tilespmem:$0x1850];
	_ =	sdelay $0x4  }
0x8cd: {  	v6 =	vshrl.u32 v5, $0x3  }
0x8ce: {  	v6 =	vmul.u32 $0x18, v6  }
0x8cf: {  	v5 =	vand.u32 $0x7, v5  }
0x8d0: {  	v5 =	vor.u32 v5, v6  }
0x8d1: {  	v6 =	vperm.xlane v5, v2;
	_ =	sdelay $0x1  }
0x8d2: {  	v6 =	vadd.s32 v3, v6;
	_ =	sdelay $0x1  }
0x8d3: {  	v5 =	vperm.xlane v5, v4;
	_ =	sdelay $0x1  }
0x8d4: {  	s16 =	simm.s32 $0x9080;
	v5 =	vadd.s32 v3, v5  }
0x8d5: {  	[tilespmem:s16], [sflag:$0x1] =	stream.indirect_vreg.gather [hbm4b:s3+s2], $0x80, v6, vm0, $0xb8;
	[tilespmem:$0xD880] =	vst v63  }
0x8d6: {  	s17 =	simm.s32 $0x9880  }
0x8d7: {  	[tilespmem:s17], [sflag:$0x1] =	stream.indirect_vreg.gather [hbm4b:s5+s2], $0x80, v6, vm1, $0xb8;
	[tilespmem:$0xD880] =	vst v63  }
0x8d8: {  	s18 =	simm.s32 $0x9C80  }
0x8d9: {  	[tilespmem:s18], [sflag:$0x1] =	stream.indirect_vreg.gather [hbm4b:s3+s2], $0x80, v5, vm0, $0xb8;
	[tilespmem:$0xD880] =	vst v63  }
0x8da: {  	s21 =	simm.s32 $0xA480  }
0x8db: {  	[tilespmem:s21], [sflag:$0x1] =	stream.indirect_vreg.gather [hbm4b:s5+s2], $0x80, v5, vm1, $0xb8;
	[tilespmem:$0xD880] =	vst v63  }
0x8dc: {  	v5 =	vld [tilespmem:$0x1860];
	_ =	sdelay $0x4  }
0x8dd: {  	v6 =	vshrl.u32 v5, $0x3  }
0x8de: {  	v6 =	vmul.u32 $0x18, v6  }
0x8df: {  	v5 =	vand.u32 $0x7, v5  }
0x8e0: {  	v5 =	vor.u32 v5, v6  }
0x8e1: {  	v6 =	vperm.xlane v5, v2;
	_ =	sdelay $0x1  }
0x8e2: {  	v6 =	vadd.s32 v3, v6;
	_ =	sdelay $0x1  }
0x8e3: {  	v5 =	vperm.xlane v5, v4;
	_ =	sdelay $0x1  }
0x8e4: {  	s20 =	simm.s32 $0xA880;
	v5 =	vadd.s32 v3, v5  }
0x8e5: {  	[tilespmem:s20], [sflag:$0x1] =	stream.indirect_vreg.gather [hbm4b:s3+s2], $0x80, v6, vm0, $0xb8;
	[tilespmem:$0xD880] =	vst v63  }
0x8e6: {  	s22 =	simm.s32 $0xB080  }
0x8e7: {  	[tilespmem:s22], [sflag:$0x1] =	stream.indirect_vreg.gather [hbm4b:s5+s2], $0x80, v6, vm1, $0xb8;
	[tilespmem:$0xD880] =	vst v63  }
0x8e8: {  	s24 =	simm.s32 $0xB480  }
0x8e9: {  	[tilespmem:s24], [sflag:$0x1] =	stream.indirect_vreg.gather [hbm4b:s3+s2], $0x80, v5, vm0, $0xb8;
	[tilespmem:$0xD880] =	vst v63  }
0x8ea: {  	s24 =	simm.s32 $0xBC80  }
0x8eb: {  	[tilespmem:s24], [sflag:$0x1] =	stream.indirect_vreg.gather [hbm4b:s5+s2], $0x80, v5, vm1, $0xb8;
	[tilespmem:$0xD880] =	vst v63  }
0x8ec: {  	v5 =	vld [tilespmem:$0x1870];
	_ =	sdelay $0x4  }
0x8ed: {  	v6 =	vshrl.u32 v5, $0x3  }
0x8ee: {  	v6 =	vmul.u32 $0x18, v6  }
0x8ef: {  	v5 =	vand.u32 $0x7, v5  }
0x8f0: {  	v5 =	vor.u32 v5, v6  }
0x8f1: {  	v6 =	vperm.xlane v5, v2;
	_ =	sdelay $0x1  }
0x8f2: {  	v6 =	vadd.s32 v3, v6;
	_ =	sdelay $0x1  }
0x8f3: {  	v5 =	vperm.xlane v5, v4;
	_ =	sdelay $0x1  }
0x8f4: {  	s26 =	simm.s32 $0xC080;
	v5 =	vadd.s32 v3, v5  }
0x8f5: {  	[tilespmem:s26], [sflag:$0x1] =	stream.indirect_vreg.gather [hbm4b:s3+s2], $0x80, v6, vm0, $0xb8;
	[tilespmem:$0xD880] =	vst v63  }
0x8f6: {  	s19 =	simm.s32 $0xC880  }
0x8f7: {  	[tilespmem:s19], [sflag:$0x1] =	stream.indirect_vreg.gather [hbm4b:s5+s2], $0x80, v6, vm1, $0xb8;
	[tilespmem:$0xD880] =	vst v63  }
0x8f8: {  	s28 =	simm.s32 $0xCC80  }
0x8f9: {  	[tilespmem:s28], [sflag:$0x1] =	stream.indirect_vreg.gather [hbm4b:s3+s2], $0x80, v5, vm0, $0xb8;
	[tilespmem:$0xD880] =	vst v63  }
0x8fa: {  	s29 =	simm.s32 $0xD480  }
0x8fb: {  	[tilespmem:s29], [sflag:$0x1] =	stream.indirect_vreg.gather [hbm4b:s5+s2], $0x80, v5, vm1, $0xb8;
	[tilespmem:$0xD880] =	vst v63  }
0x8fc: {  	_ =	swait.ge [sflag:s1], $0xC000  }
0x8fd: {  	[sflag:s1] =	ssyncset.done $0x0  }
0x8fe: {  	s29 =	rddreg [dreg:$0x11];
	[sflag:s1] =	ssyncadd.s32 $0xFFFF4000  }
0x8ff: {  	[hbm4b:s29+s2] =	stream.linear.scatter [tilespmem:s25], [sflag:$0x3], $0xC000, $0x38;
	[tilespmem:$0xD880] =	vst v63  }
0x900: {  	_ =	swait.ge [sflag:s0], $0xC000  }
0x901: {  	s30 =	rddreg [dreg:$0x13]  }
0x902: {  	s31 =	rddreg [dreg:$0x12];
	s6 =	sadd.s32 $0x1, s30  }
0x903: {  	p0 =	sne.s32 s6, s31  }
.Ltmp2:
0x904: {  	_ = 	snop;
	(pc) =	sbr.rel @p0 .LBB2_1-.Ltmp2, $3  }
0x905: {  	_ =	sdelay $0x1  }
0x906: {  	[sflag:s0] =	ssyncset.done $0x0  }
0x907: {  	[sflag:s0] =	ssyncadd.s32 $0xFFFF4000  }
0x908: {  	_ =	sfence.sel $0x180000  }
0x909: {  	[bflag:$0x0] =	sbarrier.arrive $0xFFFF  }
0x90a: {  	_ =	strace $0x90000047  }
0x90b: {  	s0 =	stileid.u32;
	[bflag:$0x2] =	sbarrier.arrive $0xFFFF  }
0x90c: {  	p0 =	sne.s32 s0, $0x0;
	s0 =	rddreg [dreg:$0x1]  }
0x90d: {  	s0 =	sadd.s32 @!p0 $0x100000, s0  }
0x90e: {  	[sflag:s0] =	ssyncadd.tile.s32 @!p0 $0x1;
	_ =	shalt  }
.Lfunc_end2:
_tile_overlayer_lowered:
.L_overlay_start_2:
0x90f: {  	(tag) =	ssettag $0x2  }
0x910: {  	s0 =	rddreg [dreg:$0x0];
	s2 =	stileid.u32  }
0x911: {  	s1 =	rddreg [dreg:$0x1];
	p0 =	sne.s32 s2, $0x0  }
0x912: {  	s3 =	rddreg [dreg:$0x2];
	[bflag:$0x3] =	sbarrier.arrive $0xFFFF;
	s2 =	simm.s32 @!p0 $0x1C03  }
0x913: {  	[timem:s3], [sflag:s2] =	dma.local @!p0 [hbm:s0], s1  }
0x914: {  	s0 =	simm.s32 @!p0 $0x3  }
0x915: {  	_ =	swait.ge @!p0 [sflag:s0], s1  }
0x916: {  	s1 =	ssub.s32 @!p0 $0x0, s1;
	[sflag:s0] =	ssyncset.done @!p0 $0x0  }
0x917: {  	[sflag:s0] =	ssyncadd.s32 @!p0 s1  }
0x918: {  	[bflag:$0x3] =	sbarrier.arrive $0xFFFF  }
0x919: {  	_ =	shalt  }

</sc_bundles>
